<compile_context>
chip_gen: v7x
topology: tpu7x:2x2x1
jax: 0.10.2.dev20260603
libtpu: 0.0.44.dev20260713+nightly
codegen_flags: <defaults>
</compile_context>

<pallas_src>
import functools

import jax
import jax.numpy as jnp
from jax import lax
from jax.experimental import pallas as pl
from jax.experimental.pallas import tpu as pltpu
from jax.experimental.pallas import tpu_sc as plsc

_NEG = 3.0e38
_NW = 32


def _make_gather_minmax(BN, C, K):
    rows_w = BN // _NW
    BLK = 4
    GB = BLK * K
    nblk = rows_w // BLK
    mesh = plsc.VectorSubcoreMesh(core_axis_name="c", subcore_axis_name="s")

    @functools.partial(
        pl.kernel,
        out_type=(jax.ShapeDtypeStruct((BN, C), jnp.float32),
                  jax.ShapeDtypeStruct((BN, C), jnp.float32)),
        mesh=mesh,
        scratch_types=[
            pltpu.VMEM((nblk, GB), jnp.int32),
            pltpu.VMEM((2, GB, C), jnp.float32),
            pltpu.VMEM((2, BLK, C), jnp.float32),
            pltpu.VMEM((2, BLK, C), jnp.float32),
            pltpu.SemaphoreType.DMA,
            pltpu.SemaphoreType.DMA,
            pltpu.SemaphoreType.DMA,
        ],
    )
    def kfn(idx_hbm, proj_hbm, pmax_hbm, pmin_hbm,
            idxv, rowsv, omaxv, ominv, sg0, sg1, sout):
        wid = lax.axis_index("s") * 2 + lax.axis_index("c")
        base = wid * rows_w
        pltpu.sync_copy(idx_hbm.at[wid], idxv)
        sg = (sg0, sg1)

        def fire(blki, par):
            pltpu.async_copy(proj_hbm.at[idxv.at[blki]], rowsv.at[par],
                             sg[par])

        fire(0, 0)

        def body(i2, car):
            for par in range(2):
                blki = i2 * 2 + par

                @pl.when(blki + 1 < nblk)
                def _fire_next():
                    fire(blki + 1, 1 - par)

                pltpu.make_async_copy(
                    proj_hbm.at[idxv.at[0]], rowsv.at[par], sg[par]).wait()

                @pl.when(blki >= 2)
                def _drain_out():
                    pltpu.make_async_copy(
                        omaxv.at[par], pmax_hbm.at[pl.ds(base, BLK)],
                        sout).wait()
                    pltpu.make_async_copy(
                        ominv.at[par], pmin_hbm.at[pl.ds(base, BLK)],
                        sout).wait()

                def cb(j, c):
                    col = j * 16
                    for r in range(BLK):
                        v = rowsv[par, r * K, pl.ds(col, 16)]
                        mx = v
                        mn = v
                        for r2 in range(1, K):
                            v = rowsv[par, r * K + r2, pl.ds(col, 16)]
                            mx = jnp.maximum(mx, v)
                            mn = jnp.minimum(mn, v)
                        omaxv[par, r, pl.ds(col, 16)] = mx
                        ominv[par, r, pl.ds(col, 16)] = mn
                    return c

                lax.fori_loop(0, C // 16, cb, 0)

                row0 = base + blki * BLK
                pltpu.async_copy(omaxv.at[par],
                                 pmax_hbm.at[pl.ds(row0, BLK)], sout)
                pltpu.async_copy(ominv.at[par],
                                 pmin_hbm.at[pl.ds(row0, BLK)], sout)
            return car

        lax.fori_loop(0, nblk // 2, body, 0)
        for par in range(2):
            pltpu.make_async_copy(
                omaxv.at[par], pmax_hbm.at[pl.ds(base, BLK)], sout).wait()
            pltpu.make_async_copy(
                ominv.at[par], pmin_hbm.at[pl.ds(base, BLK)], sout).wait()

    return kfn


def _make_gather_chunks(BN, K):
    rows_w = BN // _NW
    BLK = 4
    GB = BLK * K
    nblk = rows_w // BLK
    mesh = plsc.VectorSubcoreMesh(core_axis_name="c", subcore_axis_name="s")
    out_t = jax.ShapeDtypeStruct((BN * K, 16), jnp.float32)

    @functools.partial(
        pl.kernel,
        out_type=(out_t, out_t, out_t),
        mesh=mesh,
        scratch_types=[
            pltpu.VMEM((nblk, GB), jnp.int32),
            pltpu.VMEM((2, GB, 128), jnp.float32),
            pltpu.VMEM((2, GB, 16), jnp.float32),
            pltpu.VMEM((2, GB, 16), jnp.float32),
            pltpu.VMEM((2, GB, 16), jnp.float32),
            pltpu.SemaphoreType.DMA,
            pltpu.SemaphoreType.DMA,
        ],
    )
    def kfn(idx_hbm, tab_hbm, gx_hbm, gy_hbm, gz_hbm,
            idxv, gbuf, bx, by, bz, sg0, sg1):
        wid = lax.axis_index("s") * 2 + lax.axis_index("c")
        base = wid * rows_w
        pltpu.sync_copy(idx_hbm.at[wid], idxv)
        sg = (sg0, sg1)

        def fire(blki, par):
            pltpu.async_copy(tab_hbm.at[idxv.at[blki]], gbuf.at[par],
                             sg[par])

        fire(0, 0)
        fire(1, 1)

        def body(i2, car):
            for par in range(2):
                blki = i2 * 2 + par
                pltpu.make_async_copy(
                    tab_hbm.at[idxv.at[0]], gbuf.at[par], sg[par]).wait()

                def cb(rr, c):
                    bx[par, rr, :] = gbuf[par, rr, pl.ds(0, 16)]
                    by[par, rr, :] = gbuf[par, rr, pl.ds(16, 16)]
                    bz[par, rr, :] = gbuf[par, rr, pl.ds(32, 16)]
                    return c

                lax.fori_loop(0, GB, cb, 0)
                row0 = (base + blki * BLK) * K
                for o, bf in zip((gx_hbm, gy_hbm, gz_hbm), (bx, by, bz)):
                    pltpu.sync_copy(bf.at[par], o.at[pl.ds(row0, GB)])

                @pl.when(blki + 2 < nblk)
                def _fire_next():
                    fire(blki + 2, par)
            return car

        lax.fori_loop(0, nblk // 2, body, 0)

    return kfn


def _proj_body(f_ref, w_ref, o_ref):
    o_ref[...] = jax.lax.dot_general(
        f_ref[...], w_ref[...], (((1,), (0,)), ((), ())),
        preferred_element_type=jnp.float32,
        precision=jax.lax.Precision.HIGHEST,
    )


def _combine_body(pmax_ref, pmin_ref, scale_ref, shift_ref, o_ref):
    scale = scale_ref[...]
    shift = shift_ref[...]
    g = jnp.where(scale >= 0.0, pmax_ref[...], pmin_ref[...])
    o_ref[...] = jnp.maximum(g * scale + shift, 0.0)


def _bf(x):
    return x.astype(jnp.bfloat16).astype(jnp.float32)


def _dist_like_ref(rows, cands):
    s = _bf(rows[0]) * _bf(cands[0])
    s = s + _bf(rows[1]) * _bf(cands[1])
    s = s + _bf(rows[2]) * _bf(cands[2])
    nr = rows[0] * rows[0] + rows[1] * rows[1] + rows[2] * rows[2]
    nc = cands[0] * cands[0] + cands[1] * cands[1] + cands[2] * cands[2]
    return (-2.0 * s + nr) + nc


def _cmin_body(xyz_ref, xyzt_ref, cmin_ref):
    rows = [xyz_ref[:, d:d + 1] for d in range(3)]
    m = None
    for o in range(16):
        cands = [xyzt_ref[0, d, o:o + 1, :] for d in range(3)]
        dist = _dist_like_ref(rows, cands)
        m = dist if m is None else jnp.minimum(m, dist)
    cmin_ref[...] = m


def _stage1_body(cmin_ref, out_ref):
    rb, nc = cmin_ref.shape
    v = cmin_ref[...]
    iota = lax.broadcasted_iota(jnp.int32, (rb, nc), 1).astype(jnp.float32)
    for t in range(16):
        m = jnp.min(v, axis=1, keepdims=True)
        eq = v <= m
        pos = jnp.min(jnp.where(eq, iota, _NEG), axis=1, keepdims=True)
        out_ref[:, t:t + 1] = pos.astype(jnp.int32)
        v = jnp.where(iota == pos, _NEG, v)


def _stage2_body(gx_ref, gy_ref, gz_ref, gidx_ref, xyz_ref, out_ref):
    rb, nc = gx_ref.shape
    rows = [xyz_ref[:, d:d + 1] for d in range(3)]
    v = _dist_like_ref(rows, [gx_ref[...], gy_ref[...], gz_ref[...]])
    gidx = gidx_ref[...]
    for t in range(16):
        m = jnp.min(v, axis=1, keepdims=True)
        eq = v <= m
        idx = jnp.min(jnp.where(eq, gidx, _NEG), axis=1, keepdims=True)
        out_ref[:, t:t + 1] = idx.astype(jnp.int32)
        v = jnp.where(jnp.logical_and(eq, gidx == idx), _NEG, v)


def kernel(xyz, feature, npoint, W, gamma, beta):
    del npoint
    B, N, Cin = feature.shape
    Cout = W.shape[1]
    K = 16
    NCH = N // 16

    RB = 256
    xyz_flat = xyz.reshape(B * N, 3)
    xyzt = jnp.transpose(xyz.reshape(B, NCH, 16, 3), (0, 3, 2, 1))
    cmin = pl.pallas_call(
        _cmin_body,
        grid=(B, N // RB),
        in_specs=[
            pl.BlockSpec((RB, 3), lambda b, i: (b * (N // RB) + i, 0)),
            pl.BlockSpec((1, 3, 16, NCH), lambda b, i: (b, 0, 0, 0)),
        ],
        out_specs=pl.BlockSpec((RB, NCH), lambda b, i: (b * (N // RB) + i, 0)),
        out_shape=jax.ShapeDtypeStruct((B * N, NCH), jnp.float32),
    )(xyz_flat, xyzt)

    RB2 = 512
    chunkid = pl.pallas_call(
        _stage1_body,
        grid=(B * N // RB2,),
        in_specs=[pl.BlockSpec((RB2, NCH), lambda i: (i, 0))],
        out_specs=pl.BlockSpec((RB2, 16), lambda i: (i, 0)),
        out_shape=jax.ShapeDtypeStruct((B * N, 16), jnp.int32),
    )(cmin)

    BN = B * N
    boff2 = (jnp.arange(B, dtype=jnp.int32) * NCH)[:, None]
    cid_g = (chunkid.reshape(B, N * 16) + boff2).reshape(_NW, BN * 16 // (_NW * 64), 64)
    tab = jnp.pad(
        jnp.transpose(xyz.reshape(B * NCH, 16, 3), (0, 2, 1)).reshape(
            B * NCH, 48),
        ((0, 0), (0, 80)))
    gxf, gyf, gzf = _make_gather_chunks(BN, 16)(cid_g, tab)
    gx = gxf.reshape(BN, 256)
    gy = gyf.reshape(BN, 256)
    gz = gzf.reshape(BN, 256)
    gidx = (jnp.repeat(chunkid, 16, axis=1) * 16
            + jnp.tile(jnp.arange(16, dtype=jnp.int32), 16)[None, :]
            ).astype(jnp.float32)

    idx16 = pl.pallas_call(
        _stage2_body,
        grid=(B * N // RB2,),
        in_specs=[
            pl.BlockSpec((RB2, 256), lambda i: (i, 0)),
            pl.BlockSpec((RB2, 256), lambda i: (i, 0)),
            pl.BlockSpec((RB2, 256), lambda i: (i, 0)),
            pl.BlockSpec((RB2, 256), lambda i: (i, 0)),
            pl.BlockSpec((RB2, 3), lambda i: (i, 0)),
        ],
        out_specs=pl.BlockSpec((RB2, 16), lambda i: (i, 0)),
        out_shape=jax.ShapeDtypeStruct((B * N, 16), jnp.int32),
    )(gx, gy, gz, gidx, xyz_flat)

    RBM = 1024
    proj = pl.pallas_call(
        _proj_body,
        grid=(B * N // RBM,),
        in_specs=[
            pl.BlockSpec((RBM, Cin), lambda i: (i, 0)),
            pl.BlockSpec((Cin, Cout), lambda i: (0, 0)),
        ],
        out_specs=pl.BlockSpec((RBM, Cout), lambda i: (i, 0)),
        out_shape=jax.ShapeDtypeStruct((B * N, Cout), jnp.float32),
    )(feature.reshape(B * N, Cin), W)

    boff = (jnp.arange(B, dtype=jnp.int32) * N)[:, None]
    flat_idx = (idx16.reshape(B, N * K) + boff).reshape(-1)
    counts = jnp.zeros((B * N,), jnp.float32).at[flat_idx].add(1.0)
    M = B * N * K
    s1 = jnp.sum(counts[:, None] * proj, axis=0)
    s2 = jnp.sum(counts[:, None] * (proj * proj), axis=0)
    mean = s1 / M
    var = s2 / M - mean * mean
    scale = gamma * jax.lax.rsqrt(var + 1e-5)
    shift = beta - mean * scale

    idx_sc = flat_idx.reshape(_NW, BN * K // (_NW * 64), 64)
    pmax, pmin = _make_gather_minmax(BN, Cout, K)(idx_sc, proj)

    out = pl.pallas_call(
        _combine_body,
        grid=(B * N // RBM,),
        in_specs=[
            pl.BlockSpec((RBM, Cout), lambda i: (i, 0)),
            pl.BlockSpec((RBM, Cout), lambda i: (i, 0)),
            pl.BlockSpec((1, Cout), lambda i: (0, 0)),
            pl.BlockSpec((1, Cout), lambda i: (0, 0)),
        ],
        out_specs=pl.BlockSpec((RBM, Cout), lambda i: (i, 0)),
        out_shape=jax.ShapeDtypeStruct((B * N, Cout), jnp.float32),
    )(pmax, pmin, scale.reshape(1, Cout), shift.reshape(1, Cout))

    return (xyz, out.reshape(B, N, Cout))

# --- scband reference (transcript-rebuilt; emitter-appended) ---
"""Pipeline reference for scband-transition-down-6442450944539 (READ-ONLY COPY).

The authoritative reference and input builder live on the scoring server;
editing this copy changes nothing except your own understanding.
"""

import jax, jax.numpy as jnp
import numpy as np


def setup_inputs(seed: int = 0) -> dict:
    key = jax.random.key(seed)
    k1, k2, k3 = jax.random.split(key, 3)
    B, N, Cin, Cout = 8, 4096, 128, 256
    xyz = jax.random.normal(k1, (B, N, 3), dtype=jnp.float32)
    feature = jax.random.normal(k2, (B, N, Cin), dtype=jnp.float32)
    W = jax.random.normal(k3, (Cin, Cout), dtype=jnp.float32) * 0.05
    gamma = jnp.ones((Cout,), dtype=jnp.float32)
    beta = jnp.zeros((Cout,), dtype=jnp.float32)
    return {"xyz": xyz, "feature": feature, "npoint": 4096, "W": W, "gamma": gamma, "beta": beta}


def _square_distance(src, dst):
    dist = -2.0 * jnp.matmul(src, jnp.transpose(dst, (0, 2, 1)))
    dist = dist + jnp.sum(src ** 2, -1)[:, :, None]
    dist = dist + jnp.sum(dst ** 2, -1)[:, None, :]
    return dist


def reference(xyz, feature, npoint, W, gamma, beta):
    nsample = 16
    # stride == 1 branch: new_xyz = xyz, npoint = N (npoint arg unused)
    new_xyz = xyz
    sqrdists = _square_distance(new_xyz, xyz)  # [B, N, N]
    # torch.topk(..., largest=False) -> top_k of negated distances
    _, idx = jax.lax.top_k(-sqrdists, nsample)  # [B, N, K]
    # index_points: batched gather of neighbor features
    grouped = jax.vmap(lambda f, i: f[i])(feature, idx)  # [B, N, K, C]
    B, N_new, K, C = grouped.shape
    x = grouped.reshape(B * N_new * K, C)
    x = x @ W  # Linear(bias=False)
    # BatchNorm1d in training mode: biased batch statistics
    mean = jnp.mean(x, axis=0)
    var = jnp.var(x, axis=0)
    x = (x - mean) / jnp.sqrt(var + 1e-5) * gamma + beta
    x = jax.nn.relu(x)
    x = x.reshape(B, N_new, K, -1)
    new_feature = jnp.max(x, axis=2)
    return (new_xyz, new_feature)

if __name__ == "__main__":
    import jax
    _d = setup_inputs()
    print(jax.jit(kernel)(*tuple(_d.values())))

</pallas_src>

<mosaic_0001>
#map = affine_map<(d0, d1) -> (0, 0, 0)>
#map1 = affine_map<(d0, d1) -> (0, 0)>
module attributes {stable_mosaic.version = 14 : i64} {
  func.func @kfn(%arg0: i32, %arg1: i32, %arg2: memref<32x256x64xi32, #tpu.memory_space<hbm>>, %arg3: memref<2048x128xf32, #tpu.memory_space<hbm>>, %arg4: memref<524288x16xf32, #tpu.memory_space<hbm>>, %arg5: memref<524288x16xf32, #tpu.memory_space<hbm>>, %arg6: memref<524288x16xf32, #tpu.memory_space<hbm>>, %arg7: memref<256x64xi32, #tpu.memory_space<vmem>>, %arg8: memref<2x64x128xf32, #tpu.memory_space<vmem>>, %arg9: memref<2x64x16xf32, #tpu.memory_space<vmem>>, %arg10: memref<2x64x16xf32, #tpu.memory_space<vmem>>, %arg11: memref<2x64x16xf32, #tpu.memory_space<vmem>>, %arg12: memref<!tpu.dma_semaphore, #tpu.memory_space<semaphore_mem>>, %arg13: memref<!tpu.dma_semaphore, #tpu.memory_space<semaphore_mem>>) attributes {dimension_semantics = [#tpu.dimension_semantics<core_parallel>, #tpu.dimension_semantics<subcore_parallel>], iteration_bounds = array<i64: 2, 16>, scalar_prefetch = 0 : i64, scratch_operands = 7 : i64, tpu.core_type = #tpu.core_type<sc_vector_subcore>, window_params = [{transform_indices = #map}, {transform_indices = #map1}, {transform_indices = #map1}, {transform_indices = #map1}, {transform_indices = #map1}]} {
    %mul3A = arith.constant 2 : i32
    %mul3A_0 = arith.muli %arg1, %mul3A : i32
    %add3A = arith.addi %mul3A_0, %arg0 : i32
    %mul3A_1 = arith.constant 1024 : i32
    %mul3A_2 = arith.muli %add3A, %mul3A_1 : i32
    "tpu.region"() ({
      %run_scoped3A = tpu.sem_alloc : memref<!tpu.dma_semaphore, #tpu.memory_space<semaphore_mem>>
      %dma_start3A_31 = arith.constant 0 : i32
      %dma_start3A_32 = arith.constant 0 : i32
      %dma_start3A_33 = tpu.memref_slice %arg2[%add3A, %dma_start3A_31, %dma_start3A_32] : memref<32x256x64xi32, #tpu.memory_space<hbm>> -> memref<1x256x64xi32, #tpu.memory_space<hbm>>
      %dma_start3A_34 = tpu.memref_squeeze %dma_start3A_33 : memref<1x256x64xi32, #tpu.memory_space<hbm>> -> memref<256x64xi32, #tpu.memory_space<hbm>>
      %dma_start3A_35 = arith.constant 0 : i32
      %dma_start3A_36 = arith.constant 0 : i32
      %dma_start3A_37 = tpu.memref_slice %arg2[%add3A, %dma_start3A_35, %dma_start3A_36] : memref<32x256x64xi32, #tpu.memory_space<hbm>> -> memref<1x256x64xi32, #tpu.memory_space<hbm>>
      %dma_start3A_38 = tpu.memref_squeeze %dma_start3A_37 : memref<1x256x64xi32, #tpu.memory_space<hbm>> -> memref<256x64xi32, #tpu.memory_space<hbm>>
      tpu.enqueue_dma source(%dma_start3A_38 : memref<256x64xi32, #tpu.memory_space<hbm>>) target(%arg7 : memref<256x64xi32, #tpu.memory_space<vmem>>) target_semaphore(%run_scoped3A : memref<!tpu.dma_semaphore, #tpu.memory_space<semaphore_mem>>)
      %dma_wait3A = arith.constant 0 : i32
      %dma_wait3A_39 = arith.constant 0 : i32
      %dma_wait3A_40 = tpu.memref_slice %arg2[%add3A, %dma_wait3A, %dma_wait3A_39] : memref<32x256x64xi32, #tpu.memory_space<hbm>> -> memref<1x256x64xi32, #tpu.memory_space<hbm>>
      %dma_wait3A_41 = tpu.memref_squeeze %dma_wait3A_40 : memref<1x256x64xi32, #tpu.memory_space<hbm>> -> memref<256x64xi32, #tpu.memory_space<hbm>>
      %dma_wait3A_42 = arith.constant 0 : i32
      %dma_wait3A_43 = arith.constant 0 : i32
      %dma_wait3A_44 = tpu.memref_slice %arg2[%add3A, %dma_wait3A_42, %dma_wait3A_43] : memref<32x256x64xi32, #tpu.memory_space<hbm>> -> memref<1x256x64xi32, #tpu.memory_space<hbm>>
      %dma_wait3A_45 = tpu.memref_squeeze %dma_wait3A_44 : memref<1x256x64xi32, #tpu.memory_space<hbm>> -> memref<256x64xi32, #tpu.memory_space<hbm>>
      tpu.wait_dma2 semaphore(%run_scoped3A : memref<!tpu.dma_semaphore, #tpu.memory_space<semaphore_mem>>) src(%dma_wait3A_45 : memref<256x64xi32, #tpu.memory_space<hbm>>) dst(%arg7 : memref<256x64xi32, #tpu.memory_space<vmem>>)
      tpu.yield
    }) : () -> ()
    %dma_start3A = arith.constant 0 : i32
    %dma_start3A_3 = arith.constant 0 : i32
    %dma_start3A_4 = arith.constant 0 : i32
    %dma_start3A_5 = arith.constant 0 : i32
    %dma_start3A_6 = tpu.memref_slice %arg8[%dma_start3A_3, %dma_start3A_4, %dma_start3A_5] : memref<2x64x128xf32, #tpu.memory_space<vmem>> -> memref<1x64x128xf32, #tpu.memory_space<vmem>>
    %dma_start3A_7 = tpu.memref_squeeze %dma_start3A_6 : memref<1x64x128xf32, #tpu.memory_space<vmem>> -> memref<64x128xf32, #tpu.memory_space<vmem>>
    %dma_start3A_8 = arith.constant 0 : i32
    %dma_start3A_9 = tpu.memref_slice %arg7[%dma_start3A, %dma_start3A_8] : memref<256x64xi32, #tpu.memory_space<vmem>> -> memref<1x64xi32, #tpu.memory_space<vmem>>
    %dma_start3A_10 = tpu.memref_squeeze %dma_start3A_9 : memref<1x64xi32, #tpu.memory_space<vmem>> -> memref<64xi32, #tpu.memory_space<vmem>>
    %dma_start3A_11 = arith.constant 0 : i32
    %dma_start3A_12 = arith.constant 0 : i32
    %dma_start3A_13 = tpu.memref_slice %arg3[%dma_start3A_11, %dma_start3A_12] : memref<2048x128xf32, #tpu.memory_space<hbm>> -> memref<2048x128xf32, #tpu.memory_space<hbm>>
    tpu.enqueue_indirect_dma source(%dma_start3A_13 : memref<2048x128xf32, #tpu.memory_space<hbm>>) target(%dma_start3A_7 : memref<64x128xf32, #tpu.memory_space<vmem>>) offsets(%dma_start3A_10 : memref<64xi32, #tpu.memory_space<vmem>>) semaphore(%arg12 : memref<!tpu.dma_semaphore, #tpu.memory_space<semaphore_mem>>)
    %dma_start3A_14 = arith.constant 1 : i32
    %dma_start3A_15 = arith.constant 1 : i32
    %dma_start3A_16 = arith.constant 0 : i32
    %dma_start3A_17 = arith.constant 0 : i32
    %dma_start3A_18 = tpu.memref_slice %arg8[%dma_start3A_15, %dma_start3A_16, %dma_start3A_17] : memref<2x64x128xf32, #tpu.memory_space<vmem>> -> memref<1x64x128xf32, #tpu.memory_space<vmem>>
    %dma_start3A_19 = tpu.memref_squeeze %dma_start3A_18 : memref<1x64x128xf32, #tpu.memory_space<vmem>> -> memref<64x128xf32, #tpu.memory_space<vmem>>
    %dma_start3A_20 = arith.constant 0 : i32
    %dma_start3A_21 = tpu.memref_slice %arg7[%dma_start3A_14, %dma_start3A_20] : memref<256x64xi32, #tpu.memory_space<vmem>> -> memref<1x64xi32, #tpu.memory_space<vmem>>
    %dma_start3A_22 = tpu.memref_squeeze %dma_start3A_21 : memref<1x64xi32, #tpu.memory_space<vmem>> -> memref<64xi32, #tpu.memory_space<vmem>>
    %dma_start3A_23 = arith.constant 0 : i32
    %dma_start3A_24 = arith.constant 0 : i32
    %dma_start3A_25 = tpu.memref_slice %arg3[%dma_start3A_23, %dma_start3A_24] : memref<2048x128xf32, #tpu.memory_space<hbm>> -> memref<2048x128xf32, #tpu.memory_space<hbm>>
    tpu.enqueue_indirect_dma source(%dma_start3A_25 : memref<2048x128xf32, #tpu.memory_space<hbm>>) target(%dma_start3A_19 : memref<64x128xf32, #tpu.memory_space<vmem>>) offsets(%dma_start3A_22 : memref<64xi32, #tpu.memory_space<vmem>>) semaphore(%arg13 : memref<!tpu.dma_semaphore, #tpu.memory_space<semaphore_mem>>)
    %scan3A = arith.constant 0 : i32
    %scan3A_26 = arith.constant 0 : i32
    %scan3A_27 = arith.constant 128 : i32
    %scan3A_28 = arith.addi %scan3A_26, %scan3A_27 : i32
    %scan3A_29 = arith.constant 1 : i32
    scf.for %scan3A_31 = %scan3A_26 to %scan3A_28 step %scan3A_29  : i32 {
      %mul3A_32 = arith.constant 2 : i32
      %mul3A_33 = arith.muli %scan3A_31, %mul3A_32 : i32
      %add3A_34 = arith.constant 0 : i32
      %add3A_35 = arith.addi %mul3A_33, %add3A_34 : i32
      %dma_wait3A = arith.constant 0 : i32
      %dma_wait3A_36 = arith.constant 0 : i32
      %dma_wait3A_37 = arith.constant 0 : i32
      %dma_wait3A_38 = arith.constant 0 : i32
      %dma_wait3A_39 = tpu.memref_slice %arg8[%dma_wait3A_36, %dma_wait3A_37, %dma_wait3A_38] : memref<2x64x128xf32, #tpu.memory_space<vmem>> -> memref<1x64x128xf32, #tpu.memory_space<vmem>>
      %dma_wait3A_40 = tpu.memref_squeeze %dma_wait3A_39 : memref<1x64x128xf32, #tpu.memory_space<vmem>> -> memref<64x128xf32, #tpu.memory_space<vmem>>
      %dma_wait3A_41 = arith.constant 0 : i32
      %dma_wait3A_42 = tpu.memref_slice %arg7[%dma_wait3A, %dma_wait3A_41] : memref<256x64xi32, #tpu.memory_space<vmem>> -> memref<1x64xi32, #tpu.memory_space<vmem>>
      %dma_wait3A_43 = tpu.memref_squeeze %dma_wait3A_42 : memref<1x64xi32, #tpu.memory_space<vmem>> -> memref<64xi32, #tpu.memory_space<vmem>>
      %dma_wait3A_44 = arith.constant 0 : i32
      %dma_wait3A_45 = arith.constant 0 : i32
      %dma_wait3A_46 = tpu.memref_slice %arg3[%dma_wait3A_44, %dma_wait3A_45] : memref<2048x128xf32, #tpu.memory_space<hbm>> -> memref<2048x128xf32, #tpu.memory_space<hbm>>
      tpu.wait_indirect_dma semaphore(%arg12 : memref<!tpu.dma_semaphore, #tpu.memory_space<semaphore_mem>>) src(%dma_wait3A_46 : memref<2048x128xf32, #tpu.memory_space<hbm>>) dst(%dma_wait3A_40 : memref<64x128xf32, #tpu.memory_space<vmem>>)
      %scan3A_47 = arith.constant 0 : i32
      %scan3A_48 = arith.constant 0 : i32
      %scan3A_49 = arith.constant 64 : i32
      %scan3A_50 = arith.addi %scan3A_48, %scan3A_49 : i32
      %scan3A_51 = arith.constant 1 : i32
      scf.for %scan3A_101 = %scan3A_48 to %scan3A_50 step %scan3A_51  : i32 {
        %get3A = arith.constant 0 : i32
        %get3A_102 = arith.index_cast %get3A : i32 to index
        %get3A_103 = arith.index_cast %scan3A_101 : i32 to index
        %get3A_104 = arith.constant 0 : index
        %get3A_105 = tpu.vector_load %arg8[%get3A_102, %get3A_103, %get3A_104] {strides = array<i32>} : memref<2x64x128xf32, #tpu.memory_space<vmem>>, vector<1x1x16xf32>,
        %get3A_106 = vector.shape_cast %get3A_105 : vector<1x1x16xf32> to vector<16xf32>
        %swap3A = arith.constant 0 : i32
        %swap3A_107 = arith.index_cast %swap3A : i32 to index
        %swap3A_108 = arith.index_cast %scan3A_101 : i32 to index
        %swap3A_109 = arith.constant 0 : index
        %swap3A_110 = tpu.vector_load %arg9[%swap3A_107, %swap3A_108, %swap3A_109] {strides = array<i32>} : memref<2x64x16xf32, #tpu.memory_space<vmem>>, vector<1x1x16xf32>,
        %swap3A_111 = vector.shape_cast %swap3A_110 : vector<1x1x16xf32> to vector<16xf32>
        %swap3A_112 = vector.shape_cast %get3A_106 : vector<16xf32> to vector<1x1x16xf32>
        tpu.vector_store %arg9[%swap3A_107, %swap3A_108, %swap3A_109], %swap3A_112 {strides = array<i32>} : memref<2x64x16xf32, #tpu.memory_space<vmem>>, vector<1x1x16xf32>,
        %get3A_113 = arith.constant 0 : i32
        %get3A_114 = arith.index_cast %get3A_113 : i32 to index
        %get3A_115 = arith.index_cast %scan3A_101 : i32 to index
        %get3A_116 = arith.constant 16 : index
        %get3A_117 = tpu.vector_load %arg8[%get3A_114, %get3A_115, %get3A_116] {strides = array<i32>} : memref<2x64x128xf32, #tpu.memory_space<vmem>>, vector<1x1x16xf32>,
        %get3A_118 = vector.shape_cast %get3A_117 : vector<1x1x16xf32> to vector<16xf32>
        %swap3A_119 = arith.constant 0 : i32
        %swap3A_120 = arith.index_cast %swap3A_119 : i32 to index
        %swap3A_121 = arith.index_cast %scan3A_101 : i32 to index
        %swap3A_122 = arith.constant 0 : index
        %swap3A_123 = tpu.vector_load %arg10[%swap3A_120, %swap3A_121, %swap3A_122] {strides = array<i32>} : memref<2x64x16xf32, #tpu.memory_space<vmem>>, vector<1x1x16xf32>,
        %swap3A_124 = vector.shape_cast %swap3A_123 : vector<1x1x16xf32> to vector<16xf32>
        %swap3A_125 = vector.shape_cast %get3A_118 : vector<16xf32> to vector<1x1x16xf32>
        tpu.vector_store %arg10[%swap3A_120, %swap3A_121, %swap3A_122], %swap3A_125 {strides = array<i32>} : memref<2x64x16xf32, #tpu.memory_space<vmem>>, vector<1x1x16xf32>,
        %get3A_126 = arith.constant 0 : i32
        %get3A_127 = arith.index_cast %get3A_126 : i32 to index
        %get3A_128 = arith.index_cast %scan3A_101 : i32 to index
        %get3A_129 = arith.constant 32 : index
        %get3A_130 = tpu.vector_load %arg8[%get3A_127, %get3A_128, %get3A_129] {strides = array<i32>} : memref<2x64x128xf32, #tpu.memory_space<vmem>>, vector<1x1x16xf32>,
        %get3A_131 = vector.shape_cast %get3A_130 : vector<1x1x16xf32> to vector<16xf32>
        %swap3A_132 = arith.constant 0 : i32
        %swap3A_133 = arith.index_cast %swap3A_132 : i32 to index
        %swap3A_134 = arith.index_cast %scan3A_101 : i32 to index
        %swap3A_135 = arith.constant 0 : index
        %swap3A_136 = tpu.vector_load %arg11[%swap3A_133, %swap3A_134, %swap3A_135] {strides = array<i32>} : memref<2x64x16xf32, #tpu.memory_space<vmem>>, vector<1x1x16xf32>,
        %swap3A_137 = vector.shape_cast %swap3A_136 : vector<1x1x16xf32> to vector<16xf32>
        %swap3A_138 = vector.shape_cast %get3A_131 : vector<16xf32> to vector<1x1x16xf32>
        tpu.vector_store %arg11[%swap3A_133, %swap3A_134, %swap3A_135], %swap3A_138 {strides = array<i32>} : memref<2x64x16xf32, #tpu.memory_space<vmem>>, vector<1x1x16xf32>,
      }
      %scan3A_52 = arith.constant 64 : i32
      %mul3A_53 = arith.constant 4 : i32
      %mul3A_54 = arith.muli %add3A_35, %mul3A_53 : i32
      %add3A_55 = arith.addi %mul3A_2, %mul3A_54 : i32
      %mul3A_56 = arith.constant 16 : i32
      %mul3A_57 = arith.muli %add3A_55, %mul3A_56 : i32
      %run_scoped3A = arith.constant 0 : i32
      "tpu.region"() ({
        %run_scoped3A_101 = tpu.sem_alloc : memref<!tpu.dma_semaphore, #tpu.memory_space<semaphore_mem>>
        %dma_start3A_102 = arith.constant 0 : i32
        %dma_start3A_103 = arith.constant 0 : i32
        %dma_start3A_104 = tpu.memref_slice %arg9[%run_scoped3A, %dma_start3A_102, %dma_start3A_103] : memref<2x64x16xf32, #tpu.memory_space<vmem>> -> memref<1x64x16xf32, #tpu.memory_space<vmem>>
        %dma_start3A_105 = tpu.memref_squeeze %dma_start3A_104 : memref<1x64x16xf32, #tpu.memory_space<vmem>> -> memref<64x16xf32, #tpu.memory_space<vmem>>
        %dma_start3A_106 = arith.constant 0 : i32
        %dma_start3A_107 = tpu.memref_slice %arg4[%mul3A_57, %dma_start3A_106] : memref<524288x16xf32, #tpu.memory_space<hbm>> -> memref<64x16xf32, #tpu.memory_space<hbm>>
        %dma_start3A_108 = arith.constant 0 : i32
        %dma_start3A_109 = tpu.memref_slice %arg4[%mul3A_57, %dma_start3A_108] : memref<524288x16xf32, #tpu.memory_space<hbm>> -> memref<64x16xf32, #tpu.memory_space<hbm>>
        %dma_start3A_110 = arith.constant 0 : i32
        %dma_start3A_111 = arith.constant 0 : i32
        %dma_start3A_112 = tpu.memref_slice %arg9[%run_scoped3A, %dma_start3A_110, %dma_start3A_111] : memref<2x64x16xf32, #tpu.memory_space<vmem>> -> memref<1x64x16xf32, #tpu.memory_space<vmem>>
        %dma_start3A_113 = tpu.memref_squeeze %dma_start3A_112 : memref<1x64x16xf32, #tpu.memory_space<vmem>> -> memref<64x16xf32, #tpu.memory_space<vmem>>
        tpu.enqueue_dma source(%dma_start3A_113 : memref<64x16xf32, #tpu.memory_space<vmem>>) target(%dma_start3A_109 : memref<64x16xf32, #tpu.memory_space<hbm>>) target_semaphore(%run_scoped3A_101 : memref<!tpu.dma_semaphore, #tpu.memory_space<semaphore_mem>>)
        %dma_wait3A_114 = arith.constant 0 : i32
        %dma_wait3A_115 = arith.constant 0 : i32
        %dma_wait3A_116 = tpu.memref_slice %arg9[%run_scoped3A, %dma_wait3A_114, %dma_wait3A_115] : memref<2x64x16xf32, #tpu.memory_space<vmem>> -> memref<1x64x16xf32, #tpu.memory_space<vmem>>
        %dma_wait3A_117 = tpu.memref_squeeze %dma_wait3A_116 : memref<1x64x16xf32, #tpu.memory_space<vmem>> -> memref<64x16xf32, #tpu.memory_space<vmem>>
        %dma_wait3A_118 = arith.constant 0 : i32
        %dma_wait3A_119 = tpu.memref_slice %arg4[%mul3A_57, %dma_wait3A_118] : memref<524288x16xf32, #tpu.memory_space<hbm>> -> memref<64x16xf32, #tpu.memory_space<hbm>>
        %dma_wait3A_120 = arith.constant 0 : i32
        %dma_wait3A_121 = tpu.memref_slice %arg4[%mul3A_57, %dma_wait3A_120] : memref<524288x16xf32, #tpu.memory_space<hbm>> -> memref<64x16xf32, #tpu.memory_space<hbm>>
        %dma_wait3A_122 = arith.constant 0 : i32
        %dma_wait3A_123 = arith.constant 0 : i32
        %dma_wait3A_124 = tpu.memref_slice %arg9[%run_scoped3A, %dma_wait3A_122, %dma_wait3A_123] : memref<2x64x16xf32, #tpu.memory_space<vmem>> -> memref<1x64x16xf32, #tpu.memory_space<vmem>>
        %dma_wait3A_125 = tpu.memref_squeeze %dma_wait3A_124 : memref<1x64x16xf32, #tpu.memory_space<vmem>> -> memref<64x16xf32, #tpu.memory_space<vmem>>
        tpu.wait_dma2 semaphore(%run_scoped3A_101 : memref<!tpu.dma_semaphore, #tpu.memory_space<semaphore_mem>>) src(%dma_wait3A_125 : memref<64x16xf32, #tpu.memory_space<vmem>>) dst(%dma_wait3A_121 : memref<64x16xf32, #tpu.memory_space<hbm>>)
        tpu.yield
      }) : () -> ()
      %run_scoped3A_58 = arith.constant 0 : i32
      "tpu.region"() ({
        %run_scoped3A_101 = tpu.sem_alloc : memref<!tpu.dma_semaphore, #tpu.memory_space<semaphore_mem>>
        %dma_start3A_102 = arith.constant 0 : i32
        %dma_start3A_103 = arith.constant 0 : i32
        %dma_start3A_104 = tpu.memref_slice %arg10[%run_scoped3A_58, %dma_start3A_102, %dma_start3A_103] : memref<2x64x16xf32, #tpu.memory_space<vmem>> -> memref<1x64x16xf32, #tpu.memory_space<vmem>>
        %dma_start3A_105 = tpu.memref_squeeze %dma_start3A_104 : memref<1x64x16xf32, #tpu.memory_space<vmem>> -> memref<64x16xf32, #tpu.memory_space<vmem>>
        %dma_start3A_106 = arith.constant 0 : i32
        %dma_start3A_107 = tpu.memref_slice %arg5[%mul3A_57, %dma_start3A_106] : memref<524288x16xf32, #tpu.memory_space<hbm>> -> memref<64x16xf32, #tpu.memory_space<hbm>>
        %dma_start3A_108 = arith.constant 0 : i32
        %dma_start3A_109 = tpu.memref_slice %arg5[%mul3A_57, %dma_start3A_108] : memref<524288x16xf32, #tpu.memory_space<hbm>> -> memref<64x16xf32, #tpu.memory_space<hbm>>
        %dma_start3A_110 = arith.constant 0 : i32
        %dma_start3A_111 = arith.constant 0 : i32
        %dma_start3A_112 = tpu.memref_slice %arg10[%run_scoped3A_58, %dma_start3A_110, %dma_start3A_111] : memref<2x64x16xf32, #tpu.memory_space<vmem>> -> memref<1x64x16xf32, #tpu.memory_space<vmem>>
        %dma_start3A_113 = tpu.memref_squeeze %dma_start3A_112 : memref<1x64x16xf32, #tpu.memory_space<vmem>> -> memref<64x16xf32, #tpu.memory_space<vmem>>
        tpu.enqueue_dma source(%dma_start3A_113 : memref<64x16xf32, #tpu.memory_space<vmem>>) target(%dma_start3A_109 : memref<64x16xf32, #tpu.memory_space<hbm>>) target_semaphore(%run_scoped3A_101 : memref<!tpu.dma_semaphore, #tpu.memory_space<semaphore_mem>>)
        %dma_wait3A_114 = arith.constant 0 : i32
        %dma_wait3A_115 = arith.constant 0 : i32
        %dma_wait3A_116 = tpu.memref_slice %arg10[%run_scoped3A_58, %dma_wait3A_114, %dma_wait3A_115] : memref<2x64x16xf32, #tpu.memory_space<vmem>> -> memref<1x64x16xf32, #tpu.memory_space<vmem>>
        %dma_wait3A_117 = tpu.memref_squeeze %dma_wait3A_116 : memref<1x64x16xf32, #tpu.memory_space<vmem>> -> memref<64x16xf32, #tpu.memory_space<vmem>>
        %dma_wait3A_118 = arith.constant 0 : i32
        %dma_wait3A_119 = tpu.memref_slice %arg5[%mul3A_57, %dma_wait3A_118] : memref<524288x16xf32, #tpu.memory_space<hbm>> -> memref<64x16xf32, #tpu.memory_space<hbm>>
        %dma_wait3A_120 = arith.constant 0 : i32
        %dma_wait3A_121 = tpu.memref_slice %arg5[%mul3A_57, %dma_wait3A_120] : memref<524288x16xf32, #tpu.memory_space<hbm>> -> memref<64x16xf32, #tpu.memory_space<hbm>>
        %dma_wait3A_122 = arith.constant 0 : i32
        %dma_wait3A_123 = arith.constant 0 : i32
        %dma_wait3A_124 = tpu.memref_slice %arg10[%run_scoped3A_58, %dma_wait3A_122, %dma_wait3A_123] : memref<2x64x16xf32, #tpu.memory_space<vmem>> -> memref<1x64x16xf32, #tpu.memory_space<vmem>>
        %dma_wait3A_125 = tpu.memref_squeeze %dma_wait3A_124 : memref<1x64x16xf32, #tpu.memory_space<vmem>> -> memref<64x16xf32, #tpu.memory_space<vmem>>
        tpu.wait_dma2 semaphore(%run_scoped3A_101 : memref<!tpu.dma_semaphore, #tpu.memory_space<semaphore_mem>>) src(%dma_wait3A_125 : memref<64x16xf32, #tpu.memory_space<vmem>>) dst(%dma_wait3A_121 : memref<64x16xf32, #tpu.memory_space<hbm>>)
        tpu.yield
      }) : () -> ()
      %run_scoped3A_59 = arith.constant 0 : i32
      "tpu.region"() ({
        %run_scoped3A_101 = tpu.sem_alloc : memref<!tpu.dma_semaphore, #tpu.memory_space<semaphore_mem>>
        %dma_start3A_102 = arith.constant 0 : i32
        %dma_start3A_103 = arith.constant 0 : i32
        %dma_start3A_104 = tpu.memref_slice %arg11[%run_scoped3A_59, %dma_start3A_102, %dma_start3A_103] : memref<2x64x16xf32, #tpu.memory_space<vmem>> -> memref<1x64x16xf32, #tpu.memory_space<vmem>>
        %dma_start3A_105 = tpu.memref_squeeze %dma_start3A_104 : memref<1x64x16xf32, #tpu.memory_space<vmem>> -> memref<64x16xf32, #tpu.memory_space<vmem>>
        %dma_start3A_106 = arith.constant 0 : i32
        %dma_start3A_107 = tpu.memref_slice %arg6[%mul3A_57, %dma_start3A_106] : memref<524288x16xf32, #tpu.memory_space<hbm>> -> memref<64x16xf32, #tpu.memory_space<hbm>>
        %dma_start3A_108 = arith.constant 0 : i32
        %dma_start3A_109 = tpu.memref_slice %arg6[%mul3A_57, %dma_start3A_108] : memref<524288x16xf32, #tpu.memory_space<hbm>> -> memref<64x16xf32, #tpu.memory_space<hbm>>
        %dma_start3A_110 = arith.constant 0 : i32
        %dma_start3A_111 = arith.constant 0 : i32
        %dma_start3A_112 = tpu.memref_slice %arg11[%run_scoped3A_59, %dma_start3A_110, %dma_start3A_111] : memref<2x64x16xf32, #tpu.memory_space<vmem>> -> memref<1x64x16xf32, #tpu.memory_space<vmem>>
        %dma_start3A_113 = tpu.memref_squeeze %dma_start3A_112 : memref<1x64x16xf32, #tpu.memory_space<vmem>> -> memref<64x16xf32, #tpu.memory_space<vmem>>
        tpu.enqueue_dma source(%dma_start3A_113 : memref<64x16xf32, #tpu.memory_space<vmem>>) target(%dma_start3A_109 : memref<64x16xf32, #tpu.memory_space<hbm>>) target_semaphore(%run_scoped3A_101 : memref<!tpu.dma_semaphore, #tpu.memory_space<semaphore_mem>>)
        %dma_wait3A_114 = arith.constant 0 : i32
        %dma_wait3A_115 = arith.constant 0 : i32
        %dma_wait3A_116 = tpu.memref_slice %arg11[%run_scoped3A_59, %dma_wait3A_114, %dma_wait3A_115] : memref<2x64x16xf32, #tpu.memory_space<vmem>> -> memref<1x64x16xf32, #tpu.memory_space<vmem>>
        %dma_wait3A_117 = tpu.memref_squeeze %dma_wait3A_116 : memref<1x64x16xf32, #tpu.memory_space<vmem>> -> memref<64x16xf32, #tpu.memory_space<vmem>>
        %dma_wait3A_118 = arith.constant 0 : i32
        %dma_wait3A_119 = tpu.memref_slice %arg6[%mul3A_57, %dma_wait3A_118] : memref<524288x16xf32, #tpu.memory_space<hbm>> -> memref<64x16xf32, #tpu.memory_space<hbm>>
        %dma_wait3A_120 = arith.constant 0 : i32
        %dma_wait3A_121 = tpu.memref_slice %arg6[%mul3A_57, %dma_wait3A_120] : memref<524288x16xf32, #tpu.memory_space<hbm>> -> memref<64x16xf32, #tpu.memory_space<hbm>>
        %dma_wait3A_122 = arith.constant 0 : i32
        %dma_wait3A_123 = arith.constant 0 : i32
        %dma_wait3A_124 = tpu.memref_slice %arg11[%run_scoped3A_59, %dma_wait3A_122, %dma_wait3A_123] : memref<2x64x16xf32, #tpu.memory_space<vmem>> -> memref<1x64x16xf32, #tpu.memory_space<vmem>>
        %dma_wait3A_125 = tpu.memref_squeeze %dma_wait3A_124 : memref<1x64x16xf32, #tpu.memory_space<vmem>> -> memref<64x16xf32, #tpu.memory_space<vmem>>
        tpu.wait_dma2 semaphore(%run_scoped3A_101 : memref<!tpu.dma_semaphore, #tpu.memory_space<semaphore_mem>>) src(%dma_wait3A_125 : memref<64x16xf32, #tpu.memory_space<vmem>>) dst(%dma_wait3A_121 : memref<64x16xf32, #tpu.memory_space<hbm>>)
        tpu.yield
      }) : () -> ()
      %add3A_60 = arith.constant 2 : i32
      %add3A_61 = arith.addi %add3A_35, %add3A_60 : i32
      %lt3A = arith.constant 256 : i32
      %lt3A_62 = arith.cmpi slt, %add3A_61, %lt3A : i32
      %convert_element_type3A = arith.extui %lt3A_62 : i1 to i32
      %cond3A = arith.constant 0 : i32
      %cond3A_63 = arith.cmpi ne, %convert_element_type3A, %cond3A : i32
      scf.if %cond3A_63 {
        %add3A_101 = arith.constant 2 : i32
        %add3A_102 = arith.addi %add3A_35, %add3A_101 : i32
        %dma_start3A_103 = arith.constant 0 : i32
        %dma_start3A_104 = arith.constant 0 : i32
        %dma_start3A_105 = arith.constant 0 : i32
        %dma_start3A_106 = tpu.memref_slice %arg8[%dma_start3A_103, %dma_start3A_104, %dma_start3A_105] : memref<2x64x128xf32, #tpu.memory_space<vmem>> -> memref<1x64x128xf32, #tpu.memory_space<vmem>>
        %dma_start3A_107 = tpu.memref_squeeze %dma_start3A_106 : memref<1x64x128xf32, #tpu.memory_space<vmem>> -> memref<64x128xf32, #tpu.memory_space<vmem>>
        %dma_start3A_108 = arith.constant 0 : i32
        %dma_start3A_109 = tpu.memref_slice %arg7[%add3A_102, %dma_start3A_108] : memref<256x64xi32, #tpu.memory_space<vmem>> -> memref<1x64xi32, #tpu.memory_space<vmem>>
        %dma_start3A_110 = tpu.memref_squeeze %dma_start3A_109 : memref<1x64xi32, #tpu.memory_space<vmem>> -> memref<64xi32, #tpu.memory_space<vmem>>
        %dma_start3A_111 = arith.constant 0 : i32
        %dma_start3A_112 = arith.constant 0 : i32
        %dma_start3A_113 = tpu.memref_slice %arg3[%dma_start3A_111, %dma_start3A_112] : memref<2048x128xf32, #tpu.memory_space<hbm>> -> memref<2048x128xf32, #tpu.memory_space<hbm>>
        tpu.enqueue_indirect_dma source(%dma_start3A_113 : memref<2048x128xf32, #tpu.memory_space<hbm>>) target(%dma_start3A_107 : memref<64x128xf32, #tpu.memory_space<vmem>>) offsets(%dma_start3A_110 : memref<64xi32, #tpu.memory_space<vmem>>) semaphore(%arg12 : memref<!tpu.dma_semaphore, #tpu.memory_space<semaphore_mem>>)
      } else {
      }
      %mul3A_64 = arith.constant 2 : i32
      %mul3A_65 = arith.muli %scan3A_31, %mul3A_64 : i32
      %add3A_66 = arith.constant 1 : i32
      %add3A_67 = arith.addi %mul3A_65, %add3A_66 : i32
      %dma_wait3A_68 = arith.constant 0 : i32
      %dma_wait3A_69 = arith.constant 1 : i32
      %dma_wait3A_70 = arith.constant 0 : i32
      %dma_wait3A_71 = arith.constant 0 : i32
      %dma_wait3A_72 = tpu.memref_slice %arg8[%dma_wait3A_69, %dma_wait3A_70, %dma_wait3A_71] : memref<2x64x128xf32, #tpu.memory_space<vmem>> -> memref<1x64x128xf32, #tpu.memory_space<vmem>>
      %dma_wait3A_73 = tpu.memref_squeeze %dma_wait3A_72 : memref<1x64x128xf32, #tpu.memory_space<vmem>> -> memref<64x128xf32, #tpu.memory_space<vmem>>
      %dma_wait3A_74 = arith.constant 0 : i32
      %dma_wait3A_75 = tpu.memref_slice %arg7[%dma_wait3A_68, %dma_wait3A_74] : memref<256x64xi32, #tpu.memory_space<vmem>> -> memref<1x64xi32, #tpu.memory_space<vmem>>
      %dma_wait3A_76 = tpu.memref_squeeze %dma_wait3A_75 : memref<1x64xi32, #tpu.memory_space<vmem>> -> memref<64xi32, #tpu.memory_space<vmem>>
      %dma_wait3A_77 = arith.constant 0 : i32
      %dma_wait3A_78 = arith.constant 0 : i32
      %dma_wait3A_79 = tpu.memref_slice %arg3[%dma_wait3A_77, %dma_wait3A_78] : memref<2048x128xf32, #tpu.memory_space<hbm>> -> memref<2048x128xf32, #tpu.memory_space<hbm>>
      tpu.wait_indirect_dma semaphore(%arg13 : memref<!tpu.dma_semaphore, #tpu.memory_space<semaphore_mem>>) src(%dma_wait3A_79 : memref<2048x128xf32, #tpu.memory_space<hbm>>) dst(%dma_wait3A_73 : memref<64x128xf32, #tpu.memory_space<vmem>>)
      %scan3A_80 = arith.constant 0 : i32
      %scan3A_81 = arith.constant 0 : i32
      %scan3A_82 = arith.constant 64 : i32
      %scan3A_83 = arith.addi %scan3A_81, %scan3A_82 : i32
      %scan3A_84 = arith.constant 1 : i32
      scf.for %scan3A_101 = %scan3A_81 to %scan3A_83 step %scan3A_84  : i32 {
        %get3A = arith.constant 1 : i32
        %get3A_102 = arith.index_cast %get3A : i32 to index
        %get3A_103 = arith.index_cast %scan3A_101 : i32 to index
        %get3A_104 = arith.constant 0 : index
        %get3A_105 = tpu.vector_load %arg8[%get3A_102, %get3A_103, %get3A_104] {strides = array<i32>} : memref<2x64x128xf32, #tpu.memory_space<vmem>>, vector<1x1x16xf32>,
        %get3A_106 = vector.shape_cast %get3A_105 : vector<1x1x16xf32> to vector<16xf32>
        %swap3A = arith.constant 1 : i32
        %swap3A_107 = arith.index_cast %swap3A : i32 to index
        %swap3A_108 = arith.index_cast %scan3A_101 : i32 to index
        %swap3A_109 = arith.constant 0 : index
        %swap3A_110 = tpu.vector_load %arg9[%swap3A_107, %swap3A_108, %swap3A_109] {strides = array<i32>} : memref<2x64x16xf32, #tpu.memory_space<vmem>>, vector<1x1x16xf32>,
        %swap3A_111 = vector.shape_cast %swap3A_110 : vector<1x1x16xf32> to vector<16xf32>
        %swap3A_112 = vector.shape_cast %get3A_106 : vector<16xf32> to vector<1x1x16xf32>
        tpu.vector_store %arg9[%swap3A_107, %swap3A_108, %swap3A_109], %swap3A_112 {strides = array<i32>} : memref<2x64x16xf32, #tpu.memory_space<vmem>>, vector<1x1x16xf32>,
        %get3A_113 = arith.constant 1 : i32
        %get3A_114 = arith.index_cast %get3A_113 : i32 to index
        %get3A_115 = arith.index_cast %scan3A_101 : i32 to index
        %get3A_116 = arith.constant 16 : index
        %get3A_117 = tpu.vector_load %arg8[%get3A_114, %get3A_115, %get3A_116] {strides = array<i32>} : memref<2x64x128xf32, #tpu.memory_space<vmem>>, vector<1x1x16xf32>,
        %get3A_118 = vector.shape_cast %get3A_117 : vector<1x1x16xf32> to vector<16xf32>
        %swap3A_119 = arith.constant 1 : i32
        %swap3A_120 = arith.index_cast %swap3A_119 : i32 to index
        %swap3A_121 = arith.index_cast %scan3A_101 : i32 to index
        %swap3A_122 = arith.constant 0 : index
        %swap3A_123 = tpu.vector_load %arg10[%swap3A_120, %swap3A_121, %swap3A_122] {strides = array<i32>} : memref<2x64x16xf32, #tpu.memory_space<vmem>>, vector<1x1x16xf32>,
        %swap3A_124 = vector.shape_cast %swap3A_123 : vector<1x1x16xf32> to vector<16xf32>
        %swap3A_125 = vector.shape_cast %get3A_118 : vector<16xf32> to vector<1x1x16xf32>
        tpu.vector_store %arg10[%swap3A_120, %swap3A_121, %swap3A_122], %swap3A_125 {strides = array<i32>} : memref<2x64x16xf32, #tpu.memory_space<vmem>>, vector<1x1x16xf32>,
        %get3A_126 = arith.constant 1 : i32
        %get3A_127 = arith.index_cast %get3A_126 : i32 to index
        %get3A_128 = arith.index_cast %scan3A_101 : i32 to index
        %get3A_129 = arith.constant 32 : index
        %get3A_130 = tpu.vector_load %arg8[%get3A_127, %get3A_128, %get3A_129] {strides = array<i32>} : memref<2x64x128xf32, #tpu.memory_space<vmem>>, vector<1x1x16xf32>,
        %get3A_131 = vector.shape_cast %get3A_130 : vector<1x1x16xf32> to vector<16xf32>
        %swap3A_132 = arith.constant 1 : i32
        %swap3A_133 = arith.index_cast %swap3A_132 : i32 to index
        %swap3A_134 = arith.index_cast %scan3A_101 : i32 to index
        %swap3A_135 = arith.constant 0 : index
        %swap3A_136 = tpu.vector_load %arg11[%swap3A_133, %swap3A_134, %swap3A_135] {strides = array<i32>} : memref<2x64x16xf32, #tpu.memory_space<vmem>>, vector<1x1x16xf32>,
        %swap3A_137 = vector.shape_cast %swap3A_136 : vector<1x1x16xf32> to vector<16xf32>
        %swap3A_138 = vector.shape_cast %get3A_131 : vector<16xf32> to vector<1x1x16xf32>
        tpu.vector_store %arg11[%swap3A_133, %swap3A_134, %swap3A_135], %swap3A_138 {strides = array<i32>} : memref<2x64x16xf32, #tpu.memory_space<vmem>>, vector<1x1x16xf32>,
      }
      %scan3A_85 = arith.constant 64 : i32
      %mul3A_86 = arith.constant 4 : i32
      %mul3A_87 = arith.muli %add3A_67, %mul3A_86 : i32
      %add3A_88 = arith.addi %mul3A_2, %mul3A_87 : i32
      %mul3A_89 = arith.constant 16 : i32
      %mul3A_90 = arith.muli %add3A_88, %mul3A_89 : i32
      %run_scoped3A_91 = arith.constant 1 : i32
      "tpu.region"() ({
        %run_scoped3A_101 = tpu.sem_alloc : memref<!tpu.dma_semaphore, #tpu.memory_space<semaphore_mem>>
        %dma_start3A_102 = arith.constant 0 : i32
        %dma_start3A_103 = arith.constant 0 : i32
        %dma_start3A_104 = tpu.memref_slice %arg9[%run_scoped3A_91, %dma_start3A_102, %dma_start3A_103] : memref<2x64x16xf32, #tpu.memory_space<vmem>> -> memref<1x64x16xf32, #tpu.memory_space<vmem>>
        %dma_start3A_105 = tpu.memref_squeeze %dma_start3A_104 : memref<1x64x16xf32, #tpu.memory_space<vmem>> -> memref<64x16xf32, #tpu.memory_space<vmem>>
        %dma_start3A_106 = arith.constant 0 : i32
        %dma_start3A_107 = tpu.memref_slice %arg4[%mul3A_90, %dma_start3A_106] : memref<524288x16xf32, #tpu.memory_space<hbm>> -> memref<64x16xf32, #tpu.memory_space<hbm>>
        %dma_start3A_108 = arith.constant 0 : i32
        %dma_start3A_109 = tpu.memref_slice %arg4[%mul3A_90, %dma_start3A_108] : memref<524288x16xf32, #tpu.memory_space<hbm>> -> memref<64x16xf32, #tpu.memory_space<hbm>>
        %dma_start3A_110 = arith.constant 0 : i32
        %dma_start3A_111 = arith.constant 0 : i32
        %dma_start3A_112 = tpu.memref_slice %arg9[%run_scoped3A_91, %dma_start3A_110, %dma_start3A_111] : memref<2x64x16xf32, #tpu.memory_space<vmem>> -> memref<1x64x16xf32, #tpu.memory_space<vmem>>
        %dma_start3A_113 = tpu.memref_squeeze %dma_start3A_112 : memref<1x64x16xf32, #tpu.memory_space<vmem>> -> memref<64x16xf32, #tpu.memory_space<vmem>>
        tpu.enqueue_dma source(%dma_start3A_113 : memref<64x16xf32, #tpu.memory_space<vmem>>) target(%dma_start3A_109 : memref<64x16xf32, #tpu.memory_space<hbm>>) target_semaphore(%run_scoped3A_101 : memref<!tpu.dma_semaphore, #tpu.memory_space<semaphore_mem>>)
        %dma_wait3A_114 = arith.constant 0 : i32
        %dma_wait3A_115 = arith.constant 0 : i32
        %dma_wait3A_116 = tpu.memref_slice %arg9[%run_scoped3A_91, %dma_wait3A_114, %dma_wait3A_115] : memref<2x64x16xf32, #tpu.memory_space<vmem>> -> memref<1x64x16xf32, #tpu.memory_space<vmem>>
        %dma_wait3A_117 = tpu.memref_squeeze %dma_wait3A_116 : memref<1x64x16xf32, #tpu.memory_space<vmem>> -> memref<64x16xf32, #tpu.memory_space<vmem>>
        %dma_wait3A_118 = arith.constant 0 : i32
        %dma_wait3A_119 = tpu.memref_slice %arg4[%mul3A_90, %dma_wait3A_118] : memref<524288x16xf32, #tpu.memory_space<hbm>> -> memref<64x16xf32, #tpu.memory_space<hbm>>
        %dma_wait3A_120 = arith.constant 0 : i32
        %dma_wait3A_121 = tpu.memref_slice %arg4[%mul3A_90, %dma_wait3A_120] : memref<524288x16xf32, #tpu.memory_space<hbm>> -> memref<64x16xf32, #tpu.memory_space<hbm>>
        %dma_wait3A_122 = arith.constant 0 : i32
        %dma_wait3A_123 = arith.constant 0 : i32
        %dma_wait3A_124 = tpu.memref_slice %arg9[%run_scoped3A_91, %dma_wait3A_122, %dma_wait3A_123] : memref<2x64x16xf32, #tpu.memory_space<vmem>> -> memref<1x64x16xf32, #tpu.memory_space<vmem>>
        %dma_wait3A_125 = tpu.memref_squeeze %dma_wait3A_124 : memref<1x64x16xf32, #tpu.memory_space<vmem>> -> memref<64x16xf32, #tpu.memory_space<vmem>>
        tpu.wait_dma2 semaphore(%run_scoped3A_101 : memref<!tpu.dma_semaphore, #tpu.memory_space<semaphore_mem>>) src(%dma_wait3A_125 : memref<64x16xf32, #tpu.memory_space<vmem>>) dst(%dma_wait3A_121 : memref<64x16xf32, #tpu.memory_space<hbm>>)
        tpu.yield
      }) : () -> ()
      %run_scoped3A_92 = arith.constant 1 : i32
      "tpu.region"() ({
        %run_scoped3A_101 = tpu.sem_alloc : memref<!tpu.dma_semaphore, #tpu.memory_space<semaphore_mem>>
        %dma_start3A_102 = arith.constant 0 : i32
        %dma_start3A_103 = arith.constant 0 : i32
        %dma_start3A_104 = tpu.memref_slice %arg10[%run_scoped3A_92, %dma_start3A_102, %dma_start3A_103] : memref<2x64x16xf32, #tpu.memory_space<vmem>> -> memref<1x64x16xf32, #tpu.memory_space<vmem>>
        %dma_start3A_105 = tpu.memref_squeeze %dma_start3A_104 : memref<1x64x16xf32, #tpu.memory_space<vmem>> -> memref<64x16xf32, #tpu.memory_space<vmem>>
        %dma_start3A_106 = arith.constant 0 : i32
        %dma_start3A_107 = tpu.memref_slice %arg5[%mul3A_90, %dma_start3A_106] : memref<524288x16xf32, #tpu.memory_space<hbm>> -> memref<64x16xf32, #tpu.memory_space<hbm>>
        %dma_start3A_108 = arith.constant 0 : i32
        %dma_start3A_109 = tpu.memref_slice %arg5[%mul3A_90, %dma_start3A_108] : memref<524288x16xf32, #tpu.memory_space<hbm>> -> memref<64x16xf32, #tpu.memory_space<hbm>>
        %dma_start3A_110 = arith.constant 0 : i32
        %dma_start3A_111 = arith.constant 0 : i32
        %dma_start3A_112 = tpu.memref_slice %arg10[%run_scoped3A_92, %dma_start3A_110, %dma_start3A_111] : memref<2x64x16xf32, #tpu.memory_space<vmem>> -> memref<1x64x16xf32, #tpu.memory_space<vmem>>
        %dma_start3A_113 = tpu.memref_squeeze %dma_start3A_112 : memref<1x64x16xf32, #tpu.memory_space<vmem>> -> memref<64x16xf32, #tpu.memory_space<vmem>>
        tpu.enqueue_dma source(%dma_start3A_113 : memref<64x16xf32, #tpu.memory_space<vmem>>) target(%dma_start3A_109 : memref<64x16xf32, #tpu.memory_space<hbm>>) target_semaphore(%run_scoped3A_101 : memref<!tpu.dma_semaphore, #tpu.memory_space<semaphore_mem>>)
        %dma_wait3A_114 = arith.constant 0 : i32
        %dma_wait3A_115 = arith.constant 0 : i32
        %dma_wait3A_116 = tpu.memref_slice %arg10[%run_scoped3A_92, %dma_wait3A_114, %dma_wait3A_115] : memref<2x64x16xf32, #tpu.memory_space<vmem>> -> memref<1x64x16xf32, #tpu.memory_space<vmem>>
        %dma_wait3A_117 = tpu.memref_squeeze %dma_wait3A_116 : memref<1x64x16xf32, #tpu.memory_space<vmem>> -> memref<64x16xf32, #tpu.memory_space<vmem>>
        %dma_wait3A_118 = arith.constant 0 : i32
        %dma_wait3A_119 = tpu.memref_slice %arg5[%mul3A_90, %dma_wait3A_118] : memref<524288x16xf32, #tpu.memory_space<hbm>> -> memref<64x16xf32, #tpu.memory_space<hbm>>
        %dma_wait3A_120 = arith.constant 0 : i32
        %dma_wait3A_121 = tpu.memref_slice %arg5[%mul3A_90, %dma_wait3A_120] : memref<524288x16xf32, #tpu.memory_space<hbm>> -> memref<64x16xf32, #tpu.memory_space<hbm>>
        %dma_wait3A_122 = arith.constant 0 : i32
        %dma_wait3A_123 = arith.constant 0 : i32
        %dma_wait3A_124 = tpu.memref_slice %arg10[%run_scoped3A_92, %dma_wait3A_122, %dma_wait3A_123] : memref<2x64x16xf32, #tpu.memory_space<vmem>> -> memref<1x64x16xf32, #tpu.memory_space<vmem>>
        %dma_wait3A_125 = tpu.memref_squeeze %dma_wait3A_124 : memref<1x64x16xf32, #tpu.memory_space<vmem>> -> memref<64x16xf32, #tpu.memory_space<vmem>>
        tpu.wait_dma2 semaphore(%run_scoped3A_101 : memref<!tpu.dma_semaphore, #tpu.memory_space<semaphore_mem>>) src(%dma_wait3A_125 : memref<64x16xf32, #tpu.memory_space<vmem>>) dst(%dma_wait3A_121 : memref<64x16xf32, #tpu.memory_space<hbm>>)
        tpu.yield
      }) : () -> ()
      %run_scoped3A_93 = arith.constant 1 : i32
      "tpu.region"() ({
        %run_scoped3A_101 = tpu.sem_alloc : memref<!tpu.dma_semaphore, #tpu.memory_space<semaphore_mem>>
        %dma_start3A_102 = arith.constant 0 : i32
        %dma_start3A_103 = arith.constant 0 : i32
        %dma_start3A_104 = tpu.memref_slice %arg11[%run_scoped3A_93, %dma_start3A_102, %dma_start3A_103] : memref<2x64x16xf32, #tpu.memory_space<vmem>> -> memref<1x64x16xf32, #tpu.memory_space<vmem>>
        %dma_start3A_105 = tpu.memref_squeeze %dma_start3A_104 : memref<1x64x16xf32, #tpu.memory_space<vmem>> -> memref<64x16xf32, #tpu.memory_space<vmem>>
        %dma_start3A_106 = arith.constant 0 : i32
        %dma_start3A_107 = tpu.memref_slice %arg6[%mul3A_90, %dma_start3A_106] : memref<524288x16xf32, #tpu.memory_space<hbm>> -> memref<64x16xf32, #tpu.memory_space<hbm>>
        %dma_start3A_108 = arith.constant 0 : i32
        %dma_start3A_109 = tpu.memref_slice %arg6[%mul3A_90, %dma_start3A_108] : memref<524288x16xf32, #tpu.memory_space<hbm>> -> memref<64x16xf32, #tpu.memory_space<hbm>>
        %dma_start3A_110 = arith.constant 0 : i32
        %dma_start3A_111 = arith.constant 0 : i32
        %dma_start3A_112 = tpu.memref_slice %arg11[%run_scoped3A_93, %dma_start3A_110, %dma_start3A_111] : memref<2x64x16xf32, #tpu.memory_space<vmem>> -> memref<1x64x16xf32, #tpu.memory_space<vmem>>
        %dma_start3A_113 = tpu.memref_squeeze %dma_start3A_112 : memref<1x64x16xf32, #tpu.memory_space<vmem>> -> memref<64x16xf32, #tpu.memory_space<vmem>>
        tpu.enqueue_dma source(%dma_start3A_113 : memref<64x16xf32, #tpu.memory_space<vmem>>) target(%dma_start3A_109 : memref<64x16xf32, #tpu.memory_space<hbm>>) target_semaphore(%run_scoped3A_101 : memref<!tpu.dma_semaphore, #tpu.memory_space<semaphore_mem>>)
        %dma_wait3A_114 = arith.constant 0 : i32
        %dma_wait3A_115 = arith.constant 0 : i32
        %dma_wait3A_116 = tpu.memref_slice %arg11[%run_scoped3A_93, %dma_wait3A_114, %dma_wait3A_115] : memref<2x64x16xf32, #tpu.memory_space<vmem>> -> memref<1x64x16xf32, #tpu.memory_space<vmem>>
        %dma_wait3A_117 = tpu.memref_squeeze %dma_wait3A_116 : memref<1x64x16xf32, #tpu.memory_space<vmem>> -> memref<64x16xf32, #tpu.memory_space<vmem>>
        %dma_wait3A_118 = arith.constant 0 : i32
        %dma_wait3A_119 = tpu.memref_slice %arg6[%mul3A_90, %dma_wait3A_118] : memref<524288x16xf32, #tpu.memory_space<hbm>> -> memref<64x16xf32, #tpu.memory_space<hbm>>
        %dma_wait3A_120 = arith.constant 0 : i32
        %dma_wait3A_121 = tpu.memref_slice %arg6[%mul3A_90, %dma_wait3A_120] : memref<524288x16xf32, #tpu.memory_space<hbm>> -> memref<64x16xf32, #tpu.memory_space<hbm>>
        %dma_wait3A_122 = arith.constant 0 : i32
        %dma_wait3A_123 = arith.constant 0 : i32
        %dma_wait3A_124 = tpu.memref_slice %arg11[%run_scoped3A_93, %dma_wait3A_122, %dma_wait3A_123] : memref<2x64x16xf32, #tpu.memory_space<vmem>> -> memref<1x64x16xf32, #tpu.memory_space<vmem>>
        %dma_wait3A_125 = tpu.memref_squeeze %dma_wait3A_124 : memref<1x64x16xf32, #tpu.memory_space<vmem>> -> memref<64x16xf32, #tpu.memory_space<vmem>>
        tpu.wait_dma2 semaphore(%run_scoped3A_101 : memref<!tpu.dma_semaphore, #tpu.memory_space<semaphore_mem>>) src(%dma_wait3A_125 : memref<64x16xf32, #tpu.memory_space<vmem>>) dst(%dma_wait3A_121 : memref<64x16xf32, #tpu.memory_space<hbm>>)
        tpu.yield
      }) : () -> ()
      %add3A_94 = arith.constant 2 : i32
      %add3A_95 = arith.addi %add3A_67, %add3A_94 : i32
      %lt3A_96 = arith.constant 256 : i32
      %lt3A_97 = arith.cmpi slt, %add3A_95, %lt3A_96 : i32
      %convert_element_type3A_98 = arith.extui %lt3A_97 : i1 to i32
      %cond3A_99 = arith.constant 0 : i32
      %cond3A_100 = arith.cmpi ne, %convert_element_type3A_98, %cond3A_99 : i32
      scf.if %cond3A_100 {
        %add3A_101 = arith.constant 2 : i32
        %add3A_102 = arith.addi %add3A_67, %add3A_101 : i32
        %dma_start3A_103 = arith.constant 1 : i32
        %dma_start3A_104 = arith.constant 0 : i32
        %dma_start3A_105 = arith.constant 0 : i32
        %dma_start3A_106 = tpu.memref_slice %arg8[%dma_start3A_103, %dma_start3A_104, %dma_start3A_105] : memref<2x64x128xf32, #tpu.memory_space<vmem>> -> memref<1x64x128xf32, #tpu.memory_space<vmem>>
        %dma_start3A_107 = tpu.memref_squeeze %dma_start3A_106 : memref<1x64x128xf32, #tpu.memory_space<vmem>> -> memref<64x128xf32, #tpu.memory_space<vmem>>
        %dma_start3A_108 = arith.constant 0 : i32
        %dma_start3A_109 = tpu.memref_slice %arg7[%add3A_102, %dma_start3A_108] : memref<256x64xi32, #tpu.memory_space<vmem>> -> memref<1x64xi32, #tpu.memory_space<vmem>>
        %dma_start3A_110 = tpu.memref_squeeze %dma_start3A_109 : memref<1x64xi32, #tpu.memory_space<vmem>> -> memref<64xi32, #tpu.memory_space<vmem>>
        %dma_start3A_111 = arith.constant 0 : i32
        %dma_start3A_112 = arith.constant 0 : i32
        %dma_start3A_113 = tpu.memref_slice %arg3[%dma_start3A_111, %dma_start3A_112] : memref<2048x128xf32, #tpu.memory_space<hbm>> -> memref<2048x128xf32, #tpu.memory_space<hbm>>
        tpu.enqueue_indirect_dma source(%dma_start3A_113 : memref<2048x128xf32, #tpu.memory_space<hbm>>) target(%dma_start3A_107 : memref<64x128xf32, #tpu.memory_space<vmem>>) offsets(%dma_start3A_110 : memref<64xi32, #tpu.memory_space<vmem>>) semaphore(%arg13 : memref<!tpu.dma_semaphore, #tpu.memory_space<semaphore_mem>>)
      } else {
      }
    }
    %scan3A_30 = arith.constant 128 : i32
    return
  }
}

#map = affine_map<(d0, d1) -> (0, 0, 0)>
#map1 = affine_map<(d0, d1) -> (0, 0)>
module attributes {stable_mosaic.version = 14 : i64} {
  func.func @kfn(%arg0: i32, %arg1: i32, %arg2: memref<32x256x64xi32, #tpu.memory_space<hbm>>, %arg3: memref<32768x256xf32, #tpu.memory_space<hbm>>, %arg4: memref<32768x256xf32, #tpu.memory_space<hbm>>, %arg5: memref<32768x256xf32, #tpu.memory_space<hbm>>, %arg6: memref<256x64xi32, #tpu.memory_space<vmem>>, %arg7: memref<2x64x256xf32, #tpu.memory_space<vmem>>, %arg8: memref<2x4x256xf32, #tpu.memory_space<vmem>>, %arg9: memref<2x4x256xf32, #tpu.memory_space<vmem>>, %arg10: memref<!tpu.dma_semaphore, #tpu.memory_space<semaphore_mem>>, %arg11: memref<!tpu.dma_semaphore, #tpu.memory_space<semaphore_mem>>, %arg12: memref<!tpu.dma_semaphore, #tpu.memory_space<semaphore_mem>>) attributes {dimension_semantics = [#tpu.dimension_semantics<core_parallel>, #tpu.dimension_semantics<subcore_parallel>], iteration_bounds = array<i64: 2, 16>, scalar_prefetch = 0 : i64, scratch_operands = 7 : i64, tpu.core_type = #tpu.core_type<sc_vector_subcore>, window_params = [{transform_indices = #map}, {transform_indices = #map1}, {transform_indices = #map1}, {transform_indices = #map1}]} {
    %mul3A = arith.constant 2 : i32
    %mul3A_0 = arith.muli %arg1, %mul3A : i32
    %add3A = arith.addi %mul3A_0, %arg0 : i32
    %mul3A_1 = arith.constant 1024 : i32
    %mul3A_2 = arith.muli %add3A, %mul3A_1 : i32
    "tpu.region"() ({
      %run_scoped3A = tpu.sem_alloc : memref<!tpu.dma_semaphore, #tpu.memory_space<semaphore_mem>>
      %dma_start3A_70 = arith.constant 0 : i32
      %dma_start3A_71 = arith.constant 0 : i32
      %dma_start3A_72 = tpu.memref_slice %arg2[%add3A, %dma_start3A_70, %dma_start3A_71] : memref<32x256x64xi32, #tpu.memory_space<hbm>> -> memref<1x256x64xi32, #tpu.memory_space<hbm>>
      %dma_start3A_73 = tpu.memref_squeeze %dma_start3A_72 : memref<1x256x64xi32, #tpu.memory_space<hbm>> -> memref<256x64xi32, #tpu.memory_space<hbm>>
      %dma_start3A_74 = arith.constant 0 : i32
      %dma_start3A_75 = arith.constant 0 : i32
      %dma_start3A_76 = tpu.memref_slice %arg2[%add3A, %dma_start3A_74, %dma_start3A_75] : memref<32x256x64xi32, #tpu.memory_space<hbm>> -> memref<1x256x64xi32, #tpu.memory_space<hbm>>
      %dma_start3A_77 = tpu.memref_squeeze %dma_start3A_76 : memref<1x256x64xi32, #tpu.memory_space<hbm>> -> memref<256x64xi32, #tpu.memory_space<hbm>>
      tpu.enqueue_dma source(%dma_start3A_77 : memref<256x64xi32, #tpu.memory_space<hbm>>) target(%arg6 : memref<256x64xi32, #tpu.memory_space<vmem>>) target_semaphore(%run_scoped3A : memref<!tpu.dma_semaphore, #tpu.memory_space<semaphore_mem>>)
      %dma_wait3A_78 = arith.constant 0 : i32
      %dma_wait3A_79 = arith.constant 0 : i32
      %dma_wait3A_80 = tpu.memref_slice %arg2[%add3A, %dma_wait3A_78, %dma_wait3A_79] : memref<32x256x64xi32, #tpu.memory_space<hbm>> -> memref<1x256x64xi32, #tpu.memory_space<hbm>>
      %dma_wait3A_81 = tpu.memref_squeeze %dma_wait3A_80 : memref<1x256x64xi32, #tpu.memory_space<hbm>> -> memref<256x64xi32, #tpu.memory_space<hbm>>
      %dma_wait3A_82 = arith.constant 0 : i32
      %dma_wait3A_83 = arith.constant 0 : i32
      %dma_wait3A_84 = tpu.memref_slice %arg2[%add3A, %dma_wait3A_82, %dma_wait3A_83] : memref<32x256x64xi32, #tpu.memory_space<hbm>> -> memref<1x256x64xi32, #tpu.memory_space<hbm>>
      %dma_wait3A_85 = tpu.memref_squeeze %dma_wait3A_84 : memref<1x256x64xi32, #tpu.memory_space<hbm>> -> memref<256x64xi32, #tpu.memory_space<hbm>>
      tpu.wait_dma2 semaphore(%run_scoped3A : memref<!tpu.dma_semaphore, #tpu.memory_space<semaphore_mem>>) src(%dma_wait3A_85 : memref<256x64xi32, #tpu.memory_space<hbm>>) dst(%arg6 : memref<256x64xi32, #tpu.memory_space<vmem>>)
      tpu.yield
    }) : () -> ()
    %dma_start3A = arith.constant 0 : i32
    %dma_start3A_3 = arith.constant 0 : i32
    %dma_start3A_4 = arith.constant 0 : i32
    %dma_start3A_5 = arith.constant 0 : i32
    %dma_start3A_6 = tpu.memref_slice %arg7[%dma_start3A_3, %dma_start3A_4, %dma_start3A_5] : memref<2x64x256xf32, #tpu.memory_space<vmem>> -> memref<1x64x256xf32, #tpu.memory_space<vmem>>
    %dma_start3A_7 = tpu.memref_squeeze %dma_start3A_6 : memref<1x64x256xf32, #tpu.memory_space<vmem>> -> memref<64x256xf32, #tpu.memory_space<vmem>>
    %dma_start3A_8 = arith.constant 0 : i32
    %dma_start3A_9 = tpu.memref_slice %arg6[%dma_start3A, %dma_start3A_8] : memref<256x64xi32, #tpu.memory_space<vmem>> -> memref<1x64xi32, #tpu.memory_space<vmem>>
    %dma_start3A_10 = tpu.memref_squeeze %dma_start3A_9 : memref<1x64xi32, #tpu.memory_space<vmem>> -> memref<64xi32, #tpu.memory_space<vmem>>
    %dma_start3A_11 = arith.constant 0 : i32
    %dma_start3A_12 = arith.constant 0 : i32
    %dma_start3A_13 = tpu.memref_slice %arg3[%dma_start3A_11, %dma_start3A_12] : memref<32768x256xf32, #tpu.memory_space<hbm>> -> memref<32768x256xf32, #tpu.memory_space<hbm>>
    tpu.enqueue_indirect_dma source(%dma_start3A_13 : memref<32768x256xf32, #tpu.memory_space<hbm>>) target(%dma_start3A_7 : memref<64x256xf32, #tpu.memory_space<vmem>>) offsets(%dma_start3A_10 : memref<64xi32, #tpu.memory_space<vmem>>) semaphore(%arg10 : memref<!tpu.dma_semaphore, #tpu.memory_space<semaphore_mem>>)
    %scan3A = arith.constant 0 : i32
    %scan3A_14 = arith.constant 0 : i32
    %scan3A_15 = arith.constant 128 : i32
    %scan3A_16 = arith.addi %scan3A_14, %scan3A_15 : i32
    %scan3A_17 = arith.constant 1 : i32
    scf.for %scan3A_70 = %scan3A_14 to %scan3A_16 step %scan3A_17  : i32 {
      %mul3A_71 = arith.constant 2 : i32
      %mul3A_72 = arith.muli %scan3A_70, %mul3A_71 : i32
      %add3A_73 = arith.constant 0 : i32
      %add3A_74 = arith.addi %mul3A_72, %add3A_73 : i32
      %add3A_75 = arith.constant 1 : i32
      %add3A_76 = arith.addi %add3A_74, %add3A_75 : i32
      %lt3A = arith.constant 256 : i32
      %lt3A_77 = arith.cmpi slt, %add3A_76, %lt3A : i32
      %convert_element_type3A = arith.extui %lt3A_77 : i1 to i32
      %cond3A = arith.constant 0 : i32
      %cond3A_78 = arith.cmpi ne, %convert_element_type3A, %cond3A : i32
      scf.if %cond3A_78 {
        %add3A_193 = arith.constant 1 : i32
        %add3A_194 = arith.addi %add3A_74, %add3A_193 : i32
        %dma_start3A_195 = arith.constant 1 : i32
        %dma_start3A_196 = arith.constant 0 : i32
        %dma_start3A_197 = arith.constant 0 : i32
        %dma_start3A_198 = tpu.memref_slice %arg7[%dma_start3A_195, %dma_start3A_196, %dma_start3A_197] : memref<2x64x256xf32, #tpu.memory_space<vmem>> -> memref<1x64x256xf32, #tpu.memory_space<vmem>>
        %dma_start3A_199 = tpu.memref_squeeze %dma_start3A_198 : memref<1x64x256xf32, #tpu.memory_space<vmem>> -> memref<64x256xf32, #tpu.memory_space<vmem>>
        %dma_start3A_200 = arith.constant 0 : i32
        %dma_start3A_201 = tpu.memref_slice %arg6[%add3A_194, %dma_start3A_200] : memref<256x64xi32, #tpu.memory_space<vmem>> -> memref<1x64xi32, #tpu.memory_space<vmem>>
        %dma_start3A_202 = tpu.memref_squeeze %dma_start3A_201 : memref<1x64xi32, #tpu.memory_space<vmem>> -> memref<64xi32, #tpu.memory_space<vmem>>
        %dma_start3A_203 = arith.constant 0 : i32
        %dma_start3A_204 = arith.constant 0 : i32
        %dma_start3A_205 = tpu.memref_slice %arg3[%dma_start3A_203, %dma_start3A_204] : memref<32768x256xf32, #tpu.memory_space<hbm>> -> memref<32768x256xf32, #tpu.memory_space<hbm>>
        tpu.enqueue_indirect_dma source(%dma_start3A_205 : memref<32768x256xf32, #tpu.memory_space<hbm>>) target(%dma_start3A_199 : memref<64x256xf32, #tpu.memory_space<vmem>>) offsets(%dma_start3A_202 : memref<64xi32, #tpu.memory_space<vmem>>) semaphore(%arg11 : memref<!tpu.dma_semaphore, #tpu.memory_space<semaphore_mem>>)
      } else {
      }
      %dma_wait3A_79 = arith.constant 0 : i32
      %dma_wait3A_80 = arith.constant 0 : i32
      %dma_wait3A_81 = arith.constant 0 : i32
      %dma_wait3A_82 = arith.constant 0 : i32
      %dma_wait3A_83 = tpu.memref_slice %arg7[%dma_wait3A_80, %dma_wait3A_81, %dma_wait3A_82] : memref<2x64x256xf32, #tpu.memory_space<vmem>> -> memref<1x64x256xf32, #tpu.memory_space<vmem>>
      %dma_wait3A_84 = tpu.memref_squeeze %dma_wait3A_83 : memref<1x64x256xf32, #tpu.memory_space<vmem>> -> memref<64x256xf32, #tpu.memory_space<vmem>>
      %dma_wait3A_85 = arith.constant 0 : i32
      %dma_wait3A_86 = tpu.memref_slice %arg6[%dma_wait3A_79, %dma_wait3A_85] : memref<256x64xi32, #tpu.memory_space<vmem>> -> memref<1x64xi32, #tpu.memory_space<vmem>>
      %dma_wait3A_87 = tpu.memref_squeeze %dma_wait3A_86 : memref<1x64xi32, #tpu.memory_space<vmem>> -> memref<64xi32, #tpu.memory_space<vmem>>
      %dma_wait3A_88 = arith.constant 0 : i32
      %dma_wait3A_89 = arith.constant 0 : i32
      %dma_wait3A_90 = tpu.memref_slice %arg3[%dma_wait3A_88, %dma_wait3A_89] : memref<32768x256xf32, #tpu.memory_space<hbm>> -> memref<32768x256xf32, #tpu.memory_space<hbm>>
      tpu.wait_indirect_dma semaphore(%arg10 : memref<!tpu.dma_semaphore, #tpu.memory_space<semaphore_mem>>) src(%dma_wait3A_90 : memref<32768x256xf32, #tpu.memory_space<hbm>>) dst(%dma_wait3A_84 : memref<64x256xf32, #tpu.memory_space<vmem>>)
      %ge3A = arith.constant 2 : i32
      %ge3A_91 = arith.cmpi sge, %add3A_74, %ge3A : i32
      %convert_element_type3A_92 = arith.extui %ge3A_91 : i1 to i32
      %cond3A_93 = arith.constant 0 : i32
      %cond3A_94 = arith.cmpi ne, %convert_element_type3A_92, %cond3A_93 : i32
      scf.if %cond3A_94 {
        %dma_wait3A_193 = arith.constant 0 : i32
        %dma_wait3A_194 = arith.constant 0 : i32
        %dma_wait3A_195 = arith.constant 0 : i32
        %dma_wait3A_196 = tpu.memref_slice %arg8[%dma_wait3A_193, %dma_wait3A_194, %dma_wait3A_195] : memref<2x4x256xf32, #tpu.memory_space<vmem>> -> memref<1x4x256xf32, #tpu.memory_space<vmem>>
        %dma_wait3A_197 = tpu.memref_squeeze %dma_wait3A_196 : memref<1x4x256xf32, #tpu.memory_space<vmem>> -> memref<4x256xf32, #tpu.memory_space<vmem>>
        %dma_wait3A_198 = arith.constant 0 : i32
        %dma_wait3A_199 = tpu.memref_slice %arg4[%mul3A_2, %dma_wait3A_198] : memref<32768x256xf32, #tpu.memory_space<hbm>> -> memref<4x256xf32, #tpu.memory_space<hbm>>
        %dma_wait3A_200 = arith.constant 0 : i32
        %dma_wait3A_201 = tpu.memref_slice %arg4[%mul3A_2, %dma_wait3A_200] : memref<32768x256xf32, #tpu.memory_space<hbm>> -> memref<4x256xf32, #tpu.memory_space<hbm>>
        %dma_wait3A_202 = arith.constant 0 : i32
        %dma_wait3A_203 = arith.constant 0 : i32
        %dma_wait3A_204 = tpu.memref_slice %arg8[%dma_wait3A_193, %dma_wait3A_202, %dma_wait3A_203] : memref<2x4x256xf32, #tpu.memory_space<vmem>> -> memref<1x4x256xf32, #tpu.memory_space<vmem>>
        %dma_wait3A_205 = tpu.memref_squeeze %dma_wait3A_204 : memref<1x4x256xf32, #tpu.memory_space<vmem>> -> memref<4x256xf32, #tpu.memory_space<vmem>>
        tpu.wait_dma2 semaphore(%arg12 : memref<!tpu.dma_semaphore, #tpu.memory_space<semaphore_mem>>) src(%dma_wait3A_205 : memref<4x256xf32, #tpu.memory_space<vmem>>) dst(%dma_wait3A_201 : memref<4x256xf32, #tpu.memory_space<hbm>>)
        %dma_wait3A_206 = arith.constant 0 : i32
        %dma_wait3A_207 = arith.constant 0 : i32
        %dma_wait3A_208 = arith.constant 0 : i32
        %dma_wait3A_209 = tpu.memref_slice %arg9[%dma_wait3A_206, %dma_wait3A_207, %dma_wait3A_208] : memref<2x4x256xf32, #tpu.memory_space<vmem>> -> memref<1x4x256xf32, #tpu.memory_space<vmem>>
        %dma_wait3A_210 = tpu.memref_squeeze %dma_wait3A_209 : memref<1x4x256xf32, #tpu.memory_space<vmem>> -> memref<4x256xf32, #tpu.memory_space<vmem>>
        %dma_wait3A_211 = arith.constant 0 : i32
        %dma_wait3A_212 = tpu.memref_slice %arg5[%mul3A_2, %dma_wait3A_211] : memref<32768x256xf32, #tpu.memory_space<hbm>> -> memref<4x256xf32, #tpu.memory_space<hbm>>
        %dma_wait3A_213 = arith.constant 0 : i32
        %dma_wait3A_214 = tpu.memref_slice %arg5[%mul3A_2, %dma_wait3A_213] : memref<32768x256xf32, #tpu.memory_space<hbm>> -> memref<4x256xf32, #tpu.memory_space<hbm>>
        %dma_wait3A_215 = arith.constant 0 : i32
        %dma_wait3A_216 = arith.constant 0 : i32
        %dma_wait3A_217 = tpu.memref_slice %arg9[%dma_wait3A_206, %dma_wait3A_215, %dma_wait3A_216] : memref<2x4x256xf32, #tpu.memory_space<vmem>> -> memref<1x4x256xf32, #tpu.memory_space<vmem>>
        %dma_wait3A_218 = tpu.memref_squeeze %dma_wait3A_217 : memref<1x4x256xf32, #tpu.memory_space<vmem>> -> memref<4x256xf32, #tpu.memory_space<vmem>>
        tpu.wait_dma2 semaphore(%arg12 : memref<!tpu.dma_semaphore, #tpu.memory_space<semaphore_mem>>) src(%dma_wait3A_218 : memref<4x256xf32, #tpu.memory_space<vmem>>) dst(%dma_wait3A_214 : memref<4x256xf32, #tpu.memory_space<hbm>>)
      } else {
      }
      %scan3A_95 = arith.constant 0 : i32
      %scan3A_96 = arith.constant 0 : i32
      %scan3A_97 = arith.constant 16 : i32
      %scan3A_98 = arith.addi %scan3A_96, %scan3A_97 : i32
      %scan3A_99 = arith.constant 1 : i32
      scf.for %scan3A_193 = %scan3A_96 to %scan3A_98 step %scan3A_99  : i32 {
        %mul3A_194 = arith.constant 16 : i32
        %mul3A_195 = arith.muli %scan3A_193, %mul3A_194 : i32
        %get3A = arith.constant 0 : i32
        %get3A_196 = arith.constant 0 : i32
        %get3A_197 = arith.index_cast %get3A : i32 to index
        %get3A_198 = arith.index_cast %get3A_196 : i32 to index
        %get3A_199 = arith.index_cast %mul3A_195 : i32 to index
        %get3A_200 = tpu.vector_load %arg7[%get3A_197, %get3A_198, %get3A_199] {strides = array<i32>} : memref<2x64x256xf32, #tpu.memory_space<vmem>>, vector<1x1x16xf32>,
        %get3A_201 = vector.shape_cast %get3A_200 : vector<1x1x16xf32> to vector<16xf32>
        %get3A_202 = arith.constant 0 : i32
        %get3A_203 = arith.constant 1 : i32
        %get3A_204 = arith.index_cast %get3A_202 : i32 to index
        %get3A_205 = arith.index_cast %get3A_203 : i32 to index
        %get3A_206 = arith.index_cast %mul3A_195 : i32 to index
        %get3A_207 = tpu.vector_load %arg7[%get3A_204, %get3A_205, %get3A_206] {strides = array<i32>} : memref<2x64x256xf32, #tpu.memory_space<vmem>>, vector<1x1x16xf32>,
        %get3A_208 = vector.shape_cast %get3A_207 : vector<1x1x16xf32> to vector<16xf32>
        %max3A = arith.maximumf %get3A_201, %get3A_208 : vector<16xf32>
        %min3A = arith.minimumf %get3A_201, %get3A_208 : vector<16xf32>
        %get3A_209 = arith.constant 0 : i32
        %get3A_210 = arith.constant 2 : i32
        %get3A_211 = arith.index_cast %get3A_209 : i32 to index
        %get3A_212 = arith.index_cast %get3A_210 : i32 to index
        %get3A_213 = arith.index_cast %mul3A_195 : i32 to index
        %get3A_214 = tpu.vector_load %arg7[%get3A_211, %get3A_212, %get3A_213] {strides = array<i32>} : memref<2x64x256xf32, #tpu.memory_space<vmem>>, vector<1x1x16xf32>,
        %get3A_215 = vector.shape_cast %get3A_214 : vector<1x1x16xf32> to vector<16xf32>
        %max3A_216 = arith.maximumf %max3A, %get3A_215 : vector<16xf32>
        %min3A_217 = arith.minimumf %min3A, %get3A_215 : vector<16xf32>
        %get3A_218 = arith.constant 0 : i32
        %get3A_219 = arith.constant 3 : i32
        %get3A_220 = arith.index_cast %get3A_218 : i32 to index
        %get3A_221 = arith.index_cast %get3A_219 : i32 to index
        %get3A_222 = arith.index_cast %mul3A_195 : i32 to index
        %get3A_223 = tpu.vector_load %arg7[%get3A_220, %get3A_221, %get3A_222] {strides = array<i32>} : memref<2x64x256xf32, #tpu.memory_space<vmem>>, vector<1x1x16xf32>,
        %get3A_224 = vector.shape_cast %get3A_223 : vector<1x1x16xf32> to vector<16xf32>
        %max3A_225 = arith.maximumf %max3A_216, %get3A_224 : vector<16xf32>
        %min3A_226 = arith.minimumf %min3A_217, %get3A_224 : vector<16xf32>
        %get3A_227 = arith.constant 0 : i32
        %get3A_228 = arith.constant 4 : i32
        %get3A_229 = arith.index_cast %get3A_227 : i32 to index
        %get3A_230 = arith.index_cast %get3A_228 : i32 to index
        %get3A_231 = arith.index_cast %mul3A_195 : i32 to index
        %get3A_232 = tpu.vector_load %arg7[%get3A_229, %get3A_230, %get3A_231] {strides = array<i32>} : memref<2x64x256xf32, #tpu.memory_space<vmem>>, vector<1x1x16xf32>,
        %get3A_233 = vector.shape_cast %get3A_232 : vector<1x1x16xf32> to vector<16xf32>
        %max3A_234 = arith.maximumf %max3A_225, %get3A_233 : vector<16xf32>
        %min3A_235 = arith.minimumf %min3A_226, %get3A_233 : vector<16xf32>
        %get3A_236 = arith.constant 0 : i32
        %get3A_237 = arith.constant 5 : i32
        %get3A_238 = arith.index_cast %get3A_236 : i32 to index
        %get3A_239 = arith.index_cast %get3A_237 : i32 to index
        %get3A_240 = arith.index_cast %mul3A_195 : i32 to index
        %get3A_241 = tpu.vector_load %arg7[%get3A_238, %get3A_239, %get3A_240] {strides = array<i32>} : memref<2x64x256xf32, #tpu.memory_space<vmem>>, vector<1x1x16xf32>,
        %get3A_242 = vector.shape_cast %get3A_241 : vector<1x1x16xf32> to vector<16xf32>
        %max3A_243 = arith.maximumf %max3A_234, %get3A_242 : vector<16xf32>
        %min3A_244 = arith.minimumf %min3A_235, %get3A_242 : vector<16xf32>
        %get3A_245 = arith.constant 0 : i32
        %get3A_246 = arith.constant 6 : i32
        %get3A_247 = arith.index_cast %get3A_245 : i32 to index
        %get3A_248 = arith.index_cast %get3A_246 : i32 to index
        %get3A_249 = arith.index_cast %mul3A_195 : i32 to index
        %get3A_250 = tpu.vector_load %arg7[%get3A_247, %get3A_248, %get3A_249] {strides = array<i32>} : memref<2x64x256xf32, #tpu.memory_space<vmem>>, vector<1x1x16xf32>,
        %get3A_251 = vector.shape_cast %get3A_250 : vector<1x1x16xf32> to vector<16xf32>
        %max3A_252 = arith.maximumf %max3A_243, %get3A_251 : vector<16xf32>
        %min3A_253 = arith.minimumf %min3A_244, %get3A_251 : vector<16xf32>
        %get3A_254 = arith.constant 0 : i32
        %get3A_255 = arith.constant 7 : i32
        %get3A_256 = arith.index_cast %get3A_254 : i32 to index
        %get3A_257 = arith.index_cast %get3A_255 : i32 to index
        %get3A_258 = arith.index_cast %mul3A_195 : i32 to index
        %get3A_259 = tpu.vector_load %arg7[%get3A_256, %get3A_257, %get3A_258] {strides = array<i32>} : memref<2x64x256xf32, #tpu.memory_space<vmem>>, vector<1x1x16xf32>,
        %get3A_260 = vector.shape_cast %get3A_259 : vector<1x1x16xf32> to vector<16xf32>
        %max3A_261 = arith.maximumf %max3A_252, %get3A_260 : vector<16xf32>
        %min3A_262 = arith.minimumf %min3A_253, %get3A_260 : vector<16xf32>
        %get3A_263 = arith.constant 0 : i32
        %get3A_264 = arith.constant 8 : i32
        %get3A_265 = arith.index_cast %get3A_263 : i32 to index
        %get3A_266 = arith.index_cast %get3A_264 : i32 to index
        %get3A_267 = arith.index_cast %mul3A_195 : i32 to index
        %get3A_268 = tpu.vector_load %arg7[%get3A_265, %get3A_266, %get3A_267] {strides = array<i32>} : memref<2x64x256xf32, #tpu.memory_space<vmem>>, vector<1x1x16xf32>,
        %get3A_269 = vector.shape_cast %get3A_268 : vector<1x1x16xf32> to vector<16xf32>
        %max3A_270 = arith.maximumf %max3A_261, %get3A_269 : vector<16xf32>
        %min3A_271 = arith.minimumf %min3A_262, %get3A_269 : vector<16xf32>
        %get3A_272 = arith.constant 0 : i32
        %get3A_273 = arith.constant 9 : i32
        %get3A_274 = arith.index_cast %get3A_272 : i32 to index
        %get3A_275 = arith.index_cast %get3A_273 : i32 to index
        %get3A_276 = arith.index_cast %mul3A_195 : i32 to index
        %get3A_277 = tpu.vector_load %arg7[%get3A_274, %get3A_275, %get3A_276] {strides = array<i32>} : memref<2x64x256xf32, #tpu.memory_space<vmem>>, vector<1x1x16xf32>,
        %get3A_278 = vector.shape_cast %get3A_277 : vector<1x1x16xf32> to vector<16xf32>
        %max3A_279 = arith.maximumf %max3A_270, %get3A_278 : vector<16xf32>
        %min3A_280 = arith.minimumf %min3A_271, %get3A_278 : vector<16xf32>
        %get3A_281 = arith.constant 0 : i32
        %get3A_282 = arith.constant 10 : i32
        %get3A_283 = arith.index_cast %get3A_281 : i32 to index
        %get3A_284 = arith.index_cast %get3A_282 : i32 to index
        %get3A_285 = arith.index_cast %mul3A_195 : i32 to index
        %get3A_286 = tpu.vector_load %arg7[%get3A_283, %get3A_284, %get3A_285] {strides = array<i32>} : memref<2x64x256xf32, #tpu.memory_space<vmem>>, vector<1x1x16xf32>,
        %get3A_287 = vector.shape_cast %get3A_286 : vector<1x1x16xf32> to vector<16xf32>
        %max3A_288 = arith.maximumf %max3A_279, %get3A_287 : vector<16xf32>
        %min3A_289 = arith.minimumf %min3A_280, %get3A_287 : vector<16xf32>
        %get3A_290 = arith.constant 0 : i32
        %get3A_291 = arith.constant 11 : i32
        %get3A_292 = arith.index_cast %get3A_290 : i32 to index
        %get3A_293 = arith.index_cast %get3A_291 : i32 to index
        %get3A_294 = arith.index_cast %mul3A_195 : i32 to index
        %get3A_295 = tpu.vector_load %arg7[%get3A_292, %get3A_293, %get3A_294] {strides = array<i32>} : memref<2x64x256xf32, #tpu.memory_space<vmem>>, vector<1x1x16xf32>,
        %get3A_296 = vector.shape_cast %get3A_295 : vector<1x1x16xf32> to vector<16xf32>
        %max3A_297 = arith.maximumf %max3A_288, %get3A_296 : vector<16xf32>
        %min3A_298 = arith.minimumf %min3A_289, %get3A_296 : vector<16xf32>
        %get3A_299 = arith.constant 0 : i32
        %get3A_300 = arith.constant 12 : i32
        %get3A_301 = arith.index_cast %get3A_299 : i32 to index
        %get3A_302 = arith.index_cast %get3A_300 : i32 to index
        %get3A_303 = arith.index_cast %mul3A_195 : i32 to index
        %get3A_304 = tpu.vector_load %arg7[%get3A_301, %get3A_302, %get3A_303] {strides = array<i32>} : memref<2x64x256xf32, #tpu.memory_space<vmem>>, vector<1x1x16xf32>,
        %get3A_305 = vector.shape_cast %get3A_304 : vector<1x1x16xf32> to vector<16xf32>
        %max3A_306 = arith.maximumf %max3A_297, %get3A_305 : vector<16xf32>
        %min3A_307 = arith.minimumf %min3A_298, %get3A_305 : vector<16xf32>
        %get3A_308 = arith.constant 0 : i32
        %get3A_309 = arith.constant 13 : i32
        %get3A_310 = arith.index_cast %get3A_308 : i32 to index
        %get3A_311 = arith.index_cast %get3A_309 : i32 to index
        %get3A_312 = arith.index_cast %mul3A_195 : i32 to index
        %get3A_313 = tpu.vector_load %arg7[%get3A_310, %get3A_311, %get3A_312] {strides = array<i32>} : memref<2x64x256xf32, #tpu.memory_space<vmem>>, vector<1x1x16xf32>,
        %get3A_314 = vector.shape_cast %get3A_313 : vector<1x1x16xf32> to vector<16xf32>
        %max3A_315 = arith.maximumf %max3A_306, %get3A_314 : vector<16xf32>
        %min3A_316 = arith.minimumf %min3A_307, %get3A_314 : vector<16xf32>
        %get3A_317 = arith.constant 0 : i32
        %get3A_318 = arith.constant 14 : i32
        %get3A_319 = arith.index_cast %get3A_317 : i32 to index
        %get3A_320 = arith.index_cast %get3A_318 : i32 to index
        %get3A_321 = arith.index_cast %mul3A_195 : i32 to index
        %get3A_322 = tpu.vector_load %arg7[%get3A_319, %get3A_320, %get3A_321] {strides = array<i32>} : memref<2x64x256xf32, #tpu.memory_space<vmem>>, vector<1x1x16xf32>,
        %get3A_323 = vector.shape_cast %get3A_322 : vector<1x1x16xf32> to vector<16xf32>
        %max3A_324 = arith.maximumf %max3A_315, %get3A_323 : vector<16xf32>
        %min3A_325 = arith.minimumf %min3A_316, %get3A_323 : vector<16xf32>
        %get3A_326 = arith.constant 0 : i32
        %get3A_327 = arith.constant 15 : i32
        %get3A_328 = arith.index_cast %get3A_326 : i32 to index
        %get3A_329 = arith.index_cast %get3A_327 : i32 to index
        %get3A_330 = arith.index_cast %mul3A_195 : i32 to index
        %get3A_331 = tpu.vector_load %arg7[%get3A_328, %get3A_329, %get3A_330] {strides = array<i32>} : memref<2x64x256xf32, #tpu.memory_space<vmem>>, vector<1x1x16xf32>,
        %get3A_332 = vector.shape_cast %get3A_331 : vector<1x1x16xf32> to vector<16xf32>
        %max3A_333 = arith.maximumf %max3A_324, %get3A_332 : vector<16xf32>
        %min3A_334 = arith.minimumf %min3A_325, %get3A_332 : vector<16xf32>
        %swap3A = arith.constant 0 : i32
        %swap3A_335 = arith.constant 0 : i32
        %swap3A_336 = arith.index_cast %swap3A : i32 to index
        %swap3A_337 = arith.index_cast %swap3A_335 : i32 to index
        %swap3A_338 = arith.index_cast %mul3A_195 : i32 to index
        %swap3A_339 = tpu.vector_load %arg8[%swap3A_336, %swap3A_337, %swap3A_338] {strides = array<i32>} : memref<2x4x256xf32, #tpu.memory_space<vmem>>, vector<1x1x16xf32>,
        %swap3A_340 = vector.shape_cast %swap3A_339 : vector<1x1x16xf32> to vector<16xf32>
        %swap3A_341 = vector.shape_cast %max3A_333 : vector<16xf32> to vector<1x1x16xf32>
        tpu.vector_store %arg8[%swap3A_336, %swap3A_337, %swap3A_338], %swap3A_341 {strides = array<i32>} : memref<2x4x256xf32, #tpu.memory_space<vmem>>, vector<1x1x16xf32>,
        %swap3A_342 = arith.constant 0 : i32
        %swap3A_343 = arith.constant 0 : i32
        %swap3A_344 = arith.index_cast %swap3A_342 : i32 to index
        %swap3A_345 = arith.index_cast %swap3A_343 : i32 to index
        %swap3A_346 = arith.index_cast %mul3A_195 : i32 to index
        %swap3A_347 = tpu.vector_load %arg9[%swap3A_344, %swap3A_345, %swap3A_346] {strides = array<i32>} : memref<2x4x256xf32, #tpu.memory_space<vmem>>, vector<1x1x16xf32>,
        %swap3A_348 = vector.shape_cast %swap3A_347 : vector<1x1x16xf32> to vector<16xf32>
        %swap3A_349 = vector.shape_cast %min3A_334 : vector<16xf32> to vector<1x1x16xf32>
        tpu.vector_store %arg9[%swap3A_344, %swap3A_345, %swap3A_346], %swap3A_349 {strides = array<i32>} : memref<2x4x256xf32, #tpu.memory_space<vmem>>, vector<1x1x16xf32>,
        %get3A_350 = arith.constant 0 : i32
        %get3A_351 = arith.constant 16 : i32
        %get3A_352 = arith.index_cast %get3A_350 : i32 to index
        %get3A_353 = arith.index_cast %get3A_351 : i32 to index
        %get3A_354 = arith.index_cast %mul3A_195 : i32 to index
        %get3A_355 = tpu.vector_load %arg7[%get3A_352, %get3A_353, %get3A_354] {strides = array<i32>} : memref<2x64x256xf32, #tpu.memory_space<vmem>>, vector<1x1x16xf32>,
        %get3A_356 = vector.shape_cast %get3A_355 : vector<1x1x16xf32> to vector<16xf32>
        %get3A_357 = arith.constant 0 : i32
        %get3A_358 = arith.constant 17 : i32
        %get3A_359 = arith.index_cast %get3A_357 : i32 to index
        %get3A_360 = arith.index_cast %get3A_358 : i32 to index
        %get3A_361 = arith.index_cast %mul3A_195 : i32 to index
        %get3A_362 = tpu.vector_load %arg7[%get3A_359, %get3A_360, %get3A_361] {strides = array<i32>} : memref<2x64x256xf32, #tpu.memory_space<vmem>>, vector<1x1x16xf32>,
        %get3A_363 = vector.shape_cast %get3A_362 : vector<1x1x16xf32> to vector<16xf32>
        %max3A_364 = arith.maximumf %get3A_356, %get3A_363 : vector<16xf32>
        %min3A_365 = arith.minimumf %get3A_356, %get3A_363 : vector<16xf32>
        %get3A_366 = arith.constant 0 : i32
        %get3A_367 = arith.constant 18 : i32
        %get3A_368 = arith.index_cast %get3A_366 : i32 to index
        %get3A_369 = arith.index_cast %get3A_367 : i32 to index
        %get3A_370 = arith.index_cast %mul3A_195 : i32 to index
        %get3A_371 = tpu.vector_load %arg7[%get3A_368, %get3A_369, %get3A_370] {strides = array<i32>} : memref<2x64x256xf32, #tpu.memory_space<vmem>>, vector<1x1x16xf32>,
        %get3A_372 = vector.shape_cast %get3A_371 : vector<1x1x16xf32> to vector<16xf32>
        %max3A_373 = arith.maximumf %max3A_364, %get3A_372 : vector<16xf32>
        %min3A_374 = arith.minimumf %min3A_365, %get3A_372 : vector<16xf32>
        %get3A_375 = arith.constant 0 : i32
        %get3A_376 = arith.constant 19 : i32
        %get3A_377 = arith.index_cast %get3A_375 : i32 to index
        %get3A_378 = arith.index_cast %get3A_376 : i32 to index
        %get3A_379 = arith.index_cast %mul3A_195 : i32 to index
        %get3A_380 = tpu.vector_load %arg7[%get3A_377, %get3A_378, %get3A_379] {strides = array<i32>} : memref<2x64x256xf32, #tpu.memory_space<vmem>>, vector<1x1x16xf32>,
        %get3A_381 = vector.shape_cast %get3A_380 : vector<1x1x16xf32> to vector<16xf32>
        %max3A_382 = arith.maximumf %max3A_373, %get3A_381 : vector<16xf32>
        %min3A_383 = arith.minimumf %min3A_374, %get3A_381 : vector<16xf32>
        %get3A_384 = arith.constant 0 : i32
        %get3A_385 = arith.constant 20 : i32
        %get3A_386 = arith.index_cast %get3A_384 : i32 to index
        %get3A_387 = arith.index_cast %get3A_385 : i32 to index
        %get3A_388 = arith.index_cast %mul3A_195 : i32 to index
        %get3A_389 = tpu.vector_load %arg7[%get3A_386, %get3A_387, %get3A_388] {strides = array<i32>} : memref<2x64x256xf32, #tpu.memory_space<vmem>>, vector<1x1x16xf32>,
        %get3A_390 = vector.shape_cast %get3A_389 : vector<1x1x16xf32> to vector<16xf32>
        %max3A_391 = arith.maximumf %max3A_382, %get3A_390 : vector<16xf32>
        %min3A_392 = arith.minimumf %min3A_383, %get3A_390 : vector<16xf32>
        %get3A_393 = arith.constant 0 : i32
        %get3A_394 = arith.constant 21 : i32
        %get3A_395 = arith.index_cast %get3A_393 : i32 to index
        %get3A_396 = arith.index_cast %get3A_394 : i32 to index
        %get3A_397 = arith.index_cast %mul3A_195 : i32 to index
        %get3A_398 = tpu.vector_load %arg7[%get3A_395, %get3A_396, %get3A_397] {strides = array<i32>} : memref<2x64x256xf32, #tpu.memory_space<vmem>>, vector<1x1x16xf32>,
        %get3A_399 = vector.shape_cast %get3A_398 : vector<1x1x16xf32> to vector<16xf32>
        %max3A_400 = arith.maximumf %max3A_391, %get3A_399 : vector<16xf32>
        %min3A_401 = arith.minimumf %min3A_392, %get3A_399 : vector<16xf32>
        %get3A_402 = arith.constant 0 : i32
        %get3A_403 = arith.constant 22 : i32
        %get3A_404 = arith.index_cast %get3A_402 : i32 to index
        %get3A_405 = arith.index_cast %get3A_403 : i32 to index
        %get3A_406 = arith.index_cast %mul3A_195 : i32 to index
        %get3A_407 = tpu.vector_load %arg7[%get3A_404, %get3A_405, %get3A_406] {strides = array<i32>} : memref<2x64x256xf32, #tpu.memory_space<vmem>>, vector<1x1x16xf32>,
        %get3A_408 = vector.shape_cast %get3A_407 : vector<1x1x16xf32> to vector<16xf32>
        %max3A_409 = arith.maximumf %max3A_400, %get3A_408 : vector<16xf32>
        %min3A_410 = arith.minimumf %min3A_401, %get3A_408 : vector<16xf32>
        %get3A_411 = arith.constant 0 : i32
        %get3A_412 = arith.constant 23 : i32
        %get3A_413 = arith.index_cast %get3A_411 : i32 to index
        %get3A_414 = arith.index_cast %get3A_412 : i32 to index
        %get3A_415 = arith.index_cast %mul3A_195 : i32 to index
        %get3A_416 = tpu.vector_load %arg7[%get3A_413, %get3A_414, %get3A_415] {strides = array<i32>} : memref<2x64x256xf32, #tpu.memory_space<vmem>>, vector<1x1x16xf32>,
        %get3A_417 = vector.shape_cast %get3A_416 : vector<1x1x16xf32> to vector<16xf32>
        %max3A_418 = arith.maximumf %max3A_409, %get3A_417 : vector<16xf32>
        %min3A_419 = arith.minimumf %min3A_410, %get3A_417 : vector<16xf32>
        %get3A_420 = arith.constant 0 : i32
        %get3A_421 = arith.constant 24 : i32
        %get3A_422 = arith.index_cast %get3A_420 : i32 to index
        %get3A_423 = arith.index_cast %get3A_421 : i32 to index
        %get3A_424 = arith.index_cast %mul3A_195 : i32 to index
        %get3A_425 = tpu.vector_load %arg7[%get3A_422, %get3A_423, %get3A_424] {strides = array<i32>} : memref<2x64x256xf32, #tpu.memory_space<vmem>>, vector<1x1x16xf32>,
        %get3A_426 = vector.shape_cast %get3A_425 : vector<1x1x16xf32> to vector<16xf32>
        %max3A_427 = arith.maximumf %max3A_418, %get3A_426 : vector<16xf32>
        %min3A_428 = arith.minimumf %min3A_419, %get3A_426 : vector<16xf32>
        %get3A_429 = arith.constant 0 : i32
        %get3A_430 = arith.constant 25 : i32
        %get3A_431 = arith.index_cast %get3A_429 : i32 to index
        %get3A_432 = arith.index_cast %get3A_430 : i32 to index
        %get3A_433 = arith.index_cast %mul3A_195 : i32 to index
        %get3A_434 = tpu.vector_load %arg7[%get3A_431, %get3A_432, %get3A_433] {strides = array<i32>} : memref<2x64x256xf32, #tpu.memory_space<vmem>>, vector<1x1x16xf32>,
        %get3A_435 = vector.shape_cast %get3A_434 : vector<1x1x16xf32> to vector<16xf32>
        %max3A_436 = arith.maximumf %max3A_427, %get3A_435 : vector<16xf32>
        %min3A_437 = arith.minimumf %min3A_428, %get3A_435 : vector<16xf32>
        %get3A_438 = arith.constant 0 : i32
        %get3A_439 = arith.constant 26 : i32
        %get3A_440 = arith.index_cast %get3A_438 : i32 to index
        %get3A_441 = arith.index_cast %get3A_439 : i32 to index
        %get3A_442 = arith.index_cast %mul3A_195 : i32 to index
        %get3A_443 = tpu.vector_load %arg7[%get3A_440, %get3A_441, %get3A_442] {strides = array<i32>} : memref<2x64x256xf32, #tpu.memory_space<vmem>>, vector<1x1x16xf32>,
        %get3A_444 = vector.shape_cast %get3A_443 : vector<1x1x16xf32> to vector<16xf32>
        %max3A_445 = arith.maximumf %max3A_436, %get3A_444 : vector<16xf32>
        %min3A_446 = arith.minimumf %min3A_437, %get3A_444 : vector<16xf32>
        %get3A_447 = arith.constant 0 : i32
        %get3A_448 = arith.constant 27 : i32
        %get3A_449 = arith.index_cast %get3A_447 : i32 to index
        %get3A_450 = arith.index_cast %get3A_448 : i32 to index
        %get3A_451 = arith.index_cast %mul3A_195 : i32 to index
        %get3A_452 = tpu.vector_load %arg7[%get3A_449, %get3A_450, %get3A_451] {strides = array<i32>} : memref<2x64x256xf32, #tpu.memory_space<vmem>>, vector<1x1x16xf32>,
        %get3A_453 = vector.shape_cast %get3A_452 : vector<1x1x16xf32> to vector<16xf32>
        %max3A_454 = arith.maximumf %max3A_445, %get3A_453 : vector<16xf32>
        %min3A_455 = arith.minimumf %min3A_446, %get3A_453 : vector<16xf32>
        %get3A_456 = arith.constant 0 : i32
        %get3A_457 = arith.constant 28 : i32
        %get3A_458 = arith.index_cast %get3A_456 : i32 to index
        %get3A_459 = arith.index_cast %get3A_457 : i32 to index
        %get3A_460 = arith.index_cast %mul3A_195 : i32 to index
        %get3A_461 = tpu.vector_load %arg7[%get3A_458, %get3A_459, %get3A_460] {strides = array<i32>} : memref<2x64x256xf32, #tpu.memory_space<vmem>>, vector<1x1x16xf32>,
        %get3A_462 = vector.shape_cast %get3A_461 : vector<1x1x16xf32> to vector<16xf32>
        %max3A_463 = arith.maximumf %max3A_454, %get3A_462 : vector<16xf32>
        %min3A_464 = arith.minimumf %min3A_455, %get3A_462 : vector<16xf32>
        %get3A_465 = arith.constant 0 : i32
        %get3A_466 = arith.constant 29 : i32
        %get3A_467 = arith.index_cast %get3A_465 : i32 to index
        %get3A_468 = arith.index_cast %get3A_466 : i32 to index
        %get3A_469 = arith.index_cast %mul3A_195 : i32 to index
        %get3A_470 = tpu.vector_load %arg7[%get3A_467, %get3A_468, %get3A_469] {strides = array<i32>} : memref<2x64x256xf32, #tpu.memory_space<vmem>>, vector<1x1x16xf32>,
        %get3A_471 = vector.shape_cast %get3A_470 : vector<1x1x16xf32> to vector<16xf32>
        %max3A_472 = arith.maximumf %max3A_463, %get3A_471 : vector<16xf32>
        %min3A_473 = arith.minimumf %min3A_464, %get3A_471 : vector<16xf32>
        %get3A_474 = arith.constant 0 : i32
        %get3A_475 = arith.constant 30 : i32
        %get3A_476 = arith.index_cast %get3A_474 : i32 to index
        %get3A_477 = arith.index_cast %get3A_475 : i32 to index
        %get3A_478 = arith.index_cast %mul3A_195 : i32 to index
        %get3A_479 = tpu.vector_load %arg7[%get3A_476, %get3A_477, %get3A_478] {strides = array<i32>} : memref<2x64x256xf32, #tpu.memory_space<vmem>>, vector<1x1x16xf32>,
        %get3A_480 = vector.shape_cast %get3A_479 : vector<1x1x16xf32> to vector<16xf32>
        %max3A_481 = arith.maximumf %max3A_472, %get3A_480 : vector<16xf32>
        %min3A_482 = arith.minimumf %min3A_473, %get3A_480 : vector<16xf32>
        %get3A_483 = arith.constant 0 : i32
        %get3A_484 = arith.constant 31 : i32
        %get3A_485 = arith.index_cast %get3A_483 : i32 to index
        %get3A_486 = arith.index_cast %get3A_484 : i32 to index
        %get3A_487 = arith.index_cast %mul3A_195 : i32 to index
        %get3A_488 = tpu.vector_load %arg7[%get3A_485, %get3A_486, %get3A_487] {strides = array<i32>} : memref<2x64x256xf32, #tpu.memory_space<vmem>>, vector<1x1x16xf32>,
        %get3A_489 = vector.shape_cast %get3A_488 : vector<1x1x16xf32> to vector<16xf32>
        %max3A_490 = arith.maximumf %max3A_481, %get3A_489 : vector<16xf32>
        %min3A_491 = arith.minimumf %min3A_482, %get3A_489 : vector<16xf32>
        %swap3A_492 = arith.constant 0 : i32
        %swap3A_493 = arith.constant 1 : i32
        %swap3A_494 = arith.index_cast %swap3A_492 : i32 to index
        %swap3A_495 = arith.index_cast %swap3A_493 : i32 to index
        %swap3A_496 = arith.index_cast %mul3A_195 : i32 to index
        %swap3A_497 = tpu.vector_load %arg8[%swap3A_494, %swap3A_495, %swap3A_496] {strides = array<i32>} : memref<2x4x256xf32, #tpu.memory_space<vmem>>, vector<1x1x16xf32>,
        %swap3A_498 = vector.shape_cast %swap3A_497 : vector<1x1x16xf32> to vector<16xf32>
        %swap3A_499 = vector.shape_cast %max3A_490 : vector<16xf32> to vector<1x1x16xf32>
        tpu.vector_store %arg8[%swap3A_494, %swap3A_495, %swap3A_496], %swap3A_499 {strides = array<i32>} : memref<2x4x256xf32, #tpu.memory_space<vmem>>, vector<1x1x16xf32>,
        %swap3A_500 = arith.constant 0 : i32
        %swap3A_501 = arith.constant 1 : i32
        %swap3A_502 = arith.index_cast %swap3A_500 : i32 to index
        %swap3A_503 = arith.index_cast %swap3A_501 : i32 to index
        %swap3A_504 = arith.index_cast %mul3A_195 : i32 to index
        %swap3A_505 = tpu.vector_load %arg9[%swap3A_502, %swap3A_503, %swap3A_504] {strides = array<i32>} : memref<2x4x256xf32, #tpu.memory_space<vmem>>, vector<1x1x16xf32>,
        %swap3A_506 = vector.shape_cast %swap3A_505 : vector<1x1x16xf32> to vector<16xf32>
        %swap3A_507 = vector.shape_cast %min3A_491 : vector<16xf32> to vector<1x1x16xf32>
        tpu.vector_store %arg9[%swap3A_502, %swap3A_503, %swap3A_504], %swap3A_507 {strides = array<i32>} : memref<2x4x256xf32, #tpu.memory_space<vmem>>, vector<1x1x16xf32>,
        %get3A_508 = arith.constant 0 : i32
        %get3A_509 = arith.constant 32 : i32
        %get3A_510 = arith.index_cast %get3A_508 : i32 to index
        %get3A_511 = arith.index_cast %get3A_509 : i32 to index
        %get3A_512 = arith.index_cast %mul3A_195 : i32 to index
        %get3A_513 = tpu.vector_load %arg7[%get3A_510, %get3A_511, %get3A_512] {strides = array<i32>} : memref<2x64x256xf32, #tpu.memory_space<vmem>>, vector<1x1x16xf32>,
        %get3A_514 = vector.shape_cast %get3A_513 : vector<1x1x16xf32> to vector<16xf32>
        %get3A_515 = arith.constant 0 : i32
        %get3A_516 = arith.constant 33 : i32
        %get3A_517 = arith.index_cast %get3A_515 : i32 to index
        %get3A_518 = arith.index_cast %get3A_516 : i32 to index
        %get3A_519 = arith.index_cast %mul3A_195 : i32 to index
        %get3A_520 = tpu.vector_load %arg7[%get3A_517, %get3A_518, %get3A_519] {strides = array<i32>} : memref<2x64x256xf32, #tpu.memory_space<vmem>>, vector<1x1x16xf32>,
        %get3A_521 = vector.shape_cast %get3A_520 : vector<1x1x16xf32> to vector<16xf32>
        %max3A_522 = arith.maximumf %get3A_514, %get3A_521 : vector<16xf32>
        %min3A_523 = arith.minimumf %get3A_514, %get3A_521 : vector<16xf32>
        %get3A_524 = arith.constant 0 : i32
        %get3A_525 = arith.constant 34 : i32
        %get3A_526 = arith.index_cast %get3A_524 : i32 to index
        %get3A_527 = arith.index_cast %get3A_525 : i32 to index
        %get3A_528 = arith.index_cast %mul3A_195 : i32 to index
        %get3A_529 = tpu.vector_load %arg7[%get3A_526, %get3A_527, %get3A_528] {strides = array<i32>} : memref<2x64x256xf32, #tpu.memory_space<vmem>>, vector<1x1x16xf32>,
        %get3A_530 = vector.shape_cast %get3A_529 : vector<1x1x16xf32> to vector<16xf32>
        %max3A_531 = arith.maximumf %max3A_522, %get3A_530 : vector<16xf32>
        %min3A_532 = arith.minimumf %min3A_523, %get3A_530 : vector<16xf32>
        %get3A_533 = arith.constant 0 : i32
        %get3A_534 = arith.constant 35 : i32
        %get3A_535 = arith.index_cast %get3A_533 : i32 to index
        %get3A_536 = arith.index_cast %get3A_534 : i32 to index
        %get3A_537 = arith.index_cast %mul3A_195 : i32 to index
        %get3A_538 = tpu.vector_load %arg7[%get3A_535, %get3A_536, %get3A_537] {strides = array<i32>} : memref<2x64x256xf32, #tpu.memory_space<vmem>>, vector<1x1x16xf32>,
        %get3A_539 = vector.shape_cast %get3A_538 : vector<1x1x16xf32> to vector<16xf32>
        %max3A_540 = arith.maximumf %max3A_531, %get3A_539 : vector<16xf32>
        %min3A_541 = arith.minimumf %min3A_532, %get3A_539 : vector<16xf32>
        %get3A_542 = arith.constant 0 : i32
        %get3A_543 = arith.constant 36 : i32
        %get3A_544 = arith.index_cast %get3A_542 : i32 to index
        %get3A_545 = arith.index_cast %get3A_543 : i32 to index
        %get3A_546 = arith.index_cast %mul3A_195 : i32 to index
        %get3A_547 = tpu.vector_load %arg7[%get3A_544, %get3A_545, %get3A_546] {strides = array<i32>} : memref<2x64x256xf32, #tpu.memory_space<vmem>>, vector<1x1x16xf32>,
        %get3A_548 = vector.shape_cast %get3A_547 : vector<1x1x16xf32> to vector<16xf32>
        %max3A_549 = arith.maximumf %max3A_540, %get3A_548 : vector<16xf32>
        %min3A_550 = arith.minimumf %min3A_541, %get3A_548 : vector<16xf32>
        %get3A_551 = arith.constant 0 : i32
        %get3A_552 = arith.constant 37 : i32
        %get3A_553 = arith.index_cast %get3A_551 : i32 to index
        %get3A_554 = arith.index_cast %get3A_552 : i32 to index
        %get3A_555 = arith.index_cast %mul3A_195 : i32 to index
        %get3A_556 = tpu.vector_load %arg7[%get3A_553, %get3A_554, %get3A_555] {strides = array<i32>} : memref<2x64x256xf32, #tpu.memory_space<vmem>>, vector<1x1x16xf32>,
        %get3A_557 = vector.shape_cast %get3A_556 : vector<1x1x16xf32> to vector<16xf32>
        %max3A_558 = arith.maximumf %max3A_549, %get3A_557 : vector<16xf32>
        %min3A_559 = arith.minimumf %min3A_550, %get3A_557 : vector<16xf32>
        %get3A_560 = arith.constant 0 : i32
        %get3A_561 = arith.constant 38 : i32
        %get3A_562 = arith.index_cast %get3A_560 : i32 to index
        %get3A_563 = arith.index_cast %get3A_561 : i32 to index
        %get3A_564 = arith.index_cast %mul3A_195 : i32 to index
        %get3A_565 = tpu.vector_load %arg7[%get3A_562, %get3A_563, %get3A_564] {strides = array<i32>} : memref<2x64x256xf32, #tpu.memory_space<vmem>>, vector<1x1x16xf32>,
        %get3A_566 = vector.shape_cast %get3A_565 : vector<1x1x16xf32> to vector<16xf32>
        %max3A_567 = arith.maximumf %max3A_558, %get3A_566 : vector<16xf32>
        %min3A_568 = arith.minimumf %min3A_559, %get3A_566 : vector<16xf32>
        %get3A_569 = arith.constant 0 : i32
        %get3A_570 = arith.constant 39 : i32
        %get3A_571 = arith.index_cast %get3A_569 : i32 to index
        %get3A_572 = arith.index_cast %get3A_570 : i32 to index
        %get3A_573 = arith.index_cast %mul3A_195 : i32 to index
        %get3A_574 = tpu.vector_load %arg7[%get3A_571, %get3A_572, %get3A_573] {strides = array<i32>} : memref<2x64x256xf32, #tpu.memory_space<vmem>>, vector<1x1x16xf32>,
        %get3A_575 = vector.shape_cast %get3A_574 : vector<1x1x16xf32> to vector<16xf32>
        %max3A_576 = arith.maximumf %max3A_567, %get3A_575 : vector<16xf32>
        %min3A_577 = arith.minimumf %min3A_568, %get3A_575 : vector<16xf32>
        %get3A_578 = arith.constant 0 : i32
        %get3A_579 = arith.constant 40 : i32
        %get3A_580 = arith.index_cast %get3A_578 : i32 to index
        %get3A_581 = arith.index_cast %get3A_579 : i32 to index
        %get3A_582 = arith.index_cast %mul3A_195 : i32 to index
        %get3A_583 = tpu.vector_load %arg7[%get3A_580, %get3A_581, %get3A_582] {strides = array<i32>} : memref<2x64x256xf32, #tpu.memory_space<vmem>>, vector<1x1x16xf32>,
        %get3A_584 = vector.shape_cast %get3A_583 : vector<1x1x16xf32> to vector<16xf32>
        %max3A_585 = arith.maximumf %max3A_576, %get3A_584 : vector<16xf32>
        %min3A_586 = arith.minimumf %min3A_577, %get3A_584 : vector<16xf32>
        %get3A_587 = arith.constant 0 : i32
        %get3A_588 = arith.constant 41 : i32
        %get3A_589 = arith.index_cast %get3A_587 : i32 to index
        %get3A_590 = arith.index_cast %get3A_588 : i32 to index
        %get3A_591 = arith.index_cast %mul3A_195 : i32 to index
        %get3A_592 = tpu.vector_load %arg7[%get3A_589, %get3A_590, %get3A_591] {strides = array<i32>} : memref<2x64x256xf32, #tpu.memory_space<vmem>>, vector<1x1x16xf32>,
        %get3A_593 = vector.shape_cast %get3A_592 : vector<1x1x16xf32> to vector<16xf32>
        %max3A_594 = arith.maximumf %max3A_585, %get3A_593 : vector<16xf32>
        %min3A_595 = arith.minimumf %min3A_586, %get3A_593 : vector<16xf32>
        %get3A_596 = arith.constant 0 : i32
        %get3A_597 = arith.constant 42 : i32
        %get3A_598 = arith.index_cast %get3A_596 : i32 to index
        %get3A_599 = arith.index_cast %get3A_597 : i32 to index
        %get3A_600 = arith.index_cast %mul3A_195 : i32 to index
        %get3A_601 = tpu.vector_load %arg7[%get3A_598, %get3A_599, %get3A_600] {strides = array<i32>} : memref<2x64x256xf32, #tpu.memory_space<vmem>>, vector<1x1x16xf32>,
        %get3A_602 = vector.shape_cast %get3A_601 : vector<1x1x16xf32> to vector<16xf32>
        %max3A_603 = arith.maximumf %max3A_594, %get3A_602 : vector<16xf32>
        %min3A_604 = arith.minimumf %min3A_595, %get3A_602 : vector<16xf32>
        %get3A_605 = arith.constant 0 : i32
        %get3A_606 = arith.constant 43 : i32
        %get3A_607 = arith.index_cast %get3A_605 : i32 to index
        %get3A_608 = arith.index_cast %get3A_606 : i32 to index
        %get3A_609 = arith.index_cast %mul3A_195 : i32 to index
        %get3A_610 = tpu.vector_load %arg7[%get3A_607, %get3A_608, %get3A_609] {strides = array<i32>} : memref<2x64x256xf32, #tpu.memory_space<vmem>>, vector<1x1x16xf32>,
        %get3A_611 = vector.shape_cast %get3A_610 : vector<1x1x16xf32> to vector<16xf32>
        %max3A_612 = arith.maximumf %max3A_603, %get3A_611 : vector<16xf32>
        %min3A_613 = arith.minimumf %min3A_604, %get3A_611 : vector<16xf32>
        %get3A_614 = arith.constant 0 : i32
        %get3A_615 = arith.constant 44 : i32
        %get3A_616 = arith.index_cast %get3A_614 : i32 to index
        %get3A_617 = arith.index_cast %get3A_615 : i32 to index
        %get3A_618 = arith.index_cast %mul3A_195 : i32 to index
        %get3A_619 = tpu.vector_load %arg7[%get3A_616, %get3A_617, %get3A_618] {strides = array<i32>} : memref<2x64x256xf32, #tpu.memory_space<vmem>>, vector<1x1x16xf32>,
        %get3A_620 = vector.shape_cast %get3A_619 : vector<1x1x16xf32> to vector<16xf32>
        %max3A_621 = arith.maximumf %max3A_612, %get3A_620 : vector<16xf32>
        %min3A_622 = arith.minimumf %min3A_613, %get3A_620 : vector<16xf32>
        %get3A_623 = arith.constant 0 : i32
        %get3A_624 = arith.constant 45 : i32
        %get3A_625 = arith.index_cast %get3A_623 : i32 to index
        %get3A_626 = arith.index_cast %get3A_624 : i32 to index
        %get3A_627 = arith.index_cast %mul3A_195 : i32 to index
        %get3A_628 = tpu.vector_load %arg7[%get3A_625, %get3A_626, %get3A_627] {strides = array<i32>} : memref<2x64x256xf32, #tpu.memory_space<vmem>>, vector<1x1x16xf32>,
        %get3A_629 = vector.shape_cast %get3A_628 : vector<1x1x16xf32> to vector<16xf32>
        %max3A_630 = arith.maximumf %max3A_621, %get3A_629 : vector<16xf32>
        %min3A_631 = arith.minimumf %min3A_622, %get3A_629 : vector<16xf32>
        %get3A_632 = arith.constant 0 : i32
        %get3A_633 = arith.constant 46 : i32
        %get3A_634 = arith.index_cast %get3A_632 : i32 to index
        %get3A_635 = arith.index_cast %get3A_633 : i32 to index
        %get3A_636 = arith.index_cast %mul3A_195 : i32 to index
        %get3A_637 = tpu.vector_load %arg7[%get3A_634, %get3A_635, %get3A_636] {strides = array<i32>} : memref<2x64x256xf32, #tpu.memory_space<vmem>>, vector<1x1x16xf32>,
        %get3A_638 = vector.shape_cast %get3A_637 : vector<1x1x16xf32> to vector<16xf32>
        %max3A_639 = arith.maximumf %max3A_630, %get3A_638 : vector<16xf32>
        %min3A_640 = arith.minimumf %min3A_631, %get3A_638 : vector<16xf32>
        %get3A_641 = arith.constant 0 : i32
        %get3A_642 = arith.constant 47 : i32
        %get3A_643 = arith.index_cast %get3A_641 : i32 to index
        %get3A_644 = arith.index_cast %get3A_642 : i32 to index
        %get3A_645 = arith.index_cast %mul3A_195 : i32 to index
        %get3A_646 = tpu.vector_load %arg7[%get3A_643, %get3A_644, %get3A_645] {strides = array<i32>} : memref<2x64x256xf32, #tpu.memory_space<vmem>>, vector<1x1x16xf32>,
        %get3A_647 = vector.shape_cast %get3A_646 : vector<1x1x16xf32> to vector<16xf32>
        %max3A_648 = arith.maximumf %max3A_639, %get3A_647 : vector<16xf32>
        %min3A_649 = arith.minimumf %min3A_640, %get3A_647 : vector<16xf32>
        %swap3A_650 = arith.constant 0 : i32
        %swap3A_651 = arith.constant 2 : i32
        %swap3A_652 = arith.index_cast %swap3A_650 : i32 to index
        %swap3A_653 = arith.index_cast %swap3A_651 : i32 to index
        %swap3A_654 = arith.index_cast %mul3A_195 : i32 to index
        %swap3A_655 = tpu.vector_load %arg8[%swap3A_652, %swap3A_653, %swap3A_654] {strides = array<i32>} : memref<2x4x256xf32, #tpu.memory_space<vmem>>, vector<1x1x16xf32>,
        %swap3A_656 = vector.shape_cast %swap3A_655 : vector<1x1x16xf32> to vector<16xf32>
        %swap3A_657 = vector.shape_cast %max3A_648 : vector<16xf32> to vector<1x1x16xf32>
        tpu.vector_store %arg8[%swap3A_652, %swap3A_653, %swap3A_654], %swap3A_657 {strides = array<i32>} : memref<2x4x256xf32, #tpu.memory_space<vmem>>, vector<1x1x16xf32>,
        %swap3A_658 = arith.constant 0 : i32
        %swap3A_659 = arith.constant 2 : i32
        %swap3A_660 = arith.index_cast %swap3A_658 : i32 to index
        %swap3A_661 = arith.index_cast %swap3A_659 : i32 to index
        %swap3A_662 = arith.index_cast %mul3A_195 : i32 to index
        %swap3A_663 = tpu.vector_load %arg9[%swap3A_660, %swap3A_661, %swap3A_662] {strides = array<i32>} : memref<2x4x256xf32, #tpu.memory_space<vmem>>, vector<1x1x16xf32>,
        %swap3A_664 = vector.shape_cast %swap3A_663 : vector<1x1x16xf32> to vector<16xf32>
        %swap3A_665 = vector.shape_cast %min3A_649 : vector<16xf32> to vector<1x1x16xf32>
        tpu.vector_store %arg9[%swap3A_660, %swap3A_661, %swap3A_662], %swap3A_665 {strides = array<i32>} : memref<2x4x256xf32, #tpu.memory_space<vmem>>, vector<1x1x16xf32>,
        %get3A_666 = arith.constant 0 : i32
        %get3A_667 = arith.constant 48 : i32
        %get3A_668 = arith.index_cast %get3A_666 : i32 to index
        %get3A_669 = arith.index_cast %get3A_667 : i32 to index
        %get3A_670 = arith.index_cast %mul3A_195 : i32 to index
        %get3A_671 = tpu.vector_load %arg7[%get3A_668, %get3A_669, %get3A_670] {strides = array<i32>} : memref<2x64x256xf32, #tpu.memory_space<vmem>>, vector<1x1x16xf32>,
        %get3A_672 = vector.shape_cast %get3A_671 : vector<1x1x16xf32> to vector<16xf32>
        %get3A_673 = arith.constant 0 : i32
        %get3A_674 = arith.constant 49 : i32
        %get3A_675 = arith.index_cast %get3A_673 : i32 to index
        %get3A_676 = arith.index_cast %get3A_674 : i32 to index
        %get3A_677 = arith.index_cast %mul3A_195 : i32 to index
        %get3A_678 = tpu.vector_load %arg7[%get3A_675, %get3A_676, %get3A_677] {strides = array<i32>} : memref<2x64x256xf32, #tpu.memory_space<vmem>>, vector<1x1x16xf32>,
        %get3A_679 = vector.shape_cast %get3A_678 : vector<1x1x16xf32> to vector<16xf32>
        %max3A_680 = arith.maximumf %get3A_672, %get3A_679 : vector<16xf32>
        %min3A_681 = arith.minimumf %get3A_672, %get3A_679 : vector<16xf32>
        %get3A_682 = arith.constant 0 : i32
        %get3A_683 = arith.constant 50 : i32
        %get3A_684 = arith.index_cast %get3A_682 : i32 to index
        %get3A_685 = arith.index_cast %get3A_683 : i32 to index
        %get3A_686 = arith.index_cast %mul3A_195 : i32 to index
        %get3A_687 = tpu.vector_load %arg7[%get3A_684, %get3A_685, %get3A_686] {strides = array<i32>} : memref<2x64x256xf32, #tpu.memory_space<vmem>>, vector<1x1x16xf32>,
        %get3A_688 = vector.shape_cast %get3A_687 : vector<1x1x16xf32> to vector<16xf32>
        %max3A_689 = arith.maximumf %max3A_680, %get3A_688 : vector<16xf32>
        %min3A_690 = arith.minimumf %min3A_681, %get3A_688 : vector<16xf32>
        %get3A_691 = arith.constant 0 : i32
        %get3A_692 = arith.constant 51 : i32
        %get3A_693 = arith.index_cast %get3A_691 : i32 to index
        %get3A_694 = arith.index_cast %get3A_692 : i32 to index
        %get3A_695 = arith.index_cast %mul3A_195 : i32 to index
        %get3A_696 = tpu.vector_load %arg7[%get3A_693, %get3A_694, %get3A_695] {strides = array<i32>} : memref<2x64x256xf32, #tpu.memory_space<vmem>>, vector<1x1x16xf32>,
        %get3A_697 = vector.shape_cast %get3A_696 : vector<1x1x16xf32> to vector<16xf32>
        %max3A_698 = arith.maximumf %max3A_689, %get3A_697 : vector<16xf32>
        %min3A_699 = arith.minimumf %min3A_690, %get3A_697 : vector<16xf32>
        %get3A_700 = arith.constant 0 : i32
        %get3A_701 = arith.constant 52 : i32
        %get3A_702 = arith.index_cast %get3A_700 : i32 to index
        %get3A_703 = arith.index_cast %get3A_701 : i32 to index
        %get3A_704 = arith.index_cast %mul3A_195 : i32 to index
        %get3A_705 = tpu.vector_load %arg7[%get3A_702, %get3A_703, %get3A_704] {strides = array<i32>} : memref<2x64x256xf32, #tpu.memory_space<vmem>>, vector<1x1x16xf32>,
        %get3A_706 = vector.shape_cast %get3A_705 : vector<1x1x16xf32> to vector<16xf32>
        %max3A_707 = arith.maximumf %max3A_698, %get3A_706 : vector<16xf32>
        %min3A_708 = arith.minimumf %min3A_699, %get3A_706 : vector<16xf32>
        %get3A_709 = arith.constant 0 : i32
        %get3A_710 = arith.constant 53 : i32
        %get3A_711 = arith.index_cast %get3A_709 : i32 to index
        %get3A_712 = arith.index_cast %get3A_710 : i32 to index
        %get3A_713 = arith.index_cast %mul3A_195 : i32 to index
        %get3A_714 = tpu.vector_load %arg7[%get3A_711, %get3A_712, %get3A_713] {strides = array<i32>} : memref<2x64x256xf32, #tpu.memory_space<vmem>>, vector<1x1x16xf32>,
        %get3A_715 = vector.shape_cast %get3A_714 : vector<1x1x16xf32> to vector<16xf32>
        %max3A_716 = arith.maximumf %max3A_707, %get3A_715 : vector<16xf32>
        %min3A_717 = arith.minimumf %min3A_708, %get3A_715 : vector<16xf32>
        %get3A_718 = arith.constant 0 : i32
        %get3A_719 = arith.constant 54 : i32
        %get3A_720 = arith.index_cast %get3A_718 : i32 to index
        %get3A_721 = arith.index_cast %get3A_719 : i32 to index
        %get3A_722 = arith.index_cast %mul3A_195 : i32 to index
        %get3A_723 = tpu.vector_load %arg7[%get3A_720, %get3A_721, %get3A_722] {strides = array<i32>} : memref<2x64x256xf32, #tpu.memory_space<vmem>>, vector<1x1x16xf32>,
        %get3A_724 = vector.shape_cast %get3A_723 : vector<1x1x16xf32> to vector<16xf32>
        %max3A_725 = arith.maximumf %max3A_716, %get3A_724 : vector<16xf32>
        %min3A_726 = arith.minimumf %min3A_717, %get3A_724 : vector<16xf32>
        %get3A_727 = arith.constant 0 : i32
        %get3A_728 = arith.constant 55 : i32
        %get3A_729 = arith.index_cast %get3A_727 : i32 to index
        %get3A_730 = arith.index_cast %get3A_728 : i32 to index
        %get3A_731 = arith.index_cast %mul3A_195 : i32 to index
        %get3A_732 = tpu.vector_load %arg7[%get3A_729, %get3A_730, %get3A_731] {strides = array<i32>} : memref<2x64x256xf32, #tpu.memory_space<vmem>>, vector<1x1x16xf32>,
        %get3A_733 = vector.shape_cast %get3A_732 : vector<1x1x16xf32> to vector<16xf32>
        %max3A_734 = arith.maximumf %max3A_725, %get3A_733 : vector<16xf32>
        %min3A_735 = arith.minimumf %min3A_726, %get3A_733 : vector<16xf32>
        %get3A_736 = arith.constant 0 : i32
        %get3A_737 = arith.constant 56 : i32
        %get3A_738 = arith.index_cast %get3A_736 : i32 to index
        %get3A_739 = arith.index_cast %get3A_737 : i32 to index
        %get3A_740 = arith.index_cast %mul3A_195 : i32 to index
        %get3A_741 = tpu.vector_load %arg7[%get3A_738, %get3A_739, %get3A_740] {strides = array<i32>} : memref<2x64x256xf32, #tpu.memory_space<vmem>>, vector<1x1x16xf32>,
        %get3A_742 = vector.shape_cast %get3A_741 : vector<1x1x16xf32> to vector<16xf32>
        %max3A_743 = arith.maximumf %max3A_734, %get3A_742 : vector<16xf32>
        %min3A_744 = arith.minimumf %min3A_735, %get3A_742 : vector<16xf32>
        %get3A_745 = arith.constant 0 : i32
        %get3A_746 = arith.constant 57 : i32
        %get3A_747 = arith.index_cast %get3A_745 : i32 to index
        %get3A_748 = arith.index_cast %get3A_746 : i32 to index
        %get3A_749 = arith.index_cast %mul3A_195 : i32 to index
        %get3A_750 = tpu.vector_load %arg7[%get3A_747, %get3A_748, %get3A_749] {strides = array<i32>} : memref<2x64x256xf32, #tpu.memory_space<vmem>>, vector<1x1x16xf32>,
        %get3A_751 = vector.shape_cast %get3A_750 : vector<1x1x16xf32> to vector<16xf32>
        %max3A_752 = arith.maximumf %max3A_743, %get3A_751 : vector<16xf32>
        %min3A_753 = arith.minimumf %min3A_744, %get3A_751 : vector<16xf32>
        %get3A_754 = arith.constant 0 : i32
        %get3A_755 = arith.constant 58 : i32
        %get3A_756 = arith.index_cast %get3A_754 : i32 to index
        %get3A_757 = arith.index_cast %get3A_755 : i32 to index
        %get3A_758 = arith.index_cast %mul3A_195 : i32 to index
        %get3A_759 = tpu.vector_load %arg7[%get3A_756, %get3A_757, %get3A_758] {strides = array<i32>} : memref<2x64x256xf32, #tpu.memory_space<vmem>>, vector<1x1x16xf32>,
        %get3A_760 = vector.shape_cast %get3A_759 : vector<1x1x16xf32> to vector<16xf32>
        %max3A_761 = arith.maximumf %max3A_752, %get3A_760 : vector<16xf32>
        %min3A_762 = arith.minimumf %min3A_753, %get3A_760 : vector<16xf32>
        %get3A_763 = arith.constant 0 : i32
        %get3A_764 = arith.constant 59 : i32
        %get3A_765 = arith.index_cast %get3A_763 : i32 to index
        %get3A_766 = arith.index_cast %get3A_764 : i32 to index
        %get3A_767 = arith.index_cast %mul3A_195 : i32 to index
        %get3A_768 = tpu.vector_load %arg7[%get3A_765, %get3A_766, %get3A_767] {strides = array<i32>} : memref<2x64x256xf32, #tpu.memory_space<vmem>>, vector<1x1x16xf32>,
        %get3A_769 = vector.shape_cast %get3A_768 : vector<1x1x16xf32> to vector<16xf32>
        %max3A_770 = arith.maximumf %max3A_761, %get3A_769 : vector<16xf32>
        %min3A_771 = arith.minimumf %min3A_762, %get3A_769 : vector<16xf32>
        %get3A_772 = arith.constant 0 : i32
        %get3A_773 = arith.constant 60 : i32
        %get3A_774 = arith.index_cast %get3A_772 : i32 to index
        %get3A_775 = arith.index_cast %get3A_773 : i32 to index
        %get3A_776 = arith.index_cast %mul3A_195 : i32 to index
        %get3A_777 = tpu.vector_load %arg7[%get3A_774, %get3A_775, %get3A_776] {strides = array<i32>} : memref<2x64x256xf32, #tpu.memory_space<vmem>>, vector<1x1x16xf32>,
        %get3A_778 = vector.shape_cast %get3A_777 : vector<1x1x16xf32> to vector<16xf32>
        %max3A_779 = arith.maximumf %max3A_770, %get3A_778 : vector<16xf32>
        %min3A_780 = arith.minimumf %min3A_771, %get3A_778 : vector<16xf32>
        %get3A_781 = arith.constant 0 : i32
        %get3A_782 = arith.constant 61 : i32
        %get3A_783 = arith.index_cast %get3A_781 : i32 to index
        %get3A_784 = arith.index_cast %get3A_782 : i32 to index
        %get3A_785 = arith.index_cast %mul3A_195 : i32 to index
        %get3A_786 = tpu.vector_load %arg7[%get3A_783, %get3A_784, %get3A_785] {strides = array<i32>} : memref<2x64x256xf32, #tpu.memory_space<vmem>>, vector<1x1x16xf32>,
        %get3A_787 = vector.shape_cast %get3A_786 : vector<1x1x16xf32> to vector<16xf32>
        %max3A_788 = arith.maximumf %max3A_779, %get3A_787 : vector<16xf32>
        %min3A_789 = arith.minimumf %min3A_780, %get3A_787 : vector<16xf32>
        %get3A_790 = arith.constant 0 : i32
        %get3A_791 = arith.constant 62 : i32
        %get3A_792 = arith.index_cast %get3A_790 : i32 to index
        %get3A_793 = arith.index_cast %get3A_791 : i32 to index
        %get3A_794 = arith.index_cast %mul3A_195 : i32 to index
        %get3A_795 = tpu.vector_load %arg7[%get3A_792, %get3A_793, %get3A_794] {strides = array<i32>} : memref<2x64x256xf32, #tpu.memory_space<vmem>>, vector<1x1x16xf32>,
        %get3A_796 = vector.shape_cast %get3A_795 : vector<1x1x16xf32> to vector<16xf32>
        %max3A_797 = arith.maximumf %max3A_788, %get3A_796 : vector<16xf32>
        %min3A_798 = arith.minimumf %min3A_789, %get3A_796 : vector<16xf32>
        %get3A_799 = arith.constant 0 : i32
        %get3A_800 = arith.constant 63 : i32
        %get3A_801 = arith.index_cast %get3A_799 : i32 to index
        %get3A_802 = arith.index_cast %get3A_800 : i32 to index
        %get3A_803 = arith.index_cast %mul3A_195 : i32 to index
        %get3A_804 = tpu.vector_load %arg7[%get3A_801, %get3A_802, %get3A_803] {strides = array<i32>} : memref<2x64x256xf32, #tpu.memory_space<vmem>>, vector<1x1x16xf32>,
        %get3A_805 = vector.shape_cast %get3A_804 : vector<1x1x16xf32> to vector<16xf32>
        %max3A_806 = arith.maximumf %max3A_797, %get3A_805 : vector<16xf32>
        %min3A_807 = arith.minimumf %min3A_798, %get3A_805 : vector<16xf32>
        %swap3A_808 = arith.constant 0 : i32
        %swap3A_809 = arith.constant 3 : i32
        %swap3A_810 = arith.index_cast %swap3A_808 : i32 to index
        %swap3A_811 = arith.index_cast %swap3A_809 : i32 to index
        %swap3A_812 = arith.index_cast %mul3A_195 : i32 to index
        %swap3A_813 = tpu.vector_load %arg8[%swap3A_810, %swap3A_811, %swap3A_812] {strides = array<i32>} : memref<2x4x256xf32, #tpu.memory_space<vmem>>, vector<1x1x16xf32>,
        %swap3A_814 = vector.shape_cast %swap3A_813 : vector<1x1x16xf32> to vector<16xf32>
        %swap3A_815 = vector.shape_cast %max3A_806 : vector<16xf32> to vector<1x1x16xf32>
        tpu.vector_store %arg8[%swap3A_810, %swap3A_811, %swap3A_812], %swap3A_815 {strides = array<i32>} : memref<2x4x256xf32, #tpu.memory_space<vmem>>, vector<1x1x16xf32>,
        %swap3A_816 = arith.constant 0 : i32
        %swap3A_817 = arith.constant 3 : i32
        %swap3A_818 = arith.index_cast %swap3A_816 : i32 to index
        %swap3A_819 = arith.index_cast %swap3A_817 : i32 to index
        %swap3A_820 = arith.index_cast %mul3A_195 : i32 to index
        %swap3A_821 = tpu.vector_load %arg9[%swap3A_818, %swap3A_819, %swap3A_820] {strides = array<i32>} : memref<2x4x256xf32, #tpu.memory_space<vmem>>, vector<1x1x16xf32>,
        %swap3A_822 = vector.shape_cast %swap3A_821 : vector<1x1x16xf32> to vector<16xf32>
        %swap3A_823 = vector.shape_cast %min3A_807 : vector<16xf32> to vector<1x1x16xf32>
        tpu.vector_store %arg9[%swap3A_818, %swap3A_819, %swap3A_820], %swap3A_823 {strides = array<i32>} : memref<2x4x256xf32, #tpu.memory_space<vmem>>, vector<1x1x16xf32>,
      }
      %scan3A_100 = arith.constant 16 : i32
      %mul3A_101 = arith.constant 4 : i32
      %mul3A_102 = arith.muli %add3A_74, %mul3A_101 : i32
      %add3A_103 = arith.addi %mul3A_2, %mul3A_102 : i32
      %dma_start3A_104 = arith.constant 0 : i32
      %dma_start3A_105 = arith.constant 0 : i32
      %dma_start3A_106 = arith.constant 0 : i32
      %dma_start3A_107 = tpu.memref_slice %arg8[%dma_start3A_104, %dma_start3A_105, %dma_start3A_106] : memref<2x4x256xf32, #tpu.memory_space<vmem>> -> memref<1x4x256xf32, #tpu.memory_space<vmem>>
      %dma_start3A_108 = tpu.memref_squeeze %dma_start3A_107 : memref<1x4x256xf32, #tpu.memory_space<vmem>> -> memref<4x256xf32, #tpu.memory_space<vmem>>
      %dma_start3A_109 = arith.constant 0 : i32
      %dma_start3A_110 = tpu.memref_slice %arg4[%add3A_103, %dma_start3A_109] : memref<32768x256xf32, #tpu.memory_space<hbm>> -> memref<4x256xf32, #tpu.memory_space<hbm>>
      %dma_start3A_111 = arith.constant 0 : i32
      %dma_start3A_112 = tpu.memref_slice %arg4[%add3A_103, %dma_start3A_111] : memref<32768x256xf32, #tpu.memory_space<hbm>> -> memref<4x256xf32, #tpu.memory_space<hbm>>
      %dma_start3A_113 = arith.constant 0 : i32
      %dma_start3A_114 = arith.constant 0 : i32
      %dma_start3A_115 = tpu.memref_slice %arg8[%dma_start3A_104, %dma_start3A_113, %dma_start3A_114] : memref<2x4x256xf32, #tpu.memory_space<vmem>> -> memref<1x4x256xf32, #tpu.memory_space<vmem>>
      %dma_start3A_116 = tpu.memref_squeeze %dma_start3A_115 : memref<1x4x256xf32, #tpu.memory_space<vmem>> -> memref<4x256xf32, #tpu.memory_space<vmem>>
      tpu.enqueue_dma source(%dma_start3A_116 : memref<4x256xf32, #tpu.memory_space<vmem>>) target(%dma_start3A_112 : memref<4x256xf32, #tpu.memory_space<hbm>>) target_semaphore(%arg12 : memref<!tpu.dma_semaphore, #tpu.memory_space<semaphore_mem>>)
      %dma_start3A_117 = arith.constant 0 : i32
      %dma_start3A_118 = arith.constant 0 : i32
      %dma_start3A_119 = arith.constant 0 : i32
      %dma_start3A_120 = tpu.memref_slice %arg9[%dma_start3A_117, %dma_start3A_118, %dma_start3A_119] : memref<2x4x256xf32, #tpu.memory_space<vmem>> -> memref<1x4x256xf32, #tpu.memory_space<vmem>>
      %dma_start3A_121 = tpu.memref_squeeze %dma_start3A_120 : memref<1x4x256xf32, #tpu.memory_space<vmem>> -> memref<4x256xf32, #tpu.memory_space<vmem>>
      %dma_start3A_122 = arith.constant 0 : i32
      %dma_start3A_123 = tpu.memref_slice %arg5[%add3A_103, %dma_start3A_122] : memref<32768x256xf32, #tpu.memory_space<hbm>> -> memref<4x256xf32, #tpu.memory_space<hbm>>
      %dma_start3A_124 = arith.constant 0 : i32
      %dma_start3A_125 = tpu.memref_slice %arg5[%add3A_103, %dma_start3A_124] : memref<32768x256xf32, #tpu.memory_space<hbm>> -> memref<4x256xf32, #tpu.memory_space<hbm>>
      %dma_start3A_126 = arith.constant 0 : i32
      %dma_start3A_127 = arith.constant 0 : i32
      %dma_start3A_128 = tpu.memref_slice %arg9[%dma_start3A_117, %dma_start3A_126, %dma_start3A_127] : memref<2x4x256xf32, #tpu.memory_space<vmem>> -> memref<1x4x256xf32, #tpu.memory_space<vmem>>
      %dma_start3A_129 = tpu.memref_squeeze %dma_start3A_128 : memref<1x4x256xf32, #tpu.memory_space<vmem>> -> memref<4x256xf32, #tpu.memory_space<vmem>>
      tpu.enqueue_dma source(%dma_start3A_129 : memref<4x256xf32, #tpu.memory_space<vmem>>) target(%dma_start3A_125 : memref<4x256xf32, #tpu.memory_space<hbm>>) target_semaphore(%arg12 : memref<!tpu.dma_semaphore, #tpu.memory_space<semaphore_mem>>)
      %mul3A_130 = arith.constant 2 : i32
      %mul3A_131 = arith.muli %scan3A_70, %mul3A_130 : i32
      %add3A_132 = arith.constant 1 : i32
      %add3A_133 = arith.addi %mul3A_131, %add3A_132 : i32
      %add3A_134 = arith.constant 1 : i32
      %add3A_135 = arith.addi %add3A_133, %add3A_134 : i32
      %lt3A_136 = arith.constant 256 : i32
      %lt3A_137 = arith.cmpi slt, %add3A_135, %lt3A_136 : i32
      %convert_element_type3A_138 = arith.extui %lt3A_137 : i1 to i32
      %cond3A_139 = arith.constant 0 : i32
      %cond3A_140 = arith.cmpi ne, %convert_element_type3A_138, %cond3A_139 : i32
      scf.if %cond3A_140 {
        %add3A_193 = arith.constant 1 : i32
        %add3A_194 = arith.addi %add3A_133, %add3A_193 : i32
        %dma_start3A_195 = arith.constant 0 : i32
        %dma_start3A_196 = arith.constant 0 : i32
        %dma_start3A_197 = arith.constant 0 : i32
        %dma_start3A_198 = tpu.memref_slice %arg7[%dma_start3A_195, %dma_start3A_196, %dma_start3A_197] : memref<2x64x256xf32, #tpu.memory_space<vmem>> -> memref<1x64x256xf32, #tpu.memory_space<vmem>>
        %dma_start3A_199 = tpu.memref_squeeze %dma_start3A_198 : memref<1x64x256xf32, #tpu.memory_space<vmem>> -> memref<64x256xf32, #tpu.memory_space<vmem>>
        %dma_start3A_200 = arith.constant 0 : i32
        %dma_start3A_201 = tpu.memref_slice %arg6[%add3A_194, %dma_start3A_200] : memref<256x64xi32, #tpu.memory_space<vmem>> -> memref<1x64xi32, #tpu.memory_space<vmem>>
        %dma_start3A_202 = tpu.memref_squeeze %dma_start3A_201 : memref<1x64xi32, #tpu.memory_space<vmem>> -> memref<64xi32, #tpu.memory_space<vmem>>
        %dma_start3A_203 = arith.constant 0 : i32
        %dma_start3A_204 = arith.constant 0 : i32
        %dma_start3A_205 = tpu.memref_slice %arg3[%dma_start3A_203, %dma_start3A_204] : memref<32768x256xf32, #tpu.memory_space<hbm>> -> memref<32768x256xf32, #tpu.memory_space<hbm>>
        tpu.enqueue_indirect_dma source(%dma_start3A_205 : memref<32768x256xf32, #tpu.memory_space<hbm>>) target(%dma_start3A_199 : memref<64x256xf32, #tpu.memory_space<vmem>>) offsets(%dma_start3A_202 : memref<64xi32, #tpu.memory_space<vmem>>) semaphore(%arg10 : memref<!tpu.dma_semaphore, #tpu.memory_space<semaphore_mem>>)
      } else {
      }
      %dma_wait3A_141 = arith.constant 0 : i32
      %dma_wait3A_142 = arith.constant 1 : i32
      %dma_wait3A_143 = arith.constant 0 : i32
      %dma_wait3A_144 = arith.constant 0 : i32
      %dma_wait3A_145 = tpu.memref_slice %arg7[%dma_wait3A_142, %dma_wait3A_143, %dma_wait3A_144] : memref<2x64x256xf32, #tpu.memory_space<vmem>> -> memref<1x64x256xf32, #tpu.memory_space<vmem>>
      %dma_wait3A_146 = tpu.memref_squeeze %dma_wait3A_145 : memref<1x64x256xf32, #tpu.memory_space<vmem>> -> memref<64x256xf32, #tpu.memory_space<vmem>>
      %dma_wait3A_147 = arith.constant 0 : i32
      %dma_wait3A_148 = tpu.memref_slice %arg6[%dma_wait3A_141, %dma_wait3A_147] : memref<256x64xi32, #tpu.memory_space<vmem>> -> memref<1x64xi32, #tpu.memory_space<vmem>>
      %dma_wait3A_149 = tpu.memref_squeeze %dma_wait3A_148 : memref<1x64xi32, #tpu.memory_space<vmem>> -> memref<64xi32, #tpu.memory_space<vmem>>
      %dma_wait3A_150 = arith.constant 0 : i32
      %dma_wait3A_151 = arith.constant 0 : i32
      %dma_wait3A_152 = tpu.memref_slice %arg3[%dma_wait3A_150, %dma_wait3A_151] : memref<32768x256xf32, #tpu.memory_space<hbm>> -> memref<32768x256xf32, #tpu.memory_space<hbm>>
      tpu.wait_indirect_dma semaphore(%arg11 : memref<!tpu.dma_semaphore, #tpu.memory_space<semaphore_mem>>) src(%dma_wait3A_152 : memref<32768x256xf32, #tpu.memory_space<hbm>>) dst(%dma_wait3A_146 : memref<64x256xf32, #tpu.memory_space<vmem>>)
      %ge3A_153 = arith.constant 2 : i32
      %ge3A_154 = arith.cmpi sge, %add3A_133, %ge3A_153 : i32
      %convert_element_type3A_155 = arith.extui %ge3A_154 : i1 to i32
      %cond3A_156 = arith.constant 0 : i32
      %cond3A_157 = arith.cmpi ne, %convert_element_type3A_155, %cond3A_156 : i32
      scf.if %cond3A_157 {
        %dma_wait3A_193 = arith.constant 1 : i32
        %dma_wait3A_194 = arith.constant 0 : i32
        %dma_wait3A_195 = arith.constant 0 : i32
        %dma_wait3A_196 = tpu.memref_slice %arg8[%dma_wait3A_193, %dma_wait3A_194, %dma_wait3A_195] : memref<2x4x256xf32, #tpu.memory_space<vmem>> -> memref<1x4x256xf32, #tpu.memory_space<vmem>>
        %dma_wait3A_197 = tpu.memref_squeeze %dma_wait3A_196 : memref<1x4x256xf32, #tpu.memory_space<vmem>> -> memref<4x256xf32, #tpu.memory_space<vmem>>
        %dma_wait3A_198 = arith.constant 0 : i32
        %dma_wait3A_199 = tpu.memref_slice %arg4[%mul3A_2, %dma_wait3A_198] : memref<32768x256xf32, #tpu.memory_space<hbm>> -> memref<4x256xf32, #tpu.memory_space<hbm>>
        %dma_wait3A_200 = arith.constant 0 : i32
        %dma_wait3A_201 = tpu.memref_slice %arg4[%mul3A_2, %dma_wait3A_200] : memref<32768x256xf32, #tpu.memory_space<hbm>> -> memref<4x256xf32, #tpu.memory_space<hbm>>
        %dma_wait3A_202 = arith.constant 0 : i32
        %dma_wait3A_203 = arith.constant 0 : i32
        %dma_wait3A_204 = tpu.memref_slice %arg8[%dma_wait3A_193, %dma_wait3A_202, %dma_wait3A_203] : memref<2x4x256xf32, #tpu.memory_space<vmem>> -> memref<1x4x256xf32, #tpu.memory_space<vmem>>
        %dma_wait3A_205 = tpu.memref_squeeze %dma_wait3A_204 : memref<1x4x256xf32, #tpu.memory_space<vmem>> -> memref<4x256xf32, #tpu.memory_space<vmem>>
        tpu.wait_dma2 semaphore(%arg12 : memref<!tpu.dma_semaphore, #tpu.memory_space<semaphore_mem>>) src(%dma_wait3A_205 : memref<4x256xf32, #tpu.memory_space<vmem>>) dst(%dma_wait3A_201 : memref<4x256xf32, #tpu.memory_space<hbm>>)
        %dma_wait3A_206 = arith.constant 1 : i32
        %dma_wait3A_207 = arith.constant 0 : i32
        %dma_wait3A_208 = arith.constant 0 : i32
        %dma_wait3A_209 = tpu.memref_slice %arg9[%dma_wait3A_206, %dma_wait3A_207, %dma_wait3A_208] : memref<2x4x256xf32, #tpu.memory_space<vmem>> -> memref<1x4x256xf32, #tpu.memory_space<vmem>>
        %dma_wait3A_210 = tpu.memref_squeeze %dma_wait3A_209 : memref<1x4x256xf32, #tpu.memory_space<vmem>> -> memref<4x256xf32, #tpu.memory_space<vmem>>
        %dma_wait3A_211 = arith.constant 0 : i32
        %dma_wait3A_212 = tpu.memref_slice %arg5[%mul3A_2, %dma_wait3A_211] : memref<32768x256xf32, #tpu.memory_space<hbm>> -> memref<4x256xf32, #tpu.memory_space<hbm>>
        %dma_wait3A_213 = arith.constant 0 : i32
        %dma_wait3A_214 = tpu.memref_slice %arg5[%mul3A_2, %dma_wait3A_213] : memref<32768x256xf32, #tpu.memory_space<hbm>> -> memref<4x256xf32, #tpu.memory_space<hbm>>
        %dma_wait3A_215 = arith.constant 0 : i32
        %dma_wait3A_216 = arith.constant 0 : i32
        %dma_wait3A_217 = tpu.memref_slice %arg9[%dma_wait3A_206, %dma_wait3A_215, %dma_wait3A_216] : memref<2x4x256xf32, #tpu.memory_space<vmem>> -> memref<1x4x256xf32, #tpu.memory_space<vmem>>
        %dma_wait3A_218 = tpu.memref_squeeze %dma_wait3A_217 : memref<1x4x256xf32, #tpu.memory_space<vmem>> -> memref<4x256xf32, #tpu.memory_space<vmem>>
        tpu.wait_dma2 semaphore(%arg12 : memref<!tpu.dma_semaphore, #tpu.memory_space<semaphore_mem>>) src(%dma_wait3A_218 : memref<4x256xf32, #tpu.memory_space<vmem>>) dst(%dma_wait3A_214 : memref<4x256xf32, #tpu.memory_space<hbm>>)
      } else {
      }
      %scan3A_158 = arith.constant 0 : i32
      %scan3A_159 = arith.constant 0 : i32
      %scan3A_160 = arith.constant 16 : i32
      %scan3A_161 = arith.addi %scan3A_159, %scan3A_160 : i32
      %scan3A_162 = arith.constant 1 : i32
      scf.for %scan3A_193 = %scan3A_159 to %scan3A_161 step %scan3A_162  : i32 {
        %mul3A_194 = arith.constant 16 : i32
        %mul3A_195 = arith.muli %scan3A_193, %mul3A_194 : i32
        %get3A = arith.constant 1 : i32
        %get3A_196 = arith.constant 0 : i32
        %get3A_197 = arith.index_cast %get3A : i32 to index
        %get3A_198 = arith.index_cast %get3A_196 : i32 to index
        %get3A_199 = arith.index_cast %mul3A_195 : i32 to index
        %get3A_200 = tpu.vector_load %arg7[%get3A_197, %get3A_198, %get3A_199] {strides = array<i32>} : memref<2x64x256xf32, #tpu.memory_space<vmem>>, vector<1x1x16xf32>,
        %get3A_201 = vector.shape_cast %get3A_200 : vector<1x1x16xf32> to vector<16xf32>
        %get3A_202 = arith.constant 1 : i32
        %get3A_203 = arith.constant 1 : i32
        %get3A_204 = arith.index_cast %get3A_202 : i32 to index
        %get3A_205 = arith.index_cast %get3A_203 : i32 to index
        %get3A_206 = arith.index_cast %mul3A_195 : i32 to index
        %get3A_207 = tpu.vector_load %arg7[%get3A_204, %get3A_205, %get3A_206] {strides = array<i32>} : memref<2x64x256xf32, #tpu.memory_space<vmem>>, vector<1x1x16xf32>,
        %get3A_208 = vector.shape_cast %get3A_207 : vector<1x1x16xf32> to vector<16xf32>
        %max3A = arith.maximumf %get3A_201, %get3A_208 : vector<16xf32>
        %min3A = arith.minimumf %get3A_201, %get3A_208 : vector<16xf32>
        %get3A_209 = arith.constant 1 : i32
        %get3A_210 = arith.constant 2 : i32
        %get3A_211 = arith.index_cast %get3A_209 : i32 to index
        %get3A_212 = arith.index_cast %get3A_210 : i32 to index
        %get3A_213 = arith.index_cast %mul3A_195 : i32 to index
        %get3A_214 = tpu.vector_load %arg7[%get3A_211, %get3A_212, %get3A_213] {strides = array<i32>} : memref<2x64x256xf32, #tpu.memory_space<vmem>>, vector<1x1x16xf32>,
        %get3A_215 = vector.shape_cast %get3A_214 : vector<1x1x16xf32> to vector<16xf32>
        %max3A_216 = arith.maximumf %max3A, %get3A_215 : vector<16xf32>
        %min3A_217 = arith.minimumf %min3A, %get3A_215 : vector<16xf32>
        %get3A_218 = arith.constant 1 : i32
        %get3A_219 = arith.constant 3 : i32
        %get3A_220 = arith.index_cast %get3A_218 : i32 to index
        %get3A_221 = arith.index_cast %get3A_219 : i32 to index
        %get3A_222 = arith.index_cast %mul3A_195 : i32 to index
        %get3A_223 = tpu.vector_load %arg7[%get3A_220, %get3A_221, %get3A_222] {strides = array<i32>} : memref<2x64x256xf32, #tpu.memory_space<vmem>>, vector<1x1x16xf32>,
        %get3A_224 = vector.shape_cast %get3A_223 : vector<1x1x16xf32> to vector<16xf32>
        %max3A_225 = arith.maximumf %max3A_216, %get3A_224 : vector<16xf32>
        %min3A_226 = arith.minimumf %min3A_217, %get3A_224 : vector<16xf32>
        %get3A_227 = arith.constant 1 : i32
        %get3A_228 = arith.constant 4 : i32
        %get3A_229 = arith.index_cast %get3A_227 : i32 to index
        %get3A_230 = arith.index_cast %get3A_228 : i32 to index
        %get3A_231 = arith.index_cast %mul3A_195 : i32 to index
        %get3A_232 = tpu.vector_load %arg7[%get3A_229, %get3A_230, %get3A_231] {strides = array<i32>} : memref<2x64x256xf32, #tpu.memory_space<vmem>>, vector<1x1x16xf32>,
        %get3A_233 = vector.shape_cast %get3A_232 : vector<1x1x16xf32> to vector<16xf32>
        %max3A_234 = arith.maximumf %max3A_225, %get3A_233 : vector<16xf32>
        %min3A_235 = arith.minimumf %min3A_226, %get3A_233 : vector<16xf32>
        %get3A_236 = arith.constant 1 : i32
        %get3A_237 = arith.constant 5 : i32
        %get3A_238 = arith.index_cast %get3A_236 : i32 to index
        %get3A_239 = arith.index_cast %get3A_237 : i32 to index
        %get3A_240 = arith.index_cast %mul3A_195 : i32 to index
        %get3A_241 = tpu.vector_load %arg7[%get3A_238, %get3A_239, %get3A_240] {strides = array<i32>} : memref<2x64x256xf32, #tpu.memory_space<vmem>>, vector<1x1x16xf32>,
        %get3A_242 = vector.shape_cast %get3A_241 : vector<1x1x16xf32> to vector<16xf32>
        %max3A_243 = arith.maximumf %max3A_234, %get3A_242 : vector<16xf32>
        %min3A_244 = arith.minimumf %min3A_235, %get3A_242 : vector<16xf32>
        %get3A_245 = arith.constant 1 : i32
        %get3A_246 = arith.constant 6 : i32
        %get3A_247 = arith.index_cast %get3A_245 : i32 to index
        %get3A_248 = arith.index_cast %get3A_246 : i32 to index
        %get3A_249 = arith.index_cast %mul3A_195 : i32 to index
        %get3A_250 = tpu.vector_load %arg7[%get3A_247, %get3A_248, %get3A_249] {strides = array<i32>} : memref<2x64x256xf32, #tpu.memory_space<vmem>>, vector<1x1x16xf32>,
        %get3A_251 = vector.shape_cast %get3A_250 : vector<1x1x16xf32> to vector<16xf32>
        %max3A_252 = arith.maximumf %max3A_243, %get3A_251 : vector<16xf32>
        %min3A_253 = arith.minimumf %min3A_244, %get3A_251 : vector<16xf32>
        %get3A_254 = arith.constant 1 : i32
        %get3A_255 = arith.constant 7 : i32
        %get3A_256 = arith.index_cast %get3A_254 : i32 to index
        %get3A_257 = arith.index_cast %get3A_255 : i32 to index
        %get3A_258 = arith.index_cast %mul3A_195 : i32 to index
        %get3A_259 = tpu.vector_load %arg7[%get3A_256, %get3A_257, %get3A_258] {strides = array<i32>} : memref<2x64x256xf32, #tpu.memory_space<vmem>>, vector<1x1x16xf32>,
        %get3A_260 = vector.shape_cast %get3A_259 : vector<1x1x16xf32> to vector<16xf32>
        %max3A_261 = arith.maximumf %max3A_252, %get3A_260 : vector<16xf32>
        %min3A_262 = arith.minimumf %min3A_253, %get3A_260 : vector<16xf32>
        %get3A_263 = arith.constant 1 : i32
        %get3A_264 = arith.constant 8 : i32
        %get3A_265 = arith.index_cast %get3A_263 : i32 to index
        %get3A_266 = arith.index_cast %get3A_264 : i32 to index
        %get3A_267 = arith.index_cast %mul3A_195 : i32 to index
        %get3A_268 = tpu.vector_load %arg7[%get3A_265, %get3A_266, %get3A_267] {strides = array<i32>} : memref<2x64x256xf32, #tpu.memory_space<vmem>>, vector<1x1x16xf32>,
        %get3A_269 = vector.shape_cast %get3A_268 : vector<1x1x16xf32> to vector<16xf32>
        %max3A_270 = arith.maximumf %max3A_261, %get3A_269 : vector<16xf32>
        %min3A_271 = arith.minimumf %min3A_262, %get3A_269 : vector<16xf32>
        %get3A_272 = arith.constant 1 : i32
        %get3A_273 = arith.constant 9 : i32
        %get3A_274 = arith.index_cast %get3A_272 : i32 to index
        %get3A_275 = arith.index_cast %get3A_273 : i32 to index
        %get3A_276 = arith.index_cast %mul3A_195 : i32 to index
        %get3A_277 = tpu.vector_load %arg7[%get3A_274, %get3A_275, %get3A_276] {strides = array<i32>} : memref<2x64x256xf32, #tpu.memory_space<vmem>>, vector<1x1x16xf32>,
        %get3A_278 = vector.shape_cast %get3A_277 : vector<1x1x16xf32> to vector<16xf32>
        %max3A_279 = arith.maximumf %max3A_270, %get3A_278 : vector<16xf32>
        %min3A_280 = arith.minimumf %min3A_271, %get3A_278 : vector<16xf32>
        %get3A_281 = arith.constant 1 : i32
        %get3A_282 = arith.constant 10 : i32
        %get3A_283 = arith.index_cast %get3A_281 : i32 to index
        %get3A_284 = arith.index_cast %get3A_282 : i32 to index
        %get3A_285 = arith.index_cast %mul3A_195 : i32 to index
        %get3A_286 = tpu.vector_load %arg7[%get3A_283, %get3A_284, %get3A_285] {strides = array<i32>} : memref<2x64x256xf32, #tpu.memory_space<vmem>>, vector<1x1x16xf32>,
        %get3A_287 = vector.shape_cast %get3A_286 : vector<1x1x16xf32> to vector<16xf32>
        %max3A_288 = arith.maximumf %max3A_279, %get3A_287 : vector<16xf32>
        %min3A_289 = arith.minimumf %min3A_280, %get3A_287 : vector<16xf32>
        %get3A_290 = arith.constant 1 : i32
        %get3A_291 = arith.constant 11 : i32
        %get3A_292 = arith.index_cast %get3A_290 : i32 to index
        %get3A_293 = arith.index_cast %get3A_291 : i32 to index
        %get3A_294 = arith.index_cast %mul3A_195 : i32 to index
        %get3A_295 = tpu.vector_load %arg7[%get3A_292, %get3A_293, %get3A_294] {strides = array<i32>} : memref<2x64x256xf32, #tpu.memory_space<vmem>>, vector<1x1x16xf32>,
        %get3A_296 = vector.shape_cast %get3A_295 : vector<1x1x16xf32> to vector<16xf32>
        %max3A_297 = arith.maximumf %max3A_288, %get3A_296 : vector<16xf32>
        %min3A_298 = arith.minimumf %min3A_289, %get3A_296 : vector<16xf32>
        %get3A_299 = arith.constant 1 : i32
        %get3A_300 = arith.constant 12 : i32
        %get3A_301 = arith.index_cast %get3A_299 : i32 to index
        %get3A_302 = arith.index_cast %get3A_300 : i32 to index
        %get3A_303 = arith.index_cast %mul3A_195 : i32 to index
        %get3A_304 = tpu.vector_load %arg7[%get3A_301, %get3A_302, %get3A_303] {strides = array<i32>} : memref<2x64x256xf32, #tpu.memory_space<vmem>>, vector<1x1x16xf32>,
        %get3A_305 = vector.shape_cast %get3A_304 : vector<1x1x16xf32> to vector<16xf32>
        %max3A_306 = arith.maximumf %max3A_297, %get3A_305 : vector<16xf32>
        %min3A_307 = arith.minimumf %min3A_298, %get3A_305 : vector<16xf32>
        %get3A_308 = arith.constant 1 : i32
        %get3A_309 = arith.constant 13 : i32
        %get3A_310 = arith.index_cast %get3A_308 : i32 to index
        %get3A_311 = arith.index_cast %get3A_309 : i32 to index
        %get3A_312 = arith.index_cast %mul3A_195 : i32 to index
        %get3A_313 = tpu.vector_load %arg7[%get3A_310, %get3A_311, %get3A_312] {strides = array<i32>} : memref<2x64x256xf32, #tpu.memory_space<vmem>>, vector<1x1x16xf32>,
        %get3A_314 = vector.shape_cast %get3A_313 : vector<1x1x16xf32> to vector<16xf32>
        %max3A_315 = arith.maximumf %max3A_306, %get3A_314 : vector<16xf32>
        %min3A_316 = arith.minimumf %min3A_307, %get3A_314 : vector<16xf32>
        %get3A_317 = arith.constant 1 : i32
        %get3A_318 = arith.constant 14 : i32
        %get3A_319 = arith.index_cast %get3A_317 : i32 to index
        %get3A_320 = arith.index_cast %get3A_318 : i32 to index
        %get3A_321 = arith.index_cast %mul3A_195 : i32 to index
        %get3A_322 = tpu.vector_load %arg7[%get3A_319, %get3A_320, %get3A_321] {strides = array<i32>} : memref<2x64x256xf32, #tpu.memory_space<vmem>>, vector<1x1x16xf32>,
        %get3A_323 = vector.shape_cast %get3A_322 : vector<1x1x16xf32> to vector<16xf32>
        %max3A_324 = arith.maximumf %max3A_315, %get3A_323 : vector<16xf32>
        %min3A_325 = arith.minimumf %min3A_316, %get3A_323 : vector<16xf32>
        %get3A_326 = arith.constant 1 : i32
        %get3A_327 = arith.constant 15 : i32
        %get3A_328 = arith.index_cast %get3A_326 : i32 to index
        %get3A_329 = arith.index_cast %get3A_327 : i32 to index
        %get3A_330 = arith.index_cast %mul3A_195 : i32 to index
        %get3A_331 = tpu.vector_load %arg7[%get3A_328, %get3A_329, %get3A_330] {strides = array<i32>} : memref<2x64x256xf32, #tpu.memory_space<vmem>>, vector<1x1x16xf32>,
        %get3A_332 = vector.shape_cast %get3A_331 : vector<1x1x16xf32> to vector<16xf32>
        %max3A_333 = arith.maximumf %max3A_324, %get3A_332 : vector<16xf32>
        %min3A_334 = arith.minimumf %min3A_325, %get3A_332 : vector<16xf32>
        %swap3A = arith.constant 1 : i32
        %swap3A_335 = arith.constant 0 : i32
        %swap3A_336 = arith.index_cast %swap3A : i32 to index
        %swap3A_337 = arith.index_cast %swap3A_335 : i32 to index
        %swap3A_338 = arith.index_cast %mul3A_195 : i32 to index
        %swap3A_339 = tpu.vector_load %arg8[%swap3A_336, %swap3A_337, %swap3A_338] {strides = array<i32>} : memref<2x4x256xf32, #tpu.memory_space<vmem>>, vector<1x1x16xf32>,
        %swap3A_340 = vector.shape_cast %swap3A_339 : vector<1x1x16xf32> to vector<16xf32>
        %swap3A_341 = vector.shape_cast %max3A_333 : vector<16xf32> to vector<1x1x16xf32>
        tpu.vector_store %arg8[%swap3A_336, %swap3A_337, %swap3A_338], %swap3A_341 {strides = array<i32>} : memref<2x4x256xf32, #tpu.memory_space<vmem>>, vector<1x1x16xf32>,
        %swap3A_342 = arith.constant 1 : i32
        %swap3A_343 = arith.constant 0 : i32
        %swap3A_344 = arith.index_cast %swap3A_342 : i32 to index
        %swap3A_345 = arith.index_cast %swap3A_343 : i32 to index
        %swap3A_346 = arith.index_cast %mul3A_195 : i32 to index
        %swap3A_347 = tpu.vector_load %arg9[%swap3A_344, %swap3A_345, %swap3A_346] {strides = array<i32>} : memref<2x4x256xf32, #tpu.memory_space<vmem>>, vector<1x1x16xf32>,
        %swap3A_348 = vector.shape_cast %swap3A_347 : vector<1x1x16xf32> to vector<16xf32>
        %swap3A_349 = vector.shape_cast %min3A_334 : vector<16xf32> to vector<1x1x16xf32>
        tpu.vector_store %arg9[%swap3A_344, %swap3A_345, %swap3A_346], %swap3A_349 {strides = array<i32>} : memref<2x4x256xf32, #tpu.memory_space<vmem>>, vector<1x1x16xf32>,
        %get3A_350 = arith.constant 1 : i32
        %get3A_351 = arith.constant 16 : i32
        %get3A_352 = arith.index_cast %get3A_350 : i32 to index
        %get3A_353 = arith.index_cast %get3A_351 : i32 to index
        %get3A_354 = arith.index_cast %mul3A_195 : i32 to index
        %get3A_355 = tpu.vector_load %arg7[%get3A_352, %get3A_353, %get3A_354] {strides = array<i32>} : memref<2x64x256xf32, #tpu.memory_space<vmem>>, vector<1x1x16xf32>,
        %get3A_356 = vector.shape_cast %get3A_355 : vector<1x1x16xf32> to vector<16xf32>
        %get3A_357 = arith.constant 1 : i32
        %get3A_358 = arith.constant 17 : i32
        %get3A_359 = arith.index_cast %get3A_357 : i32 to index
        %get3A_360 = arith.index_cast %get3A_358 : i32 to index
        %get3A_361 = arith.index_cast %mul3A_195 : i32 to index
        %get3A_362 = tpu.vector_load %arg7[%get3A_359, %get3A_360, %get3A_361] {strides = array<i32>} : memref<2x64x256xf32, #tpu.memory_space<vmem>>, vector<1x1x16xf32>,
        %get3A_363 = vector.shape_cast %get3A_362 : vector<1x1x16xf32> to vector<16xf32>
        %max3A_364 = arith.maximumf %get3A_356, %get3A_363 : vector<16xf32>
        %min3A_365 = arith.minimumf %get3A_356, %get3A_363 : vector<16xf32>
        %get3A_366 = arith.constant 1 : i32
        %get3A_367 = arith.constant 18 : i32
        %get3A_368 = arith.index_cast %get3A_366 : i32 to index
        %get3A_369 = arith.index_cast %get3A_367 : i32 to index
        %get3A_370 = arith.index_cast %mul3A_195 : i32 to index
        %get3A_371 = tpu.vector_load %arg7[%get3A_368, %get3A_369, %get3A_370] {strides = array<i32>} : memref<2x64x256xf32, #tpu.memory_space<vmem>>, vector<1x1x16xf32>,
        %get3A_372 = vector.shape_cast %get3A_371 : vector<1x1x16xf32> to vector<16xf32>
        %max3A_373 = arith.maximumf %max3A_364, %get3A_372 : vector<16xf32>
        %min3A_374 = arith.minimumf %min3A_365, %get3A_372 : vector<16xf32>
        %get3A_375 = arith.constant 1 : i32
        %get3A_376 = arith.constant 19 : i32
        %get3A_377 = arith.index_cast %get3A_375 : i32 to index
        %get3A_378 = arith.index_cast %get3A_376 : i32 to index
        %get3A_379 = arith.index_cast %mul3A_195 : i32 to index
        %get3A_380 = tpu.vector_load %arg7[%get3A_377, %get3A_378, %get3A_379] {strides = array<i32>} : memref<2x64x256xf32, #tpu.memory_space<vmem>>, vector<1x1x16xf32>,
        %get3A_381 = vector.shape_cast %get3A_380 : vector<1x1x16xf32> to vector<16xf32>
        %max3A_382 = arith.maximumf %max3A_373, %get3A_381 : vector<16xf32>
        %min3A_383 = arith.minimumf %min3A_374, %get3A_381 : vector<16xf32>
        %get3A_384 = arith.constant 1 : i32
        %get3A_385 = arith.constant 20 : i32
        %get3A_386 = arith.index_cast %get3A_384 : i32 to index
        %get3A_387 = arith.index_cast %get3A_385 : i32 to index
        %get3A_388 = arith.index_cast %mul3A_195 : i32 to index
        %get3A_389 = tpu.vector_load %arg7[%get3A_386, %get3A_387, %get3A_388] {strides = array<i32>} : memref<2x64x256xf32, #tpu.memory_space<vmem>>, vector<1x1x16xf32>,
        %get3A_390 = vector.shape_cast %get3A_389 : vector<1x1x16xf32> to vector<16xf32>
        %max3A_391 = arith.maximumf %max3A_382, %get3A_390 : vector<16xf32>
        %min3A_392 = arith.minimumf %min3A_383, %get3A_390 : vector<16xf32>
        %get3A_393 = arith.constant 1 : i32
        %get3A_394 = arith.constant 21 : i32
        %get3A_395 = arith.index_cast %get3A_393 : i32 to index
        %get3A_396 = arith.index_cast %get3A_394 : i32 to index
        %get3A_397 = arith.index_cast %mul3A_195 : i32 to index
        %get3A_398 = tpu.vector_load %arg7[%get3A_395, %get3A_396, %get3A_397] {strides = array<i32>} : memref<2x64x256xf32, #tpu.memory_space<vmem>>, vector<1x1x16xf32>,
        %get3A_399 = vector.shape_cast %get3A_398 : vector<1x1x16xf32> to vector<16xf32>
        %max3A_400 = arith.maximumf %max3A_391, %get3A_399 : vector<16xf32>
        %min3A_401 = arith.minimumf %min3A_392, %get3A_399 : vector<16xf32>
        %get3A_402 = arith.constant 1 : i32
        %get3A_403 = arith.constant 22 : i32
        %get3A_404 = arith.index_cast %get3A_402 : i32 to index
        %get3A_405 = arith.index_cast %get3A_403 : i32 to index
        %get3A_406 = arith.index_cast %mul3A_195 : i32 to index
        %get3A_407 = tpu.vector_load %arg7[%get3A_404, %get3A_405, %get3A_406] {strides = array<i32>} : memref<2x64x256xf32, #tpu.memory_space<vmem>>, vector<1x1x16xf32>,
        %get3A_408 = vector.shape_cast %get3A_407 : vector<1x1x16xf32> to vector<16xf32>
        %max3A_409 = arith.maximumf %max3A_400, %get3A_408 : vector<16xf32>
        %min3A_410 = arith.minimumf %min3A_401, %get3A_408 : vector<16xf32>
        %get3A_411 = arith.constant 1 : i32
        %get3A_412 = arith.constant 23 : i32
        %get3A_413 = arith.index_cast %get3A_411 : i32 to index
        %get3A_414 = arith.index_cast %get3A_412 : i32 to index
        %get3A_415 = arith.index_cast %mul3A_195 : i32 to index
        %get3A_416 = tpu.vector_load %arg7[%get3A_413, %get3A_414, %get3A_415] {strides = array<i32>} : memref<2x64x256xf32, #tpu.memory_space<vmem>>, vector<1x1x16xf32>,
        %get3A_417 = vector.shape_cast %get3A_416 : vector<1x1x16xf32> to vector<16xf32>
        %max3A_418 = arith.maximumf %max3A_409, %get3A_417 : vector<16xf32>
        %min3A_419 = arith.minimumf %min3A_410, %get3A_417 : vector<16xf32>
        %get3A_420 = arith.constant 1 : i32
        %get3A_421 = arith.constant 24 : i32
        %get3A_422 = arith.index_cast %get3A_420 : i32 to index
        %get3A_423 = arith.index_cast %get3A_421 : i32 to index
        %get3A_424 = arith.index_cast %mul3A_195 : i32 to index
        %get3A_425 = tpu.vector_load %arg7[%get3A_422, %get3A_423, %get3A_424] {strides = array<i32>} : memref<2x64x256xf32, #tpu.memory_space<vmem>>, vector<1x1x16xf32>,
        %get3A_426 = vector.shape_cast %get3A_425 : vector<1x1x16xf32> to vector<16xf32>
        %max3A_427 = arith.maximumf %max3A_418, %get3A_426 : vector<16xf32>
        %min3A_428 = arith.minimumf %min3A_419, %get3A_426 : vector<16xf32>
        %get3A_429 = arith.constant 1 : i32
        %get3A_430 = arith.constant 25 : i32
        %get3A_431 = arith.index_cast %get3A_429 : i32 to index
        %get3A_432 = arith.index_cast %get3A_430 : i32 to index
        %get3A_433 = arith.index_cast %mul3A_195 : i32 to index
        %get3A_434 = tpu.vector_load %arg7[%get3A_431, %get3A_432, %get3A_433] {strides = array<i32>} : memref<2x64x256xf32, #tpu.memory_space<vmem>>, vector<1x1x16xf32>,
        %get3A_435 = vector.shape_cast %get3A_434 : vector<1x1x16xf32> to vector<16xf32>
        %max3A_436 = arith.maximumf %max3A_427, %get3A_435 : vector<16xf32>
        %min3A_437 = arith.minimumf %min3A_428, %get3A_435 : vector<16xf32>
        %get3A_438 = arith.constant 1 : i32
        %get3A_439 = arith.constant 26 : i32
        %get3A_440 = arith.index_cast %get3A_438 : i32 to index
        %get3A_441 = arith.index_cast %get3A_439 : i32 to index
        %get3A_442 = arith.index_cast %mul3A_195 : i32 to index
        %get3A_443 = tpu.vector_load %arg7[%get3A_440, %get3A_441, %get3A_442] {strides = array<i32>} : memref<2x64x256xf32, #tpu.memory_space<vmem>>, vector<1x1x16xf32>,
        %get3A_444 = vector.shape_cast %get3A_443 : vector<1x1x16xf32> to vector<16xf32>
        %max3A_445 = arith.maximumf %max3A_436, %get3A_444 : vector<16xf32>
        %min3A_446 = arith.minimumf %min3A_437, %get3A_444 : vector<16xf32>
        %get3A_447 = arith.constant 1 : i32
        %get3A_448 = arith.constant 27 : i32
        %get3A_449 = arith.index_cast %get3A_447 : i32 to index
        %get3A_450 = arith.index_cast %get3A_448 : i32 to index
        %get3A_451 = arith.index_cast %mul3A_195 : i32 to index
        %get3A_452 = tpu.vector_load %arg7[%get3A_449, %get3A_450, %get3A_451] {strides = array<i32>} : memref<2x64x256xf32, #tpu.memory_space<vmem>>, vector<1x1x16xf32>,
        %get3A_453 = vector.shape_cast %get3A_452 : vector<1x1x16xf32> to vector<16xf32>
        %max3A_454 = arith.maximumf %max3A_445, %get3A_453 : vector<16xf32>
        %min3A_455 = arith.minimumf %min3A_446, %get3A_453 : vector<16xf32>
        %get3A_456 = arith.constant 1 : i32
        %get3A_457 = arith.constant 28 : i32
        %get3A_458 = arith.index_cast %get3A_456 : i32 to index
        %get3A_459 = arith.index_cast %get3A_457 : i32 to index
        %get3A_460 = arith.index_cast %mul3A_195 : i32 to index
        %get3A_461 = tpu.vector_load %arg7[%get3A_458, %get3A_459, %get3A_460] {strides = array<i32>} : memref<2x64x256xf32, #tpu.memory_space<vmem>>, vector<1x1x16xf32>,
        %get3A_462 = vector.shape_cast %get3A_461 : vector<1x1x16xf32> to vector<16xf32>
        %max3A_463 = arith.maximumf %max3A_454, %get3A_462 : vector<16xf32>
        %min3A_464 = arith.minimumf %min3A_455, %get3A_462 : vector<16xf32>
        %get3A_465 = arith.constant 1 : i32
        %get3A_466 = arith.constant 29 : i32
        %get3A_467 = arith.index_cast %get3A_465 : i32 to index
        %get3A_468 = arith.index_cast %get3A_466 : i32 to index
        %get3A_469 = arith.index_cast %mul3A_195 : i32 to index
        %get3A_470 = tpu.vector_load %arg7[%get3A_467, %get3A_468, %get3A_469] {strides = array<i32>} : memref<2x64x256xf32, #tpu.memory_space<vmem>>, vector<1x1x16xf32>,
        %get3A_471 = vector.shape_cast %get3A_470 : vector<1x1x16xf32> to vector<16xf32>
        %max3A_472 = arith.maximumf %max3A_463, %get3A_471 : vector<16xf32>
        %min3A_473 = arith.minimumf %min3A_464, %get3A_471 : vector<16xf32>
        %get3A_474 = arith.constant 1 : i32
        %get3A_475 = arith.constant 30 : i32
        %get3A_476 = arith.index_cast %get3A_474 : i32 to index
        %get3A_477 = arith.index_cast %get3A_475 : i32 to index
        %get3A_478 = arith.index_cast %mul3A_195 : i32 to index
        %get3A_479 = tpu.vector_load %arg7[%get3A_476, %get3A_477, %get3A_478] {strides = array<i32>} : memref<2x64x256xf32, #tpu.memory_space<vmem>>, vector<1x1x16xf32>,
        %get3A_480 = vector.shape_cast %get3A_479 : vector<1x1x16xf32> to vector<16xf32>
        %max3A_481 = arith.maximumf %max3A_472, %get3A_480 : vector<16xf32>
        %min3A_482 = arith.minimumf %min3A_473, %get3A_480 : vector<16xf32>
        %get3A_483 = arith.constant 1 : i32
        %get3A_484 = arith.constant 31 : i32
        %get3A_485 = arith.index_cast %get3A_483 : i32 to index
        %get3A_486 = arith.index_cast %get3A_484 : i32 to index
        %get3A_487 = arith.index_cast %mul3A_195 : i32 to index
        %get3A_488 = tpu.vector_load %arg7[%get3A_485, %get3A_486, %get3A_487] {strides = array<i32>} : memref<2x64x256xf32, #tpu.memory_space<vmem>>, vector<1x1x16xf32>,
        %get3A_489 = vector.shape_cast %get3A_488 : vector<1x1x16xf32> to vector<16xf32>
        %max3A_490 = arith.maximumf %max3A_481, %get3A_489 : vector<16xf32>
        %min3A_491 = arith.minimumf %min3A_482, %get3A_489 : vector<16xf32>
        %swap3A_492 = arith.constant 1 : i32
        %swap3A_493 = arith.constant 1 : i32
        %swap3A_494 = arith.index_cast %swap3A_492 : i32 to index
        %swap3A_495 = arith.index_cast %swap3A_493 : i32 to index
        %swap3A_496 = arith.index_cast %mul3A_195 : i32 to index
        %swap3A_497 = tpu.vector_load %arg8[%swap3A_494, %swap3A_495, %swap3A_496] {strides = array<i32>} : memref<2x4x256xf32, #tpu.memory_space<vmem>>, vector<1x1x16xf32>,
        %swap3A_498 = vector.shape_cast %swap3A_497 : vector<1x1x16xf32> to vector<16xf32>
        %swap3A_499 = vector.shape_cast %max3A_490 : vector<16xf32> to vector<1x1x16xf32>
        tpu.vector_store %arg8[%swap3A_494, %swap3A_495, %swap3A_496], %swap3A_499 {strides = array<i32>} : memref<2x4x256xf32, #tpu.memory_space<vmem>>, vector<1x1x16xf32>,
        %swap3A_500 = arith.constant 1 : i32
        %swap3A_501 = arith.constant 1 : i32
        %swap3A_502 = arith.index_cast %swap3A_500 : i32 to index
        %swap3A_503 = arith.index_cast %swap3A_501 : i32 to index
        %swap3A_504 = arith.index_cast %mul3A_195 : i32 to index
        %swap3A_505 = tpu.vector_load %arg9[%swap3A_502, %swap3A_503, %swap3A_504] {strides = array<i32>} : memref<2x4x256xf32, #tpu.memory_space<vmem>>, vector<1x1x16xf32>,
        %swap3A_506 = vector.shape_cast %swap3A_505 : vector<1x1x16xf32> to vector<16xf32>
        %swap3A_507 = vector.shape_cast %min3A_491 : vector<16xf32> to vector<1x1x16xf32>
        tpu.vector_store %arg9[%swap3A_502, %swap3A_503, %swap3A_504], %swap3A_507 {strides = array<i32>} : memref<2x4x256xf32, #tpu.memory_space<vmem>>, vector<1x1x16xf32>,
        %get3A_508 = arith.constant 1 : i32
        %get3A_509 = arith.constant 32 : i32
        %get3A_510 = arith.index_cast %get3A_508 : i32 to index
        %get3A_511 = arith.index_cast %get3A_509 : i32 to index
        %get3A_512 = arith.index_cast %mul3A_195 : i32 to index
        %get3A_513 = tpu.vector_load %arg7[%get3A_510, %get3A_511, %get3A_512] {strides = array<i32>} : memref<2x64x256xf32, #tpu.memory_space<vmem>>, vector<1x1x16xf32>,
        %get3A_514 = vector.shape_cast %get3A_513 : vector<1x1x16xf32> to vector<16xf32>
        %get3A_515 = arith.constant 1 : i32
        %get3A_516 = arith.constant 33 : i32
        %get3A_517 = arith.index_cast %get3A_515 : i32 to index
        %get3A_518 = arith.index_cast %get3A_516 : i32 to index
        %get3A_519 = arith.index_cast %mul3A_195 : i32 to index
        %get3A_520 = tpu.vector_load %arg7[%get3A_517, %get3A_518, %get3A_519] {strides = array<i32>} : memref<2x64x256xf32, #tpu.memory_space<vmem>>, vector<1x1x16xf32>,
        %get3A_521 = vector.shape_cast %get3A_520 : vector<1x1x16xf32> to vector<16xf32>
        %max3A_522 = arith.maximumf %get3A_514, %get3A_521 : vector<16xf32>
        %min3A_523 = arith.minimumf %get3A_514, %get3A_521 : vector<16xf32>
        %get3A_524 = arith.constant 1 : i32
        %get3A_525 = arith.constant 34 : i32
        %get3A_526 = arith.index_cast %get3A_524 : i32 to index
        %get3A_527 = arith.index_cast %get3A_525 : i32 to index
        %get3A_528 = arith.index_cast %mul3A_195 : i32 to index
        %get3A_529 = tpu.vector_load %arg7[%get3A_526, %get3A_527, %get3A_528] {strides = array<i32>} : memref<2x64x256xf32, #tpu.memory_space<vmem>>, vector<1x1x16xf32>,
        %get3A_530 = vector.shape_cast %get3A_529 : vector<1x1x16xf32> to vector<16xf32>
        %max3A_531 = arith.maximumf %max3A_522, %get3A_530 : vector<16xf32>
        %min3A_532 = arith.minimumf %min3A_523, %get3A_530 : vector<16xf32>
        %get3A_533 = arith.constant 1 : i32
        %get3A_534 = arith.constant 35 : i32
        %get3A_535 = arith.index_cast %get3A_533 : i32 to index
        %get3A_536 = arith.index_cast %get3A_534 : i32 to index
        %get3A_537 = arith.index_cast %mul3A_195 : i32 to index
        %get3A_538 = tpu.vector_load %arg7[%get3A_535, %get3A_536, %get3A_537] {strides = array<i32>} : memref<2x64x256xf32, #tpu.memory_space<vmem>>, vector<1x1x16xf32>,
        %get3A_539 = vector.shape_cast %get3A_538 : vector<1x1x16xf32> to vector<16xf32>
        %max3A_540 = arith.maximumf %max3A_531, %get3A_539 : vector<16xf32>
        %min3A_541 = arith.minimumf %min3A_532, %get3A_539 : vector<16xf32>
        %get3A_542 = arith.constant 1 : i32
        %get3A_543 = arith.constant 36 : i32
        %get3A_544 = arith.index_cast %get3A_542 : i32 to index
        %get3A_545 = arith.index_cast %get3A_543 : i32 to index
        %get3A_546 = arith.index_cast %mul3A_195 : i32 to index
        %get3A_547 = tpu.vector_load %arg7[%get3A_544, %get3A_545, %get3A_546] {strides = array<i32>} : memref<2x64x256xf32, #tpu.memory_space<vmem>>, vector<1x1x16xf32>,
        %get3A_548 = vector.shape_cast %get3A_547 : vector<1x1x16xf32> to vector<16xf32>
        %max3A_549 = arith.maximumf %max3A_540, %get3A_548 : vector<16xf32>
        %min3A_550 = arith.minimumf %min3A_541, %get3A_548 : vector<16xf32>
        %get3A_551 = arith.constant 1 : i32
        %get3A_552 = arith.constant 37 : i32
        %get3A_553 = arith.index_cast %get3A_551 : i32 to index
        %get3A_554 = arith.index_cast %get3A_552 : i32 to index
        %get3A_555 = arith.index_cast %mul3A_195 : i32 to index
        %get3A_556 = tpu.vector_load %arg7[%get3A_553, %get3A_554, %get3A_555] {strides = array<i32>} : memref<2x64x256xf32, #tpu.memory_space<vmem>>, vector<1x1x16xf32>,
        %get3A_557 = vector.shape_cast %get3A_556 : vector<1x1x16xf32> to vector<16xf32>
        %max3A_558 = arith.maximumf %max3A_549, %get3A_557 : vector<16xf32>
        %min3A_559 = arith.minimumf %min3A_550, %get3A_557 : vector<16xf32>
        %get3A_560 = arith.constant 1 : i32
        %get3A_561 = arith.constant 38 : i32
        %get3A_562 = arith.index_cast %get3A_560 : i32 to index
        %get3A_563 = arith.index_cast %get3A_561 : i32 to index
        %get3A_564 = arith.index_cast %mul3A_195 : i32 to index
        %get3A_565 = tpu.vector_load %arg7[%get3A_562, %get3A_563, %get3A_564] {strides = array<i32>} : memref<2x64x256xf32, #tpu.memory_space<vmem>>, vector<1x1x16xf32>,
        %get3A_566 = vector.shape_cast %get3A_565 : vector<1x1x16xf32> to vector<16xf32>
        %max3A_567 = arith.maximumf %max3A_558, %get3A_566 : vector<16xf32>
        %min3A_568 = arith.minimumf %min3A_559, %get3A_566 : vector<16xf32>
        %get3A_569 = arith.constant 1 : i32
        %get3A_570 = arith.constant 39 : i32
        %get3A_571 = arith.index_cast %get3A_569 : i32 to index
        %get3A_572 = arith.index_cast %get3A_570 : i32 to index
        %get3A_573 = arith.index_cast %mul3A_195 : i32 to index
        %get3A_574 = tpu.vector_load %arg7[%get3A_571, %get3A_572, %get3A_573] {strides = array<i32>} : memref<2x64x256xf32, #tpu.memory_space<vmem>>, vector<1x1x16xf32>,
        %get3A_575 = vector.shape_cast %get3A_574 : vector<1x1x16xf32> to vector<16xf32>
        %max3A_576 = arith.maximumf %max3A_567, %get3A_575 : vector<16xf32>
        %min3A_577 = arith.minimumf %min3A_568, %get3A_575 : vector<16xf32>
        %get3A_578 = arith.constant 1 : i32
        %get3A_579 = arith.constant 40 : i32
        %get3A_580 = arith.index_cast %get3A_578 : i32 to index
        %get3A_581 = arith.index_cast %get3A_579 : i32 to index
        %get3A_582 = arith.index_cast %mul3A_195 : i32 to index
        %get3A_583 = tpu.vector_load %arg7[%get3A_580, %get3A_581, %get3A_582] {strides = array<i32>} : memref<2x64x256xf32, #tpu.memory_space<vmem>>, vector<1x1x16xf32>,
        %get3A_584 = vector.shape_cast %get3A_583 : vector<1x1x16xf32> to vector<16xf32>
        %max3A_585 = arith.maximumf %max3A_576, %get3A_584 : vector<16xf32>
        %min3A_586 = arith.minimumf %min3A_577, %get3A_584 : vector<16xf32>
        %get3A_587 = arith.constant 1 : i32
        %get3A_588 = arith.constant 41 : i32
        %get3A_589 = arith.index_cast %get3A_587 : i32 to index
        %get3A_590 = arith.index_cast %get3A_588 : i32 to index
        %get3A_591 = arith.index_cast %mul3A_195 : i32 to index
        %get3A_592 = tpu.vector_load %arg7[%get3A_589, %get3A_590, %get3A_591] {strides = array<i32>} : memref<2x64x256xf32, #tpu.memory_space<vmem>>, vector<1x1x16xf32>,
        %get3A_593 = vector.shape_cast %get3A_592 : vector<1x1x16xf32> to vector<16xf32>
        %max3A_594 = arith.maximumf %max3A_585, %get3A_593 : vector<16xf32>
        %min3A_595 = arith.minimumf %min3A_586, %get3A_593 : vector<16xf32>
        %get3A_596 = arith.constant 1 : i32
        %get3A_597 = arith.constant 42 : i32
        %get3A_598 = arith.index_cast %get3A_596 : i32 to index
        %get3A_599 = arith.index_cast %get3A_597 : i32 to index
        %get3A_600 = arith.index_cast %mul3A_195 : i32 to index
        %get3A_601 = tpu.vector_load %arg7[%get3A_598, %get3A_599, %get3A_600] {strides = array<i32>} : memref<2x64x256xf32, #tpu.memory_space<vmem>>, vector<1x1x16xf32>,
        %get3A_602 = vector.shape_cast %get3A_601 : vector<1x1x16xf32> to vector<16xf32>
        %max3A_603 = arith.maximumf %max3A_594, %get3A_602 : vector<16xf32>
        %min3A_604 = arith.minimumf %min3A_595, %get3A_602 : vector<16xf32>
        %get3A_605 = arith.constant 1 : i32
        %get3A_606 = arith.constant 43 : i32
        %get3A_607 = arith.index_cast %get3A_605 : i32 to index
        %get3A_608 = arith.index_cast %get3A_606 : i32 to index
        %get3A_609 = arith.index_cast %mul3A_195 : i32 to index
        %get3A_610 = tpu.vector_load %arg7[%get3A_607, %get3A_608, %get3A_609] {strides = array<i32>} : memref<2x64x256xf32, #tpu.memory_space<vmem>>, vector<1x1x16xf32>,
        %get3A_611 = vector.shape_cast %get3A_610 : vector<1x1x16xf32> to vector<16xf32>
        %max3A_612 = arith.maximumf %max3A_603, %get3A_611 : vector<16xf32>
        %min3A_613 = arith.minimumf %min3A_604, %get3A_611 : vector<16xf32>
        %get3A_614 = arith.constant 1 : i32
        %get3A_615 = arith.constant 44 : i32
        %get3A_616 = arith.index_cast %get3A_614 : i32 to index
        %get3A_617 = arith.index_cast %get3A_615 : i32 to index
        %get3A_618 = arith.index_cast %mul3A_195 : i32 to index
        %get3A_619 = tpu.vector_load %arg7[%get3A_616, %get3A_617, %get3A_618] {strides = array<i32>} : memref<2x64x256xf32, #tpu.memory_space<vmem>>, vector<1x1x16xf32>,
        %get3A_620 = vector.shape_cast %get3A_619 : vector<1x1x16xf32> to vector<16xf32>
        %max3A_621 = arith.maximumf %max3A_612, %get3A_620 : vector<16xf32>
        %min3A_622 = arith.minimumf %min3A_613, %get3A_620 : vector<16xf32>
        %get3A_623 = arith.constant 1 : i32
        %get3A_624 = arith.constant 45 : i32
        %get3A_625 = arith.index_cast %get3A_623 : i32 to index
        %get3A_626 = arith.index_cast %get3A_624 : i32 to index
        %get3A_627 = arith.index_cast %mul3A_195 : i32 to index
        %get3A_628 = tpu.vector_load %arg7[%get3A_625, %get3A_626, %get3A_627] {strides = array<i32>} : memref<2x64x256xf32, #tpu.memory_space<vmem>>, vector<1x1x16xf32>,
        %get3A_629 = vector.shape_cast %get3A_628 : vector<1x1x16xf32> to vector<16xf32>
        %max3A_630 = arith.maximumf %max3A_621, %get3A_629 : vector<16xf32>
        %min3A_631 = arith.minimumf %min3A_622, %get3A_629 : vector<16xf32>
        %get3A_632 = arith.constant 1 : i32
        %get3A_633 = arith.constant 46 : i32
        %get3A_634 = arith.index_cast %get3A_632 : i32 to index
        %get3A_635 = arith.index_cast %get3A_633 : i32 to index
        %get3A_636 = arith.index_cast %mul3A_195 : i32 to index
        %get3A_637 = tpu.vector_load %arg7[%get3A_634, %get3A_635, %get3A_636] {strides = array<i32>} : memref<2x64x256xf32, #tpu.memory_space<vmem>>, vector<1x1x16xf32>,
        %get3A_638 = vector.shape_cast %get3A_637 : vector<1x1x16xf32> to vector<16xf32>
        %max3A_639 = arith.maximumf %max3A_630, %get3A_638 : vector<16xf32>
        %min3A_640 = arith.minimumf %min3A_631, %get3A_638 : vector<16xf32>
        %get3A_641 = arith.constant 1 : i32
        %get3A_642 = arith.constant 47 : i32
        %get3A_643 = arith.index_cast %get3A_641 : i32 to index
        %get3A_644 = arith.index_cast %get3A_642 : i32 to index
        %get3A_645 = arith.index_cast %mul3A_195 : i32 to index
        %get3A_646 = tpu.vector_load %arg7[%get3A_643, %get3A_644, %get3A_645] {strides = array<i32>} : memref<2x64x256xf32, #tpu.memory_space<vmem>>, vector<1x1x16xf32>,
        %get3A_647 = vector.shape_cast %get3A_646 : vector<1x1x16xf32> to vector<16xf32>
        %max3A_648 = arith.maximumf %max3A_639, %get3A_647 : vector<16xf32>
        %min3A_649 = arith.minimumf %min3A_640, %get3A_647 : vector<16xf32>
        %swap3A_650 = arith.constant 1 : i32
        %swap3A_651 = arith.constant 2 : i32
        %swap3A_652 = arith.index_cast %swap3A_650 : i32 to index
        %swap3A_653 = arith.index_cast %swap3A_651 : i32 to index
        %swap3A_654 = arith.index_cast %mul3A_195 : i32 to index
        %swap3A_655 = tpu.vector_load %arg8[%swap3A_652, %swap3A_653, %swap3A_654] {strides = array<i32>} : memref<2x4x256xf32, #tpu.memory_space<vmem>>, vector<1x1x16xf32>,
        %swap3A_656 = vector.shape_cast %swap3A_655 : vector<1x1x16xf32> to vector<16xf32>
        %swap3A_657 = vector.shape_cast %max3A_648 : vector<16xf32> to vector<1x1x16xf32>
        tpu.vector_store %arg8[%swap3A_652, %swap3A_653, %swap3A_654], %swap3A_657 {strides = array<i32>} : memref<2x4x256xf32, #tpu.memory_space<vmem>>, vector<1x1x16xf32>,
        %swap3A_658 = arith.constant 1 : i32
        %swap3A_659 = arith.constant 2 : i32
        %swap3A_660 = arith.index_cast %swap3A_658 : i32 to index
        %swap3A_661 = arith.index_cast %swap3A_659 : i32 to index
        %swap3A_662 = arith.index_cast %mul3A_195 : i32 to index
        %swap3A_663 = tpu.vector_load %arg9[%swap3A_660, %swap3A_661, %swap3A_662] {strides = array<i32>} : memref<2x4x256xf32, #tpu.memory_space<vmem>>, vector<1x1x16xf32>,
        %swap3A_664 = vector.shape_cast %swap3A_663 : vector<1x1x16xf32> to vector<16xf32>
        %swap3A_665 = vector.shape_cast %min3A_649 : vector<16xf32> to vector<1x1x16xf32>
        tpu.vector_store %arg9[%swap3A_660, %swap3A_661, %swap3A_662], %swap3A_665 {strides = array<i32>} : memref<2x4x256xf32, #tpu.memory_space<vmem>>, vector<1x1x16xf32>,
        %get3A_666 = arith.constant 1 : i32
        %get3A_667 = arith.constant 48 : i32
        %get3A_668 = arith.index_cast %get3A_666 : i32 to index
        %get3A_669 = arith.index_cast %get3A_667 : i32 to index
        %get3A_670 = arith.index_cast %mul3A_195 : i32 to index
        %get3A_671 = tpu.vector_load %arg7[%get3A_668, %get3A_669, %get3A_670] {strides = array<i32>} : memref<2x64x256xf32, #tpu.memory_space<vmem>>, vector<1x1x16xf32>,
        %get3A_672 = vector.shape_cast %get3A_671 : vector<1x1x16xf32> to vector<16xf32>
        %get3A_673 = arith.constant 1 : i32
        %get3A_674 = arith.constant 49 : i32
        %get3A_675 = arith.index_cast %get3A_673 : i32 to index
        %get3A_676 = arith.index_cast %get3A_674 : i32 to index
        %get3A_677 = arith.index_cast %mul3A_195 : i32 to index
        %get3A_678 = tpu.vector_load %arg7[%get3A_675, %get3A_676, %get3A_677] {strides = array<i32>} : memref<2x64x256xf32, #tpu.memory_space<vmem>>, vector<1x1x16xf32>,
        %get3A_679 = vector.shape_cast %get3A_678 : vector<1x1x16xf32> to vector<16xf32>
        %max3A_680 = arith.maximumf %get3A_672, %get3A_679 : vector<16xf32>
        %min3A_681 = arith.minimumf %get3A_672, %get3A_679 : vector<16xf32>
        %get3A_682 = arith.constant 1 : i32
        %get3A_683 = arith.constant 50 : i32
        %get3A_684 = arith.index_cast %get3A_682 : i32 to index
        %get3A_685 = arith.index_cast %get3A_683 : i32 to index
        %get3A_686 = arith.index_cast %mul3A_195 : i32 to index
        %get3A_687 = tpu.vector_load %arg7[%get3A_684, %get3A_685, %get3A_686] {strides = array<i32>} : memref<2x64x256xf32, #tpu.memory_space<vmem>>, vector<1x1x16xf32>,
        %get3A_688 = vector.shape_cast %get3A_687 : vector<1x1x16xf32> to vector<16xf32>
        %max3A_689 = arith.maximumf %max3A_680, %get3A_688 : vector<16xf32>
        %min3A_690 = arith.minimumf %min3A_681, %get3A_688 : vector<16xf32>
        %get3A_691 = arith.constant 1 : i32
        %get3A_692 = arith.constant 51 : i32
        %get3A_693 = arith.index_cast %get3A_691 : i32 to index
        %get3A_694 = arith.index_cast %get3A_692 : i32 to index
        %get3A_695 = arith.index_cast %mul3A_195 : i32 to index
        %get3A_696 = tpu.vector_load %arg7[%get3A_693, %get3A_694, %get3A_695] {strides = array<i32>} : memref<2x64x256xf32, #tpu.memory_space<vmem>>, vector<1x1x16xf32>,
        %get3A_697 = vector.shape_cast %get3A_696 : vector<1x1x16xf32> to vector<16xf32>
        %max3A_698 = arith.maximumf %max3A_689, %get3A_697 : vector<16xf32>
        %min3A_699 = arith.minimumf %min3A_690, %get3A_697 : vector<16xf32>
        %get3A_700 = arith.constant 1 : i32
        %get3A_701 = arith.constant 52 : i32
        %get3A_702 = arith.index_cast %get3A_700 : i32 to index
        %get3A_703 = arith.index_cast %get3A_701 : i32 to index
        %get3A_704 = arith.index_cast %mul3A_195 : i32 to index
        %get3A_705 = tpu.vector_load %arg7[%get3A_702, %get3A_703, %get3A_704] {strides = array<i32>} : memref<2x64x256xf32, #tpu.memory_space<vmem>>, vector<1x1x16xf32>,
        %get3A_706 = vector.shape_cast %get3A_705 : vector<1x1x16xf32> to vector<16xf32>
        %max3A_707 = arith.maximumf %max3A_698, %get3A_706 : vector<16xf32>
        %min3A_708 = arith.minimumf %min3A_699, %get3A_706 : vector<16xf32>
        %get3A_709 = arith.constant 1 : i32
        %get3A_710 = arith.constant 53 : i32
        %get3A_711 = arith.index_cast %get3A_709 : i32 to index
        %get3A_712 = arith.index_cast %get3A_710 : i32 to index
        %get3A_713 = arith.index_cast %mul3A_195 : i32 to index
        %get3A_714 = tpu.vector_load %arg7[%get3A_711, %get3A_712, %get3A_713] {strides = array<i32>} : memref<2x64x256xf32, #tpu.memory_space<vmem>>, vector<1x1x16xf32>,
        %get3A_715 = vector.shape_cast %get3A_714 : vector<1x1x16xf32> to vector<16xf32>
        %max3A_716 = arith.maximumf %max3A_707, %get3A_715 : vector<16xf32>
        %min3A_717 = arith.minimumf %min3A_708, %get3A_715 : vector<16xf32>
        %get3A_718 = arith.constant 1 : i32
        %get3A_719 = arith.constant 54 : i32
        %get3A_720 = arith.index_cast %get3A_718 : i32 to index
        %get3A_721 = arith.index_cast %get3A_719 : i32 to index
        %get3A_722 = arith.index_cast %mul3A_195 : i32 to index
        %get3A_723 = tpu.vector_load %arg7[%get3A_720, %get3A_721, %get3A_722] {strides = array<i32>} : memref<2x64x256xf32, #tpu.memory_space<vmem>>, vector<1x1x16xf32>,
        %get3A_724 = vector.shape_cast %get3A_723 : vector<1x1x16xf32> to vector<16xf32>
        %max3A_725 = arith.maximumf %max3A_716, %get3A_724 : vector<16xf32>
        %min3A_726 = arith.minimumf %min3A_717, %get3A_724 : vector<16xf32>
        %get3A_727 = arith.constant 1 : i32
        %get3A_728 = arith.constant 55 : i32
        %get3A_729 = arith.index_cast %get3A_727 : i32 to index
        %get3A_730 = arith.index_cast %get3A_728 : i32 to index
        %get3A_731 = arith.index_cast %mul3A_195 : i32 to index
        %get3A_732 = tpu.vector_load %arg7[%get3A_729, %get3A_730, %get3A_731] {strides = array<i32>} : memref<2x64x256xf32, #tpu.memory_space<vmem>>, vector<1x1x16xf32>,
        %get3A_733 = vector.shape_cast %get3A_732 : vector<1x1x16xf32> to vector<16xf32>
        %max3A_734 = arith.maximumf %max3A_725, %get3A_733 : vector<16xf32>
        %min3A_735 = arith.minimumf %min3A_726, %get3A_733 : vector<16xf32>
        %get3A_736 = arith.constant 1 : i32
        %get3A_737 = arith.constant 56 : i32
        %get3A_738 = arith.index_cast %get3A_736 : i32 to index
        %get3A_739 = arith.index_cast %get3A_737 : i32 to index
        %get3A_740 = arith.index_cast %mul3A_195 : i32 to index
        %get3A_741 = tpu.vector_load %arg7[%get3A_738, %get3A_739, %get3A_740] {strides = array<i32>} : memref<2x64x256xf32, #tpu.memory_space<vmem>>, vector<1x1x16xf32>,
        %get3A_742 = vector.shape_cast %get3A_741 : vector<1x1x16xf32> to vector<16xf32>
        %max3A_743 = arith.maximumf %max3A_734, %get3A_742 : vector<16xf32>
        %min3A_744 = arith.minimumf %min3A_735, %get3A_742 : vector<16xf32>
        %get3A_745 = arith.constant 1 : i32
        %get3A_746 = arith.constant 57 : i32
        %get3A_747 = arith.index_cast %get3A_745 : i32 to index
        %get3A_748 = arith.index_cast %get3A_746 : i32 to index
        %get3A_749 = arith.index_cast %mul3A_195 : i32 to index
        %get3A_750 = tpu.vector_load %arg7[%get3A_747, %get3A_748, %get3A_749] {strides = array<i32>} : memref<2x64x256xf32, #tpu.memory_space<vmem>>, vector<1x1x16xf32>,
        %get3A_751 = vector.shape_cast %get3A_750 : vector<1x1x16xf32> to vector<16xf32>
        %max3A_752 = arith.maximumf %max3A_743, %get3A_751 : vector<16xf32>
        %min3A_753 = arith.minimumf %min3A_744, %get3A_751 : vector<16xf32>
        %get3A_754 = arith.constant 1 : i32
        %get3A_755 = arith.constant 58 : i32
        %get3A_756 = arith.index_cast %get3A_754 : i32 to index
        %get3A_757 = arith.index_cast %get3A_755 : i32 to index
        %get3A_758 = arith.index_cast %mul3A_195 : i32 to index
        %get3A_759 = tpu.vector_load %arg7[%get3A_756, %get3A_757, %get3A_758] {strides = array<i32>} : memref<2x64x256xf32, #tpu.memory_space<vmem>>, vector<1x1x16xf32>,
        %get3A_760 = vector.shape_cast %get3A_759 : vector<1x1x16xf32> to vector<16xf32>
        %max3A_761 = arith.maximumf %max3A_752, %get3A_760 : vector<16xf32>
        %min3A_762 = arith.minimumf %min3A_753, %get3A_760 : vector<16xf32>
        %get3A_763 = arith.constant 1 : i32
        %get3A_764 = arith.constant 59 : i32
        %get3A_765 = arith.index_cast %get3A_763 : i32 to index
        %get3A_766 = arith.index_cast %get3A_764 : i32 to index
        %get3A_767 = arith.index_cast %mul3A_195 : i32 to index
        %get3A_768 = tpu.vector_load %arg7[%get3A_765, %get3A_766, %get3A_767] {strides = array<i32>} : memref<2x64x256xf32, #tpu.memory_space<vmem>>, vector<1x1x16xf32>,
        %get3A_769 = vector.shape_cast %get3A_768 : vector<1x1x16xf32> to vector<16xf32>
        %max3A_770 = arith.maximumf %max3A_761, %get3A_769 : vector<16xf32>
        %min3A_771 = arith.minimumf %min3A_762, %get3A_769 : vector<16xf32>
        %get3A_772 = arith.constant 1 : i32
        %get3A_773 = arith.constant 60 : i32
        %get3A_774 = arith.index_cast %get3A_772 : i32 to index
        %get3A_775 = arith.index_cast %get3A_773 : i32 to index
        %get3A_776 = arith.index_cast %mul3A_195 : i32 to index
        %get3A_777 = tpu.vector_load %arg7[%get3A_774, %get3A_775, %get3A_776] {strides = array<i32>} : memref<2x64x256xf32, #tpu.memory_space<vmem>>, vector<1x1x16xf32>,
        %get3A_778 = vector.shape_cast %get3A_777 : vector<1x1x16xf32> to vector<16xf32>
        %max3A_779 = arith.maximumf %max3A_770, %get3A_778 : vector<16xf32>
        %min3A_780 = arith.minimumf %min3A_771, %get3A_778 : vector<16xf32>
        %get3A_781 = arith.constant 1 : i32
        %get3A_782 = arith.constant 61 : i32
        %get3A_783 = arith.index_cast %get3A_781 : i32 to index
        %get3A_784 = arith.index_cast %get3A_782 : i32 to index
        %get3A_785 = arith.index_cast %mul3A_195 : i32 to index
        %get3A_786 = tpu.vector_load %arg7[%get3A_783, %get3A_784, %get3A_785] {strides = array<i32>} : memref<2x64x256xf32, #tpu.memory_space<vmem>>, vector<1x1x16xf32>,
        %get3A_787 = vector.shape_cast %get3A_786 : vector<1x1x16xf32> to vector<16xf32>
        %max3A_788 = arith.maximumf %max3A_779, %get3A_787 : vector<16xf32>
        %min3A_789 = arith.minimumf %min3A_780, %get3A_787 : vector<16xf32>
        %get3A_790 = arith.constant 1 : i32
        %get3A_791 = arith.constant 62 : i32
        %get3A_792 = arith.index_cast %get3A_790 : i32 to index
        %get3A_793 = arith.index_cast %get3A_791 : i32 to index
        %get3A_794 = arith.index_cast %mul3A_195 : i32 to index
        %get3A_795 = tpu.vector_load %arg7[%get3A_792, %get3A_793, %get3A_794] {strides = array<i32>} : memref<2x64x256xf32, #tpu.memory_space<vmem>>, vector<1x1x16xf32>,
        %get3A_796 = vector.shape_cast %get3A_795 : vector<1x1x16xf32> to vector<16xf32>
        %max3A_797 = arith.maximumf %max3A_788, %get3A_796 : vector<16xf32>
        %min3A_798 = arith.minimumf %min3A_789, %get3A_796 : vector<16xf32>
        %get3A_799 = arith.constant 1 : i32
        %get3A_800 = arith.constant 63 : i32
        %get3A_801 = arith.index_cast %get3A_799 : i32 to index
        %get3A_802 = arith.index_cast %get3A_800 : i32 to index
        %get3A_803 = arith.index_cast %mul3A_195 : i32 to index
        %get3A_804 = tpu.vector_load %arg7[%get3A_801, %get3A_802, %get3A_803] {strides = array<i32>} : memref<2x64x256xf32, #tpu.memory_space<vmem>>, vector<1x1x16xf32>,
        %get3A_805 = vector.shape_cast %get3A_804 : vector<1x1x16xf32> to vector<16xf32>
        %max3A_806 = arith.maximumf %max3A_797, %get3A_805 : vector<16xf32>
        %min3A_807 = arith.minimumf %min3A_798, %get3A_805 : vector<16xf32>
        %swap3A_808 = arith.constant 1 : i32
        %swap3A_809 = arith.constant 3 : i32
        %swap3A_810 = arith.index_cast %swap3A_808 : i32 to index
        %swap3A_811 = arith.index_cast %swap3A_809 : i32 to index
        %swap3A_812 = arith.index_cast %mul3A_195 : i32 to index
        %swap3A_813 = tpu.vector_load %arg8[%swap3A_810, %swap3A_811, %swap3A_812] {strides = array<i32>} : memref<2x4x256xf32, #tpu.memory_space<vmem>>, vector<1x1x16xf32>,
        %swap3A_814 = vector.shape_cast %swap3A_813 : vector<1x1x16xf32> to vector<16xf32>
        %swap3A_815 = vector.shape_cast %max3A_806 : vector<16xf32> to vector<1x1x16xf32>
        tpu.vector_store %arg8[%swap3A_810, %swap3A_811, %swap3A_812], %swap3A_815 {strides = array<i32>} : memref<2x4x256xf32, #tpu.memory_space<vmem>>, vector<1x1x16xf32>,
        %swap3A_816 = arith.constant 1 : i32
        %swap3A_817 = arith.constant 3 : i32
        %swap3A_818 = arith.index_cast %swap3A_816 : i32 to index
        %swap3A_819 = arith.index_cast %swap3A_817 : i32 to index
        %swap3A_820 = arith.index_cast %mul3A_195 : i32 to index
        %swap3A_821 = tpu.vector_load %arg9[%swap3A_818, %swap3A_819, %swap3A_820] {strides = array<i32>} : memref<2x4x256xf32, #tpu.memory_space<vmem>>, vector<1x1x16xf32>,
        %swap3A_822 = vector.shape_cast %swap3A_821 : vector<1x1x16xf32> to vector<16xf32>
        %swap3A_823 = vector.shape_cast %min3A_807 : vector<16xf32> to vector<1x1x16xf32>
        tpu.vector_store %arg9[%swap3A_818, %swap3A_819, %swap3A_820], %swap3A_823 {strides = array<i32>} : memref<2x4x256xf32, #tpu.memory_space<vmem>>, vector<1x1x16xf32>,
      }
      %scan3A_163 = arith.constant 16 : i32
      %mul3A_164 = arith.constant 4 : i32
      %mul3A_165 = arith.muli %add3A_133, %mul3A_164 : i32
      %add3A_166 = arith.addi %mul3A_2, %mul3A_165 : i32
      %dma_start3A_167 = arith.constant 1 : i32
      %dma_start3A_168 = arith.constant 0 : i32
      %dma_start3A_169 = arith.constant 0 : i32
      %dma_start3A_170 = tpu.memref_slice %arg8[%dma_start3A_167, %dma_start3A_168, %dma_start3A_169] : memref<2x4x256xf32, #tpu.memory_space<vmem>> -> memref<1x4x256xf32, #tpu.memory_space<vmem>>
      %dma_start3A_171 = tpu.memref_squeeze %dma_start3A_170 : memref<1x4x256xf32, #tpu.memory_space<vmem>> -> memref<4x256xf32, #tpu.memory_space<vmem>>
      %dma_start3A_172 = arith.constant 0 : i32
      %dma_start3A_173 = tpu.memref_slice %arg4[%add3A_166, %dma_start3A_172] : memref<32768x256xf32, #tpu.memory_space<hbm>> -> memref<4x256xf32, #tpu.memory_space<hbm>>
      %dma_start3A_174 = arith.constant 0 : i32
      %dma_start3A_175 = tpu.memref_slice %arg4[%add3A_166, %dma_start3A_174] : memref<32768x256xf32, #tpu.memory_space<hbm>> -> memref<4x256xf32, #tpu.memory_space<hbm>>
      %dma_start3A_176 = arith.constant 0 : i32
      %dma_start3A_177 = arith.constant 0 : i32
      %dma_start3A_178 = tpu.memref_slice %arg8[%dma_start3A_167, %dma_start3A_176, %dma_start3A_177] : memref<2x4x256xf32, #tpu.memory_space<vmem>> -> memref<1x4x256xf32, #tpu.memory_space<vmem>>
      %dma_start3A_179 = tpu.memref_squeeze %dma_start3A_178 : memref<1x4x256xf32, #tpu.memory_space<vmem>> -> memref<4x256xf32, #tpu.memory_space<vmem>>
      tpu.enqueue_dma source(%dma_start3A_179 : memref<4x256xf32, #tpu.memory_space<vmem>>) target(%dma_start3A_175 : memref<4x256xf32, #tpu.memory_space<hbm>>) target_semaphore(%arg12 : memref<!tpu.dma_semaphore, #tpu.memory_space<semaphore_mem>>)
      %dma_start3A_180 = arith.constant 1 : i32
      %dma_start3A_181 = arith.constant 0 : i32
      %dma_start3A_182 = arith.constant 0 : i32
      %dma_start3A_183 = tpu.memref_slice %arg9[%dma_start3A_180, %dma_start3A_181, %dma_start3A_182] : memref<2x4x256xf32, #tpu.memory_space<vmem>> -> memref<1x4x256xf32, #tpu.memory_space<vmem>>
      %dma_start3A_184 = tpu.memref_squeeze %dma_start3A_183 : memref<1x4x256xf32, #tpu.memory_space<vmem>> -> memref<4x256xf32, #tpu.memory_space<vmem>>
      %dma_start3A_185 = arith.constant 0 : i32
      %dma_start3A_186 = tpu.memref_slice %arg5[%add3A_166, %dma_start3A_185] : memref<32768x256xf32, #tpu.memory_space<hbm>> -> memref<4x256xf32, #tpu.memory_space<hbm>>
      %dma_start3A_187 = arith.constant 0 : i32
      %dma_start3A_188 = tpu.memref_slice %arg5[%add3A_166, %dma_start3A_187] : memref<32768x256xf32, #tpu.memory_space<hbm>> -> memref<4x256xf32, #tpu.memory_space<hbm>>
      %dma_start3A_189 = arith.constant 0 : i32
      %dma_start3A_190 = arith.constant 0 : i32
      %dma_start3A_191 = tpu.memref_slice %arg9[%dma_start3A_180, %dma_start3A_189, %dma_start3A_190] : memref<2x4x256xf32, #tpu.memory_space<vmem>> -> memref<1x4x256xf32, #tpu.memory_space<vmem>>
      %dma_start3A_192 = tpu.memref_squeeze %dma_start3A_191 : memref<1x4x256xf32, #tpu.memory_space<vmem>> -> memref<4x256xf32, #tpu.memory_space<vmem>>
      tpu.enqueue_dma source(%dma_start3A_192 : memref<4x256xf32, #tpu.memory_space<vmem>>) target(%dma_start3A_188 : memref<4x256xf32, #tpu.memory_space<hbm>>) target_semaphore(%arg12 : memref<!tpu.dma_semaphore, #tpu.memory_space<semaphore_mem>>)
    }
    %scan3A_18 = arith.constant 128 : i32
    %dma_wait3A = arith.constant 0 : i32
    %dma_wait3A_19 = arith.constant 0 : i32
    %dma_wait3A_20 = arith.constant 0 : i32
    %dma_wait3A_21 = tpu.memref_slice %arg8[%dma_wait3A, %dma_wait3A_19, %dma_wait3A_20] : memref<2x4x256xf32, #tpu.memory_space<vmem>> -> memref<1x4x256xf32, #tpu.memory_space<vmem>>
    %dma_wait3A_22 = tpu.memref_squeeze %dma_wait3A_21 : memref<1x4x256xf32, #tpu.memory_space<vmem>> -> memref<4x256xf32, #tpu.memory_space<vmem>>
    %dma_wait3A_23 = arith.constant 0 : i32
    %dma_wait3A_24 = tpu.memref_slice %arg4[%mul3A_2, %dma_wait3A_23] : memref<32768x256xf32, #tpu.memory_space<hbm>> -> memref<4x256xf32, #tpu.memory_space<hbm>>
    %dma_wait3A_25 = arith.constant 0 : i32
    %dma_wait3A_26 = tpu.memref_slice %arg4[%mul3A_2, %dma_wait3A_25] : memref<32768x256xf32, #tpu.memory_space<hbm>> -> memref<4x256xf32, #tpu.memory_space<hbm>>
    %dma_wait3A_27 = arith.constant 0 : i32
    %dma_wait3A_28 = arith.constant 0 : i32
    %dma_wait3A_29 = tpu.memref_slice %arg8[%dma_wait3A, %dma_wait3A_27, %dma_wait3A_28] : memref<2x4x256xf32, #tpu.memory_space<vmem>> -> memref<1x4x256xf32, #tpu.memory_space<vmem>>
    %dma_wait3A_30 = tpu.memref_squeeze %dma_wait3A_29 : memref<1x4x256xf32, #tpu.memory_space<vmem>> -> memref<4x256xf32, #tpu.memory_space<vmem>>
    tpu.wait_dma2 semaphore(%arg12 : memref<!tpu.dma_semaphore, #tpu.memory_space<semaphore_mem>>) src(%dma_wait3A_30 : memref<4x256xf32, #tpu.memory_space<vmem>>) dst(%dma_wait3A_26 : memref<4x256xf32, #tpu.memory_space<hbm>>)
    %dma_wait3A_31 = arith.constant 0 : i32
    %dma_wait3A_32 = arith.constant 0 : i32
    %dma_wait3A_33 = arith.constant 0 : i32
    %dma_wait3A_34 = tpu.memref_slice %arg9[%dma_wait3A_31, %dma_wait3A_32, %dma_wait3A_33] : memref<2x4x256xf32, #tpu.memory_space<vmem>> -> memref<1x4x256xf32, #tpu.memory_space<vmem>>
    %dma_wait3A_35 = tpu.memref_squeeze %dma_wait3A_34 : memref<1x4x256xf32, #tpu.memory_space<vmem>> -> memref<4x256xf32, #tpu.memory_space<vmem>>
    %dma_wait3A_36 = arith.constant 0 : i32
    %dma_wait3A_37 = tpu.memref_slice %arg5[%mul3A_2, %dma_wait3A_36] : memref<32768x256xf32, #tpu.memory_space<hbm>> -> memref<4x256xf32, #tpu.memory_space<hbm>>
    %dma_wait3A_38 = arith.constant 0 : i32
    %dma_wait3A_39 = tpu.memref_slice %arg5[%mul3A_2, %dma_wait3A_38] : memref<32768x256xf32, #tpu.memory_space<hbm>> -> memref<4x256xf32, #tpu.memory_space<hbm>>
    %dma_wait3A_40 = arith.constant 0 : i32
    %dma_wait3A_41 = arith.constant 0 : i32
    %dma_wait3A_42 = tpu.memref_slice %arg9[%dma_wait3A_31, %dma_wait3A_40, %dma_wait3A_41] : memref<2x4x256xf32, #tpu.memory_space<vmem>> -> memref<1x4x256xf32, #tpu.memory_space<vmem>>
    %dma_wait3A_43 = tpu.memref_squeeze %dma_wait3A_42 : memref<1x4x256xf32, #tpu.memory_space<vmem>> -> memref<4x256xf32, #tpu.memory_space<vmem>>
    tpu.wait_dma2 semaphore(%arg12 : memref<!tpu.dma_semaphore, #tpu.memory_space<semaphore_mem>>) src(%dma_wait3A_43 : memref<4x256xf32, #tpu.memory_space<vmem>>) dst(%dma_wait3A_39 : memref<4x256xf32, #tpu.memory_space<hbm>>)
    %dma_wait3A_44 = arith.constant 1 : i32
    %dma_wait3A_45 = arith.constant 0 : i32
    %dma_wait3A_46 = arith.constant 0 : i32
    %dma_wait3A_47 = tpu.memref_slice %arg8[%dma_wait3A_44, %dma_wait3A_45, %dma_wait3A_46] : memref<2x4x256xf32, #tpu.memory_space<vmem>> -> memref<1x4x256xf32, #tpu.memory_space<vmem>>
    %dma_wait3A_48 = tpu.memref_squeeze %dma_wait3A_47 : memref<1x4x256xf32, #tpu.memory_space<vmem>> -> memref<4x256xf32, #tpu.memory_space<vmem>>
    %dma_wait3A_49 = arith.constant 0 : i32
    %dma_wait3A_50 = tpu.memref_slice %arg4[%mul3A_2, %dma_wait3A_49] : memref<32768x256xf32, #tpu.memory_space<hbm>> -> memref<4x256xf32, #tpu.memory_space<hbm>>
    %dma_wait3A_51 = arith.constant 0 : i32
    %dma_wait3A_52 = tpu.memref_slice %arg4[%mul3A_2, %dma_wait3A_51] : memref<32768x256xf32, #tpu.memory_space<hbm>> -> memref<4x256xf32, #tpu.memory_space<hbm>>
    %dma_wait3A_53 = arith.constant 0 : i32
    %dma_wait3A_54 = arith.constant 0 : i32
    %dma_wait3A_55 = tpu.memref_slice %arg8[%dma_wait3A_44, %dma_wait3A_53, %dma_wait3A_54] : memref<2x4x256xf32, #tpu.memory_space<vmem>> -> memref<1x4x256xf32, #tpu.memory_space<vmem>>
    %dma_wait3A_56 = tpu.memref_squeeze %dma_wait3A_55 : memref<1x4x256xf32, #tpu.memory_space<vmem>> -> memref<4x256xf32, #tpu.memory_space<vmem>>
    tpu.wait_dma2 semaphore(%arg12 : memref<!tpu.dma_semaphore, #tpu.memory_space<semaphore_mem>>) src(%dma_wait3A_56 : memref<4x256xf32, #tpu.memory_space<vmem>>) dst(%dma_wait3A_52 : memref<4x256xf32, #tpu.memory_space<hbm>>)
    %dma_wait3A_57 = arith.constant 1 : i32
    %dma_wait3A_58 = arith.constant 0 : i32
    %dma_wait3A_59 = arith.constant 0 : i32
    %dma_wait3A_60 = tpu.memref_slice %arg9[%dma_wait3A_57, %dma_wait3A_58, %dma_wait3A_59] : memref<2x4x256xf32, #tpu.memory_space<vmem>> -> memref<1x4x256xf32, #tpu.memory_space<vmem>>
    %dma_wait3A_61 = tpu.memref_squeeze %dma_wait3A_60 : memref<1x4x256xf32, #tpu.memory_space<vmem>> -> memref<4x256xf32, #tpu.memory_space<vmem>>
    %dma_wait3A_62 = arith.constant 0 : i32
    %dma_wait3A_63 = tpu.memref_slice %arg5[%mul3A_2, %dma_wait3A_62] : memref<32768x256xf32, #tpu.memory_space<hbm>> -> memref<4x256xf32, #tpu.memory_space<hbm>>
    %dma_wait3A_64 = arith.constant 0 : i32
    %dma_wait3A_65 = tpu.memref_slice %arg5[%mul3A_2, %dma_wait3A_64] : memref<32768x256xf32, #tpu.memory_space<hbm>> -> memref<4x256xf32, #tpu.memory_space<hbm>>
    %dma_wait3A_66 = arith.constant 0 : i32
    %dma_wait3A_67 = arith.constant 0 : i32
    %dma_wait3A_68 = tpu.memref_slice %arg9[%dma_wait3A_57, %dma_wait3A_66, %dma_wait3A_67] : memref<2x4x256xf32, #tpu.memory_space<vmem>> -> memref<1x4x256xf32, #tpu.memory_space<vmem>>
    %dma_wait3A_69 = tpu.memref_squeeze %dma_wait3A_68 : memref<1x4x256xf32, #tpu.memory_space<vmem>> -> memref<4x256xf32, #tpu.memory_space<vmem>>
    tpu.wait_dma2 semaphore(%arg12 : memref<!tpu.dma_semaphore, #tpu.memory_space<semaphore_mem>>) src(%dma_wait3A_69 : memref<4x256xf32, #tpu.memory_space<vmem>>) dst(%dma_wait3A_65 : memref<4x256xf32, #tpu.memory_space<hbm>>)
    return
  }
}

module attributes {stable_mosaic.version = 14 : i64} {
  func.func @_cmin_body(%arg0: i32, %arg1: i32, %arg2: memref<256x3xf32, #tpu.memory_space<vmem>>, %arg3: memref<1x3x16x256xf32, #tpu.memory_space<vmem>>, %arg4: memref<256x256xf32, #tpu.memory_space<vmem>>) attributes {dimension_semantics = [#tpu.dimension_semantics<arbitrary>, #tpu.dimension_semantics<arbitrary>], iteration_bounds = array<i64: 8, 16>, scalar_prefetch = 0 : i64, scratch_operands = 0 : i64, tpu.core_type = #tpu.core_type<tc>, window_params = [{transform_indices = @transform_0, window_bounds = array<i64: 256, 3>}, {transform_indices = @transform_1, window_bounds = array<i64: 1, 3, 16, 256>}, {transform_indices = @transform_2, window_bounds = array<i64: 256, 256>}]} {
    %get3A = arith.constant 0 : index
    %get3A_0 = arith.constant 0 : index
    %get3A_1 = vector.load %arg2[%get3A, %get3A_0] : memref<256x3xf32, #tpu.memory_space<vmem>>, vector<256x1xf32>
    %get3A_2 = arith.constant 0 : index
    %get3A_3 = arith.constant 1 : index
    %get3A_4 = vector.load %arg2[%get3A_2, %get3A_3] : memref<256x3xf32, #tpu.memory_space<vmem>>, vector<256x1xf32>
    %get3A_5 = arith.constant 0 : index
    %get3A_6 = arith.constant 2 : index
    %get3A_7 = vector.load %arg2[%get3A_5, %get3A_6] : memref<256x3xf32, #tpu.memory_space<vmem>>, vector<256x1xf32>
    %get3A_8 = arith.constant 0 : index
    %get3A_9 = arith.constant 0 : index
    %get3A_10 = arith.constant 0 : index
    %get3A_11 = arith.constant 0 : index
    %get3A_12 = vector.load %arg3[%get3A_8, %get3A_9, %get3A_10, %get3A_11] : memref<1x3x16x256xf32, #tpu.memory_space<vmem>>, vector<1x1x1x256xf32>
    %get3A_13 = vector.shape_cast %get3A_12 : vector<1x1x1x256xf32> to vector<1x256xf32>
    %get3A_14 = arith.constant 0 : index
    %get3A_15 = arith.constant 1 : index
    %get3A_16 = arith.constant 0 : index
    %get3A_17 = arith.constant 0 : index
    %get3A_18 = vector.load %arg3[%get3A_14, %get3A_15, %get3A_16, %get3A_17] : memref<1x3x16x256xf32, #tpu.memory_space<vmem>>, vector<1x1x1x256xf32>
    %get3A_19 = vector.shape_cast %get3A_18 : vector<1x1x1x256xf32> to vector<1x256xf32>
    %get3A_20 = arith.constant 0 : index
    %get3A_21 = arith.constant 2 : index
    %get3A_22 = arith.constant 0 : index
    %get3A_23 = arith.constant 0 : index
    %get3A_24 = vector.load %arg3[%get3A_20, %get3A_21, %get3A_22, %get3A_23] : memref<1x3x16x256xf32, #tpu.memory_space<vmem>>, vector<1x1x1x256xf32>
    %get3A_25 = vector.shape_cast %get3A_24 : vector<1x1x1x256xf32> to vector<1x256xf32>
    %convert_element_type3A = arith.truncf %get3A_1 : vector<256x1xf32> to vector<256x1xbf16>
    %convert_element_type3A_26 = arith.extf %convert_element_type3A : vector<256x1xbf16> to vector<256x1xf32>
    %convert_element_type3A_27 = arith.truncf %get3A_13 : vector<1x256xf32> to vector<1x256xbf16>
    %convert_element_type3A_28 = arith.extf %convert_element_type3A_27 : vector<1x256xbf16> to vector<1x256xf32>
    %mul3A = vector.broadcast %convert_element_type3A_26 : vector<256x1xf32> to vector<256x256xf32>
    %mul3A_29 = vector.broadcast %convert_element_type3A_28 : vector<1x256xf32> to vector<256x256xf32>
    %mul3A_30 = arith.mulf %mul3A, %mul3A_29 : vector<256x256xf32>
    %convert_element_type3A_31 = arith.truncf %get3A_4 : vector<256x1xf32> to vector<256x1xbf16>
    %convert_element_type3A_32 = arith.extf %convert_element_type3A_31 : vector<256x1xbf16> to vector<256x1xf32>
    %convert_element_type3A_33 = arith.truncf %get3A_19 : vector<1x256xf32> to vector<1x256xbf16>
    %convert_element_type3A_34 = arith.extf %convert_element_type3A_33 : vector<1x256xbf16> to vector<1x256xf32>
    %mul3A_35 = vector.broadcast %convert_element_type3A_32 : vector<256x1xf32> to vector<256x256xf32>
    %mul3A_36 = vector.broadcast %convert_element_type3A_34 : vector<1x256xf32> to vector<256x256xf32>
    %mul3A_37 = arith.mulf %mul3A_35, %mul3A_36 : vector<256x256xf32>
    %add3A = arith.addf %mul3A_30, %mul3A_37 : vector<256x256xf32>
    %convert_element_type3A_38 = arith.truncf %get3A_7 : vector<256x1xf32> to vector<256x1xbf16>
    %convert_element_type3A_39 = arith.extf %convert_element_type3A_38 : vector<256x1xbf16> to vector<256x1xf32>
    %convert_element_type3A_40 = arith.truncf %get3A_25 : vector<1x256xf32> to vector<1x256xbf16>
    %convert_element_type3A_41 = arith.extf %convert_element_type3A_40 : vector<1x256xbf16> to vector<1x256xf32>
    %mul3A_42 = vector.broadcast %convert_element_type3A_39 : vector<256x1xf32> to vector<256x256xf32>
    %mul3A_43 = vector.broadcast %convert_element_type3A_41 : vector<1x256xf32> to vector<256x256xf32>
    %mul3A_44 = arith.mulf %mul3A_42, %mul3A_43 : vector<256x256xf32>
    %add3A_45 = arith.addf %add3A, %mul3A_44 : vector<256x256xf32>
    %mul3A_46 = arith.mulf %get3A_1, %get3A_1 : vector<256x1xf32>
    %mul3A_47 = arith.mulf %get3A_4, %get3A_4 : vector<256x1xf32>
    %add3A_48 = arith.addf %mul3A_46, %mul3A_47 : vector<256x1xf32>
    %mul3A_49 = arith.mulf %get3A_7, %get3A_7 : vector<256x1xf32>
    %add3A_50 = arith.addf %add3A_48, %mul3A_49 : vector<256x1xf32>
    %mul3A_51 = arith.mulf %get3A_13, %get3A_13 : vector<1x256xf32>
    %mul3A_52 = arith.mulf %get3A_19, %get3A_19 : vector<1x256xf32>
    %add3A_53 = arith.addf %mul3A_51, %mul3A_52 : vector<1x256xf32>
    %mul3A_54 = arith.mulf %get3A_25, %get3A_25 : vector<1x256xf32>
    %add3A_55 = arith.addf %add3A_53, %mul3A_54 : vector<1x256xf32>
    %mul3A_56 = arith.constant -2.000000e+00 : f32
    %mul3A_57 = vector.broadcast %mul3A_56 : f32 to vector<256x256xf32>
    %mul3A_58 = arith.mulf %mul3A_57, %add3A_45 : vector<256x256xf32>
    %add3A_59 = vector.broadcast %add3A_50 : vector<256x1xf32> to vector<256x256xf32>
    %add3A_60 = arith.addf %mul3A_58, %add3A_59 : vector<256x256xf32>
    %add3A_61 = vector.broadcast %add3A_55 : vector<1x256xf32> to vector<256x256xf32>
    %add3A_62 = arith.addf %add3A_60, %add3A_61 : vector<256x256xf32>
    %get3A_63 = arith.constant 0 : index
    %get3A_64 = arith.constant 0 : index
    %get3A_65 = arith.constant 1 : index
    %get3A_66 = arith.constant 0 : index
    %get3A_67 = vector.load %arg3[%get3A_63, %get3A_64, %get3A_65, %get3A_66] : memref<1x3x16x256xf32, #tpu.memory_space<vmem>>, vector<1x1x1x256xf32>
    %get3A_68 = vector.shape_cast %get3A_67 : vector<1x1x1x256xf32> to vector<1x256xf32>
    %get3A_69 = arith.constant 0 : index
    %get3A_70 = arith.constant 1 : index
    %get3A_71 = arith.constant 1 : index
    %get3A_72 = arith.constant 0 : index
    %get3A_73 = vector.load %arg3[%get3A_69, %get3A_70, %get3A_71, %get3A_72] : memref<1x3x16x256xf32, #tpu.memory_space<vmem>>, vector<1x1x1x256xf32>
    %get3A_74 = vector.shape_cast %get3A_73 : vector<1x1x1x256xf32> to vector<1x256xf32>
    %get3A_75 = arith.constant 0 : index
    %get3A_76 = arith.constant 2 : index
    %get3A_77 = arith.constant 1 : index
    %get3A_78 = arith.constant 0 : index
    %get3A_79 = vector.load %arg3[%get3A_75, %get3A_76, %get3A_77, %get3A_78] : memref<1x3x16x256xf32, #tpu.memory_space<vmem>>, vector<1x1x1x256xf32>
    %get3A_80 = vector.shape_cast %get3A_79 : vector<1x1x1x256xf32> to vector<1x256xf32>
    %convert_element_type3A_81 = arith.truncf %get3A_1 : vector<256x1xf32> to vector<256x1xbf16>
    %convert_element_type3A_82 = arith.extf %convert_element_type3A_81 : vector<256x1xbf16> to vector<256x1xf32>
    %convert_element_type3A_83 = arith.truncf %get3A_68 : vector<1x256xf32> to vector<1x256xbf16>
    %convert_element_type3A_84 = arith.extf %convert_element_type3A_83 : vector<1x256xbf16> to vector<1x256xf32>
    %mul3A_85 = vector.broadcast %convert_element_type3A_82 : vector<256x1xf32> to vector<256x256xf32>
    %mul3A_86 = vector.broadcast %convert_element_type3A_84 : vector<1x256xf32> to vector<256x256xf32>
    %mul3A_87 = arith.mulf %mul3A_85, %mul3A_86 : vector<256x256xf32>
    %convert_element_type3A_88 = arith.truncf %get3A_4 : vector<256x1xf32> to vector<256x1xbf16>
    %convert_element_type3A_89 = arith.extf %convert_element_type3A_88 : vector<256x1xbf16> to vector<256x1xf32>
    %convert_element_type3A_90 = arith.truncf %get3A_74 : vector<1x256xf32> to vector<1x256xbf16>
    %convert_element_type3A_91 = arith.extf %convert_element_type3A_90 : vector<1x256xbf16> to vector<1x256xf32>
    %mul3A_92 = vector.broadcast %convert_element_type3A_89 : vector<256x1xf32> to vector<256x256xf32>
    %mul3A_93 = vector.broadcast %convert_element_type3A_91 : vector<1x256xf32> to vector<256x256xf32>
    %mul3A_94 = arith.mulf %mul3A_92, %mul3A_93 : vector<256x256xf32>
    %add3A_95 = arith.addf %mul3A_87, %mul3A_94 : vector<256x256xf32>
    %convert_element_type3A_96 = arith.truncf %get3A_7 : vector<256x1xf32> to vector<256x1xbf16>
    %convert_element_type3A_97 = arith.extf %convert_element_type3A_96 : vector<256x1xbf16> to vector<256x1xf32>
    %convert_element_type3A_98 = arith.truncf %get3A_80 : vector<1x256xf32> to vector<1x256xbf16>
    %convert_element_type3A_99 = arith.extf %convert_element_type3A_98 : vector<1x256xbf16> to vector<1x256xf32>
    %mul3A_100 = vector.broadcast %convert_element_type3A_97 : vector<256x1xf32> to vector<256x256xf32>
    %mul3A_101 = vector.broadcast %convert_element_type3A_99 : vector<1x256xf32> to vector<256x256xf32>
    %mul3A_102 = arith.mulf %mul3A_100, %mul3A_101 : vector<256x256xf32>
    %add3A_103 = arith.addf %add3A_95, %mul3A_102 : vector<256x256xf32>
    %mul3A_104 = arith.mulf %get3A_1, %get3A_1 : vector<256x1xf32>
    %mul3A_105 = arith.mulf %get3A_4, %get3A_4 : vector<256x1xf32>
    %add3A_106 = arith.addf %mul3A_104, %mul3A_105 : vector<256x1xf32>
    %mul3A_107 = arith.mulf %get3A_7, %get3A_7 : vector<256x1xf32>
    %add3A_108 = arith.addf %add3A_106, %mul3A_107 : vector<256x1xf32>
    %mul3A_109 = arith.mulf %get3A_68, %get3A_68 : vector<1x256xf32>
    %mul3A_110 = arith.mulf %get3A_74, %get3A_74 : vector<1x256xf32>
    %add3A_111 = arith.addf %mul3A_109, %mul3A_110 : vector<1x256xf32>
    %mul3A_112 = arith.mulf %get3A_80, %get3A_80 : vector<1x256xf32>
    %add3A_113 = arith.addf %add3A_111, %mul3A_112 : vector<1x256xf32>
    %mul3A_114 = arith.constant -2.000000e+00 : f32
    %mul3A_115 = vector.broadcast %mul3A_114 : f32 to vector<256x256xf32>
    %mul3A_116 = arith.mulf %mul3A_115, %add3A_103 : vector<256x256xf32>
    %add3A_117 = vector.broadcast %add3A_108 : vector<256x1xf32> to vector<256x256xf32>
    %add3A_118 = arith.addf %mul3A_116, %add3A_117 : vector<256x256xf32>
    %add3A_119 = vector.broadcast %add3A_113 : vector<1x256xf32> to vector<256x256xf32>
    %add3A_120 = arith.addf %add3A_118, %add3A_119 : vector<256x256xf32>
    %min3A = arith.minimumf %add3A_62, %add3A_120 : vector<256x256xf32>
    %get3A_121 = arith.constant 0 : index
    %get3A_122 = arith.constant 0 : index
    %get3A_123 = arith.constant 2 : index
    %get3A_124 = arith.constant 0 : index
    %get3A_125 = vector.load %arg3[%get3A_121, %get3A_122, %get3A_123, %get3A_124] : memref<1x3x16x256xf32, #tpu.memory_space<vmem>>, vector<1x1x1x256xf32>
    %get3A_126 = vector.shape_cast %get3A_125 : vector<1x1x1x256xf32> to vector<1x256xf32>
    %get3A_127 = arith.constant 0 : index
    %get3A_128 = arith.constant 1 : index
    %get3A_129 = arith.constant 2 : index
    %get3A_130 = arith.constant 0 : index
    %get3A_131 = vector.load %arg3[%get3A_127, %get3A_128, %get3A_129, %get3A_130] : memref<1x3x16x256xf32, #tpu.memory_space<vmem>>, vector<1x1x1x256xf32>
    %get3A_132 = vector.shape_cast %get3A_131 : vector<1x1x1x256xf32> to vector<1x256xf32>
    %get3A_133 = arith.constant 0 : index
    %get3A_134 = arith.constant 2 : index
    %get3A_135 = arith.constant 2 : index
    %get3A_136 = arith.constant 0 : index
    %get3A_137 = vector.load %arg3[%get3A_133, %get3A_134, %get3A_135, %get3A_136] : memref<1x3x16x256xf32, #tpu.memory_space<vmem>>, vector<1x1x1x256xf32>
    %get3A_138 = vector.shape_cast %get3A_137 : vector<1x1x1x256xf32> to vector<1x256xf32>
    %convert_element_type3A_139 = arith.truncf %get3A_1 : vector<256x1xf32> to vector<256x1xbf16>
    %convert_element_type3A_140 = arith.extf %convert_element_type3A_139 : vector<256x1xbf16> to vector<256x1xf32>
    %convert_element_type3A_141 = arith.truncf %get3A_126 : vector<1x256xf32> to vector<1x256xbf16>
    %convert_element_type3A_142 = arith.extf %convert_element_type3A_141 : vector<1x256xbf16> to vector<1x256xf32>
    %mul3A_143 = vector.broadcast %convert_element_type3A_140 : vector<256x1xf32> to vector<256x256xf32>
    %mul3A_144 = vector.broadcast %convert_element_type3A_142 : vector<1x256xf32> to vector<256x256xf32>
    %mul3A_145 = arith.mulf %mul3A_143, %mul3A_144 : vector<256x256xf32>
    %convert_element_type3A_146 = arith.truncf %get3A_4 : vector<256x1xf32> to vector<256x1xbf16>
    %convert_element_type3A_147 = arith.extf %convert_element_type3A_146 : vector<256x1xbf16> to vector<256x1xf32>
    %convert_element_type3A_148 = arith.truncf %get3A_132 : vector<1x256xf32> to vector<1x256xbf16>
    %convert_element_type3A_149 = arith.extf %convert_element_type3A_148 : vector<1x256xbf16> to vector<1x256xf32>
    %mul3A_150 = vector.broadcast %convert_element_type3A_147 : vector<256x1xf32> to vector<256x256xf32>
    %mul3A_151 = vector.broadcast %convert_element_type3A_149 : vector<1x256xf32> to vector<256x256xf32>
    %mul3A_152 = arith.mulf %mul3A_150, %mul3A_151 : vector<256x256xf32>
    %add3A_153 = arith.addf %mul3A_145, %mul3A_152 : vector<256x256xf32>
    %convert_element_type3A_154 = arith.truncf %get3A_7 : vector<256x1xf32> to vector<256x1xbf16>
    %convert_element_type3A_155 = arith.extf %convert_element_type3A_154 : vector<256x1xbf16> to vector<256x1xf32>
    %convert_element_type3A_156 = arith.truncf %get3A_138 : vector<1x256xf32> to vector<1x256xbf16>
    %convert_element_type3A_157 = arith.extf %convert_element_type3A_156 : vector<1x256xbf16> to vector<1x256xf32>
    %mul3A_158 = vector.broadcast %convert_element_type3A_155 : vector<256x1xf32> to vector<256x256xf32>
    %mul3A_159 = vector.broadcast %convert_element_type3A_157 : vector<1x256xf32> to vector<256x256xf32>
    %mul3A_160 = arith.mulf %mul3A_158, %mul3A_159 : vector<256x256xf32>
    %add3A_161 = arith.addf %add3A_153, %mul3A_160 : vector<256x256xf32>
    %mul3A_162 = arith.mulf %get3A_1, %get3A_1 : vector<256x1xf32>
    %mul3A_163 = arith.mulf %get3A_4, %get3A_4 : vector<256x1xf32>
    %add3A_164 = arith.addf %mul3A_162, %mul3A_163 : vector<256x1xf32>
    %mul3A_165 = arith.mulf %get3A_7, %get3A_7 : vector<256x1xf32>
    %add3A_166 = arith.addf %add3A_164, %mul3A_165 : vector<256x1xf32>
    %mul3A_167 = arith.mulf %get3A_126, %get3A_126 : vector<1x256xf32>
    %mul3A_168 = arith.mulf %get3A_132, %get3A_132 : vector<1x256xf32>
    %add3A_169 = arith.addf %mul3A_167, %mul3A_168 : vector<1x256xf32>
    %mul3A_170 = arith.mulf %get3A_138, %get3A_138 : vector<1x256xf32>
    %add3A_171 = arith.addf %add3A_169, %mul3A_170 : vector<1x256xf32>
    %mul3A_172 = arith.constant -2.000000e+00 : f32
    %mul3A_173 = vector.broadcast %mul3A_172 : f32 to vector<256x256xf32>
    %mul3A_174 = arith.mulf %mul3A_173, %add3A_161 : vector<256x256xf32>
    %add3A_175 = vector.broadcast %add3A_166 : vector<256x1xf32> to vector<256x256xf32>
    %add3A_176 = arith.addf %mul3A_174, %add3A_175 : vector<256x256xf32>
    %add3A_177 = vector.broadcast %add3A_171 : vector<1x256xf32> to vector<256x256xf32>
    %add3A_178 = arith.addf %add3A_176, %add3A_177 : vector<256x256xf32>
    %min3A_179 = arith.minimumf %min3A, %add3A_178 : vector<256x256xf32>
    %get3A_180 = arith.constant 0 : index
    %get3A_181 = arith.constant 0 : index
    %get3A_182 = arith.constant 3 : index
    %get3A_183 = arith.constant 0 : index
    %get3A_184 = vector.load %arg3[%get3A_180, %get3A_181, %get3A_182, %get3A_183] : memref<1x3x16x256xf32, #tpu.memory_space<vmem>>, vector<1x1x1x256xf32>
    %get3A_185 = vector.shape_cast %get3A_184 : vector<1x1x1x256xf32> to vector<1x256xf32>
    %get3A_186 = arith.constant 0 : index
    %get3A_187 = arith.constant 1 : index
    %get3A_188 = arith.constant 3 : index
    %get3A_189 = arith.constant 0 : index
    %get3A_190 = vector.load %arg3[%get3A_186, %get3A_187, %get3A_188, %get3A_189] : memref<1x3x16x256xf32, #tpu.memory_space<vmem>>, vector<1x1x1x256xf32>
    %get3A_191 = vector.shape_cast %get3A_190 : vector<1x1x1x256xf32> to vector<1x256xf32>
    %get3A_192 = arith.constant 0 : index
    %get3A_193 = arith.constant 2 : index
    %get3A_194 = arith.constant 3 : index
    %get3A_195 = arith.constant 0 : index
    %get3A_196 = vector.load %arg3[%get3A_192, %get3A_193, %get3A_194, %get3A_195] : memref<1x3x16x256xf32, #tpu.memory_space<vmem>>, vector<1x1x1x256xf32>
    %get3A_197 = vector.shape_cast %get3A_196 : vector<1x1x1x256xf32> to vector<1x256xf32>
    %convert_element_type3A_198 = arith.truncf %get3A_1 : vector<256x1xf32> to vector<256x1xbf16>
    %convert_element_type3A_199 = arith.extf %convert_element_type3A_198 : vector<256x1xbf16> to vector<256x1xf32>
    %convert_element_type3A_200 = arith.truncf %get3A_185 : vector<1x256xf32> to vector<1x256xbf16>
    %convert_element_type3A_201 = arith.extf %convert_element_type3A_200 : vector<1x256xbf16> to vector<1x256xf32>
    %mul3A_202 = vector.broadcast %convert_element_type3A_199 : vector<256x1xf32> to vector<256x256xf32>
    %mul3A_203 = vector.broadcast %convert_element_type3A_201 : vector<1x256xf32> to vector<256x256xf32>
    %mul3A_204 = arith.mulf %mul3A_202, %mul3A_203 : vector<256x256xf32>
    %convert_element_type3A_205 = arith.truncf %get3A_4 : vector<256x1xf32> to vector<256x1xbf16>
    %convert_element_type3A_206 = arith.extf %convert_element_type3A_205 : vector<256x1xbf16> to vector<256x1xf32>
    %convert_element_type3A_207 = arith.truncf %get3A_191 : vector<1x256xf32> to vector<1x256xbf16>
    %convert_element_type3A_208 = arith.extf %convert_element_type3A_207 : vector<1x256xbf16> to vector<1x256xf32>
    %mul3A_209 = vector.broadcast %convert_element_type3A_206 : vector<256x1xf32> to vector<256x256xf32>
    %mul3A_210 = vector.broadcast %convert_element_type3A_208 : vector<1x256xf32> to vector<256x256xf32>
    %mul3A_211 = arith.mulf %mul3A_209, %mul3A_210 : vector<256x256xf32>
    %add3A_212 = arith.addf %mul3A_204, %mul3A_211 : vector<256x256xf32>
    %convert_element_type3A_213 = arith.truncf %get3A_7 : vector<256x1xf32> to vector<256x1xbf16>
    %convert_element_type3A_214 = arith.extf %convert_element_type3A_213 : vector<256x1xbf16> to vector<256x1xf32>
    %convert_element_type3A_215 = arith.truncf %get3A_197 : vector<1x256xf32> to vector<1x256xbf16>
    %convert_element_type3A_216 = arith.extf %convert_element_type3A_215 : vector<1x256xbf16> to vector<1x256xf32>
    %mul3A_217 = vector.broadcast %convert_element_type3A_214 : vector<256x1xf32> to vector<256x256xf32>
    %mul3A_218 = vector.broadcast %convert_element_type3A_216 : vector<1x256xf32> to vector<256x256xf32>
    %mul3A_219 = arith.mulf %mul3A_217, %mul3A_218 : vector<256x256xf32>
    %add3A_220 = arith.addf %add3A_212, %mul3A_219 : vector<256x256xf32>
    %mul3A_221 = arith.mulf %get3A_1, %get3A_1 : vector<256x1xf32>
    %mul3A_222 = arith.mulf %get3A_4, %get3A_4 : vector<256x1xf32>
    %add3A_223 = arith.addf %mul3A_221, %mul3A_222 : vector<256x1xf32>
    %mul3A_224 = arith.mulf %get3A_7, %get3A_7 : vector<256x1xf32>
    %add3A_225 = arith.addf %add3A_223, %mul3A_224 : vector<256x1xf32>
    %mul3A_226 = arith.mulf %get3A_185, %get3A_185 : vector<1x256xf32>
    %mul3A_227 = arith.mulf %get3A_191, %get3A_191 : vector<1x256xf32>
    %add3A_228 = arith.addf %mul3A_226, %mul3A_227 : vector<1x256xf32>
    %mul3A_229 = arith.mulf %get3A_197, %get3A_197 : vector<1x256xf32>
    %add3A_230 = arith.addf %add3A_228, %mul3A_229 : vector<1x256xf32>
    %mul3A_231 = arith.constant -2.000000e+00 : f32
    %mul3A_232 = vector.broadcast %mul3A_231 : f32 to vector<256x256xf32>
    %mul3A_233 = arith.mulf %mul3A_232, %add3A_220 : vector<256x256xf32>
    %add3A_234 = vector.broadcast %add3A_225 : vector<256x1xf32> to vector<256x256xf32>
    %add3A_235 = arith.addf %mul3A_233, %add3A_234 : vector<256x256xf32>
    %add3A_236 = vector.broadcast %add3A_230 : vector<1x256xf32> to vector<256x256xf32>
    %add3A_237 = arith.addf %add3A_235, %add3A_236 : vector<256x256xf32>
    %min3A_238 = arith.minimumf %min3A_179, %add3A_237 : vector<256x256xf32>
    %get3A_239 = arith.constant 0 : index
    %get3A_240 = arith.constant 0 : index
    %get3A_241 = arith.constant 4 : index
    %get3A_242 = arith.constant 0 : index
    %get3A_243 = vector.load %arg3[%get3A_239, %get3A_240, %get3A_241, %get3A_242] : memref<1x3x16x256xf32, #tpu.memory_space<vmem>>, vector<1x1x1x256xf32>
    %get3A_244 = vector.shape_cast %get3A_243 : vector<1x1x1x256xf32> to vector<1x256xf32>
    %get3A_245 = arith.constant 0 : index
    %get3A_246 = arith.constant 1 : index
    %get3A_247 = arith.constant 4 : index
    %get3A_248 = arith.constant 0 : index
    %get3A_249 = vector.load %arg3[%get3A_245, %get3A_246, %get3A_247, %get3A_248] : memref<1x3x16x256xf32, #tpu.memory_space<vmem>>, vector<1x1x1x256xf32>
    %get3A_250 = vector.shape_cast %get3A_249 : vector<1x1x1x256xf32> to vector<1x256xf32>
    %get3A_251 = arith.constant 0 : index
    %get3A_252 = arith.constant 2 : index
    %get3A_253 = arith.constant 4 : index
    %get3A_254 = arith.constant 0 : index
    %get3A_255 = vector.load %arg3[%get3A_251, %get3A_252, %get3A_253, %get3A_254] : memref<1x3x16x256xf32, #tpu.memory_space<vmem>>, vector<1x1x1x256xf32>
    %get3A_256 = vector.shape_cast %get3A_255 : vector<1x1x1x256xf32> to vector<1x256xf32>
    %convert_element_type3A_257 = arith.truncf %get3A_1 : vector<256x1xf32> to vector<256x1xbf16>
    %convert_element_type3A_258 = arith.extf %convert_element_type3A_257 : vector<256x1xbf16> to vector<256x1xf32>
    %convert_element_type3A_259 = arith.truncf %get3A_244 : vector<1x256xf32> to vector<1x256xbf16>
    %convert_element_type3A_260 = arith.extf %convert_element_type3A_259 : vector<1x256xbf16> to vector<1x256xf32>
    %mul3A_261 = vector.broadcast %convert_element_type3A_258 : vector<256x1xf32> to vector<256x256xf32>
    %mul3A_262 = vector.broadcast %convert_element_type3A_260 : vector<1x256xf32> to vector<256x256xf32>
    %mul3A_263 = arith.mulf %mul3A_261, %mul3A_262 : vector<256x256xf32>
    %convert_element_type3A_264 = arith.truncf %get3A_4 : vector<256x1xf32> to vector<256x1xbf16>
    %convert_element_type3A_265 = arith.extf %convert_element_type3A_264 : vector<256x1xbf16> to vector<256x1xf32>
    %convert_element_type3A_266 = arith.truncf %get3A_250 : vector<1x256xf32> to vector<1x256xbf16>
    %convert_element_type3A_267 = arith.extf %convert_element_type3A_266 : vector<1x256xbf16> to vector<1x256xf32>
    %mul3A_268 = vector.broadcast %convert_element_type3A_265 : vector<256x1xf32> to vector<256x256xf32>
    %mul3A_269 = vector.broadcast %convert_element_type3A_267 : vector<1x256xf32> to vector<256x256xf32>
    %mul3A_270 = arith.mulf %mul3A_268, %mul3A_269 : vector<256x256xf32>
    %add3A_271 = arith.addf %mul3A_263, %mul3A_270 : vector<256x256xf32>
    %convert_element_type3A_272 = arith.truncf %get3A_7 : vector<256x1xf32> to vector<256x1xbf16>
    %convert_element_type3A_273 = arith.extf %convert_element_type3A_272 : vector<256x1xbf16> to vector<256x1xf32>
    %convert_element_type3A_274 = arith.truncf %get3A_256 : vector<1x256xf32> to vector<1x256xbf16>
    %convert_element_type3A_275 = arith.extf %convert_element_type3A_274 : vector<1x256xbf16> to vector<1x256xf32>
    %mul3A_276 = vector.broadcast %convert_element_type3A_273 : vector<256x1xf32> to vector<256x256xf32>
    %mul3A_277 = vector.broadcast %convert_element_type3A_275 : vector<1x256xf32> to vector<256x256xf32>
    %mul3A_278 = arith.mulf %mul3A_276, %mul3A_277 : vector<256x256xf32>
    %add3A_279 = arith.addf %add3A_271, %mul3A_278 : vector<256x256xf32>
    %mul3A_280 = arith.mulf %get3A_1, %get3A_1 : vector<256x1xf32>
    %mul3A_281 = arith.mulf %get3A_4, %get3A_4 : vector<256x1xf32>
    %add3A_282 = arith.addf %mul3A_280, %mul3A_281 : vector<256x1xf32>
    %mul3A_283 = arith.mulf %get3A_7, %get3A_7 : vector<256x1xf32>
    %add3A_284 = arith.addf %add3A_282, %mul3A_283 : vector<256x1xf32>
    %mul3A_285 = arith.mulf %get3A_244, %get3A_244 : vector<1x256xf32>
    %mul3A_286 = arith.mulf %get3A_250, %get3A_250 : vector<1x256xf32>
    %add3A_287 = arith.addf %mul3A_285, %mul3A_286 : vector<1x256xf32>
    %mul3A_288 = arith.mulf %get3A_256, %get3A_256 : vector<1x256xf32>
    %add3A_289 = arith.addf %add3A_287, %mul3A_288 : vector<1x256xf32>
    %mul3A_290 = arith.constant -2.000000e+00 : f32
    %mul3A_291 = vector.broadcast %mul3A_290 : f32 to vector<256x256xf32>
    %mul3A_292 = arith.mulf %mul3A_291, %add3A_279 : vector<256x256xf32>
    %add3A_293 = vector.broadcast %add3A_284 : vector<256x1xf32> to vector<256x256xf32>
    %add3A_294 = arith.addf %mul3A_292, %add3A_293 : vector<256x256xf32>
    %add3A_295 = vector.broadcast %add3A_289 : vector<1x256xf32> to vector<256x256xf32>
    %add3A_296 = arith.addf %add3A_294, %add3A_295 : vector<256x256xf32>
    %min3A_297 = arith.minimumf %min3A_238, %add3A_296 : vector<256x256xf32>
    %get3A_298 = arith.constant 0 : index
    %get3A_299 = arith.constant 0 : index
    %get3A_300 = arith.constant 5 : index
    %get3A_301 = arith.constant 0 : index
    %get3A_302 = vector.load %arg3[%get3A_298, %get3A_299, %get3A_300, %get3A_301] : memref<1x3x16x256xf32, #tpu.memory_space<vmem>>, vector<1x1x1x256xf32>
    %get3A_303 = vector.shape_cast %get3A_302 : vector<1x1x1x256xf32> to vector<1x256xf32>
    %get3A_304 = arith.constant 0 : index
    %get3A_305 = arith.constant 1 : index
    %get3A_306 = arith.constant 5 : index
    %get3A_307 = arith.constant 0 : index
    %get3A_308 = vector.load %arg3[%get3A_304, %get3A_305, %get3A_306, %get3A_307] : memref<1x3x16x256xf32, #tpu.memory_space<vmem>>, vector<1x1x1x256xf32>
    %get3A_309 = vector.shape_cast %get3A_308 : vector<1x1x1x256xf32> to vector<1x256xf32>
    %get3A_310 = arith.constant 0 : index
    %get3A_311 = arith.constant 2 : index
    %get3A_312 = arith.constant 5 : index
    %get3A_313 = arith.constant 0 : index
    %get3A_314 = vector.load %arg3[%get3A_310, %get3A_311, %get3A_312, %get3A_313] : memref<1x3x16x256xf32, #tpu.memory_space<vmem>>, vector<1x1x1x256xf32>
    %get3A_315 = vector.shape_cast %get3A_314 : vector<1x1x1x256xf32> to vector<1x256xf32>
    %convert_element_type3A_316 = arith.truncf %get3A_1 : vector<256x1xf32> to vector<256x1xbf16>
    %convert_element_type3A_317 = arith.extf %convert_element_type3A_316 : vector<256x1xbf16> to vector<256x1xf32>
    %convert_element_type3A_318 = arith.truncf %get3A_303 : vector<1x256xf32> to vector<1x256xbf16>
    %convert_element_type3A_319 = arith.extf %convert_element_type3A_318 : vector<1x256xbf16> to vector<1x256xf32>
    %mul3A_320 = vector.broadcast %convert_element_type3A_317 : vector<256x1xf32> to vector<256x256xf32>
    %mul3A_321 = vector.broadcast %convert_element_type3A_319 : vector<1x256xf32> to vector<256x256xf32>
    %mul3A_322 = arith.mulf %mul3A_320, %mul3A_321 : vector<256x256xf32>
    %convert_element_type3A_323 = arith.truncf %get3A_4 : vector<256x1xf32> to vector<256x1xbf16>
    %convert_element_type3A_324 = arith.extf %convert_element_type3A_323 : vector<256x1xbf16> to vector<256x1xf32>
    %convert_element_type3A_325 = arith.truncf %get3A_309 : vector<1x256xf32> to vector<1x256xbf16>
    %convert_element_type3A_326 = arith.extf %convert_element_type3A_325 : vector<1x256xbf16> to vector<1x256xf32>
    %mul3A_327 = vector.broadcast %convert_element_type3A_324 : vector<256x1xf32> to vector<256x256xf32>
    %mul3A_328 = vector.broadcast %convert_element_type3A_326 : vector<1x256xf32> to vector<256x256xf32>
    %mul3A_329 = arith.mulf %mul3A_327, %mul3A_328 : vector<256x256xf32>
    %add3A_330 = arith.addf %mul3A_322, %mul3A_329 : vector<256x256xf32>
    %convert_element_type3A_331 = arith.truncf %get3A_7 : vector<256x1xf32> to vector<256x1xbf16>
    %convert_element_type3A_332 = arith.extf %convert_element_type3A_331 : vector<256x1xbf16> to vector<256x1xf32>
    %convert_element_type3A_333 = arith.truncf %get3A_315 : vector<1x256xf32> to vector<1x256xbf16>
    %convert_element_type3A_334 = arith.extf %convert_element_type3A_333 : vector<1x256xbf16> to vector<1x256xf32>
    %mul3A_335 = vector.broadcast %convert_element_type3A_332 : vector<256x1xf32> to vector<256x256xf32>
    %mul3A_336 = vector.broadcast %convert_element_type3A_334 : vector<1x256xf32> to vector<256x256xf32>
    %mul3A_337 = arith.mulf %mul3A_335, %mul3A_336 : vector<256x256xf32>
    %add3A_338 = arith.addf %add3A_330, %mul3A_337 : vector<256x256xf32>
    %mul3A_339 = arith.mulf %get3A_1, %get3A_1 : vector<256x1xf32>
    %mul3A_340 = arith.mulf %get3A_4, %get3A_4 : vector<256x1xf32>
    %add3A_341 = arith.addf %mul3A_339, %mul3A_340 : vector<256x1xf32>
    %mul3A_342 = arith.mulf %get3A_7, %get3A_7 : vector<256x1xf32>
    %add3A_343 = arith.addf %add3A_341, %mul3A_342 : vector<256x1xf32>
    %mul3A_344 = arith.mulf %get3A_303, %get3A_303 : vector<1x256xf32>
    %mul3A_345 = arith.mulf %get3A_309, %get3A_309 : vector<1x256xf32>
    %add3A_346 = arith.addf %mul3A_344, %mul3A_345 : vector<1x256xf32>
    %mul3A_347 = arith.mulf %get3A_315, %get3A_315 : vector<1x256xf32>
    %add3A_348 = arith.addf %add3A_346, %mul3A_347 : vector<1x256xf32>
    %mul3A_349 = arith.constant -2.000000e+00 : f32
    %mul3A_350 = vector.broadcast %mul3A_349 : f32 to vector<256x256xf32>
    %mul3A_351 = arith.mulf %mul3A_350, %add3A_338 : vector<256x256xf32>
    %add3A_352 = vector.broadcast %add3A_343 : vector<256x1xf32> to vector<256x256xf32>
    %add3A_353 = arith.addf %mul3A_351, %add3A_352 : vector<256x256xf32>
    %add3A_354 = vector.broadcast %add3A_348 : vector<1x256xf32> to vector<256x256xf32>
    %add3A_355 = arith.addf %add3A_353, %add3A_354 : vector<256x256xf32>
    %min3A_356 = arith.minimumf %min3A_297, %add3A_355 : vector<256x256xf32>
    %get3A_357 = arith.constant 0 : index
    %get3A_358 = arith.constant 0 : index
    %get3A_359 = arith.constant 6 : index
    %get3A_360 = arith.constant 0 : index
    %get3A_361 = vector.load %arg3[%get3A_357, %get3A_358, %get3A_359, %get3A_360] : memref<1x3x16x256xf32, #tpu.memory_space<vmem>>, vector<1x1x1x256xf32>
    %get3A_362 = vector.shape_cast %get3A_361 : vector<1x1x1x256xf32> to vector<1x256xf32>
    %get3A_363 = arith.constant 0 : index
    %get3A_364 = arith.constant 1 : index
    %get3A_365 = arith.constant 6 : index
    %get3A_366 = arith.constant 0 : index
    %get3A_367 = vector.load %arg3[%get3A_363, %get3A_364, %get3A_365, %get3A_366] : memref<1x3x16x256xf32, #tpu.memory_space<vmem>>, vector<1x1x1x256xf32>
    %get3A_368 = vector.shape_cast %get3A_367 : vector<1x1x1x256xf32> to vector<1x256xf32>
    %get3A_369 = arith.constant 0 : index
    %get3A_370 = arith.constant 2 : index
    %get3A_371 = arith.constant 6 : index
    %get3A_372 = arith.constant 0 : index
    %get3A_373 = vector.load %arg3[%get3A_369, %get3A_370, %get3A_371, %get3A_372] : memref<1x3x16x256xf32, #tpu.memory_space<vmem>>, vector<1x1x1x256xf32>
    %get3A_374 = vector.shape_cast %get3A_373 : vector<1x1x1x256xf32> to vector<1x256xf32>
    %convert_element_type3A_375 = arith.truncf %get3A_1 : vector<256x1xf32> to vector<256x1xbf16>
    %convert_element_type3A_376 = arith.extf %convert_element_type3A_375 : vector<256x1xbf16> to vector<256x1xf32>
    %convert_element_type3A_377 = arith.truncf %get3A_362 : vector<1x256xf32> to vector<1x256xbf16>
    %convert_element_type3A_378 = arith.extf %convert_element_type3A_377 : vector<1x256xbf16> to vector<1x256xf32>
    %mul3A_379 = vector.broadcast %convert_element_type3A_376 : vector<256x1xf32> to vector<256x256xf32>
    %mul3A_380 = vector.broadcast %convert_element_type3A_378 : vector<1x256xf32> to vector<256x256xf32>
    %mul3A_381 = arith.mulf %mul3A_379, %mul3A_380 : vector<256x256xf32>
    %convert_element_type3A_382 = arith.truncf %get3A_4 : vector<256x1xf32> to vector<256x1xbf16>
    %convert_element_type3A_383 = arith.extf %convert_element_type3A_382 : vector<256x1xbf16> to vector<256x1xf32>
    %convert_element_type3A_384 = arith.truncf %get3A_368 : vector<1x256xf32> to vector<1x256xbf16>
    %convert_element_type3A_385 = arith.extf %convert_element_type3A_384 : vector<1x256xbf16> to vector<1x256xf32>
    %mul3A_386 = vector.broadcast %convert_element_type3A_383 : vector<256x1xf32> to vector<256x256xf32>
    %mul3A_387 = vector.broadcast %convert_element_type3A_385 : vector<1x256xf32> to vector<256x256xf32>
    %mul3A_388 = arith.mulf %mul3A_386, %mul3A_387 : vector<256x256xf32>
    %add3A_389 = arith.addf %mul3A_381, %mul3A_388 : vector<256x256xf32>
    %convert_element_type3A_390 = arith.truncf %get3A_7 : vector<256x1xf32> to vector<256x1xbf16>
    %convert_element_type3A_391 = arith.extf %convert_element_type3A_390 : vector<256x1xbf16> to vector<256x1xf32>
    %convert_element_type3A_392 = arith.truncf %get3A_374 : vector<1x256xf32> to vector<1x256xbf16>
    %convert_element_type3A_393 = arith.extf %convert_element_type3A_392 : vector<1x256xbf16> to vector<1x256xf32>
    %mul3A_394 = vector.broadcast %convert_element_type3A_391 : vector<256x1xf32> to vector<256x256xf32>
    %mul3A_395 = vector.broadcast %convert_element_type3A_393 : vector<1x256xf32> to vector<256x256xf32>
    %mul3A_396 = arith.mulf %mul3A_394, %mul3A_395 : vector<256x256xf32>
    %add3A_397 = arith.addf %add3A_389, %mul3A_396 : vector<256x256xf32>
    %mul3A_398 = arith.mulf %get3A_1, %get3A_1 : vector<256x1xf32>
    %mul3A_399 = arith.mulf %get3A_4, %get3A_4 : vector<256x1xf32>
    %add3A_400 = arith.addf %mul3A_398, %mul3A_399 : vector<256x1xf32>
    %mul3A_401 = arith.mulf %get3A_7, %get3A_7 : vector<256x1xf32>
    %add3A_402 = arith.addf %add3A_400, %mul3A_401 : vector<256x1xf32>
    %mul3A_403 = arith.mulf %get3A_362, %get3A_362 : vector<1x256xf32>
    %mul3A_404 = arith.mulf %get3A_368, %get3A_368 : vector<1x256xf32>
    %add3A_405 = arith.addf %mul3A_403, %mul3A_404 : vector<1x256xf32>
    %mul3A_406 = arith.mulf %get3A_374, %get3A_374 : vector<1x256xf32>
    %add3A_407 = arith.addf %add3A_405, %mul3A_406 : vector<1x256xf32>
    %mul3A_408 = arith.constant -2.000000e+00 : f32
    %mul3A_409 = vector.broadcast %mul3A_408 : f32 to vector<256x256xf32>
    %mul3A_410 = arith.mulf %mul3A_409, %add3A_397 : vector<256x256xf32>
    %add3A_411 = vector.broadcast %add3A_402 : vector<256x1xf32> to vector<256x256xf32>
    %add3A_412 = arith.addf %mul3A_410, %add3A_411 : vector<256x256xf32>
    %add3A_413 = vector.broadcast %add3A_407 : vector<1x256xf32> to vector<256x256xf32>
    %add3A_414 = arith.addf %add3A_412, %add3A_413 : vector<256x256xf32>
    %min3A_415 = arith.minimumf %min3A_356, %add3A_414 : vector<256x256xf32>
    %get3A_416 = arith.constant 0 : index
    %get3A_417 = arith.constant 0 : index
    %get3A_418 = arith.constant 7 : index
    %get3A_419 = arith.constant 0 : index
    %get3A_420 = vector.load %arg3[%get3A_416, %get3A_417, %get3A_418, %get3A_419] : memref<1x3x16x256xf32, #tpu.memory_space<vmem>>, vector<1x1x1x256xf32>
    %get3A_421 = vector.shape_cast %get3A_420 : vector<1x1x1x256xf32> to vector<1x256xf32>
    %get3A_422 = arith.constant 0 : index
    %get3A_423 = arith.constant 1 : index
    %get3A_424 = arith.constant 7 : index
    %get3A_425 = arith.constant 0 : index
    %get3A_426 = vector.load %arg3[%get3A_422, %get3A_423, %get3A_424, %get3A_425] : memref<1x3x16x256xf32, #tpu.memory_space<vmem>>, vector<1x1x1x256xf32>
    %get3A_427 = vector.shape_cast %get3A_426 : vector<1x1x1x256xf32> to vector<1x256xf32>
    %get3A_428 = arith.constant 0 : index
    %get3A_429 = arith.constant 2 : index
    %get3A_430 = arith.constant 7 : index
    %get3A_431 = arith.constant 0 : index
    %get3A_432 = vector.load %arg3[%get3A_428, %get3A_429, %get3A_430, %get3A_431] : memref<1x3x16x256xf32, #tpu.memory_space<vmem>>, vector<1x1x1x256xf32>
    %get3A_433 = vector.shape_cast %get3A_432 : vector<1x1x1x256xf32> to vector<1x256xf32>
    %convert_element_type3A_434 = arith.truncf %get3A_1 : vector<256x1xf32> to vector<256x1xbf16>
    %convert_element_type3A_435 = arith.extf %convert_element_type3A_434 : vector<256x1xbf16> to vector<256x1xf32>
    %convert_element_type3A_436 = arith.truncf %get3A_421 : vector<1x256xf32> to vector<1x256xbf16>
    %convert_element_type3A_437 = arith.extf %convert_element_type3A_436 : vector<1x256xbf16> to vector<1x256xf32>
    %mul3A_438 = vector.broadcast %convert_element_type3A_435 : vector<256x1xf32> to vector<256x256xf32>
    %mul3A_439 = vector.broadcast %convert_element_type3A_437 : vector<1x256xf32> to vector<256x256xf32>
    %mul3A_440 = arith.mulf %mul3A_438, %mul3A_439 : vector<256x256xf32>
    %convert_element_type3A_441 = arith.truncf %get3A_4 : vector<256x1xf32> to vector<256x1xbf16>
    %convert_element_type3A_442 = arith.extf %convert_element_type3A_441 : vector<256x1xbf16> to vector<256x1xf32>
    %convert_element_type3A_443 = arith.truncf %get3A_427 : vector<1x256xf32> to vector<1x256xbf16>
    %convert_element_type3A_444 = arith.extf %convert_element_type3A_443 : vector<1x256xbf16> to vector<1x256xf32>
    %mul3A_445 = vector.broadcast %convert_element_type3A_442 : vector<256x1xf32> to vector<256x256xf32>
    %mul3A_446 = vector.broadcast %convert_element_type3A_444 : vector<1x256xf32> to vector<256x256xf32>
    %mul3A_447 = arith.mulf %mul3A_445, %mul3A_446 : vector<256x256xf32>
    %add3A_448 = arith.addf %mul3A_440, %mul3A_447 : vector<256x256xf32>
    %convert_element_type3A_449 = arith.truncf %get3A_7 : vector<256x1xf32> to vector<256x1xbf16>
    %convert_element_type3A_450 = arith.extf %convert_element_type3A_449 : vector<256x1xbf16> to vector<256x1xf32>
    %convert_element_type3A_451 = arith.truncf %get3A_433 : vector<1x256xf32> to vector<1x256xbf16>
    %convert_element_type3A_452 = arith.extf %convert_element_type3A_451 : vector<1x256xbf16> to vector<1x256xf32>
    %mul3A_453 = vector.broadcast %convert_element_type3A_450 : vector<256x1xf32> to vector<256x256xf32>
    %mul3A_454 = vector.broadcast %convert_element_type3A_452 : vector<1x256xf32> to vector<256x256xf32>
    %mul3A_455 = arith.mulf %mul3A_453, %mul3A_454 : vector<256x256xf32>
    %add3A_456 = arith.addf %add3A_448, %mul3A_455 : vector<256x256xf32>
    %mul3A_457 = arith.mulf %get3A_1, %get3A_1 : vector<256x1xf32>
    %mul3A_458 = arith.mulf %get3A_4, %get3A_4 : vector<256x1xf32>
    %add3A_459 = arith.addf %mul3A_457, %mul3A_458 : vector<256x1xf32>
    %mul3A_460 = arith.mulf %get3A_7, %get3A_7 : vector<256x1xf32>
    %add3A_461 = arith.addf %add3A_459, %mul3A_460 : vector<256x1xf32>
    %mul3A_462 = arith.mulf %get3A_421, %get3A_421 : vector<1x256xf32>
    %mul3A_463 = arith.mulf %get3A_427, %get3A_427 : vector<1x256xf32>
    %add3A_464 = arith.addf %mul3A_462, %mul3A_463 : vector<1x256xf32>
    %mul3A_465 = arith.mulf %get3A_433, %get3A_433 : vector<1x256xf32>
    %add3A_466 = arith.addf %add3A_464, %mul3A_465 : vector<1x256xf32>
    %mul3A_467 = arith.constant -2.000000e+00 : f32
    %mul3A_468 = vector.broadcast %mul3A_467 : f32 to vector<256x256xf32>
    %mul3A_469 = arith.mulf %mul3A_468, %add3A_456 : vector<256x256xf32>
    %add3A_470 = vector.broadcast %add3A_461 : vector<256x1xf32> to vector<256x256xf32>
    %add3A_471 = arith.addf %mul3A_469, %add3A_470 : vector<256x256xf32>
    %add3A_472 = vector.broadcast %add3A_466 : vector<1x256xf32> to vector<256x256xf32>
    %add3A_473 = arith.addf %add3A_471, %add3A_472 : vector<256x256xf32>
    %min3A_474 = arith.minimumf %min3A_415, %add3A_473 : vector<256x256xf32>
    %get3A_475 = arith.constant 0 : index
    %get3A_476 = arith.constant 0 : index
    %get3A_477 = arith.constant 8 : index
    %get3A_478 = arith.constant 0 : index
    %get3A_479 = vector.load %arg3[%get3A_475, %get3A_476, %get3A_477, %get3A_478] : memref<1x3x16x256xf32, #tpu.memory_space<vmem>>, vector<1x1x1x256xf32>
    %get3A_480 = vector.shape_cast %get3A_479 : vector<1x1x1x256xf32> to vector<1x256xf32>
    %get3A_481 = arith.constant 0 : index
    %get3A_482 = arith.constant 1 : index
    %get3A_483 = arith.constant 8 : index
    %get3A_484 = arith.constant 0 : index
    %get3A_485 = vector.load %arg3[%get3A_481, %get3A_482, %get3A_483, %get3A_484] : memref<1x3x16x256xf32, #tpu.memory_space<vmem>>, vector<1x1x1x256xf32>
    %get3A_486 = vector.shape_cast %get3A_485 : vector<1x1x1x256xf32> to vector<1x256xf32>
    %get3A_487 = arith.constant 0 : index
    %get3A_488 = arith.constant 2 : index
    %get3A_489 = arith.constant 8 : index
    %get3A_490 = arith.constant 0 : index
    %get3A_491 = vector.load %arg3[%get3A_487, %get3A_488, %get3A_489, %get3A_490] : memref<1x3x16x256xf32, #tpu.memory_space<vmem>>, vector<1x1x1x256xf32>
    %get3A_492 = vector.shape_cast %get3A_491 : vector<1x1x1x256xf32> to vector<1x256xf32>
    %convert_element_type3A_493 = arith.truncf %get3A_1 : vector<256x1xf32> to vector<256x1xbf16>
    %convert_element_type3A_494 = arith.extf %convert_element_type3A_493 : vector<256x1xbf16> to vector<256x1xf32>
    %convert_element_type3A_495 = arith.truncf %get3A_480 : vector<1x256xf32> to vector<1x256xbf16>
    %convert_element_type3A_496 = arith.extf %convert_element_type3A_495 : vector<1x256xbf16> to vector<1x256xf32>
    %mul3A_497 = vector.broadcast %convert_element_type3A_494 : vector<256x1xf32> to vector<256x256xf32>
    %mul3A_498 = vector.broadcast %convert_element_type3A_496 : vector<1x256xf32> to vector<256x256xf32>
    %mul3A_499 = arith.mulf %mul3A_497, %mul3A_498 : vector<256x256xf32>
    %convert_element_type3A_500 = arith.truncf %get3A_4 : vector<256x1xf32> to vector<256x1xbf16>
    %convert_element_type3A_501 = arith.extf %convert_element_type3A_500 : vector<256x1xbf16> to vector<256x1xf32>
    %convert_element_type3A_502 = arith.truncf %get3A_486 : vector<1x256xf32> to vector<1x256xbf16>
    %convert_element_type3A_503 = arith.extf %convert_element_type3A_502 : vector<1x256xbf16> to vector<1x256xf32>
    %mul3A_504 = vector.broadcast %convert_element_type3A_501 : vector<256x1xf32> to vector<256x256xf32>
    %mul3A_505 = vector.broadcast %convert_element_type3A_503 : vector<1x256xf32> to vector<256x256xf32>
    %mul3A_506 = arith.mulf %mul3A_504, %mul3A_505 : vector<256x256xf32>
    %add3A_507 = arith.addf %mul3A_499, %mul3A_506 : vector<256x256xf32>
    %convert_element_type3A_508 = arith.truncf %get3A_7 : vector<256x1xf32> to vector<256x1xbf16>
    %convert_element_type3A_509 = arith.extf %convert_element_type3A_508 : vector<256x1xbf16> to vector<256x1xf32>
    %convert_element_type3A_510 = arith.truncf %get3A_492 : vector<1x256xf32> to vector<1x256xbf16>
    %convert_element_type3A_511 = arith.extf %convert_element_type3A_510 : vector<1x256xbf16> to vector<1x256xf32>
    %mul3A_512 = vector.broadcast %convert_element_type3A_509 : vector<256x1xf32> to vector<256x256xf32>
    %mul3A_513 = vector.broadcast %convert_element_type3A_511 : vector<1x256xf32> to vector<256x256xf32>
    %mul3A_514 = arith.mulf %mul3A_512, %mul3A_513 : vector<256x256xf32>
    %add3A_515 = arith.addf %add3A_507, %mul3A_514 : vector<256x256xf32>
    %mul3A_516 = arith.mulf %get3A_1, %get3A_1 : vector<256x1xf32>
    %mul3A_517 = arith.mulf %get3A_4, %get3A_4 : vector<256x1xf32>
    %add3A_518 = arith.addf %mul3A_516, %mul3A_517 : vector<256x1xf32>
    %mul3A_519 = arith.mulf %get3A_7, %get3A_7 : vector<256x1xf32>
    %add3A_520 = arith.addf %add3A_518, %mul3A_519 : vector<256x1xf32>
    %mul3A_521 = arith.mulf %get3A_480, %get3A_480 : vector<1x256xf32>
    %mul3A_522 = arith.mulf %get3A_486, %get3A_486 : vector<1x256xf32>
    %add3A_523 = arith.addf %mul3A_521, %mul3A_522 : vector<1x256xf32>
    %mul3A_524 = arith.mulf %get3A_492, %get3A_492 : vector<1x256xf32>
    %add3A_525 = arith.addf %add3A_523, %mul3A_524 : vector<1x256xf32>
    %mul3A_526 = arith.constant -2.000000e+00 : f32
    %mul3A_527 = vector.broadcast %mul3A_526 : f32 to vector<256x256xf32>
    %mul3A_528 = arith.mulf %mul3A_527, %add3A_515 : vector<256x256xf32>
    %add3A_529 = vector.broadcast %add3A_520 : vector<256x1xf32> to vector<256x256xf32>
    %add3A_530 = arith.addf %mul3A_528, %add3A_529 : vector<256x256xf32>
    %add3A_531 = vector.broadcast %add3A_525 : vector<1x256xf32> to vector<256x256xf32>
    %add3A_532 = arith.addf %add3A_530, %add3A_531 : vector<256x256xf32>
    %min3A_533 = arith.minimumf %min3A_474, %add3A_532 : vector<256x256xf32>
    %get3A_534 = arith.constant 0 : index
    %get3A_535 = arith.constant 0 : index
    %get3A_536 = arith.constant 9 : index
    %get3A_537 = arith.constant 0 : index
    %get3A_538 = vector.load %arg3[%get3A_534, %get3A_535, %get3A_536, %get3A_537] : memref<1x3x16x256xf32, #tpu.memory_space<vmem>>, vector<1x1x1x256xf32>
    %get3A_539 = vector.shape_cast %get3A_538 : vector<1x1x1x256xf32> to vector<1x256xf32>
    %get3A_540 = arith.constant 0 : index
    %get3A_541 = arith.constant 1 : index
    %get3A_542 = arith.constant 9 : index
    %get3A_543 = arith.constant 0 : index
    %get3A_544 = vector.load %arg3[%get3A_540, %get3A_541, %get3A_542, %get3A_543] : memref<1x3x16x256xf32, #tpu.memory_space<vmem>>, vector<1x1x1x256xf32>
    %get3A_545 = vector.shape_cast %get3A_544 : vector<1x1x1x256xf32> to vector<1x256xf32>
    %get3A_546 = arith.constant 0 : index
    %get3A_547 = arith.constant 2 : index
    %get3A_548 = arith.constant 9 : index
    %get3A_549 = arith.constant 0 : index
    %get3A_550 = vector.load %arg3[%get3A_546, %get3A_547, %get3A_548, %get3A_549] : memref<1x3x16x256xf32, #tpu.memory_space<vmem>>, vector<1x1x1x256xf32>
    %get3A_551 = vector.shape_cast %get3A_550 : vector<1x1x1x256xf32> to vector<1x256xf32>
    %convert_element_type3A_552 = arith.truncf %get3A_1 : vector<256x1xf32> to vector<256x1xbf16>
    %convert_element_type3A_553 = arith.extf %convert_element_type3A_552 : vector<256x1xbf16> to vector<256x1xf32>
    %convert_element_type3A_554 = arith.truncf %get3A_539 : vector<1x256xf32> to vector<1x256xbf16>
    %convert_element_type3A_555 = arith.extf %convert_element_type3A_554 : vector<1x256xbf16> to vector<1x256xf32>
    %mul3A_556 = vector.broadcast %convert_element_type3A_553 : vector<256x1xf32> to vector<256x256xf32>
    %mul3A_557 = vector.broadcast %convert_element_type3A_555 : vector<1x256xf32> to vector<256x256xf32>
    %mul3A_558 = arith.mulf %mul3A_556, %mul3A_557 : vector<256x256xf32>
    %convert_element_type3A_559 = arith.truncf %get3A_4 : vector<256x1xf32> to vector<256x1xbf16>
    %convert_element_type3A_560 = arith.extf %convert_element_type3A_559 : vector<256x1xbf16> to vector<256x1xf32>
    %convert_element_type3A_561 = arith.truncf %get3A_545 : vector<1x256xf32> to vector<1x256xbf16>
    %convert_element_type3A_562 = arith.extf %convert_element_type3A_561 : vector<1x256xbf16> to vector<1x256xf32>
    %mul3A_563 = vector.broadcast %convert_element_type3A_560 : vector<256x1xf32> to vector<256x256xf32>
    %mul3A_564 = vector.broadcast %convert_element_type3A_562 : vector<1x256xf32> to vector<256x256xf32>
    %mul3A_565 = arith.mulf %mul3A_563, %mul3A_564 : vector<256x256xf32>
    %add3A_566 = arith.addf %mul3A_558, %mul3A_565 : vector<256x256xf32>
    %convert_element_type3A_567 = arith.truncf %get3A_7 : vector<256x1xf32> to vector<256x1xbf16>
    %convert_element_type3A_568 = arith.extf %convert_element_type3A_567 : vector<256x1xbf16> to vector<256x1xf32>
    %convert_element_type3A_569 = arith.truncf %get3A_551 : vector<1x256xf32> to vector<1x256xbf16>
    %convert_element_type3A_570 = arith.extf %convert_element_type3A_569 : vector<1x256xbf16> to vector<1x256xf32>
    %mul3A_571 = vector.broadcast %convert_element_type3A_568 : vector<256x1xf32> to vector<256x256xf32>
    %mul3A_572 = vector.broadcast %convert_element_type3A_570 : vector<1x256xf32> to vector<256x256xf32>
    %mul3A_573 = arith.mulf %mul3A_571, %mul3A_572 : vector<256x256xf32>
    %add3A_574 = arith.addf %add3A_566, %mul3A_573 : vector<256x256xf32>
    %mul3A_575 = arith.mulf %get3A_1, %get3A_1 : vector<256x1xf32>
    %mul3A_576 = arith.mulf %get3A_4, %get3A_4 : vector<256x1xf32>
    %add3A_577 = arith.addf %mul3A_575, %mul3A_576 : vector<256x1xf32>
    %mul3A_578 = arith.mulf %get3A_7, %get3A_7 : vector<256x1xf32>
    %add3A_579 = arith.addf %add3A_577, %mul3A_578 : vector<256x1xf32>
    %mul3A_580 = arith.mulf %get3A_539, %get3A_539 : vector<1x256xf32>
    %mul3A_581 = arith.mulf %get3A_545, %get3A_545 : vector<1x256xf32>
    %add3A_582 = arith.addf %mul3A_580, %mul3A_581 : vector<1x256xf32>
    %mul3A_583 = arith.mulf %get3A_551, %get3A_551 : vector<1x256xf32>
    %add3A_584 = arith.addf %add3A_582, %mul3A_583 : vector<1x256xf32>
    %mul3A_585 = arith.constant -2.000000e+00 : f32
    %mul3A_586 = vector.broadcast %mul3A_585 : f32 to vector<256x256xf32>
    %mul3A_587 = arith.mulf %mul3A_586, %add3A_574 : vector<256x256xf32>
    %add3A_588 = vector.broadcast %add3A_579 : vector<256x1xf32> to vector<256x256xf32>
    %add3A_589 = arith.addf %mul3A_587, %add3A_588 : vector<256x256xf32>
    %add3A_590 = vector.broadcast %add3A_584 : vector<1x256xf32> to vector<256x256xf32>
    %add3A_591 = arith.addf %add3A_589, %add3A_590 : vector<256x256xf32>
    %min3A_592 = arith.minimumf %min3A_533, %add3A_591 : vector<256x256xf32>
    %get3A_593 = arith.constant 0 : index
    %get3A_594 = arith.constant 0 : index
    %get3A_595 = arith.constant 10 : index
    %get3A_596 = arith.constant 0 : index
    %get3A_597 = vector.load %arg3[%get3A_593, %get3A_594, %get3A_595, %get3A_596] : memref<1x3x16x256xf32, #tpu.memory_space<vmem>>, vector<1x1x1x256xf32>
    %get3A_598 = vector.shape_cast %get3A_597 : vector<1x1x1x256xf32> to vector<1x256xf32>
    %get3A_599 = arith.constant 0 : index
    %get3A_600 = arith.constant 1 : index
    %get3A_601 = arith.constant 10 : index
    %get3A_602 = arith.constant 0 : index
    %get3A_603 = vector.load %arg3[%get3A_599, %get3A_600, %get3A_601, %get3A_602] : memref<1x3x16x256xf32, #tpu.memory_space<vmem>>, vector<1x1x1x256xf32>
    %get3A_604 = vector.shape_cast %get3A_603 : vector<1x1x1x256xf32> to vector<1x256xf32>
    %get3A_605 = arith.constant 0 : index
    %get3A_606 = arith.constant 2 : index
    %get3A_607 = arith.constant 10 : index
    %get3A_608 = arith.constant 0 : index
    %get3A_609 = vector.load %arg3[%get3A_605, %get3A_606, %get3A_607, %get3A_608] : memref<1x3x16x256xf32, #tpu.memory_space<vmem>>, vector<1x1x1x256xf32>
    %get3A_610 = vector.shape_cast %get3A_609 : vector<1x1x1x256xf32> to vector<1x256xf32>
    %convert_element_type3A_611 = arith.truncf %get3A_1 : vector<256x1xf32> to vector<256x1xbf16>
    %convert_element_type3A_612 = arith.extf %convert_element_type3A_611 : vector<256x1xbf16> to vector<256x1xf32>
    %convert_element_type3A_613 = arith.truncf %get3A_598 : vector<1x256xf32> to vector<1x256xbf16>
    %convert_element_type3A_614 = arith.extf %convert_element_type3A_613 : vector<1x256xbf16> to vector<1x256xf32>
    %mul3A_615 = vector.broadcast %convert_element_type3A_612 : vector<256x1xf32> to vector<256x256xf32>
    %mul3A_616 = vector.broadcast %convert_element_type3A_614 : vector<1x256xf32> to vector<256x256xf32>
    %mul3A_617 = arith.mulf %mul3A_615, %mul3A_616 : vector<256x256xf32>
    %convert_element_type3A_618 = arith.truncf %get3A_4 : vector<256x1xf32> to vector<256x1xbf16>
    %convert_element_type3A_619 = arith.extf %convert_element_type3A_618 : vector<256x1xbf16> to vector<256x1xf32>
    %convert_element_type3A_620 = arith.truncf %get3A_604 : vector<1x256xf32> to vector<1x256xbf16>
    %convert_element_type3A_621 = arith.extf %convert_element_type3A_620 : vector<1x256xbf16> to vector<1x256xf32>
    %mul3A_622 = vector.broadcast %convert_element_type3A_619 : vector<256x1xf32> to vector<256x256xf32>
    %mul3A_623 = vector.broadcast %convert_element_type3A_621 : vector<1x256xf32> to vector<256x256xf32>
    %mul3A_624 = arith.mulf %mul3A_622, %mul3A_623 : vector<256x256xf32>
    %add3A_625 = arith.addf %mul3A_617, %mul3A_624 : vector<256x256xf32>
    %convert_element_type3A_626 = arith.truncf %get3A_7 : vector<256x1xf32> to vector<256x1xbf16>
    %convert_element_type3A_627 = arith.extf %convert_element_type3A_626 : vector<256x1xbf16> to vector<256x1xf32>
    %convert_element_type3A_628 = arith.truncf %get3A_610 : vector<1x256xf32> to vector<1x256xbf16>
    %convert_element_type3A_629 = arith.extf %convert_element_type3A_628 : vector<1x256xbf16> to vector<1x256xf32>
    %mul3A_630 = vector.broadcast %convert_element_type3A_627 : vector<256x1xf32> to vector<256x256xf32>
    %mul3A_631 = vector.broadcast %convert_element_type3A_629 : vector<1x256xf32> to vector<256x256xf32>
    %mul3A_632 = arith.mulf %mul3A_630, %mul3A_631 : vector<256x256xf32>
    %add3A_633 = arith.addf %add3A_625, %mul3A_632 : vector<256x256xf32>
    %mul3A_634 = arith.mulf %get3A_1, %get3A_1 : vector<256x1xf32>
    %mul3A_635 = arith.mulf %get3A_4, %get3A_4 : vector<256x1xf32>
    %add3A_636 = arith.addf %mul3A_634, %mul3A_635 : vector<256x1xf32>
    %mul3A_637 = arith.mulf %get3A_7, %get3A_7 : vector<256x1xf32>
    %add3A_638 = arith.addf %add3A_636, %mul3A_637 : vector<256x1xf32>
    %mul3A_639 = arith.mulf %get3A_598, %get3A_598 : vector<1x256xf32>
    %mul3A_640 = arith.mulf %get3A_604, %get3A_604 : vector<1x256xf32>
    %add3A_641 = arith.addf %mul3A_639, %mul3A_640 : vector<1x256xf32>
    %mul3A_642 = arith.mulf %get3A_610, %get3A_610 : vector<1x256xf32>
    %add3A_643 = arith.addf %add3A_641, %mul3A_642 : vector<1x256xf32>
    %mul3A_644 = arith.constant -2.000000e+00 : f32
    %mul3A_645 = vector.broadcast %mul3A_644 : f32 to vector<256x256xf32>
    %mul3A_646 = arith.mulf %mul3A_645, %add3A_633 : vector<256x256xf32>
    %add3A_647 = vector.broadcast %add3A_638 : vector<256x1xf32> to vector<256x256xf32>
    %add3A_648 = arith.addf %mul3A_646, %add3A_647 : vector<256x256xf32>
    %add3A_649 = vector.broadcast %add3A_643 : vector<1x256xf32> to vector<256x256xf32>
    %add3A_650 = arith.addf %add3A_648, %add3A_649 : vector<256x256xf32>
    %min3A_651 = arith.minimumf %min3A_592, %add3A_650 : vector<256x256xf32>
    %get3A_652 = arith.constant 0 : index
    %get3A_653 = arith.constant 0 : index
    %get3A_654 = arith.constant 11 : index
    %get3A_655 = arith.constant 0 : index
    %get3A_656 = vector.load %arg3[%get3A_652, %get3A_653, %get3A_654, %get3A_655] : memref<1x3x16x256xf32, #tpu.memory_space<vmem>>, vector<1x1x1x256xf32>
    %get3A_657 = vector.shape_cast %get3A_656 : vector<1x1x1x256xf32> to vector<1x256xf32>
    %get3A_658 = arith.constant 0 : index
    %get3A_659 = arith.constant 1 : index
    %get3A_660 = arith.constant 11 : index
    %get3A_661 = arith.constant 0 : index
    %get3A_662 = vector.load %arg3[%get3A_658, %get3A_659, %get3A_660, %get3A_661] : memref<1x3x16x256xf32, #tpu.memory_space<vmem>>, vector<1x1x1x256xf32>
    %get3A_663 = vector.shape_cast %get3A_662 : vector<1x1x1x256xf32> to vector<1x256xf32>
    %get3A_664 = arith.constant 0 : index
    %get3A_665 = arith.constant 2 : index
    %get3A_666 = arith.constant 11 : index
    %get3A_667 = arith.constant 0 : index
    %get3A_668 = vector.load %arg3[%get3A_664, %get3A_665, %get3A_666, %get3A_667] : memref<1x3x16x256xf32, #tpu.memory_space<vmem>>, vector<1x1x1x256xf32>
    %get3A_669 = vector.shape_cast %get3A_668 : vector<1x1x1x256xf32> to vector<1x256xf32>
    %convert_element_type3A_670 = arith.truncf %get3A_1 : vector<256x1xf32> to vector<256x1xbf16>
    %convert_element_type3A_671 = arith.extf %convert_element_type3A_670 : vector<256x1xbf16> to vector<256x1xf32>
    %convert_element_type3A_672 = arith.truncf %get3A_657 : vector<1x256xf32> to vector<1x256xbf16>
    %convert_element_type3A_673 = arith.extf %convert_element_type3A_672 : vector<1x256xbf16> to vector<1x256xf32>
    %mul3A_674 = vector.broadcast %convert_element_type3A_671 : vector<256x1xf32> to vector<256x256xf32>
    %mul3A_675 = vector.broadcast %convert_element_type3A_673 : vector<1x256xf32> to vector<256x256xf32>
    %mul3A_676 = arith.mulf %mul3A_674, %mul3A_675 : vector<256x256xf32>
    %convert_element_type3A_677 = arith.truncf %get3A_4 : vector<256x1xf32> to vector<256x1xbf16>
    %convert_element_type3A_678 = arith.extf %convert_element_type3A_677 : vector<256x1xbf16> to vector<256x1xf32>
    %convert_element_type3A_679 = arith.truncf %get3A_663 : vector<1x256xf32> to vector<1x256xbf16>
    %convert_element_type3A_680 = arith.extf %convert_element_type3A_679 : vector<1x256xbf16> to vector<1x256xf32>
    %mul3A_681 = vector.broadcast %convert_element_type3A_678 : vector<256x1xf32> to vector<256x256xf32>
    %mul3A_682 = vector.broadcast %convert_element_type3A_680 : vector<1x256xf32> to vector<256x256xf32>
    %mul3A_683 = arith.mulf %mul3A_681, %mul3A_682 : vector<256x256xf32>
    %add3A_684 = arith.addf %mul3A_676, %mul3A_683 : vector<256x256xf32>
    %convert_element_type3A_685 = arith.truncf %get3A_7 : vector<256x1xf32> to vector<256x1xbf16>
    %convert_element_type3A_686 = arith.extf %convert_element_type3A_685 : vector<256x1xbf16> to vector<256x1xf32>
    %convert_element_type3A_687 = arith.truncf %get3A_669 : vector<1x256xf32> to vector<1x256xbf16>
    %convert_element_type3A_688 = arith.extf %convert_element_type3A_687 : vector<1x256xbf16> to vector<1x256xf32>
    %mul3A_689 = vector.broadcast %convert_element_type3A_686 : vector<256x1xf32> to vector<256x256xf32>
    %mul3A_690 = vector.broadcast %convert_element_type3A_688 : vector<1x256xf32> to vector<256x256xf32>
    %mul3A_691 = arith.mulf %mul3A_689, %mul3A_690 : vector<256x256xf32>
    %add3A_692 = arith.addf %add3A_684, %mul3A_691 : vector<256x256xf32>
    %mul3A_693 = arith.mulf %get3A_1, %get3A_1 : vector<256x1xf32>
    %mul3A_694 = arith.mulf %get3A_4, %get3A_4 : vector<256x1xf32>
    %add3A_695 = arith.addf %mul3A_693, %mul3A_694 : vector<256x1xf32>
    %mul3A_696 = arith.mulf %get3A_7, %get3A_7 : vector<256x1xf32>
    %add3A_697 = arith.addf %add3A_695, %mul3A_696 : vector<256x1xf32>
    %mul3A_698 = arith.mulf %get3A_657, %get3A_657 : vector<1x256xf32>
    %mul3A_699 = arith.mulf %get3A_663, %get3A_663 : vector<1x256xf32>
    %add3A_700 = arith.addf %mul3A_698, %mul3A_699 : vector<1x256xf32>
    %mul3A_701 = arith.mulf %get3A_669, %get3A_669 : vector<1x256xf32>
    %add3A_702 = arith.addf %add3A_700, %mul3A_701 : vector<1x256xf32>
    %mul3A_703 = arith.constant -2.000000e+00 : f32
    %mul3A_704 = vector.broadcast %mul3A_703 : f32 to vector<256x256xf32>
    %mul3A_705 = arith.mulf %mul3A_704, %add3A_692 : vector<256x256xf32>
    %add3A_706 = vector.broadcast %add3A_697 : vector<256x1xf32> to vector<256x256xf32>
    %add3A_707 = arith.addf %mul3A_705, %add3A_706 : vector<256x256xf32>
    %add3A_708 = vector.broadcast %add3A_702 : vector<1x256xf32> to vector<256x256xf32>
    %add3A_709 = arith.addf %add3A_707, %add3A_708 : vector<256x256xf32>
    %min3A_710 = arith.minimumf %min3A_651, %add3A_709 : vector<256x256xf32>
    %get3A_711 = arith.constant 0 : index
    %get3A_712 = arith.constant 0 : index
    %get3A_713 = arith.constant 12 : index
    %get3A_714 = arith.constant 0 : index
    %get3A_715 = vector.load %arg3[%get3A_711, %get3A_712, %get3A_713, %get3A_714] : memref<1x3x16x256xf32, #tpu.memory_space<vmem>>, vector<1x1x1x256xf32>
    %get3A_716 = vector.shape_cast %get3A_715 : vector<1x1x1x256xf32> to vector<1x256xf32>
    %get3A_717 = arith.constant 0 : index
    %get3A_718 = arith.constant 1 : index
    %get3A_719 = arith.constant 12 : index
    %get3A_720 = arith.constant 0 : index
    %get3A_721 = vector.load %arg3[%get3A_717, %get3A_718, %get3A_719, %get3A_720] : memref<1x3x16x256xf32, #tpu.memory_space<vmem>>, vector<1x1x1x256xf32>
    %get3A_722 = vector.shape_cast %get3A_721 : vector<1x1x1x256xf32> to vector<1x256xf32>
    %get3A_723 = arith.constant 0 : index
    %get3A_724 = arith.constant 2 : index
    %get3A_725 = arith.constant 12 : index
    %get3A_726 = arith.constant 0 : index
    %get3A_727 = vector.load %arg3[%get3A_723, %get3A_724, %get3A_725, %get3A_726] : memref<1x3x16x256xf32, #tpu.memory_space<vmem>>, vector<1x1x1x256xf32>
    %get3A_728 = vector.shape_cast %get3A_727 : vector<1x1x1x256xf32> to vector<1x256xf32>
    %convert_element_type3A_729 = arith.truncf %get3A_1 : vector<256x1xf32> to vector<256x1xbf16>
    %convert_element_type3A_730 = arith.extf %convert_element_type3A_729 : vector<256x1xbf16> to vector<256x1xf32>
    %convert_element_type3A_731 = arith.truncf %get3A_716 : vector<1x256xf32> to vector<1x256xbf16>
    %convert_element_type3A_732 = arith.extf %convert_element_type3A_731 : vector<1x256xbf16> to vector<1x256xf32>
    %mul3A_733 = vector.broadcast %convert_element_type3A_730 : vector<256x1xf32> to vector<256x256xf32>
    %mul3A_734 = vector.broadcast %convert_element_type3A_732 : vector<1x256xf32> to vector<256x256xf32>
    %mul3A_735 = arith.mulf %mul3A_733, %mul3A_734 : vector<256x256xf32>
    %convert_element_type3A_736 = arith.truncf %get3A_4 : vector<256x1xf32> to vector<256x1xbf16>
    %convert_element_type3A_737 = arith.extf %convert_element_type3A_736 : vector<256x1xbf16> to vector<256x1xf32>
    %convert_element_type3A_738 = arith.truncf %get3A_722 : vector<1x256xf32> to vector<1x256xbf16>
    %convert_element_type3A_739 = arith.extf %convert_element_type3A_738 : vector<1x256xbf16> to vector<1x256xf32>
    %mul3A_740 = vector.broadcast %convert_element_type3A_737 : vector<256x1xf32> to vector<256x256xf32>
    %mul3A_741 = vector.broadcast %convert_element_type3A_739 : vector<1x256xf32> to vector<256x256xf32>
    %mul3A_742 = arith.mulf %mul3A_740, %mul3A_741 : vector<256x256xf32>
    %add3A_743 = arith.addf %mul3A_735, %mul3A_742 : vector<256x256xf32>
    %convert_element_type3A_744 = arith.truncf %get3A_7 : vector<256x1xf32> to vector<256x1xbf16>
    %convert_element_type3A_745 = arith.extf %convert_element_type3A_744 : vector<256x1xbf16> to vector<256x1xf32>
    %convert_element_type3A_746 = arith.truncf %get3A_728 : vector<1x256xf32> to vector<1x256xbf16>
    %convert_element_type3A_747 = arith.extf %convert_element_type3A_746 : vector<1x256xbf16> to vector<1x256xf32>
    %mul3A_748 = vector.broadcast %convert_element_type3A_745 : vector<256x1xf32> to vector<256x256xf32>
    %mul3A_749 = vector.broadcast %convert_element_type3A_747 : vector<1x256xf32> to vector<256x256xf32>
    %mul3A_750 = arith.mulf %mul3A_748, %mul3A_749 : vector<256x256xf32>
    %add3A_751 = arith.addf %add3A_743, %mul3A_750 : vector<256x256xf32>
    %mul3A_752 = arith.mulf %get3A_1, %get3A_1 : vector<256x1xf32>
    %mul3A_753 = arith.mulf %get3A_4, %get3A_4 : vector<256x1xf32>
    %add3A_754 = arith.addf %mul3A_752, %mul3A_753 : vector<256x1xf32>
    %mul3A_755 = arith.mulf %get3A_7, %get3A_7 : vector<256x1xf32>
    %add3A_756 = arith.addf %add3A_754, %mul3A_755 : vector<256x1xf32>
    %mul3A_757 = arith.mulf %get3A_716, %get3A_716 : vector<1x256xf32>
    %mul3A_758 = arith.mulf %get3A_722, %get3A_722 : vector<1x256xf32>
    %add3A_759 = arith.addf %mul3A_757, %mul3A_758 : vector<1x256xf32>
    %mul3A_760 = arith.mulf %get3A_728, %get3A_728 : vector<1x256xf32>
    %add3A_761 = arith.addf %add3A_759, %mul3A_760 : vector<1x256xf32>
    %mul3A_762 = arith.constant -2.000000e+00 : f32
    %mul3A_763 = vector.broadcast %mul3A_762 : f32 to vector<256x256xf32>
    %mul3A_764 = arith.mulf %mul3A_763, %add3A_751 : vector<256x256xf32>
    %add3A_765 = vector.broadcast %add3A_756 : vector<256x1xf32> to vector<256x256xf32>
    %add3A_766 = arith.addf %mul3A_764, %add3A_765 : vector<256x256xf32>
    %add3A_767 = vector.broadcast %add3A_761 : vector<1x256xf32> to vector<256x256xf32>
    %add3A_768 = arith.addf %add3A_766, %add3A_767 : vector<256x256xf32>
    %min3A_769 = arith.minimumf %min3A_710, %add3A_768 : vector<256x256xf32>
    %get3A_770 = arith.constant 0 : index
    %get3A_771 = arith.constant 0 : index
    %get3A_772 = arith.constant 13 : index
    %get3A_773 = arith.constant 0 : index
    %get3A_774 = vector.load %arg3[%get3A_770, %get3A_771, %get3A_772, %get3A_773] : memref<1x3x16x256xf32, #tpu.memory_space<vmem>>, vector<1x1x1x256xf32>
    %get3A_775 = vector.shape_cast %get3A_774 : vector<1x1x1x256xf32> to vector<1x256xf32>
    %get3A_776 = arith.constant 0 : index
    %get3A_777 = arith.constant 1 : index
    %get3A_778 = arith.constant 13 : index
    %get3A_779 = arith.constant 0 : index
    %get3A_780 = vector.load %arg3[%get3A_776, %get3A_777, %get3A_778, %get3A_779] : memref<1x3x16x256xf32, #tpu.memory_space<vmem>>, vector<1x1x1x256xf32>
    %get3A_781 = vector.shape_cast %get3A_780 : vector<1x1x1x256xf32> to vector<1x256xf32>
    %get3A_782 = arith.constant 0 : index
    %get3A_783 = arith.constant 2 : index
    %get3A_784 = arith.constant 13 : index
    %get3A_785 = arith.constant 0 : index
    %get3A_786 = vector.load %arg3[%get3A_782, %get3A_783, %get3A_784, %get3A_785] : memref<1x3x16x256xf32, #tpu.memory_space<vmem>>, vector<1x1x1x256xf32>
    %get3A_787 = vector.shape_cast %get3A_786 : vector<1x1x1x256xf32> to vector<1x256xf32>
    %convert_element_type3A_788 = arith.truncf %get3A_1 : vector<256x1xf32> to vector<256x1xbf16>
    %convert_element_type3A_789 = arith.extf %convert_element_type3A_788 : vector<256x1xbf16> to vector<256x1xf32>
    %convert_element_type3A_790 = arith.truncf %get3A_775 : vector<1x256xf32> to vector<1x256xbf16>
    %convert_element_type3A_791 = arith.extf %convert_element_type3A_790 : vector<1x256xbf16> to vector<1x256xf32>
    %mul3A_792 = vector.broadcast %convert_element_type3A_789 : vector<256x1xf32> to vector<256x256xf32>
    %mul3A_793 = vector.broadcast %convert_element_type3A_791 : vector<1x256xf32> to vector<256x256xf32>
    %mul3A_794 = arith.mulf %mul3A_792, %mul3A_793 : vector<256x256xf32>
    %convert_element_type3A_795 = arith.truncf %get3A_4 : vector<256x1xf32> to vector<256x1xbf16>
    %convert_element_type3A_796 = arith.extf %convert_element_type3A_795 : vector<256x1xbf16> to vector<256x1xf32>
    %convert_element_type3A_797 = arith.truncf %get3A_781 : vector<1x256xf32> to vector<1x256xbf16>
    %convert_element_type3A_798 = arith.extf %convert_element_type3A_797 : vector<1x256xbf16> to vector<1x256xf32>
    %mul3A_799 = vector.broadcast %convert_element_type3A_796 : vector<256x1xf32> to vector<256x256xf32>
    %mul3A_800 = vector.broadcast %convert_element_type3A_798 : vector<1x256xf32> to vector<256x256xf32>
    %mul3A_801 = arith.mulf %mul3A_799, %mul3A_800 : vector<256x256xf32>
    %add3A_802 = arith.addf %mul3A_794, %mul3A_801 : vector<256x256xf32>
    %convert_element_type3A_803 = arith.truncf %get3A_7 : vector<256x1xf32> to vector<256x1xbf16>
    %convert_element_type3A_804 = arith.extf %convert_element_type3A_803 : vector<256x1xbf16> to vector<256x1xf32>
    %convert_element_type3A_805 = arith.truncf %get3A_787 : vector<1x256xf32> to vector<1x256xbf16>
    %convert_element_type3A_806 = arith.extf %convert_element_type3A_805 : vector<1x256xbf16> to vector<1x256xf32>
    %mul3A_807 = vector.broadcast %convert_element_type3A_804 : vector<256x1xf32> to vector<256x256xf32>
    %mul3A_808 = vector.broadcast %convert_element_type3A_806 : vector<1x256xf32> to vector<256x256xf32>
    %mul3A_809 = arith.mulf %mul3A_807, %mul3A_808 : vector<256x256xf32>
    %add3A_810 = arith.addf %add3A_802, %mul3A_809 : vector<256x256xf32>
    %mul3A_811 = arith.mulf %get3A_1, %get3A_1 : vector<256x1xf32>
    %mul3A_812 = arith.mulf %get3A_4, %get3A_4 : vector<256x1xf32>
    %add3A_813 = arith.addf %mul3A_811, %mul3A_812 : vector<256x1xf32>
    %mul3A_814 = arith.mulf %get3A_7, %get3A_7 : vector<256x1xf32>
    %add3A_815 = arith.addf %add3A_813, %mul3A_814 : vector<256x1xf32>
    %mul3A_816 = arith.mulf %get3A_775, %get3A_775 : vector<1x256xf32>
    %mul3A_817 = arith.mulf %get3A_781, %get3A_781 : vector<1x256xf32>
    %add3A_818 = arith.addf %mul3A_816, %mul3A_817 : vector<1x256xf32>
    %mul3A_819 = arith.mulf %get3A_787, %get3A_787 : vector<1x256xf32>
    %add3A_820 = arith.addf %add3A_818, %mul3A_819 : vector<1x256xf32>
    %mul3A_821 = arith.constant -2.000000e+00 : f32
    %mul3A_822 = vector.broadcast %mul3A_821 : f32 to vector<256x256xf32>
    %mul3A_823 = arith.mulf %mul3A_822, %add3A_810 : vector<256x256xf32>
    %add3A_824 = vector.broadcast %add3A_815 : vector<256x1xf32> to vector<256x256xf32>
    %add3A_825 = arith.addf %mul3A_823, %add3A_824 : vector<256x256xf32>
    %add3A_826 = vector.broadcast %add3A_820 : vector<1x256xf32> to vector<256x256xf32>
    %add3A_827 = arith.addf %add3A_825, %add3A_826 : vector<256x256xf32>
    %min3A_828 = arith.minimumf %min3A_769, %add3A_827 : vector<256x256xf32>
    %get3A_829 = arith.constant 0 : index
    %get3A_830 = arith.constant 0 : index
    %get3A_831 = arith.constant 14 : index
    %get3A_832 = arith.constant 0 : index
    %get3A_833 = vector.load %arg3[%get3A_829, %get3A_830, %get3A_831, %get3A_832] : memref<1x3x16x256xf32, #tpu.memory_space<vmem>>, vector<1x1x1x256xf32>
    %get3A_834 = vector.shape_cast %get3A_833 : vector<1x1x1x256xf32> to vector<1x256xf32>
    %get3A_835 = arith.constant 0 : index
    %get3A_836 = arith.constant 1 : index
    %get3A_837 = arith.constant 14 : index
    %get3A_838 = arith.constant 0 : index
    %get3A_839 = vector.load %arg3[%get3A_835, %get3A_836, %get3A_837, %get3A_838] : memref<1x3x16x256xf32, #tpu.memory_space<vmem>>, vector<1x1x1x256xf32>
    %get3A_840 = vector.shape_cast %get3A_839 : vector<1x1x1x256xf32> to vector<1x256xf32>
    %get3A_841 = arith.constant 0 : index
    %get3A_842 = arith.constant 2 : index
    %get3A_843 = arith.constant 14 : index
    %get3A_844 = arith.constant 0 : index
    %get3A_845 = vector.load %arg3[%get3A_841, %get3A_842, %get3A_843, %get3A_844] : memref<1x3x16x256xf32, #tpu.memory_space<vmem>>, vector<1x1x1x256xf32>
    %get3A_846 = vector.shape_cast %get3A_845 : vector<1x1x1x256xf32> to vector<1x256xf32>
    %convert_element_type3A_847 = arith.truncf %get3A_1 : vector<256x1xf32> to vector<256x1xbf16>
    %convert_element_type3A_848 = arith.extf %convert_element_type3A_847 : vector<256x1xbf16> to vector<256x1xf32>
    %convert_element_type3A_849 = arith.truncf %get3A_834 : vector<1x256xf32> to vector<1x256xbf16>
    %convert_element_type3A_850 = arith.extf %convert_element_type3A_849 : vector<1x256xbf16> to vector<1x256xf32>
    %mul3A_851 = vector.broadcast %convert_element_type3A_848 : vector<256x1xf32> to vector<256x256xf32>
    %mul3A_852 = vector.broadcast %convert_element_type3A_850 : vector<1x256xf32> to vector<256x256xf32>
    %mul3A_853 = arith.mulf %mul3A_851, %mul3A_852 : vector<256x256xf32>
    %convert_element_type3A_854 = arith.truncf %get3A_4 : vector<256x1xf32> to vector<256x1xbf16>
    %convert_element_type3A_855 = arith.extf %convert_element_type3A_854 : vector<256x1xbf16> to vector<256x1xf32>
    %convert_element_type3A_856 = arith.truncf %get3A_840 : vector<1x256xf32> to vector<1x256xbf16>
    %convert_element_type3A_857 = arith.extf %convert_element_type3A_856 : vector<1x256xbf16> to vector<1x256xf32>
    %mul3A_858 = vector.broadcast %convert_element_type3A_855 : vector<256x1xf32> to vector<256x256xf32>
    %mul3A_859 = vector.broadcast %convert_element_type3A_857 : vector<1x256xf32> to vector<256x256xf32>
    %mul3A_860 = arith.mulf %mul3A_858, %mul3A_859 : vector<256x256xf32>
    %add3A_861 = arith.addf %mul3A_853, %mul3A_860 : vector<256x256xf32>
    %convert_element_type3A_862 = arith.truncf %get3A_7 : vector<256x1xf32> to vector<256x1xbf16>
    %convert_element_type3A_863 = arith.extf %convert_element_type3A_862 : vector<256x1xbf16> to vector<256x1xf32>
    %convert_element_type3A_864 = arith.truncf %get3A_846 : vector<1x256xf32> to vector<1x256xbf16>
    %convert_element_type3A_865 = arith.extf %convert_element_type3A_864 : vector<1x256xbf16> to vector<1x256xf32>
    %mul3A_866 = vector.broadcast %convert_element_type3A_863 : vector<256x1xf32> to vector<256x256xf32>
    %mul3A_867 = vector.broadcast %convert_element_type3A_865 : vector<1x256xf32> to vector<256x256xf32>
    %mul3A_868 = arith.mulf %mul3A_866, %mul3A_867 : vector<256x256xf32>
    %add3A_869 = arith.addf %add3A_861, %mul3A_868 : vector<256x256xf32>
    %mul3A_870 = arith.mulf %get3A_1, %get3A_1 : vector<256x1xf32>
    %mul3A_871 = arith.mulf %get3A_4, %get3A_4 : vector<256x1xf32>
    %add3A_872 = arith.addf %mul3A_870, %mul3A_871 : vector<256x1xf32>
    %mul3A_873 = arith.mulf %get3A_7, %get3A_7 : vector<256x1xf32>
    %add3A_874 = arith.addf %add3A_872, %mul3A_873 : vector<256x1xf32>
    %mul3A_875 = arith.mulf %get3A_834, %get3A_834 : vector<1x256xf32>
    %mul3A_876 = arith.mulf %get3A_840, %get3A_840 : vector<1x256xf32>
    %add3A_877 = arith.addf %mul3A_875, %mul3A_876 : vector<1x256xf32>
    %mul3A_878 = arith.mulf %get3A_846, %get3A_846 : vector<1x256xf32>
    %add3A_879 = arith.addf %add3A_877, %mul3A_878 : vector<1x256xf32>
    %mul3A_880 = arith.constant -2.000000e+00 : f32
    %mul3A_881 = vector.broadcast %mul3A_880 : f32 to vector<256x256xf32>
    %mul3A_882 = arith.mulf %mul3A_881, %add3A_869 : vector<256x256xf32>
    %add3A_883 = vector.broadcast %add3A_874 : vector<256x1xf32> to vector<256x256xf32>
    %add3A_884 = arith.addf %mul3A_882, %add3A_883 : vector<256x256xf32>
    %add3A_885 = vector.broadcast %add3A_879 : vector<1x256xf32> to vector<256x256xf32>
    %add3A_886 = arith.addf %add3A_884, %add3A_885 : vector<256x256xf32>
    %min3A_887 = arith.minimumf %min3A_828, %add3A_886 : vector<256x256xf32>
    %get3A_888 = arith.constant 0 : index
    %get3A_889 = arith.constant 0 : index
    %get3A_890 = arith.constant 15 : index
    %get3A_891 = arith.constant 0 : index
    %get3A_892 = vector.load %arg3[%get3A_888, %get3A_889, %get3A_890, %get3A_891] : memref<1x3x16x256xf32, #tpu.memory_space<vmem>>, vector<1x1x1x256xf32>
    %get3A_893 = vector.shape_cast %get3A_892 : vector<1x1x1x256xf32> to vector<1x256xf32>
    %get3A_894 = arith.constant 0 : index
    %get3A_895 = arith.constant 1 : index
    %get3A_896 = arith.constant 15 : index
    %get3A_897 = arith.constant 0 : index
    %get3A_898 = vector.load %arg3[%get3A_894, %get3A_895, %get3A_896, %get3A_897] : memref<1x3x16x256xf32, #tpu.memory_space<vmem>>, vector<1x1x1x256xf32>
    %get3A_899 = vector.shape_cast %get3A_898 : vector<1x1x1x256xf32> to vector<1x256xf32>
    %get3A_900 = arith.constant 0 : index
    %get3A_901 = arith.constant 2 : index
    %get3A_902 = arith.constant 15 : index
    %get3A_903 = arith.constant 0 : index
    %get3A_904 = vector.load %arg3[%get3A_900, %get3A_901, %get3A_902, %get3A_903] : memref<1x3x16x256xf32, #tpu.memory_space<vmem>>, vector<1x1x1x256xf32>
    %get3A_905 = vector.shape_cast %get3A_904 : vector<1x1x1x256xf32> to vector<1x256xf32>
    %convert_element_type3A_906 = arith.truncf %get3A_1 : vector<256x1xf32> to vector<256x1xbf16>
    %convert_element_type3A_907 = arith.extf %convert_element_type3A_906 : vector<256x1xbf16> to vector<256x1xf32>
    %convert_element_type3A_908 = arith.truncf %get3A_893 : vector<1x256xf32> to vector<1x256xbf16>
    %convert_element_type3A_909 = arith.extf %convert_element_type3A_908 : vector<1x256xbf16> to vector<1x256xf32>
    %mul3A_910 = vector.broadcast %convert_element_type3A_907 : vector<256x1xf32> to vector<256x256xf32>
    %mul3A_911 = vector.broadcast %convert_element_type3A_909 : vector<1x256xf32> to vector<256x256xf32>
    %mul3A_912 = arith.mulf %mul3A_910, %mul3A_911 : vector<256x256xf32>
    %convert_element_type3A_913 = arith.truncf %get3A_4 : vector<256x1xf32> to vector<256x1xbf16>
    %convert_element_type3A_914 = arith.extf %convert_element_type3A_913 : vector<256x1xbf16> to vector<256x1xf32>
    %convert_element_type3A_915 = arith.truncf %get3A_899 : vector<1x256xf32> to vector<1x256xbf16>
    %convert_element_type3A_916 = arith.extf %convert_element_type3A_915 : vector<1x256xbf16> to vector<1x256xf32>
    %mul3A_917 = vector.broadcast %convert_element_type3A_914 : vector<256x1xf32> to vector<256x256xf32>
    %mul3A_918 = vector.broadcast %convert_element_type3A_916 : vector<1x256xf32> to vector<256x256xf32>
    %mul3A_919 = arith.mulf %mul3A_917, %mul3A_918 : vector<256x256xf32>
    %add3A_920 = arith.addf %mul3A_912, %mul3A_919 : vector<256x256xf32>
    %convert_element_type3A_921 = arith.truncf %get3A_7 : vector<256x1xf32> to vector<256x1xbf16>
    %convert_element_type3A_922 = arith.extf %convert_element_type3A_921 : vector<256x1xbf16> to vector<256x1xf32>
    %convert_element_type3A_923 = arith.truncf %get3A_905 : vector<1x256xf32> to vector<1x256xbf16>
    %convert_element_type3A_924 = arith.extf %convert_element_type3A_923 : vector<1x256xbf16> to vector<1x256xf32>
    %mul3A_925 = vector.broadcast %convert_element_type3A_922 : vector<256x1xf32> to vector<256x256xf32>
    %mul3A_926 = vector.broadcast %convert_element_type3A_924 : vector<1x256xf32> to vector<256x256xf32>
    %mul3A_927 = arith.mulf %mul3A_925, %mul3A_926 : vector<256x256xf32>
    %add3A_928 = arith.addf %add3A_920, %mul3A_927 : vector<256x256xf32>
    %mul3A_929 = arith.mulf %get3A_1, %get3A_1 : vector<256x1xf32>
    %mul3A_930 = arith.mulf %get3A_4, %get3A_4 : vector<256x1xf32>
    %add3A_931 = arith.addf %mul3A_929, %mul3A_930 : vector<256x1xf32>
    %mul3A_932 = arith.mulf %get3A_7, %get3A_7 : vector<256x1xf32>
    %add3A_933 = arith.addf %add3A_931, %mul3A_932 : vector<256x1xf32>
    %mul3A_934 = arith.mulf %get3A_893, %get3A_893 : vector<1x256xf32>
    %mul3A_935 = arith.mulf %get3A_899, %get3A_899 : vector<1x256xf32>
    %add3A_936 = arith.addf %mul3A_934, %mul3A_935 : vector<1x256xf32>
    %mul3A_937 = arith.mulf %get3A_905, %get3A_905 : vector<1x256xf32>
    %add3A_938 = arith.addf %add3A_936, %mul3A_937 : vector<1x256xf32>
    %mul3A_939 = arith.constant -2.000000e+00 : f32
    %mul3A_940 = vector.broadcast %mul3A_939 : f32 to vector<256x256xf32>
    %mul3A_941 = arith.mulf %mul3A_940, %add3A_928 : vector<256x256xf32>
    %add3A_942 = vector.broadcast %add3A_933 : vector<256x1xf32> to vector<256x256xf32>
    %add3A_943 = arith.addf %mul3A_941, %add3A_942 : vector<256x256xf32>
    %add3A_944 = vector.broadcast %add3A_938 : vector<1x256xf32> to vector<256x256xf32>
    %add3A_945 = arith.addf %add3A_943, %add3A_944 : vector<256x256xf32>
    %min3A_946 = arith.minimumf %min3A_887, %add3A_945 : vector<256x256xf32>
    %swap3A = arith.constant 0 : index
    %swap3A_947 = arith.constant 0 : index
    %swap3A_948 = vector.load %arg4[%swap3A, %swap3A_947] : memref<256x256xf32, #tpu.memory_space<vmem>>, vector<256x256xf32>
    tpu.vector_store %arg4[%swap3A, %swap3A_947], %min3A_946 {strides = array<i32>} : memref<256x256xf32, #tpu.memory_space<vmem>>, vector<256x256xf32>,
    return
  }
  func.func @transform_0(%arg0: i32, %arg1: i32) -> (i32, i32) {
    %mul3A = arith.constant 16 : i32
    %mul3A_0 = arith.muli %arg0, %mul3A : i32
    %add3A = arith.addi %mul3A_0, %arg1 : i32
    %c0_i32 = arith.constant 0 : i32
    %c0_i32_1 = arith.constant 0 : i32
    return %add3A, %c0_i32 : i32, i32
  }
  func.func @transform_1(%arg0: i32, %arg1: i32) -> (i32, i32, i32, i32) {
    %c0_i32 = arith.constant 0 : i32
    %c0_i32_0 = arith.constant 0 : i32
    %c0_i32_1 = arith.constant 0 : i32
    %c0_i32_2 = arith.constant 0 : i32
    return %arg0, %c0_i32, %c0_i32_0, %c0_i32_1 : i32, i32, i32, i32
  }
  func.func @transform_2(%arg0: i32, %arg1: i32) -> (i32, i32) {
    %mul3A = arith.constant 16 : i32
    %mul3A_0 = arith.muli %arg0, %mul3A : i32
    %add3A = arith.addi %mul3A_0, %arg1 : i32
    %c0_i32 = arith.constant 0 : i32
    %c0_i32_1 = arith.constant 0 : i32
    return %add3A, %c0_i32 : i32, i32
  }
}

module attributes {stable_mosaic.version = 14 : i64} {
  func.func @_stage1_body(%arg0: i32, %arg1: memref<512x256xf32, #tpu.memory_space<vmem>>, %arg2: memref<512x16xi32, #tpu.memory_space<vmem>>) attributes {dimension_semantics = [#tpu.dimension_semantics<arbitrary>], iteration_bounds = array<i64: 64>, scalar_prefetch = 0 : i64, scratch_operands = 0 : i64, tpu.core_type = #tpu.core_type<tc>, window_params = [{transform_indices = @transform_0, window_bounds = array<i64: 512, 256>}, {transform_indices = @transform_1, window_bounds = array<i64: 512, 16>}]} {
    %get3A = arith.constant 0 : index
    %get3A_0 = arith.constant 0 : index
    %get3A_1 = vector.load %arg1[%get3A, %get3A_0] : memref<512x256xf32, #tpu.memory_space<vmem>>, vector<512x256xf32>
    %iota3A = tpu.iota {dimensions = array<i32: 1>} : vector<512x256xi32>
    %convert_element_type3A = arith.sitofp %iota3A : vector<512x256xi32> to vector<512x256xf32>
    %reduce_min3A = arith.constant dense<0x7F800000> : vector<512xf32>
    %reduce_min3A_2 = vector.multi_reduction <minimumf>, %get3A_1, %reduce_min3A [1] : vector<512x256xf32> to vector<512xf32>
    %broadcast_in_dim3A = vector.shape_cast %reduce_min3A_2 : vector<512xf32> to vector<512x1xf32>
    %le3A = vector.broadcast %broadcast_in_dim3A : vector<512x1xf32> to vector<512x256xf32>
    %le3A_3 = arith.cmpf ole, %get3A_1, %le3A : vector<512x256xf32>
    %jit3A = arith.constant 3.000000e+38 : f32
    %broadcast_in_dim3A_4 = vector.broadcast %jit3A : f32 to vector<512x256xf32>
    %select_n3A = arith.select %le3A_3, %convert_element_type3A, %broadcast_in_dim3A_4 : vector<512x256xi1>, vector<512x256xf32>
    %reduce_min3A_5 = arith.constant dense<0x7F800000> : vector<512xf32>
    %reduce_min3A_6 = vector.multi_reduction <minimumf>, %select_n3A, %reduce_min3A_5 [1] : vector<512x256xf32> to vector<512xf32>
    %broadcast_in_dim3A_7 = vector.shape_cast %reduce_min3A_6 : vector<512xf32> to vector<512x1xf32>
    %convert_element_type3A_8 = arith.fptosi %broadcast_in_dim3A_7 : vector<512x1xf32> to vector<512x1xi32>
    %swap3A = arith.constant 0 : index
    %swap3A_9 = arith.constant 0 : index
    %swap3A_10 = vector.load %arg2[%swap3A, %swap3A_9] : memref<512x16xi32, #tpu.memory_space<vmem>>, vector<512x1xi32>
    tpu.vector_store %arg2[%swap3A, %swap3A_9], %convert_element_type3A_8 {strides = array<i32>} : memref<512x16xi32, #tpu.memory_space<vmem>>, vector<512x1xi32>,
    %eq3A = vector.broadcast %broadcast_in_dim3A_7 : vector<512x1xf32> to vector<512x256xf32>
    %eq3A_11 = arith.cmpf oeq, %convert_element_type3A, %eq3A : vector<512x256xf32>
    %jit3A_12 = arith.constant 3.000000e+38 : f32
    %broadcast_in_dim3A_13 = vector.broadcast %jit3A_12 : f32 to vector<512x256xf32>
    %select_n3A_14 = arith.select %eq3A_11, %broadcast_in_dim3A_13, %get3A_1 : vector<512x256xi1>, vector<512x256xf32>
    %reduce_min3A_15 = arith.constant dense<0x7F800000> : vector<512xf32>
    %reduce_min3A_16 = vector.multi_reduction <minimumf>, %select_n3A_14, %reduce_min3A_15 [1] : vector<512x256xf32> to vector<512xf32>
    %broadcast_in_dim3A_17 = vector.shape_cast %reduce_min3A_16 : vector<512xf32> to vector<512x1xf32>
    %le3A_18 = vector.broadcast %broadcast_in_dim3A_17 : vector<512x1xf32> to vector<512x256xf32>
    %le3A_19 = arith.cmpf ole, %select_n3A_14, %le3A_18 : vector<512x256xf32>
    %jit3A_20 = arith.constant 3.000000e+38 : f32
    %broadcast_in_dim3A_21 = vector.broadcast %jit3A_20 : f32 to vector<512x256xf32>
    %select_n3A_22 = arith.select %le3A_19, %convert_element_type3A, %broadcast_in_dim3A_21 : vector<512x256xi1>, vector<512x256xf32>
    %reduce_min3A_23 = arith.constant dense<0x7F800000> : vector<512xf32>
    %reduce_min3A_24 = vector.multi_reduction <minimumf>, %select_n3A_22, %reduce_min3A_23 [1] : vector<512x256xf32> to vector<512xf32>
    %broadcast_in_dim3A_25 = vector.shape_cast %reduce_min3A_24 : vector<512xf32> to vector<512x1xf32>
    %convert_element_type3A_26 = arith.fptosi %broadcast_in_dim3A_25 : vector<512x1xf32> to vector<512x1xi32>
    %swap3A_27 = arith.constant 0 : index
    %swap3A_28 = arith.constant 1 : index
    %swap3A_29 = vector.load %arg2[%swap3A_27, %swap3A_28] : memref<512x16xi32, #tpu.memory_space<vmem>>, vector<512x1xi32>
    tpu.vector_store %arg2[%swap3A_27, %swap3A_28], %convert_element_type3A_26 {strides = array<i32>} : memref<512x16xi32, #tpu.memory_space<vmem>>, vector<512x1xi32>,
    %eq3A_30 = vector.broadcast %broadcast_in_dim3A_25 : vector<512x1xf32> to vector<512x256xf32>
    %eq3A_31 = arith.cmpf oeq, %convert_element_type3A, %eq3A_30 : vector<512x256xf32>
    %jit3A_32 = arith.constant 3.000000e+38 : f32
    %broadcast_in_dim3A_33 = vector.broadcast %jit3A_32 : f32 to vector<512x256xf32>
    %select_n3A_34 = arith.select %eq3A_31, %broadcast_in_dim3A_33, %select_n3A_14 : vector<512x256xi1>, vector<512x256xf32>
    %reduce_min3A_35 = arith.constant dense<0x7F800000> : vector<512xf32>
    %reduce_min3A_36 = vector.multi_reduction <minimumf>, %select_n3A_34, %reduce_min3A_35 [1] : vector<512x256xf32> to vector<512xf32>
    %broadcast_in_dim3A_37 = vector.shape_cast %reduce_min3A_36 : vector<512xf32> to vector<512x1xf32>
    %le3A_38 = vector.broadcast %broadcast_in_dim3A_37 : vector<512x1xf32> to vector<512x256xf32>
    %le3A_39 = arith.cmpf ole, %select_n3A_34, %le3A_38 : vector<512x256xf32>
    %jit3A_40 = arith.constant 3.000000e+38 : f32
    %broadcast_in_dim3A_41 = vector.broadcast %jit3A_40 : f32 to vector<512x256xf32>
    %select_n3A_42 = arith.select %le3A_39, %convert_element_type3A, %broadcast_in_dim3A_41 : vector<512x256xi1>, vector<512x256xf32>
    %reduce_min3A_43 = arith.constant dense<0x7F800000> : vector<512xf32>
    %reduce_min3A_44 = vector.multi_reduction <minimumf>, %select_n3A_42, %reduce_min3A_43 [1] : vector<512x256xf32> to vector<512xf32>
    %broadcast_in_dim3A_45 = vector.shape_cast %reduce_min3A_44 : vector<512xf32> to vector<512x1xf32>
    %convert_element_type3A_46 = arith.fptosi %broadcast_in_dim3A_45 : vector<512x1xf32> to vector<512x1xi32>
    %swap3A_47 = arith.constant 0 : index
    %swap3A_48 = arith.constant 2 : index
    %swap3A_49 = vector.load %arg2[%swap3A_47, %swap3A_48] : memref<512x16xi32, #tpu.memory_space<vmem>>, vector<512x1xi32>
    tpu.vector_store %arg2[%swap3A_47, %swap3A_48], %convert_element_type3A_46 {strides = array<i32>} : memref<512x16xi32, #tpu.memory_space<vmem>>, vector<512x1xi32>,
    %eq3A_50 = vector.broadcast %broadcast_in_dim3A_45 : vector<512x1xf32> to vector<512x256xf32>
    %eq3A_51 = arith.cmpf oeq, %convert_element_type3A, %eq3A_50 : vector<512x256xf32>
    %jit3A_52 = arith.constant 3.000000e+38 : f32
    %broadcast_in_dim3A_53 = vector.broadcast %jit3A_52 : f32 to vector<512x256xf32>
    %select_n3A_54 = arith.select %eq3A_51, %broadcast_in_dim3A_53, %select_n3A_34 : vector<512x256xi1>, vector<512x256xf32>
    %reduce_min3A_55 = arith.constant dense<0x7F800000> : vector<512xf32>
    %reduce_min3A_56 = vector.multi_reduction <minimumf>, %select_n3A_54, %reduce_min3A_55 [1] : vector<512x256xf32> to vector<512xf32>
    %broadcast_in_dim3A_57 = vector.shape_cast %reduce_min3A_56 : vector<512xf32> to vector<512x1xf32>
    %le3A_58 = vector.broadcast %broadcast_in_dim3A_57 : vector<512x1xf32> to vector<512x256xf32>
    %le3A_59 = arith.cmpf ole, %select_n3A_54, %le3A_58 : vector<512x256xf32>
    %jit3A_60 = arith.constant 3.000000e+38 : f32
    %broadcast_in_dim3A_61 = vector.broadcast %jit3A_60 : f32 to vector<512x256xf32>
    %select_n3A_62 = arith.select %le3A_59, %convert_element_type3A, %broadcast_in_dim3A_61 : vector<512x256xi1>, vector<512x256xf32>
    %reduce_min3A_63 = arith.constant dense<0x7F800000> : vector<512xf32>
    %reduce_min3A_64 = vector.multi_reduction <minimumf>, %select_n3A_62, %reduce_min3A_63 [1] : vector<512x256xf32> to vector<512xf32>
    %broadcast_in_dim3A_65 = vector.shape_cast %reduce_min3A_64 : vector<512xf32> to vector<512x1xf32>
    %convert_element_type3A_66 = arith.fptosi %broadcast_in_dim3A_65 : vector<512x1xf32> to vector<512x1xi32>
    %swap3A_67 = arith.constant 0 : index
    %swap3A_68 = arith.constant 3 : index
    %swap3A_69 = vector.load %arg2[%swap3A_67, %swap3A_68] : memref<512x16xi32, #tpu.memory_space<vmem>>, vector<512x1xi32>
    tpu.vector_store %arg2[%swap3A_67, %swap3A_68], %convert_element_type3A_66 {strides = array<i32>} : memref<512x16xi32, #tpu.memory_space<vmem>>, vector<512x1xi32>,
    %eq3A_70 = vector.broadcast %broadcast_in_dim3A_65 : vector<512x1xf32> to vector<512x256xf32>
    %eq3A_71 = arith.cmpf oeq, %convert_element_type3A, %eq3A_70 : vector<512x256xf32>
    %jit3A_72 = arith.constant 3.000000e+38 : f32
    %broadcast_in_dim3A_73 = vector.broadcast %jit3A_72 : f32 to vector<512x256xf32>
    %select_n3A_74 = arith.select %eq3A_71, %broadcast_in_dim3A_73, %select_n3A_54 : vector<512x256xi1>, vector<512x256xf32>
    %reduce_min3A_75 = arith.constant dense<0x7F800000> : vector<512xf32>
    %reduce_min3A_76 = vector.multi_reduction <minimumf>, %select_n3A_74, %reduce_min3A_75 [1] : vector<512x256xf32> to vector<512xf32>
    %broadcast_in_dim3A_77 = vector.shape_cast %reduce_min3A_76 : vector<512xf32> to vector<512x1xf32>
    %le3A_78 = vector.broadcast %broadcast_in_dim3A_77 : vector<512x1xf32> to vector<512x256xf32>
    %le3A_79 = arith.cmpf ole, %select_n3A_74, %le3A_78 : vector<512x256xf32>
    %jit3A_80 = arith.constant 3.000000e+38 : f32
    %broadcast_in_dim3A_81 = vector.broadcast %jit3A_80 : f32 to vector<512x256xf32>
    %select_n3A_82 = arith.select %le3A_79, %convert_element_type3A, %broadcast_in_dim3A_81 : vector<512x256xi1>, vector<512x256xf32>
    %reduce_min3A_83 = arith.constant dense<0x7F800000> : vector<512xf32>
    %reduce_min3A_84 = vector.multi_reduction <minimumf>, %select_n3A_82, %reduce_min3A_83 [1] : vector<512x256xf32> to vector<512xf32>
    %broadcast_in_dim3A_85 = vector.shape_cast %reduce_min3A_84 : vector<512xf32> to vector<512x1xf32>
    %convert_element_type3A_86 = arith.fptosi %broadcast_in_dim3A_85 : vector<512x1xf32> to vector<512x1xi32>
    %swap3A_87 = arith.constant 0 : index
    %swap3A_88 = arith.constant 4 : index
    %swap3A_89 = vector.load %arg2[%swap3A_87, %swap3A_88] : memref<512x16xi32, #tpu.memory_space<vmem>>, vector<512x1xi32>
    tpu.vector_store %arg2[%swap3A_87, %swap3A_88], %convert_element_type3A_86 {strides = array<i32>} : memref<512x16xi32, #tpu.memory_space<vmem>>, vector<512x1xi32>,
    %eq3A_90 = vector.broadcast %broadcast_in_dim3A_85 : vector<512x1xf32> to vector<512x256xf32>
    %eq3A_91 = arith.cmpf oeq, %convert_element_type3A, %eq3A_90 : vector<512x256xf32>
    %jit3A_92 = arith.constant 3.000000e+38 : f32
    %broadcast_in_dim3A_93 = vector.broadcast %jit3A_92 : f32 to vector<512x256xf32>
    %select_n3A_94 = arith.select %eq3A_91, %broadcast_in_dim3A_93, %select_n3A_74 : vector<512x256xi1>, vector<512x256xf32>
    %reduce_min3A_95 = arith.constant dense<0x7F800000> : vector<512xf32>
    %reduce_min3A_96 = vector.multi_reduction <minimumf>, %select_n3A_94, %reduce_min3A_95 [1] : vector<512x256xf32> to vector<512xf32>
    %broadcast_in_dim3A_97 = vector.shape_cast %reduce_min3A_96 : vector<512xf32> to vector<512x1xf32>
    %le3A_98 = vector.broadcast %broadcast_in_dim3A_97 : vector<512x1xf32> to vector<512x256xf32>
    %le3A_99 = arith.cmpf ole, %select_n3A_94, %le3A_98 : vector<512x256xf32>
    %jit3A_100 = arith.constant 3.000000e+38 : f32
    %broadcast_in_dim3A_101 = vector.broadcast %jit3A_100 : f32 to vector<512x256xf32>
    %select_n3A_102 = arith.select %le3A_99, %convert_element_type3A, %broadcast_in_dim3A_101 : vector<512x256xi1>, vector<512x256xf32>
    %reduce_min3A_103 = arith.constant dense<0x7F800000> : vector<512xf32>
    %reduce_min3A_104 = vector.multi_reduction <minimumf>, %select_n3A_102, %reduce_min3A_103 [1] : vector<512x256xf32> to vector<512xf32>
    %broadcast_in_dim3A_105 = vector.shape_cast %reduce_min3A_104 : vector<512xf32> to vector<512x1xf32>
    %convert_element_type3A_106 = arith.fptosi %broadcast_in_dim3A_105 : vector<512x1xf32> to vector<512x1xi32>
    %swap3A_107 = arith.constant 0 : index
    %swap3A_108 = arith.constant 5 : index
    %swap3A_109 = vector.load %arg2[%swap3A_107, %swap3A_108] : memref<512x16xi32, #tpu.memory_space<vmem>>, vector<512x1xi32>
    tpu.vector_store %arg2[%swap3A_107, %swap3A_108], %convert_element_type3A_106 {strides = array<i32>} : memref<512x16xi32, #tpu.memory_space<vmem>>, vector<512x1xi32>,
    %eq3A_110 = vector.broadcast %broadcast_in_dim3A_105 : vector<512x1xf32> to vector<512x256xf32>
    %eq3A_111 = arith.cmpf oeq, %convert_element_type3A, %eq3A_110 : vector<512x256xf32>
    %jit3A_112 = arith.constant 3.000000e+38 : f32
    %broadcast_in_dim3A_113 = vector.broadcast %jit3A_112 : f32 to vector<512x256xf32>
    %select_n3A_114 = arith.select %eq3A_111, %broadcast_in_dim3A_113, %select_n3A_94 : vector<512x256xi1>, vector<512x256xf32>
    %reduce_min3A_115 = arith.constant dense<0x7F800000> : vector<512xf32>
    %reduce_min3A_116 = vector.multi_reduction <minimumf>, %select_n3A_114, %reduce_min3A_115 [1] : vector<512x256xf32> to vector<512xf32>
    %broadcast_in_dim3A_117 = vector.shape_cast %reduce_min3A_116 : vector<512xf32> to vector<512x1xf32>
    %le3A_118 = vector.broadcast %broadcast_in_dim3A_117 : vector<512x1xf32> to vector<512x256xf32>
    %le3A_119 = arith.cmpf ole, %select_n3A_114, %le3A_118 : vector<512x256xf32>
    %jit3A_120 = arith.constant 3.000000e+38 : f32
    %broadcast_in_dim3A_121 = vector.broadcast %jit3A_120 : f32 to vector<512x256xf32>
    %select_n3A_122 = arith.select %le3A_119, %convert_element_type3A, %broadcast_in_dim3A_121 : vector<512x256xi1>, vector<512x256xf32>
    %reduce_min3A_123 = arith.constant dense<0x7F800000> : vector<512xf32>
    %reduce_min3A_124 = vector.multi_reduction <minimumf>, %select_n3A_122, %reduce_min3A_123 [1] : vector<512x256xf32> to vector<512xf32>
    %broadcast_in_dim3A_125 = vector.shape_cast %reduce_min3A_124 : vector<512xf32> to vector<512x1xf32>
    %convert_element_type3A_126 = arith.fptosi %broadcast_in_dim3A_125 : vector<512x1xf32> to vector<512x1xi32>
    %swap3A_127 = arith.constant 0 : index
    %swap3A_128 = arith.constant 6 : index
    %swap3A_129 = vector.load %arg2[%swap3A_127, %swap3A_128] : memref<512x16xi32, #tpu.memory_space<vmem>>, vector<512x1xi32>
    tpu.vector_store %arg2[%swap3A_127, %swap3A_128], %convert_element_type3A_126 {strides = array<i32>} : memref<512x16xi32, #tpu.memory_space<vmem>>, vector<512x1xi32>,
    %eq3A_130 = vector.broadcast %broadcast_in_dim3A_125 : vector<512x1xf32> to vector<512x256xf32>
    %eq3A_131 = arith.cmpf oeq, %convert_element_type3A, %eq3A_130 : vector<512x256xf32>
    %jit3A_132 = arith.constant 3.000000e+38 : f32
    %broadcast_in_dim3A_133 = vector.broadcast %jit3A_132 : f32 to vector<512x256xf32>
    %select_n3A_134 = arith.select %eq3A_131, %broadcast_in_dim3A_133, %select_n3A_114 : vector<512x256xi1>, vector<512x256xf32>
    %reduce_min3A_135 = arith.constant dense<0x7F800000> : vector<512xf32>
    %reduce_min3A_136 = vector.multi_reduction <minimumf>, %select_n3A_134, %reduce_min3A_135 [1] : vector<512x256xf32> to vector<512xf32>
    %broadcast_in_dim3A_137 = vector.shape_cast %reduce_min3A_136 : vector<512xf32> to vector<512x1xf32>
    %le3A_138 = vector.broadcast %broadcast_in_dim3A_137 : vector<512x1xf32> to vector<512x256xf32>
    %le3A_139 = arith.cmpf ole, %select_n3A_134, %le3A_138 : vector<512x256xf32>
    %jit3A_140 = arith.constant 3.000000e+38 : f32
    %broadcast_in_dim3A_141 = vector.broadcast %jit3A_140 : f32 to vector<512x256xf32>
    %select_n3A_142 = arith.select %le3A_139, %convert_element_type3A, %broadcast_in_dim3A_141 : vector<512x256xi1>, vector<512x256xf32>
    %reduce_min3A_143 = arith.constant dense<0x7F800000> : vector<512xf32>
    %reduce_min3A_144 = vector.multi_reduction <minimumf>, %select_n3A_142, %reduce_min3A_143 [1] : vector<512x256xf32> to vector<512xf32>
    %broadcast_in_dim3A_145 = vector.shape_cast %reduce_min3A_144 : vector<512xf32> to vector<512x1xf32>
    %convert_element_type3A_146 = arith.fptosi %broadcast_in_dim3A_145 : vector<512x1xf32> to vector<512x1xi32>
    %swap3A_147 = arith.constant 0 : index
    %swap3A_148 = arith.constant 7 : index
    %swap3A_149 = vector.load %arg2[%swap3A_147, %swap3A_148] : memref<512x16xi32, #tpu.memory_space<vmem>>, vector<512x1xi32>
    tpu.vector_store %arg2[%swap3A_147, %swap3A_148], %convert_element_type3A_146 {strides = array<i32>} : memref<512x16xi32, #tpu.memory_space<vmem>>, vector<512x1xi32>,
    %eq3A_150 = vector.broadcast %broadcast_in_dim3A_145 : vector<512x1xf32> to vector<512x256xf32>
    %eq3A_151 = arith.cmpf oeq, %convert_element_type3A, %eq3A_150 : vector<512x256xf32>
    %jit3A_152 = arith.constant 3.000000e+38 : f32
    %broadcast_in_dim3A_153 = vector.broadcast %jit3A_152 : f32 to vector<512x256xf32>
    %select_n3A_154 = arith.select %eq3A_151, %broadcast_in_dim3A_153, %select_n3A_134 : vector<512x256xi1>, vector<512x256xf32>
    %reduce_min3A_155 = arith.constant dense<0x7F800000> : vector<512xf32>
    %reduce_min3A_156 = vector.multi_reduction <minimumf>, %select_n3A_154, %reduce_min3A_155 [1] : vector<512x256xf32> to vector<512xf32>
    %broadcast_in_dim3A_157 = vector.shape_cast %reduce_min3A_156 : vector<512xf32> to vector<512x1xf32>
    %le3A_158 = vector.broadcast %broadcast_in_dim3A_157 : vector<512x1xf32> to vector<512x256xf32>
    %le3A_159 = arith.cmpf ole, %select_n3A_154, %le3A_158 : vector<512x256xf32>
    %jit3A_160 = arith.constant 3.000000e+38 : f32
    %broadcast_in_dim3A_161 = vector.broadcast %jit3A_160 : f32 to vector<512x256xf32>
    %select_n3A_162 = arith.select %le3A_159, %convert_element_type3A, %broadcast_in_dim3A_161 : vector<512x256xi1>, vector<512x256xf32>
    %reduce_min3A_163 = arith.constant dense<0x7F800000> : vector<512xf32>
    %reduce_min3A_164 = vector.multi_reduction <minimumf>, %select_n3A_162, %reduce_min3A_163 [1] : vector<512x256xf32> to vector<512xf32>
    %broadcast_in_dim3A_165 = vector.shape_cast %reduce_min3A_164 : vector<512xf32> to vector<512x1xf32>
    %convert_element_type3A_166 = arith.fptosi %broadcast_in_dim3A_165 : vector<512x1xf32> to vector<512x1xi32>
    %swap3A_167 = arith.constant 0 : index
    %swap3A_168 = arith.constant 8 : index
    %swap3A_169 = vector.load %arg2[%swap3A_167, %swap3A_168] : memref<512x16xi32, #tpu.memory_space<vmem>>, vector<512x1xi32>
    tpu.vector_store %arg2[%swap3A_167, %swap3A_168], %convert_element_type3A_166 {strides = array<i32>} : memref<512x16xi32, #tpu.memory_space<vmem>>, vector<512x1xi32>,
    %eq3A_170 = vector.broadcast %broadcast_in_dim3A_165 : vector<512x1xf32> to vector<512x256xf32>
    %eq3A_171 = arith.cmpf oeq, %convert_element_type3A, %eq3A_170 : vector<512x256xf32>
    %jit3A_172 = arith.constant 3.000000e+38 : f32
    %broadcast_in_dim3A_173 = vector.broadcast %jit3A_172 : f32 to vector<512x256xf32>
    %select_n3A_174 = arith.select %eq3A_171, %broadcast_in_dim3A_173, %select_n3A_154 : vector<512x256xi1>, vector<512x256xf32>
    %reduce_min3A_175 = arith.constant dense<0x7F800000> : vector<512xf32>
    %reduce_min3A_176 = vector.multi_reduction <minimumf>, %select_n3A_174, %reduce_min3A_175 [1] : vector<512x256xf32> to vector<512xf32>
    %broadcast_in_dim3A_177 = vector.shape_cast %reduce_min3A_176 : vector<512xf32> to vector<512x1xf32>
    %le3A_178 = vector.broadcast %broadcast_in_dim3A_177 : vector<512x1xf32> to vector<512x256xf32>
    %le3A_179 = arith.cmpf ole, %select_n3A_174, %le3A_178 : vector<512x256xf32>
    %jit3A_180 = arith.constant 3.000000e+38 : f32
    %broadcast_in_dim3A_181 = vector.broadcast %jit3A_180 : f32 to vector<512x256xf32>
    %select_n3A_182 = arith.select %le3A_179, %convert_element_type3A, %broadcast_in_dim3A_181 : vector<512x256xi1>, vector<512x256xf32>
    %reduce_min3A_183 = arith.constant dense<0x7F800000> : vector<512xf32>
    %reduce_min3A_184 = vector.multi_reduction <minimumf>, %select_n3A_182, %reduce_min3A_183 [1] : vector<512x256xf32> to vector<512xf32>
    %broadcast_in_dim3A_185 = vector.shape_cast %reduce_min3A_184 : vector<512xf32> to vector<512x1xf32>
    %convert_element_type3A_186 = arith.fptosi %broadcast_in_dim3A_185 : vector<512x1xf32> to vector<512x1xi32>
    %swap3A_187 = arith.constant 0 : index
    %swap3A_188 = arith.constant 9 : index
    %swap3A_189 = vector.load %arg2[%swap3A_187, %swap3A_188] : memref<512x16xi32, #tpu.memory_space<vmem>>, vector<512x1xi32>
    tpu.vector_store %arg2[%swap3A_187, %swap3A_188], %convert_element_type3A_186 {strides = array<i32>} : memref<512x16xi32, #tpu.memory_space<vmem>>, vector<512x1xi32>,
    %eq3A_190 = vector.broadcast %broadcast_in_dim3A_185 : vector<512x1xf32> to vector<512x256xf32>
    %eq3A_191 = arith.cmpf oeq, %convert_element_type3A, %eq3A_190 : vector<512x256xf32>
    %jit3A_192 = arith.constant 3.000000e+38 : f32
    %broadcast_in_dim3A_193 = vector.broadcast %jit3A_192 : f32 to vector<512x256xf32>
    %select_n3A_194 = arith.select %eq3A_191, %broadcast_in_dim3A_193, %select_n3A_174 : vector<512x256xi1>, vector<512x256xf32>
    %reduce_min3A_195 = arith.constant dense<0x7F800000> : vector<512xf32>
    %reduce_min3A_196 = vector.multi_reduction <minimumf>, %select_n3A_194, %reduce_min3A_195 [1] : vector<512x256xf32> to vector<512xf32>
    %broadcast_in_dim3A_197 = vector.shape_cast %reduce_min3A_196 : vector<512xf32> to vector<512x1xf32>
    %le3A_198 = vector.broadcast %broadcast_in_dim3A_197 : vector<512x1xf32> to vector<512x256xf32>
    %le3A_199 = arith.cmpf ole, %select_n3A_194, %le3A_198 : vector<512x256xf32>
    %jit3A_200 = arith.constant 3.000000e+38 : f32
    %broadcast_in_dim3A_201 = vector.broadcast %jit3A_200 : f32 to vector<512x256xf32>
    %select_n3A_202 = arith.select %le3A_199, %convert_element_type3A, %broadcast_in_dim3A_201 : vector<512x256xi1>, vector<512x256xf32>
    %reduce_min3A_203 = arith.constant dense<0x7F800000> : vector<512xf32>
    %reduce_min3A_204 = vector.multi_reduction <minimumf>, %select_n3A_202, %reduce_min3A_203 [1] : vector<512x256xf32> to vector<512xf32>
    %broadcast_in_dim3A_205 = vector.shape_cast %reduce_min3A_204 : vector<512xf32> to vector<512x1xf32>
    %convert_element_type3A_206 = arith.fptosi %broadcast_in_dim3A_205 : vector<512x1xf32> to vector<512x1xi32>
    %swap3A_207 = arith.constant 0 : index
    %swap3A_208 = arith.constant 10 : index
    %swap3A_209 = vector.load %arg2[%swap3A_207, %swap3A_208] : memref<512x16xi32, #tpu.memory_space<vmem>>, vector<512x1xi32>
    tpu.vector_store %arg2[%swap3A_207, %swap3A_208], %convert_element_type3A_206 {strides = array<i32>} : memref<512x16xi32, #tpu.memory_space<vmem>>, vector<512x1xi32>,
    %eq3A_210 = vector.broadcast %broadcast_in_dim3A_205 : vector<512x1xf32> to vector<512x256xf32>
    %eq3A_211 = arith.cmpf oeq, %convert_element_type3A, %eq3A_210 : vector<512x256xf32>
    %jit3A_212 = arith.constant 3.000000e+38 : f32
    %broadcast_in_dim3A_213 = vector.broadcast %jit3A_212 : f32 to vector<512x256xf32>
    %select_n3A_214 = arith.select %eq3A_211, %broadcast_in_dim3A_213, %select_n3A_194 : vector<512x256xi1>, vector<512x256xf32>
    %reduce_min3A_215 = arith.constant dense<0x7F800000> : vector<512xf32>
    %reduce_min3A_216 = vector.multi_reduction <minimumf>, %select_n3A_214, %reduce_min3A_215 [1] : vector<512x256xf32> to vector<512xf32>
    %broadcast_in_dim3A_217 = vector.shape_cast %reduce_min3A_216 : vector<512xf32> to vector<512x1xf32>
    %le3A_218 = vector.broadcast %broadcast_in_dim3A_217 : vector<512x1xf32> to vector<512x256xf32>
    %le3A_219 = arith.cmpf ole, %select_n3A_214, %le3A_218 : vector<512x256xf32>
    %jit3A_220 = arith.constant 3.000000e+38 : f32
    %broadcast_in_dim3A_221 = vector.broadcast %jit3A_220 : f32 to vector<512x256xf32>
    %select_n3A_222 = arith.select %le3A_219, %convert_element_type3A, %broadcast_in_dim3A_221 : vector<512x256xi1>, vector<512x256xf32>
    %reduce_min3A_223 = arith.constant dense<0x7F800000> : vector<512xf32>
    %reduce_min3A_224 = vector.multi_reduction <minimumf>, %select_n3A_222, %reduce_min3A_223 [1] : vector<512x256xf32> to vector<512xf32>
    %broadcast_in_dim3A_225 = vector.shape_cast %reduce_min3A_224 : vector<512xf32> to vector<512x1xf32>
    %convert_element_type3A_226 = arith.fptosi %broadcast_in_dim3A_225 : vector<512x1xf32> to vector<512x1xi32>
    %swap3A_227 = arith.constant 0 : index
    %swap3A_228 = arith.constant 11 : index
    %swap3A_229 = vector.load %arg2[%swap3A_227, %swap3A_228] : memref<512x16xi32, #tpu.memory_space<vmem>>, vector<512x1xi32>
    tpu.vector_store %arg2[%swap3A_227, %swap3A_228], %convert_element_type3A_226 {strides = array<i32>} : memref<512x16xi32, #tpu.memory_space<vmem>>, vector<512x1xi32>,
    %eq3A_230 = vector.broadcast %broadcast_in_dim3A_225 : vector<512x1xf32> to vector<512x256xf32>
    %eq3A_231 = arith.cmpf oeq, %convert_element_type3A, %eq3A_230 : vector<512x256xf32>
    %jit3A_232 = arith.constant 3.000000e+38 : f32
    %broadcast_in_dim3A_233 = vector.broadcast %jit3A_232 : f32 to vector<512x256xf32>
    %select_n3A_234 = arith.select %eq3A_231, %broadcast_in_dim3A_233, %select_n3A_214 : vector<512x256xi1>, vector<512x256xf32>
    %reduce_min3A_235 = arith.constant dense<0x7F800000> : vector<512xf32>
    %reduce_min3A_236 = vector.multi_reduction <minimumf>, %select_n3A_234, %reduce_min3A_235 [1] : vector<512x256xf32> to vector<512xf32>
    %broadcast_in_dim3A_237 = vector.shape_cast %reduce_min3A_236 : vector<512xf32> to vector<512x1xf32>
    %le3A_238 = vector.broadcast %broadcast_in_dim3A_237 : vector<512x1xf32> to vector<512x256xf32>
    %le3A_239 = arith.cmpf ole, %select_n3A_234, %le3A_238 : vector<512x256xf32>
    %jit3A_240 = arith.constant 3.000000e+38 : f32
    %broadcast_in_dim3A_241 = vector.broadcast %jit3A_240 : f32 to vector<512x256xf32>
    %select_n3A_242 = arith.select %le3A_239, %convert_element_type3A, %broadcast_in_dim3A_241 : vector<512x256xi1>, vector<512x256xf32>
    %reduce_min3A_243 = arith.constant dense<0x7F800000> : vector<512xf32>
    %reduce_min3A_244 = vector.multi_reduction <minimumf>, %select_n3A_242, %reduce_min3A_243 [1] : vector<512x256xf32> to vector<512xf32>
    %broadcast_in_dim3A_245 = vector.shape_cast %reduce_min3A_244 : vector<512xf32> to vector<512x1xf32>
    %convert_element_type3A_246 = arith.fptosi %broadcast_in_dim3A_245 : vector<512x1xf32> to vector<512x1xi32>
    %swap3A_247 = arith.constant 0 : index
    %swap3A_248 = arith.constant 12 : index
    %swap3A_249 = vector.load %arg2[%swap3A_247, %swap3A_248] : memref<512x16xi32, #tpu.memory_space<vmem>>, vector<512x1xi32>
    tpu.vector_store %arg2[%swap3A_247, %swap3A_248], %convert_element_type3A_246 {strides = array<i32>} : memref<512x16xi32, #tpu.memory_space<vmem>>, vector<512x1xi32>,
    %eq3A_250 = vector.broadcast %broadcast_in_dim3A_245 : vector<512x1xf32> to vector<512x256xf32>
    %eq3A_251 = arith.cmpf oeq, %convert_element_type3A, %eq3A_250 : vector<512x256xf32>
    %jit3A_252 = arith.constant 3.000000e+38 : f32
    %broadcast_in_dim3A_253 = vector.broadcast %jit3A_252 : f32 to vector<512x256xf32>
    %select_n3A_254 = arith.select %eq3A_251, %broadcast_in_dim3A_253, %select_n3A_234 : vector<512x256xi1>, vector<512x256xf32>
    %reduce_min3A_255 = arith.constant dense<0x7F800000> : vector<512xf32>
    %reduce_min3A_256 = vector.multi_reduction <minimumf>, %select_n3A_254, %reduce_min3A_255 [1] : vector<512x256xf32> to vector<512xf32>
    %broadcast_in_dim3A_257 = vector.shape_cast %reduce_min3A_256 : vector<512xf32> to vector<512x1xf32>
    %le3A_258 = vector.broadcast %broadcast_in_dim3A_257 : vector<512x1xf32> to vector<512x256xf32>
    %le3A_259 = arith.cmpf ole, %select_n3A_254, %le3A_258 : vector<512x256xf32>
    %jit3A_260 = arith.constant 3.000000e+38 : f32
    %broadcast_in_dim3A_261 = vector.broadcast %jit3A_260 : f32 to vector<512x256xf32>
    %select_n3A_262 = arith.select %le3A_259, %convert_element_type3A, %broadcast_in_dim3A_261 : vector<512x256xi1>, vector<512x256xf32>
    %reduce_min3A_263 = arith.constant dense<0x7F800000> : vector<512xf32>
    %reduce_min3A_264 = vector.multi_reduction <minimumf>, %select_n3A_262, %reduce_min3A_263 [1] : vector<512x256xf32> to vector<512xf32>
    %broadcast_in_dim3A_265 = vector.shape_cast %reduce_min3A_264 : vector<512xf32> to vector<512x1xf32>
    %convert_element_type3A_266 = arith.fptosi %broadcast_in_dim3A_265 : vector<512x1xf32> to vector<512x1xi32>
    %swap3A_267 = arith.constant 0 : index
    %swap3A_268 = arith.constant 13 : index
    %swap3A_269 = vector.load %arg2[%swap3A_267, %swap3A_268] : memref<512x16xi32, #tpu.memory_space<vmem>>, vector<512x1xi32>
    tpu.vector_store %arg2[%swap3A_267, %swap3A_268], %convert_element_type3A_266 {strides = array<i32>} : memref<512x16xi32, #tpu.memory_space<vmem>>, vector<512x1xi32>,
    %eq3A_270 = vector.broadcast %broadcast_in_dim3A_265 : vector<512x1xf32> to vector<512x256xf32>
    %eq3A_271 = arith.cmpf oeq, %convert_element_type3A, %eq3A_270 : vector<512x256xf32>
    %jit3A_272 = arith.constant 3.000000e+38 : f32
    %broadcast_in_dim3A_273 = vector.broadcast %jit3A_272 : f32 to vector<512x256xf32>
    %select_n3A_274 = arith.select %eq3A_271, %broadcast_in_dim3A_273, %select_n3A_254 : vector<512x256xi1>, vector<512x256xf32>
    %reduce_min3A_275 = arith.constant dense<0x7F800000> : vector<512xf32>
    %reduce_min3A_276 = vector.multi_reduction <minimumf>, %select_n3A_274, %reduce_min3A_275 [1] : vector<512x256xf32> to vector<512xf32>
    %broadcast_in_dim3A_277 = vector.shape_cast %reduce_min3A_276 : vector<512xf32> to vector<512x1xf32>
    %le3A_278 = vector.broadcast %broadcast_in_dim3A_277 : vector<512x1xf32> to vector<512x256xf32>
    %le3A_279 = arith.cmpf ole, %select_n3A_274, %le3A_278 : vector<512x256xf32>
    %jit3A_280 = arith.constant 3.000000e+38 : f32
    %broadcast_in_dim3A_281 = vector.broadcast %jit3A_280 : f32 to vector<512x256xf32>
    %select_n3A_282 = arith.select %le3A_279, %convert_element_type3A, %broadcast_in_dim3A_281 : vector<512x256xi1>, vector<512x256xf32>
    %reduce_min3A_283 = arith.constant dense<0x7F800000> : vector<512xf32>
    %reduce_min3A_284 = vector.multi_reduction <minimumf>, %select_n3A_282, %reduce_min3A_283 [1] : vector<512x256xf32> to vector<512xf32>
    %broadcast_in_dim3A_285 = vector.shape_cast %reduce_min3A_284 : vector<512xf32> to vector<512x1xf32>
    %convert_element_type3A_286 = arith.fptosi %broadcast_in_dim3A_285 : vector<512x1xf32> to vector<512x1xi32>
    %swap3A_287 = arith.constant 0 : index
    %swap3A_288 = arith.constant 14 : index
    %swap3A_289 = vector.load %arg2[%swap3A_287, %swap3A_288] : memref<512x16xi32, #tpu.memory_space<vmem>>, vector<512x1xi32>
    tpu.vector_store %arg2[%swap3A_287, %swap3A_288], %convert_element_type3A_286 {strides = array<i32>} : memref<512x16xi32, #tpu.memory_space<vmem>>, vector<512x1xi32>,
    %eq3A_290 = vector.broadcast %broadcast_in_dim3A_285 : vector<512x1xf32> to vector<512x256xf32>
    %eq3A_291 = arith.cmpf oeq, %convert_element_type3A, %eq3A_290 : vector<512x256xf32>
    %jit3A_292 = arith.constant 3.000000e+38 : f32
    %broadcast_in_dim3A_293 = vector.broadcast %jit3A_292 : f32 to vector<512x256xf32>
    %select_n3A_294 = arith.select %eq3A_291, %broadcast_in_dim3A_293, %select_n3A_274 : vector<512x256xi1>, vector<512x256xf32>
    %reduce_min3A_295 = arith.constant dense<0x7F800000> : vector<512xf32>
    %reduce_min3A_296 = vector.multi_reduction <minimumf>, %select_n3A_294, %reduce_min3A_295 [1] : vector<512x256xf32> to vector<512xf32>
    %broadcast_in_dim3A_297 = vector.shape_cast %reduce_min3A_296 : vector<512xf32> to vector<512x1xf32>
    %le3A_298 = vector.broadcast %broadcast_in_dim3A_297 : vector<512x1xf32> to vector<512x256xf32>
    %le3A_299 = arith.cmpf ole, %select_n3A_294, %le3A_298 : vector<512x256xf32>
    %jit3A_300 = arith.constant 3.000000e+38 : f32
    %broadcast_in_dim3A_301 = vector.broadcast %jit3A_300 : f32 to vector<512x256xf32>
    %select_n3A_302 = arith.select %le3A_299, %convert_element_type3A, %broadcast_in_dim3A_301 : vector<512x256xi1>, vector<512x256xf32>
    %reduce_min3A_303 = arith.constant dense<0x7F800000> : vector<512xf32>
    %reduce_min3A_304 = vector.multi_reduction <minimumf>, %select_n3A_302, %reduce_min3A_303 [1] : vector<512x256xf32> to vector<512xf32>
    %broadcast_in_dim3A_305 = vector.shape_cast %reduce_min3A_304 : vector<512xf32> to vector<512x1xf32>
    %convert_element_type3A_306 = arith.fptosi %broadcast_in_dim3A_305 : vector<512x1xf32> to vector<512x1xi32>
    %swap3A_307 = arith.constant 0 : index
    %swap3A_308 = arith.constant 15 : index
    %swap3A_309 = vector.load %arg2[%swap3A_307, %swap3A_308] : memref<512x16xi32, #tpu.memory_space<vmem>>, vector<512x1xi32>
    tpu.vector_store %arg2[%swap3A_307, %swap3A_308], %convert_element_type3A_306 {strides = array<i32>} : memref<512x16xi32, #tpu.memory_space<vmem>>, vector<512x1xi32>,
    return
  }
  func.func @transform_0(%arg0: i32) -> (i32, i32) {
    %c0_i32 = arith.constant 0 : i32
    %c0_i32_0 = arith.constant 0 : i32
    return %arg0, %c0_i32 : i32, i32
  }
  func.func @transform_1(%arg0: i32) -> (i32, i32) {
    %c0_i32 = arith.constant 0 : i32
    %c0_i32_0 = arith.constant 0 : i32
    return %arg0, %c0_i32 : i32, i32
  }
}

module attributes {stable_mosaic.version = 14 : i64} {
  func.func @_proj_body(%arg0: i32, %arg1: memref<1024x128xf32, #tpu.memory_space<vmem>>, %arg2: memref<128x256xf32, #tpu.memory_space<vmem>>, %arg3: memref<1024x256xf32, #tpu.memory_space<vmem>>) attributes {dimension_semantics = [#tpu.dimension_semantics<arbitrary>], iteration_bounds = array<i64: 32>, scalar_prefetch = 0 : i64, scratch_operands = 0 : i64, tpu.core_type = #tpu.core_type<tc>, window_params = [{transform_indices = @transform_0, window_bounds = array<i64: 1024, 128>}, {pipeline_mode = #tpu.pipeline_mode<synchronous>, transform_indices = @transform_1, window_bounds = array<i64: 128, 256>}, {transform_indices = @transform_2, window_bounds = array<i64: 1024, 256>}]} {
    %get3A = arith.constant 0 : index
    %get3A_0 = arith.constant 0 : index
    %get3A_1 = vector.load %arg1[%get3A, %get3A_0] : memref<1024x128xf32, #tpu.memory_space<vmem>>, vector<1024x128xf32>
    %get3A_2 = arith.constant 0 : index
    %get3A_3 = arith.constant 0 : index
    %get3A_4 = vector.load %arg2[%get3A_2, %get3A_3] : memref<128x256xf32, #tpu.memory_space<vmem>>, vector<128x256xf32>
    %dot_general3A = arith.constant dense<0.000000e+00> : vector<1024x256xf32>
    %dot_general3A_5 = tpu.matmul %get3A_1, %get3A_4, %dot_general3A {dimension_numbers = #tpu.dot_dimension_numbers<[1], [0], [0], [1], [0, 0, 1, 1], [], []>, precision = #tpu.contract_precision<fp32>, transpose_lhs_hint = false} : vector<1024x128xf32>, vector<128x256xf32>, vector<1024x256xf32> -> vector<1024x256xf32>
    %swap3A = arith.constant 0 : index
    %swap3A_6 = arith.constant 0 : index
    %swap3A_7 = vector.load %arg3[%swap3A, %swap3A_6] : memref<1024x256xf32, #tpu.memory_space<vmem>>, vector<1024x256xf32>
    tpu.vector_store %arg3[%swap3A, %swap3A_6], %dot_general3A_5 {strides = array<i32>} : memref<1024x256xf32, #tpu.memory_space<vmem>>, vector<1024x256xf32>,
    return
  }
  func.func @transform_0(%arg0: i32) -> (i32, i32) {
    %c0_i32 = arith.constant 0 : i32
    %c0_i32_0 = arith.constant 0 : i32
    return %arg0, %c0_i32 : i32, i32
  }
  func.func @transform_1(%arg0: i32) -> (i32, i32) {
    %c0_i32 = arith.constant 0 : i32
    %c0_i32_0 = arith.constant 0 : i32
    %c0_i32_1 = arith.constant 0 : i32
    return %c0_i32, %c0_i32_0 : i32, i32
  }
  func.func @transform_2(%arg0: i32) -> (i32, i32) {
    %c0_i32 = arith.constant 0 : i32
    %c0_i32_0 = arith.constant 0 : i32
    return %arg0, %c0_i32 : i32, i32
  }
}

module attributes {stable_mosaic.version = 14 : i64} {
  func.func @_stage2_body(%arg0: i32, %arg1: memref<512x256xf32, #tpu.memory_space<vmem>>, %arg2: memref<512x256xf32, #tpu.memory_space<vmem>>, %arg3: memref<512x256xf32, #tpu.memory_space<vmem>>, %arg4: memref<512x256xf32, #tpu.memory_space<vmem>>, %arg5: memref<512x3xf32, #tpu.memory_space<vmem>>, %arg6: memref<512x16xi32, #tpu.memory_space<vmem>>) attributes {dimension_semantics = [#tpu.dimension_semantics<arbitrary>], iteration_bounds = array<i64: 64>, scalar_prefetch = 0 : i64, scratch_operands = 0 : i64, tpu.core_type = #tpu.core_type<tc>, window_params = [{transform_indices = @transform_0, window_bounds = array<i64: 512, 256>}, {transform_indices = @transform_1, window_bounds = array<i64: 512, 256>}, {transform_indices = @transform_2, window_bounds = array<i64: 512, 256>}, {transform_indices = @transform_3, window_bounds = array<i64: 512, 256>}, {transform_indices = @transform_4, window_bounds = array<i64: 512, 3>}, {transform_indices = @transform_5, window_bounds = array<i64: 512, 16>}]} {
    %get3A = arith.constant 0 : index
    %get3A_0 = arith.constant 0 : index
    %get3A_1 = vector.load %arg5[%get3A, %get3A_0] : memref<512x3xf32, #tpu.memory_space<vmem>>, vector<512x1xf32>
    %get3A_2 = arith.constant 0 : index
    %get3A_3 = arith.constant 1 : index
    %get3A_4 = vector.load %arg5[%get3A_2, %get3A_3] : memref<512x3xf32, #tpu.memory_space<vmem>>, vector<512x1xf32>
    %get3A_5 = arith.constant 0 : index
    %get3A_6 = arith.constant 2 : index
    %get3A_7 = vector.load %arg5[%get3A_5, %get3A_6] : memref<512x3xf32, #tpu.memory_space<vmem>>, vector<512x1xf32>
    %get3A_8 = arith.constant 0 : index
    %get3A_9 = arith.constant 0 : index
    %get3A_10 = vector.load %arg1[%get3A_8, %get3A_9] : memref<512x256xf32, #tpu.memory_space<vmem>>, vector<512x256xf32>
    %get3A_11 = arith.constant 0 : index
    %get3A_12 = arith.constant 0 : index
    %get3A_13 = vector.load %arg2[%get3A_11, %get3A_12] : memref<512x256xf32, #tpu.memory_space<vmem>>, vector<512x256xf32>
    %get3A_14 = arith.constant 0 : index
    %get3A_15 = arith.constant 0 : index
    %get3A_16 = vector.load %arg3[%get3A_14, %get3A_15] : memref<512x256xf32, #tpu.memory_space<vmem>>, vector<512x256xf32>
    %convert_element_type3A = arith.truncf %get3A_1 : vector<512x1xf32> to vector<512x1xbf16>
    %convert_element_type3A_17 = arith.extf %convert_element_type3A : vector<512x1xbf16> to vector<512x1xf32>
    %convert_element_type3A_18 = arith.truncf %get3A_10 : vector<512x256xf32> to vector<512x256xbf16>
    %convert_element_type3A_19 = arith.extf %convert_element_type3A_18 : vector<512x256xbf16> to vector<512x256xf32>
    %mul3A = vector.broadcast %convert_element_type3A_17 : vector<512x1xf32> to vector<512x256xf32>
    %mul3A_20 = arith.mulf %mul3A, %convert_element_type3A_19 : vector<512x256xf32>
    %convert_element_type3A_21 = arith.truncf %get3A_4 : vector<512x1xf32> to vector<512x1xbf16>
    %convert_element_type3A_22 = arith.extf %convert_element_type3A_21 : vector<512x1xbf16> to vector<512x1xf32>
    %convert_element_type3A_23 = arith.truncf %get3A_13 : vector<512x256xf32> to vector<512x256xbf16>
    %convert_element_type3A_24 = arith.extf %convert_element_type3A_23 : vector<512x256xbf16> to vector<512x256xf32>
    %mul3A_25 = vector.broadcast %convert_element_type3A_22 : vector<512x1xf32> to vector<512x256xf32>
    %mul3A_26 = arith.mulf %mul3A_25, %convert_element_type3A_24 : vector<512x256xf32>
    %add3A = arith.addf %mul3A_20, %mul3A_26 : vector<512x256xf32>
    %convert_element_type3A_27 = arith.truncf %get3A_7 : vector<512x1xf32> to vector<512x1xbf16>
    %convert_element_type3A_28 = arith.extf %convert_element_type3A_27 : vector<512x1xbf16> to vector<512x1xf32>
    %convert_element_type3A_29 = arith.truncf %get3A_16 : vector<512x256xf32> to vector<512x256xbf16>
    %convert_element_type3A_30 = arith.extf %convert_element_type3A_29 : vector<512x256xbf16> to vector<512x256xf32>
    %mul3A_31 = vector.broadcast %convert_element_type3A_28 : vector<512x1xf32> to vector<512x256xf32>
    %mul3A_32 = arith.mulf %mul3A_31, %convert_element_type3A_30 : vector<512x256xf32>
    %add3A_33 = arith.addf %add3A, %mul3A_32 : vector<512x256xf32>
    %mul3A_34 = arith.mulf %get3A_1, %get3A_1 : vector<512x1xf32>
    %mul3A_35 = arith.mulf %get3A_4, %get3A_4 : vector<512x1xf32>
    %add3A_36 = arith.addf %mul3A_34, %mul3A_35 : vector<512x1xf32>
    %mul3A_37 = arith.mulf %get3A_7, %get3A_7 : vector<512x1xf32>
    %add3A_38 = arith.addf %add3A_36, %mul3A_37 : vector<512x1xf32>
    %mul3A_39 = arith.mulf %get3A_10, %get3A_10 : vector<512x256xf32>
    %mul3A_40 = arith.mulf %get3A_13, %get3A_13 : vector<512x256xf32>
    %add3A_41 = arith.addf %mul3A_39, %mul3A_40 : vector<512x256xf32>
    %mul3A_42 = arith.mulf %get3A_16, %get3A_16 : vector<512x256xf32>
    %add3A_43 = arith.addf %add3A_41, %mul3A_42 : vector<512x256xf32>
    %mul3A_44 = arith.constant -2.000000e+00 : f32
    %mul3A_45 = vector.broadcast %mul3A_44 : f32 to vector<512x256xf32>
    %mul3A_46 = arith.mulf %mul3A_45, %add3A_33 : vector<512x256xf32>
    %add3A_47 = vector.broadcast %add3A_38 : vector<512x1xf32> to vector<512x256xf32>
    %add3A_48 = arith.addf %mul3A_46, %add3A_47 : vector<512x256xf32>
    %add3A_49 = arith.addf %add3A_48, %add3A_43 : vector<512x256xf32>
    %get3A_50 = arith.constant 0 : index
    %get3A_51 = arith.constant 0 : index
    %get3A_52 = vector.load %arg4[%get3A_50, %get3A_51] : memref<512x256xf32, #tpu.memory_space<vmem>>, vector<512x256xf32>
    %reduce_min3A = arith.constant dense<0x7F800000> : vector<512xf32>
    %reduce_min3A_53 = vector.multi_reduction <minimumf>, %add3A_49, %reduce_min3A [1] : vector<512x256xf32> to vector<512xf32>
    %broadcast_in_dim3A = vector.shape_cast %reduce_min3A_53 : vector<512xf32> to vector<512x1xf32>
    %le3A = vector.broadcast %broadcast_in_dim3A : vector<512x1xf32> to vector<512x256xf32>
    %le3A_54 = arith.cmpf ole, %add3A_49, %le3A : vector<512x256xf32>
    %jit3A = arith.constant 3.000000e+38 : f32
    %broadcast_in_dim3A_55 = vector.broadcast %jit3A : f32 to vector<512x256xf32>
    %select_n3A = arith.select %le3A_54, %get3A_52, %broadcast_in_dim3A_55 : vector<512x256xi1>, vector<512x256xf32>
    %reduce_min3A_56 = arith.constant dense<0x7F800000> : vector<512xf32>
    %reduce_min3A_57 = vector.multi_reduction <minimumf>, %select_n3A, %reduce_min3A_56 [1] : vector<512x256xf32> to vector<512xf32>
    %broadcast_in_dim3A_58 = vector.shape_cast %reduce_min3A_57 : vector<512xf32> to vector<512x1xf32>
    %convert_element_type3A_59 = arith.fptosi %broadcast_in_dim3A_58 : vector<512x1xf32> to vector<512x1xi32>
    %swap3A = arith.constant 0 : index
    %swap3A_60 = arith.constant 0 : index
    %swap3A_61 = vector.load %arg6[%swap3A, %swap3A_60] : memref<512x16xi32, #tpu.memory_space<vmem>>, vector<512x1xi32>
    tpu.vector_store %arg6[%swap3A, %swap3A_60], %convert_element_type3A_59 {strides = array<i32>} : memref<512x16xi32, #tpu.memory_space<vmem>>, vector<512x1xi32>,
    %eq3A = vector.broadcast %broadcast_in_dim3A_58 : vector<512x1xf32> to vector<512x256xf32>
    %eq3A_62 = arith.cmpf oeq, %get3A_52, %eq3A : vector<512x256xf32>
    %and3A = arith.andi %le3A_54, %eq3A_62 : vector<512x256xi1>
    %jit3A_63 = arith.constant 3.000000e+38 : f32
    %broadcast_in_dim3A_64 = vector.broadcast %jit3A_63 : f32 to vector<512x256xf32>
    %select_n3A_65 = arith.select %and3A, %broadcast_in_dim3A_64, %add3A_49 : vector<512x256xi1>, vector<512x256xf32>
    %reduce_min3A_66 = arith.constant dense<0x7F800000> : vector<512xf32>
    %reduce_min3A_67 = vector.multi_reduction <minimumf>, %select_n3A_65, %reduce_min3A_66 [1] : vector<512x256xf32> to vector<512xf32>
    %broadcast_in_dim3A_68 = vector.shape_cast %reduce_min3A_67 : vector<512xf32> to vector<512x1xf32>
    %le3A_69 = vector.broadcast %broadcast_in_dim3A_68 : vector<512x1xf32> to vector<512x256xf32>
    %le3A_70 = arith.cmpf ole, %select_n3A_65, %le3A_69 : vector<512x256xf32>
    %jit3A_71 = arith.constant 3.000000e+38 : f32
    %broadcast_in_dim3A_72 = vector.broadcast %jit3A_71 : f32 to vector<512x256xf32>
    %select_n3A_73 = arith.select %le3A_70, %get3A_52, %broadcast_in_dim3A_72 : vector<512x256xi1>, vector<512x256xf32>
    %reduce_min3A_74 = arith.constant dense<0x7F800000> : vector<512xf32>
    %reduce_min3A_75 = vector.multi_reduction <minimumf>, %select_n3A_73, %reduce_min3A_74 [1] : vector<512x256xf32> to vector<512xf32>
    %broadcast_in_dim3A_76 = vector.shape_cast %reduce_min3A_75 : vector<512xf32> to vector<512x1xf32>
    %convert_element_type3A_77 = arith.fptosi %broadcast_in_dim3A_76 : vector<512x1xf32> to vector<512x1xi32>
    %swap3A_78 = arith.constant 0 : index
    %swap3A_79 = arith.constant 1 : index
    %swap3A_80 = vector.load %arg6[%swap3A_78, %swap3A_79] : memref<512x16xi32, #tpu.memory_space<vmem>>, vector<512x1xi32>
    tpu.vector_store %arg6[%swap3A_78, %swap3A_79], %convert_element_type3A_77 {strides = array<i32>} : memref<512x16xi32, #tpu.memory_space<vmem>>, vector<512x1xi32>,
    %eq3A_81 = vector.broadcast %broadcast_in_dim3A_76 : vector<512x1xf32> to vector<512x256xf32>
    %eq3A_82 = arith.cmpf oeq, %get3A_52, %eq3A_81 : vector<512x256xf32>
    %and3A_83 = arith.andi %le3A_70, %eq3A_82 : vector<512x256xi1>
    %jit3A_84 = arith.constant 3.000000e+38 : f32
    %broadcast_in_dim3A_85 = vector.broadcast %jit3A_84 : f32 to vector<512x256xf32>
    %select_n3A_86 = arith.select %and3A_83, %broadcast_in_dim3A_85, %select_n3A_65 : vector<512x256xi1>, vector<512x256xf32>
    %reduce_min3A_87 = arith.constant dense<0x7F800000> : vector<512xf32>
    %reduce_min3A_88 = vector.multi_reduction <minimumf>, %select_n3A_86, %reduce_min3A_87 [1] : vector<512x256xf32> to vector<512xf32>
    %broadcast_in_dim3A_89 = vector.shape_cast %reduce_min3A_88 : vector<512xf32> to vector<512x1xf32>
    %le3A_90 = vector.broadcast %broadcast_in_dim3A_89 : vector<512x1xf32> to vector<512x256xf32>
    %le3A_91 = arith.cmpf ole, %select_n3A_86, %le3A_90 : vector<512x256xf32>
    %jit3A_92 = arith.constant 3.000000e+38 : f32
    %broadcast_in_dim3A_93 = vector.broadcast %jit3A_92 : f32 to vector<512x256xf32>
    %select_n3A_94 = arith.select %le3A_91, %get3A_52, %broadcast_in_dim3A_93 : vector<512x256xi1>, vector<512x256xf32>
    %reduce_min3A_95 = arith.constant dense<0x7F800000> : vector<512xf32>
    %reduce_min3A_96 = vector.multi_reduction <minimumf>, %select_n3A_94, %reduce_min3A_95 [1] : vector<512x256xf32> to vector<512xf32>
    %broadcast_in_dim3A_97 = vector.shape_cast %reduce_min3A_96 : vector<512xf32> to vector<512x1xf32>
    %convert_element_type3A_98 = arith.fptosi %broadcast_in_dim3A_97 : vector<512x1xf32> to vector<512x1xi32>
    %swap3A_99 = arith.constant 0 : index
    %swap3A_100 = arith.constant 2 : index
    %swap3A_101 = vector.load %arg6[%swap3A_99, %swap3A_100] : memref<512x16xi32, #tpu.memory_space<vmem>>, vector<512x1xi32>
    tpu.vector_store %arg6[%swap3A_99, %swap3A_100], %convert_element_type3A_98 {strides = array<i32>} : memref<512x16xi32, #tpu.memory_space<vmem>>, vector<512x1xi32>,
    %eq3A_102 = vector.broadcast %broadcast_in_dim3A_97 : vector<512x1xf32> to vector<512x256xf32>
    %eq3A_103 = arith.cmpf oeq, %get3A_52, %eq3A_102 : vector<512x256xf32>
    %and3A_104 = arith.andi %le3A_91, %eq3A_103 : vector<512x256xi1>
    %jit3A_105 = arith.constant 3.000000e+38 : f32
    %broadcast_in_dim3A_106 = vector.broadcast %jit3A_105 : f32 to vector<512x256xf32>
    %select_n3A_107 = arith.select %and3A_104, %broadcast_in_dim3A_106, %select_n3A_86 : vector<512x256xi1>, vector<512x256xf32>
    %reduce_min3A_108 = arith.constant dense<0x7F800000> : vector<512xf32>
    %reduce_min3A_109 = vector.multi_reduction <minimumf>, %select_n3A_107, %reduce_min3A_108 [1] : vector<512x256xf32> to vector<512xf32>
    %broadcast_in_dim3A_110 = vector.shape_cast %reduce_min3A_109 : vector<512xf32> to vector<512x1xf32>
    %le3A_111 = vector.broadcast %broadcast_in_dim3A_110 : vector<512x1xf32> to vector<512x256xf32>
    %le3A_112 = arith.cmpf ole, %select_n3A_107, %le3A_111 : vector<512x256xf32>
    %jit3A_113 = arith.constant 3.000000e+38 : f32
    %broadcast_in_dim3A_114 = vector.broadcast %jit3A_113 : f32 to vector<512x256xf32>
    %select_n3A_115 = arith.select %le3A_112, %get3A_52, %broadcast_in_dim3A_114 : vector<512x256xi1>, vector<512x256xf32>
    %reduce_min3A_116 = arith.constant dense<0x7F800000> : vector<512xf32>
    %reduce_min3A_117 = vector.multi_reduction <minimumf>, %select_n3A_115, %reduce_min3A_116 [1] : vector<512x256xf32> to vector<512xf32>
    %broadcast_in_dim3A_118 = vector.shape_cast %reduce_min3A_117 : vector<512xf32> to vector<512x1xf32>
    %convert_element_type3A_119 = arith.fptosi %broadcast_in_dim3A_118 : vector<512x1xf32> to vector<512x1xi32>
    %swap3A_120 = arith.constant 0 : index
    %swap3A_121 = arith.constant 3 : index
    %swap3A_122 = vector.load %arg6[%swap3A_120, %swap3A_121] : memref<512x16xi32, #tpu.memory_space<vmem>>, vector<512x1xi32>
    tpu.vector_store %arg6[%swap3A_120, %swap3A_121], %convert_element_type3A_119 {strides = array<i32>} : memref<512x16xi32, #tpu.memory_space<vmem>>, vector<512x1xi32>,
    %eq3A_123 = vector.broadcast %broadcast_in_dim3A_118 : vector<512x1xf32> to vector<512x256xf32>
    %eq3A_124 = arith.cmpf oeq, %get3A_52, %eq3A_123 : vector<512x256xf32>
    %and3A_125 = arith.andi %le3A_112, %eq3A_124 : vector<512x256xi1>
    %jit3A_126 = arith.constant 3.000000e+38 : f32
    %broadcast_in_dim3A_127 = vector.broadcast %jit3A_126 : f32 to vector<512x256xf32>
    %select_n3A_128 = arith.select %and3A_125, %broadcast_in_dim3A_127, %select_n3A_107 : vector<512x256xi1>, vector<512x256xf32>
    %reduce_min3A_129 = arith.constant dense<0x7F800000> : vector<512xf32>
    %reduce_min3A_130 = vector.multi_reduction <minimumf>, %select_n3A_128, %reduce_min3A_129 [1] : vector<512x256xf32> to vector<512xf32>
    %broadcast_in_dim3A_131 = vector.shape_cast %reduce_min3A_130 : vector<512xf32> to vector<512x1xf32>
    %le3A_132 = vector.broadcast %broadcast_in_dim3A_131 : vector<512x1xf32> to vector<512x256xf32>
    %le3A_133 = arith.cmpf ole, %select_n3A_128, %le3A_132 : vector<512x256xf32>
    %jit3A_134 = arith.constant 3.000000e+38 : f32
    %broadcast_in_dim3A_135 = vector.broadcast %jit3A_134 : f32 to vector<512x256xf32>
    %select_n3A_136 = arith.select %le3A_133, %get3A_52, %broadcast_in_dim3A_135 : vector<512x256xi1>, vector<512x256xf32>
    %reduce_min3A_137 = arith.constant dense<0x7F800000> : vector<512xf32>
    %reduce_min3A_138 = vector.multi_reduction <minimumf>, %select_n3A_136, %reduce_min3A_137 [1] : vector<512x256xf32> to vector<512xf32>
    %broadcast_in_dim3A_139 = vector.shape_cast %reduce_min3A_138 : vector<512xf32> to vector<512x1xf32>
    %convert_element_type3A_140 = arith.fptosi %broadcast_in_dim3A_139 : vector<512x1xf32> to vector<512x1xi32>
    %swap3A_141 = arith.constant 0 : index
    %swap3A_142 = arith.constant 4 : index
    %swap3A_143 = vector.load %arg6[%swap3A_141, %swap3A_142] : memref<512x16xi32, #tpu.memory_space<vmem>>, vector<512x1xi32>
    tpu.vector_store %arg6[%swap3A_141, %swap3A_142], %convert_element_type3A_140 {strides = array<i32>} : memref<512x16xi32, #tpu.memory_space<vmem>>, vector<512x1xi32>,
    %eq3A_144 = vector.broadcast %broadcast_in_dim3A_139 : vector<512x1xf32> to vector<512x256xf32>
    %eq3A_145 = arith.cmpf oeq, %get3A_52, %eq3A_144 : vector<512x256xf32>
    %and3A_146 = arith.andi %le3A_133, %eq3A_145 : vector<512x256xi1>
    %jit3A_147 = arith.constant 3.000000e+38 : f32
    %broadcast_in_dim3A_148 = vector.broadcast %jit3A_147 : f32 to vector<512x256xf32>
    %select_n3A_149 = arith.select %and3A_146, %broadcast_in_dim3A_148, %select_n3A_128 : vector<512x256xi1>, vector<512x256xf32>
    %reduce_min3A_150 = arith.constant dense<0x7F800000> : vector<512xf32>
    %reduce_min3A_151 = vector.multi_reduction <minimumf>, %select_n3A_149, %reduce_min3A_150 [1] : vector<512x256xf32> to vector<512xf32>
    %broadcast_in_dim3A_152 = vector.shape_cast %reduce_min3A_151 : vector<512xf32> to vector<512x1xf32>
    %le3A_153 = vector.broadcast %broadcast_in_dim3A_152 : vector<512x1xf32> to vector<512x256xf32>
    %le3A_154 = arith.cmpf ole, %select_n3A_149, %le3A_153 : vector<512x256xf32>
    %jit3A_155 = arith.constant 3.000000e+38 : f32
    %broadcast_in_dim3A_156 = vector.broadcast %jit3A_155 : f32 to vector<512x256xf32>
    %select_n3A_157 = arith.select %le3A_154, %get3A_52, %broadcast_in_dim3A_156 : vector<512x256xi1>, vector<512x256xf32>
    %reduce_min3A_158 = arith.constant dense<0x7F800000> : vector<512xf32>
    %reduce_min3A_159 = vector.multi_reduction <minimumf>, %select_n3A_157, %reduce_min3A_158 [1] : vector<512x256xf32> to vector<512xf32>
    %broadcast_in_dim3A_160 = vector.shape_cast %reduce_min3A_159 : vector<512xf32> to vector<512x1xf32>
    %convert_element_type3A_161 = arith.fptosi %broadcast_in_dim3A_160 : vector<512x1xf32> to vector<512x1xi32>
    %swap3A_162 = arith.constant 0 : index
    %swap3A_163 = arith.constant 5 : index
    %swap3A_164 = vector.load %arg6[%swap3A_162, %swap3A_163] : memref<512x16xi32, #tpu.memory_space<vmem>>, vector<512x1xi32>
    tpu.vector_store %arg6[%swap3A_162, %swap3A_163], %convert_element_type3A_161 {strides = array<i32>} : memref<512x16xi32, #tpu.memory_space<vmem>>, vector<512x1xi32>,
    %eq3A_165 = vector.broadcast %broadcast_in_dim3A_160 : vector<512x1xf32> to vector<512x256xf32>
    %eq3A_166 = arith.cmpf oeq, %get3A_52, %eq3A_165 : vector<512x256xf32>
    %and3A_167 = arith.andi %le3A_154, %eq3A_166 : vector<512x256xi1>
    %jit3A_168 = arith.constant 3.000000e+38 : f32
    %broadcast_in_dim3A_169 = vector.broadcast %jit3A_168 : f32 to vector<512x256xf32>
    %select_n3A_170 = arith.select %and3A_167, %broadcast_in_dim3A_169, %select_n3A_149 : vector<512x256xi1>, vector<512x256xf32>
    %reduce_min3A_171 = arith.constant dense<0x7F800000> : vector<512xf32>
    %reduce_min3A_172 = vector.multi_reduction <minimumf>, %select_n3A_170, %reduce_min3A_171 [1] : vector<512x256xf32> to vector<512xf32>
    %broadcast_in_dim3A_173 = vector.shape_cast %reduce_min3A_172 : vector<512xf32> to vector<512x1xf32>
    %le3A_174 = vector.broadcast %broadcast_in_dim3A_173 : vector<512x1xf32> to vector<512x256xf32>
    %le3A_175 = arith.cmpf ole, %select_n3A_170, %le3A_174 : vector<512x256xf32>
    %jit3A_176 = arith.constant 3.000000e+38 : f32
    %broadcast_in_dim3A_177 = vector.broadcast %jit3A_176 : f32 to vector<512x256xf32>
    %select_n3A_178 = arith.select %le3A_175, %get3A_52, %broadcast_in_dim3A_177 : vector<512x256xi1>, vector<512x256xf32>
    %reduce_min3A_179 = arith.constant dense<0x7F800000> : vector<512xf32>
    %reduce_min3A_180 = vector.multi_reduction <minimumf>, %select_n3A_178, %reduce_min3A_179 [1] : vector<512x256xf32> to vector<512xf32>
    %broadcast_in_dim3A_181 = vector.shape_cast %reduce_min3A_180 : vector<512xf32> to vector<512x1xf32>
    %convert_element_type3A_182 = arith.fptosi %broadcast_in_dim3A_181 : vector<512x1xf32> to vector<512x1xi32>
    %swap3A_183 = arith.constant 0 : index
    %swap3A_184 = arith.constant 6 : index
    %swap3A_185 = vector.load %arg6[%swap3A_183, %swap3A_184] : memref<512x16xi32, #tpu.memory_space<vmem>>, vector<512x1xi32>
    tpu.vector_store %arg6[%swap3A_183, %swap3A_184], %convert_element_type3A_182 {strides = array<i32>} : memref<512x16xi32, #tpu.memory_space<vmem>>, vector<512x1xi32>,
    %eq3A_186 = vector.broadcast %broadcast_in_dim3A_181 : vector<512x1xf32> to vector<512x256xf32>
    %eq3A_187 = arith.cmpf oeq, %get3A_52, %eq3A_186 : vector<512x256xf32>
    %and3A_188 = arith.andi %le3A_175, %eq3A_187 : vector<512x256xi1>
    %jit3A_189 = arith.constant 3.000000e+38 : f32
    %broadcast_in_dim3A_190 = vector.broadcast %jit3A_189 : f32 to vector<512x256xf32>
    %select_n3A_191 = arith.select %and3A_188, %broadcast_in_dim3A_190, %select_n3A_170 : vector<512x256xi1>, vector<512x256xf32>
    %reduce_min3A_192 = arith.constant dense<0x7F800000> : vector<512xf32>
    %reduce_min3A_193 = vector.multi_reduction <minimumf>, %select_n3A_191, %reduce_min3A_192 [1] : vector<512x256xf32> to vector<512xf32>
    %broadcast_in_dim3A_194 = vector.shape_cast %reduce_min3A_193 : vector<512xf32> to vector<512x1xf32>
    %le3A_195 = vector.broadcast %broadcast_in_dim3A_194 : vector<512x1xf32> to vector<512x256xf32>
    %le3A_196 = arith.cmpf ole, %select_n3A_191, %le3A_195 : vector<512x256xf32>
    %jit3A_197 = arith.constant 3.000000e+38 : f32
    %broadcast_in_dim3A_198 = vector.broadcast %jit3A_197 : f32 to vector<512x256xf32>
    %select_n3A_199 = arith.select %le3A_196, %get3A_52, %broadcast_in_dim3A_198 : vector<512x256xi1>, vector<512x256xf32>
    %reduce_min3A_200 = arith.constant dense<0x7F800000> : vector<512xf32>
    %reduce_min3A_201 = vector.multi_reduction <minimumf>, %select_n3A_199, %reduce_min3A_200 [1] : vector<512x256xf32> to vector<512xf32>
    %broadcast_in_dim3A_202 = vector.shape_cast %reduce_min3A_201 : vector<512xf32> to vector<512x1xf32>
    %convert_element_type3A_203 = arith.fptosi %broadcast_in_dim3A_202 : vector<512x1xf32> to vector<512x1xi32>
    %swap3A_204 = arith.constant 0 : index
    %swap3A_205 = arith.constant 7 : index
    %swap3A_206 = vector.load %arg6[%swap3A_204, %swap3A_205] : memref<512x16xi32, #tpu.memory_space<vmem>>, vector<512x1xi32>
    tpu.vector_store %arg6[%swap3A_204, %swap3A_205], %convert_element_type3A_203 {strides = array<i32>} : memref<512x16xi32, #tpu.memory_space<vmem>>, vector<512x1xi32>,
    %eq3A_207 = vector.broadcast %broadcast_in_dim3A_202 : vector<512x1xf32> to vector<512x256xf32>
    %eq3A_208 = arith.cmpf oeq, %get3A_52, %eq3A_207 : vector<512x256xf32>
    %and3A_209 = arith.andi %le3A_196, %eq3A_208 : vector<512x256xi1>
    %jit3A_210 = arith.constant 3.000000e+38 : f32
    %broadcast_in_dim3A_211 = vector.broadcast %jit3A_210 : f32 to vector<512x256xf32>
    %select_n3A_212 = arith.select %and3A_209, %broadcast_in_dim3A_211, %select_n3A_191 : vector<512x256xi1>, vector<512x256xf32>
    %reduce_min3A_213 = arith.constant dense<0x7F800000> : vector<512xf32>
    %reduce_min3A_214 = vector.multi_reduction <minimumf>, %select_n3A_212, %reduce_min3A_213 [1] : vector<512x256xf32> to vector<512xf32>
    %broadcast_in_dim3A_215 = vector.shape_cast %reduce_min3A_214 : vector<512xf32> to vector<512x1xf32>
    %le3A_216 = vector.broadcast %broadcast_in_dim3A_215 : vector<512x1xf32> to vector<512x256xf32>
    %le3A_217 = arith.cmpf ole, %select_n3A_212, %le3A_216 : vector<512x256xf32>
    %jit3A_218 = arith.constant 3.000000e+38 : f32
    %broadcast_in_dim3A_219 = vector.broadcast %jit3A_218 : f32 to vector<512x256xf32>
    %select_n3A_220 = arith.select %le3A_217, %get3A_52, %broadcast_in_dim3A_219 : vector<512x256xi1>, vector<512x256xf32>
    %reduce_min3A_221 = arith.constant dense<0x7F800000> : vector<512xf32>
    %reduce_min3A_222 = vector.multi_reduction <minimumf>, %select_n3A_220, %reduce_min3A_221 [1] : vector<512x256xf32> to vector<512xf32>
    %broadcast_in_dim3A_223 = vector.shape_cast %reduce_min3A_222 : vector<512xf32> to vector<512x1xf32>
    %convert_element_type3A_224 = arith.fptosi %broadcast_in_dim3A_223 : vector<512x1xf32> to vector<512x1xi32>
    %swap3A_225 = arith.constant 0 : index
    %swap3A_226 = arith.constant 8 : index
    %swap3A_227 = vector.load %arg6[%swap3A_225, %swap3A_226] : memref<512x16xi32, #tpu.memory_space<vmem>>, vector<512x1xi32>
    tpu.vector_store %arg6[%swap3A_225, %swap3A_226], %convert_element_type3A_224 {strides = array<i32>} : memref<512x16xi32, #tpu.memory_space<vmem>>, vector<512x1xi32>,
    %eq3A_228 = vector.broadcast %broadcast_in_dim3A_223 : vector<512x1xf32> to vector<512x256xf32>
    %eq3A_229 = arith.cmpf oeq, %get3A_52, %eq3A_228 : vector<512x256xf32>
    %and3A_230 = arith.andi %le3A_217, %eq3A_229 : vector<512x256xi1>
    %jit3A_231 = arith.constant 3.000000e+38 : f32
    %broadcast_in_dim3A_232 = vector.broadcast %jit3A_231 : f32 to vector<512x256xf32>
    %select_n3A_233 = arith.select %and3A_230, %broadcast_in_dim3A_232, %select_n3A_212 : vector<512x256xi1>, vector<512x256xf32>
    %reduce_min3A_234 = arith.constant dense<0x7F800000> : vector<512xf32>
    %reduce_min3A_235 = vector.multi_reduction <minimumf>, %select_n3A_233, %reduce_min3A_234 [1] : vector<512x256xf32> to vector<512xf32>
    %broadcast_in_dim3A_236 = vector.shape_cast %reduce_min3A_235 : vector<512xf32> to vector<512x1xf32>
    %le3A_237 = vector.broadcast %broadcast_in_dim3A_236 : vector<512x1xf32> to vector<512x256xf32>
    %le3A_238 = arith.cmpf ole, %select_n3A_233, %le3A_237 : vector<512x256xf32>
    %jit3A_239 = arith.constant 3.000000e+38 : f32
    %broadcast_in_dim3A_240 = vector.broadcast %jit3A_239 : f32 to vector<512x256xf32>
    %select_n3A_241 = arith.select %le3A_238, %get3A_52, %broadcast_in_dim3A_240 : vector<512x256xi1>, vector<512x256xf32>
    %reduce_min3A_242 = arith.constant dense<0x7F800000> : vector<512xf32>
    %reduce_min3A_243 = vector.multi_reduction <minimumf>, %select_n3A_241, %reduce_min3A_242 [1] : vector<512x256xf32> to vector<512xf32>
    %broadcast_in_dim3A_244 = vector.shape_cast %reduce_min3A_243 : vector<512xf32> to vector<512x1xf32>
    %convert_element_type3A_245 = arith.fptosi %broadcast_in_dim3A_244 : vector<512x1xf32> to vector<512x1xi32>
    %swap3A_246 = arith.constant 0 : index
    %swap3A_247 = arith.constant 9 : index
    %swap3A_248 = vector.load %arg6[%swap3A_246, %swap3A_247] : memref<512x16xi32, #tpu.memory_space<vmem>>, vector<512x1xi32>
    tpu.vector_store %arg6[%swap3A_246, %swap3A_247], %convert_element_type3A_245 {strides = array<i32>} : memref<512x16xi32, #tpu.memory_space<vmem>>, vector<512x1xi32>,
    %eq3A_249 = vector.broadcast %broadcast_in_dim3A_244 : vector<512x1xf32> to vector<512x256xf32>
    %eq3A_250 = arith.cmpf oeq, %get3A_52, %eq3A_249 : vector<512x256xf32>
    %and3A_251 = arith.andi %le3A_238, %eq3A_250 : vector<512x256xi1>
    %jit3A_252 = arith.constant 3.000000e+38 : f32
    %broadcast_in_dim3A_253 = vector.broadcast %jit3A_252 : f32 to vector<512x256xf32>
    %select_n3A_254 = arith.select %and3A_251, %broadcast_in_dim3A_253, %select_n3A_233 : vector<512x256xi1>, vector<512x256xf32>
    %reduce_min3A_255 = arith.constant dense<0x7F800000> : vector<512xf32>
    %reduce_min3A_256 = vector.multi_reduction <minimumf>, %select_n3A_254, %reduce_min3A_255 [1] : vector<512x256xf32> to vector<512xf32>
    %broadcast_in_dim3A_257 = vector.shape_cast %reduce_min3A_256 : vector<512xf32> to vector<512x1xf32>
    %le3A_258 = vector.broadcast %broadcast_in_dim3A_257 : vector<512x1xf32> to vector<512x256xf32>
    %le3A_259 = arith.cmpf ole, %select_n3A_254, %le3A_258 : vector<512x256xf32>
    %jit3A_260 = arith.constant 3.000000e+38 : f32
    %broadcast_in_dim3A_261 = vector.broadcast %jit3A_260 : f32 to vector<512x256xf32>
    %select_n3A_262 = arith.select %le3A_259, %get3A_52, %broadcast_in_dim3A_261 : vector<512x256xi1>, vector<512x256xf32>
    %reduce_min3A_263 = arith.constant dense<0x7F800000> : vector<512xf32>
    %reduce_min3A_264 = vector.multi_reduction <minimumf>, %select_n3A_262, %reduce_min3A_263 [1] : vector<512x256xf32> to vector<512xf32>
    %broadcast_in_dim3A_265 = vector.shape_cast %reduce_min3A_264 : vector<512xf32> to vector<512x1xf32>
    %convert_element_type3A_266 = arith.fptosi %broadcast_in_dim3A_265 : vector<512x1xf32> to vector<512x1xi32>
    %swap3A_267 = arith.constant 0 : index
    %swap3A_268 = arith.constant 10 : index
    %swap3A_269 = vector.load %arg6[%swap3A_267, %swap3A_268] : memref<512x16xi32, #tpu.memory_space<vmem>>, vector<512x1xi32>
    tpu.vector_store %arg6[%swap3A_267, %swap3A_268], %convert_element_type3A_266 {strides = array<i32>} : memref<512x16xi32, #tpu.memory_space<vmem>>, vector<512x1xi32>,
    %eq3A_270 = vector.broadcast %broadcast_in_dim3A_265 : vector<512x1xf32> to vector<512x256xf32>
    %eq3A_271 = arith.cmpf oeq, %get3A_52, %eq3A_270 : vector<512x256xf32>
    %and3A_272 = arith.andi %le3A_259, %eq3A_271 : vector<512x256xi1>
    %jit3A_273 = arith.constant 3.000000e+38 : f32
    %broadcast_in_dim3A_274 = vector.broadcast %jit3A_273 : f32 to vector<512x256xf32>
    %select_n3A_275 = arith.select %and3A_272, %broadcast_in_dim3A_274, %select_n3A_254 : vector<512x256xi1>, vector<512x256xf32>
    %reduce_min3A_276 = arith.constant dense<0x7F800000> : vector<512xf32>
    %reduce_min3A_277 = vector.multi_reduction <minimumf>, %select_n3A_275, %reduce_min3A_276 [1] : vector<512x256xf32> to vector<512xf32>
    %broadcast_in_dim3A_278 = vector.shape_cast %reduce_min3A_277 : vector<512xf32> to vector<512x1xf32>
    %le3A_279 = vector.broadcast %broadcast_in_dim3A_278 : vector<512x1xf32> to vector<512x256xf32>
    %le3A_280 = arith.cmpf ole, %select_n3A_275, %le3A_279 : vector<512x256xf32>
    %jit3A_281 = arith.constant 3.000000e+38 : f32
    %broadcast_in_dim3A_282 = vector.broadcast %jit3A_281 : f32 to vector<512x256xf32>
    %select_n3A_283 = arith.select %le3A_280, %get3A_52, %broadcast_in_dim3A_282 : vector<512x256xi1>, vector<512x256xf32>
    %reduce_min3A_284 = arith.constant dense<0x7F800000> : vector<512xf32>
    %reduce_min3A_285 = vector.multi_reduction <minimumf>, %select_n3A_283, %reduce_min3A_284 [1] : vector<512x256xf32> to vector<512xf32>
    %broadcast_in_dim3A_286 = vector.shape_cast %reduce_min3A_285 : vector<512xf32> to vector<512x1xf32>
    %convert_element_type3A_287 = arith.fptosi %broadcast_in_dim3A_286 : vector<512x1xf32> to vector<512x1xi32>
    %swap3A_288 = arith.constant 0 : index
    %swap3A_289 = arith.constant 11 : index
    %swap3A_290 = vector.load %arg6[%swap3A_288, %swap3A_289] : memref<512x16xi32, #tpu.memory_space<vmem>>, vector<512x1xi32>
    tpu.vector_store %arg6[%swap3A_288, %swap3A_289], %convert_element_type3A_287 {strides = array<i32>} : memref<512x16xi32, #tpu.memory_space<vmem>>, vector<512x1xi32>,
    %eq3A_291 = vector.broadcast %broadcast_in_dim3A_286 : vector<512x1xf32> to vector<512x256xf32>
    %eq3A_292 = arith.cmpf oeq, %get3A_52, %eq3A_291 : vector<512x256xf32>
    %and3A_293 = arith.andi %le3A_280, %eq3A_292 : vector<512x256xi1>
    %jit3A_294 = arith.constant 3.000000e+38 : f32
    %broadcast_in_dim3A_295 = vector.broadcast %jit3A_294 : f32 to vector<512x256xf32>
    %select_n3A_296 = arith.select %and3A_293, %broadcast_in_dim3A_295, %select_n3A_275 : vector<512x256xi1>, vector<512x256xf32>
    %reduce_min3A_297 = arith.constant dense<0x7F800000> : vector<512xf32>
    %reduce_min3A_298 = vector.multi_reduction <minimumf>, %select_n3A_296, %reduce_min3A_297 [1] : vector<512x256xf32> to vector<512xf32>
    %broadcast_in_dim3A_299 = vector.shape_cast %reduce_min3A_298 : vector<512xf32> to vector<512x1xf32>
    %le3A_300 = vector.broadcast %broadcast_in_dim3A_299 : vector<512x1xf32> to vector<512x256xf32>
    %le3A_301 = arith.cmpf ole, %select_n3A_296, %le3A_300 : vector<512x256xf32>
    %jit3A_302 = arith.constant 3.000000e+38 : f32
    %broadcast_in_dim3A_303 = vector.broadcast %jit3A_302 : f32 to vector<512x256xf32>
    %select_n3A_304 = arith.select %le3A_301, %get3A_52, %broadcast_in_dim3A_303 : vector<512x256xi1>, vector<512x256xf32>
    %reduce_min3A_305 = arith.constant dense<0x7F800000> : vector<512xf32>
    %reduce_min3A_306 = vector.multi_reduction <minimumf>, %select_n3A_304, %reduce_min3A_305 [1] : vector<512x256xf32> to vector<512xf32>
    %broadcast_in_dim3A_307 = vector.shape_cast %reduce_min3A_306 : vector<512xf32> to vector<512x1xf32>
    %convert_element_type3A_308 = arith.fptosi %broadcast_in_dim3A_307 : vector<512x1xf32> to vector<512x1xi32>
    %swap3A_309 = arith.constant 0 : index
    %swap3A_310 = arith.constant 12 : index
    %swap3A_311 = vector.load %arg6[%swap3A_309, %swap3A_310] : memref<512x16xi32, #tpu.memory_space<vmem>>, vector<512x1xi32>
    tpu.vector_store %arg6[%swap3A_309, %swap3A_310], %convert_element_type3A_308 {strides = array<i32>} : memref<512x16xi32, #tpu.memory_space<vmem>>, vector<512x1xi32>,
    %eq3A_312 = vector.broadcast %broadcast_in_dim3A_307 : vector<512x1xf32> to vector<512x256xf32>
    %eq3A_313 = arith.cmpf oeq, %get3A_52, %eq3A_312 : vector<512x256xf32>
    %and3A_314 = arith.andi %le3A_301, %eq3A_313 : vector<512x256xi1>
    %jit3A_315 = arith.constant 3.000000e+38 : f32
    %broadcast_in_dim3A_316 = vector.broadcast %jit3A_315 : f32 to vector<512x256xf32>
    %select_n3A_317 = arith.select %and3A_314, %broadcast_in_dim3A_316, %select_n3A_296 : vector<512x256xi1>, vector<512x256xf32>
    %reduce_min3A_318 = arith.constant dense<0x7F800000> : vector<512xf32>
    %reduce_min3A_319 = vector.multi_reduction <minimumf>, %select_n3A_317, %reduce_min3A_318 [1] : vector<512x256xf32> to vector<512xf32>
    %broadcast_in_dim3A_320 = vector.shape_cast %reduce_min3A_319 : vector<512xf32> to vector<512x1xf32>
    %le3A_321 = vector.broadcast %broadcast_in_dim3A_320 : vector<512x1xf32> to vector<512x256xf32>
    %le3A_322 = arith.cmpf ole, %select_n3A_317, %le3A_321 : vector<512x256xf32>
    %jit3A_323 = arith.constant 3.000000e+38 : f32
    %broadcast_in_dim3A_324 = vector.broadcast %jit3A_323 : f32 to vector<512x256xf32>
    %select_n3A_325 = arith.select %le3A_322, %get3A_52, %broadcast_in_dim3A_324 : vector<512x256xi1>, vector<512x256xf32>
    %reduce_min3A_326 = arith.constant dense<0x7F800000> : vector<512xf32>
    %reduce_min3A_327 = vector.multi_reduction <minimumf>, %select_n3A_325, %reduce_min3A_326 [1] : vector<512x256xf32> to vector<512xf32>
    %broadcast_in_dim3A_328 = vector.shape_cast %reduce_min3A_327 : vector<512xf32> to vector<512x1xf32>
    %convert_element_type3A_329 = arith.fptosi %broadcast_in_dim3A_328 : vector<512x1xf32> to vector<512x1xi32>
    %swap3A_330 = arith.constant 0 : index
    %swap3A_331 = arith.constant 13 : index
    %swap3A_332 = vector.load %arg6[%swap3A_330, %swap3A_331] : memref<512x16xi32, #tpu.memory_space<vmem>>, vector<512x1xi32>
    tpu.vector_store %arg6[%swap3A_330, %swap3A_331], %convert_element_type3A_329 {strides = array<i32>} : memref<512x16xi32, #tpu.memory_space<vmem>>, vector<512x1xi32>,
    %eq3A_333 = vector.broadcast %broadcast_in_dim3A_328 : vector<512x1xf32> to vector<512x256xf32>
    %eq3A_334 = arith.cmpf oeq, %get3A_52, %eq3A_333 : vector<512x256xf32>
    %and3A_335 = arith.andi %le3A_322, %eq3A_334 : vector<512x256xi1>
    %jit3A_336 = arith.constant 3.000000e+38 : f32
    %broadcast_in_dim3A_337 = vector.broadcast %jit3A_336 : f32 to vector<512x256xf32>
    %select_n3A_338 = arith.select %and3A_335, %broadcast_in_dim3A_337, %select_n3A_317 : vector<512x256xi1>, vector<512x256xf32>
    %reduce_min3A_339 = arith.constant dense<0x7F800000> : vector<512xf32>
    %reduce_min3A_340 = vector.multi_reduction <minimumf>, %select_n3A_338, %reduce_min3A_339 [1] : vector<512x256xf32> to vector<512xf32>
    %broadcast_in_dim3A_341 = vector.shape_cast %reduce_min3A_340 : vector<512xf32> to vector<512x1xf32>
    %le3A_342 = vector.broadcast %broadcast_in_dim3A_341 : vector<512x1xf32> to vector<512x256xf32>
    %le3A_343 = arith.cmpf ole, %select_n3A_338, %le3A_342 : vector<512x256xf32>
    %jit3A_344 = arith.constant 3.000000e+38 : f32
    %broadcast_in_dim3A_345 = vector.broadcast %jit3A_344 : f32 to vector<512x256xf32>
    %select_n3A_346 = arith.select %le3A_343, %get3A_52, %broadcast_in_dim3A_345 : vector<512x256xi1>, vector<512x256xf32>
    %reduce_min3A_347 = arith.constant dense<0x7F800000> : vector<512xf32>
    %reduce_min3A_348 = vector.multi_reduction <minimumf>, %select_n3A_346, %reduce_min3A_347 [1] : vector<512x256xf32> to vector<512xf32>
    %broadcast_in_dim3A_349 = vector.shape_cast %reduce_min3A_348 : vector<512xf32> to vector<512x1xf32>
    %convert_element_type3A_350 = arith.fptosi %broadcast_in_dim3A_349 : vector<512x1xf32> to vector<512x1xi32>
    %swap3A_351 = arith.constant 0 : index
    %swap3A_352 = arith.constant 14 : index
    %swap3A_353 = vector.load %arg6[%swap3A_351, %swap3A_352] : memref<512x16xi32, #tpu.memory_space<vmem>>, vector<512x1xi32>
    tpu.vector_store %arg6[%swap3A_351, %swap3A_352], %convert_element_type3A_350 {strides = array<i32>} : memref<512x16xi32, #tpu.memory_space<vmem>>, vector<512x1xi32>,
    %eq3A_354 = vector.broadcast %broadcast_in_dim3A_349 : vector<512x1xf32> to vector<512x256xf32>
    %eq3A_355 = arith.cmpf oeq, %get3A_52, %eq3A_354 : vector<512x256xf32>
    %and3A_356 = arith.andi %le3A_343, %eq3A_355 : vector<512x256xi1>
    %jit3A_357 = arith.constant 3.000000e+38 : f32
    %broadcast_in_dim3A_358 = vector.broadcast %jit3A_357 : f32 to vector<512x256xf32>
    %select_n3A_359 = arith.select %and3A_356, %broadcast_in_dim3A_358, %select_n3A_338 : vector<512x256xi1>, vector<512x256xf32>
    %reduce_min3A_360 = arith.constant dense<0x7F800000> : vector<512xf32>
    %reduce_min3A_361 = vector.multi_reduction <minimumf>, %select_n3A_359, %reduce_min3A_360 [1] : vector<512x256xf32> to vector<512xf32>
    %broadcast_in_dim3A_362 = vector.shape_cast %reduce_min3A_361 : vector<512xf32> to vector<512x1xf32>
    %le3A_363 = vector.broadcast %broadcast_in_dim3A_362 : vector<512x1xf32> to vector<512x256xf32>
    %le3A_364 = arith.cmpf ole, %select_n3A_359, %le3A_363 : vector<512x256xf32>
    %jit3A_365 = arith.constant 3.000000e+38 : f32
    %broadcast_in_dim3A_366 = vector.broadcast %jit3A_365 : f32 to vector<512x256xf32>
    %select_n3A_367 = arith.select %le3A_364, %get3A_52, %broadcast_in_dim3A_366 : vector<512x256xi1>, vector<512x256xf32>
    %reduce_min3A_368 = arith.constant dense<0x7F800000> : vector<512xf32>
    %reduce_min3A_369 = vector.multi_reduction <minimumf>, %select_n3A_367, %reduce_min3A_368 [1] : vector<512x256xf32> to vector<512xf32>
    %broadcast_in_dim3A_370 = vector.shape_cast %reduce_min3A_369 : vector<512xf32> to vector<512x1xf32>
    %convert_element_type3A_371 = arith.fptosi %broadcast_in_dim3A_370 : vector<512x1xf32> to vector<512x1xi32>
    %swap3A_372 = arith.constant 0 : index
    %swap3A_373 = arith.constant 15 : index
    %swap3A_374 = vector.load %arg6[%swap3A_372, %swap3A_373] : memref<512x16xi32, #tpu.memory_space<vmem>>, vector<512x1xi32>
    tpu.vector_store %arg6[%swap3A_372, %swap3A_373], %convert_element_type3A_371 {strides = array<i32>} : memref<512x16xi32, #tpu.memory_space<vmem>>, vector<512x1xi32>,
    return
  }
  func.func @transform_0(%arg0: i32) -> (i32, i32) {
    %c0_i32 = arith.constant 0 : i32
    %c0_i32_0 = arith.constant 0 : i32
    return %arg0, %c0_i32 : i32, i32
  }
  func.func @transform_1(%arg0: i32) -> (i32, i32) {
    %c0_i32 = arith.constant 0 : i32
    %c0_i32_0 = arith.constant 0 : i32
    return %arg0, %c0_i32 : i32, i32
  }
  func.func @transform_2(%arg0: i32) -> (i32, i32) {
    %c0_i32 = arith.constant 0 : i32
    %c0_i32_0 = arith.constant 0 : i32
    return %arg0, %c0_i32 : i32, i32
  }
  func.func @transform_3(%arg0: i32) -> (i32, i32) {
    %c0_i32 = arith.constant 0 : i32
    %c0_i32_0 = arith.constant 0 : i32
    return %arg0, %c0_i32 : i32, i32
  }
  func.func @transform_4(%arg0: i32) -> (i32, i32) {
    %c0_i32 = arith.constant 0 : i32
    %c0_i32_0 = arith.constant 0 : i32
    return %arg0, %c0_i32 : i32, i32
  }
  func.func @transform_5(%arg0: i32) -> (i32, i32) {
    %c0_i32 = arith.constant 0 : i32
    %c0_i32_0 = arith.constant 0 : i32
    return %arg0, %c0_i32 : i32, i32
  }
}

module attributes {stable_mosaic.version = 14 : i64} {
  func.func @_combine_body(%arg0: i32, %arg1: memref<1024x256xf32, #tpu.memory_space<vmem>>, %arg2: memref<1024x256xf32, #tpu.memory_space<vmem>>, %arg3: memref<1x256xf32, #tpu.memory_space<vmem>>, %arg4: memref<1x256xf32, #tpu.memory_space<vmem>>, %arg5: memref<1024x256xf32, #tpu.memory_space<vmem>>) attributes {dimension_semantics = [#tpu.dimension_semantics<arbitrary>], iteration_bounds = array<i64: 32>, scalar_prefetch = 0 : i64, scratch_operands = 0 : i64, tpu.core_type = #tpu.core_type<tc>, window_params = [{transform_indices = @transform_0, window_bounds = array<i64: 1024, 256>}, {transform_indices = @transform_1, window_bounds = array<i64: 1024, 256>}, {pipeline_mode = #tpu.pipeline_mode<synchronous>, transform_indices = @transform_2, window_bounds = array<i64: 1, 256>}, {pipeline_mode = #tpu.pipeline_mode<synchronous>, transform_indices = @transform_3, window_bounds = array<i64: 1, 256>}, {transform_indices = @transform_4, window_bounds = array<i64: 1024, 256>}]} {
    %get3A = arith.constant 0 : index
    %get3A_0 = arith.constant 0 : index
    %get3A_1 = vector.load %arg3[%get3A, %get3A_0] : memref<1x256xf32, #tpu.memory_space<vmem>>, vector<1x256xf32>
    %get3A_2 = arith.constant 0 : index
    %get3A_3 = arith.constant 0 : index
    %get3A_4 = vector.load %arg4[%get3A_2, %get3A_3] : memref<1x256xf32, #tpu.memory_space<vmem>>, vector<1x256xf32>
    %ge3A = arith.constant 0.000000e+00 : f32
    %ge3A_5 = vector.broadcast %ge3A : f32 to vector<1x256xf32>
    %ge3A_6 = arith.cmpf oge, %get3A_1, %ge3A_5 : vector<1x256xf32>
    %get3A_7 = arith.constant 0 : index
    %get3A_8 = arith.constant 0 : index
    %get3A_9 = vector.load %arg1[%get3A_7, %get3A_8] : memref<1024x256xf32, #tpu.memory_space<vmem>>, vector<1024x256xf32>
    %get3A_10 = arith.constant 0 : index
    %get3A_11 = arith.constant 0 : index
    %get3A_12 = vector.load %arg2[%get3A_10, %get3A_11] : memref<1024x256xf32, #tpu.memory_space<vmem>>, vector<1024x256xf32>
    %broadcast_in_dim3A = vector.shape_cast %ge3A_6 : vector<1x256xi1> to vector<1x256xi1>
    %broadcast_in_dim3A_13 = vector.broadcast %broadcast_in_dim3A : vector<1x256xi1> to vector<1024x256xi1>
    %select_n3A = arith.select %broadcast_in_dim3A_13, %get3A_9, %get3A_12 : vector<1024x256xi1>, vector<1024x256xf32>
    %mul3A = vector.broadcast %get3A_1 : vector<1x256xf32> to vector<1024x256xf32>
    %mul3A_14 = arith.mulf %select_n3A, %mul3A : vector<1024x256xf32>
    %add3A = vector.broadcast %get3A_4 : vector<1x256xf32> to vector<1024x256xf32>
    %add3A_15 = arith.addf %mul3A_14, %add3A : vector<1024x256xf32>
    %max3A = arith.constant 0.000000e+00 : f32
    %max3A_16 = vector.broadcast %max3A : f32 to vector<1024x256xf32>
    %max3A_17 = arith.maximumf %add3A_15, %max3A_16 : vector<1024x256xf32>
    %swap3A = arith.constant 0 : index
    %swap3A_18 = arith.constant 0 : index
    %swap3A_19 = vector.load %arg5[%swap3A, %swap3A_18] : memref<1024x256xf32, #tpu.memory_space<vmem>>, vector<1024x256xf32>
    tpu.vector_store %arg5[%swap3A, %swap3A_18], %max3A_17 {strides = array<i32>} : memref<1024x256xf32, #tpu.memory_space<vmem>>, vector<1024x256xf32>,
    return
  }
  func.func @transform_0(%arg0: i32) -> (i32, i32) {
    %c0_i32 = arith.constant 0 : i32
    %c0_i32_0 = arith.constant 0 : i32
    return %arg0, %c0_i32 : i32, i32
  }
  func.func @transform_1(%arg0: i32) -> (i32, i32) {
    %c0_i32 = arith.constant 0 : i32
    %c0_i32_0 = arith.constant 0 : i32
    return %arg0, %c0_i32 : i32, i32
  }
  func.func @transform_2(%arg0: i32) -> (i32, i32) {
    %c0_i32 = arith.constant 0 : i32
    %c0_i32_0 = arith.constant 0 : i32
    %c0_i32_1 = arith.constant 0 : i32
    return %c0_i32, %c0_i32_0 : i32, i32
  }
  func.func @transform_3(%arg0: i32) -> (i32, i32) {
    %c0_i32 = arith.constant 0 : i32
    %c0_i32_0 = arith.constant 0 : i32
    %c0_i32_1 = arith.constant 0 : i32
    return %c0_i32, %c0_i32_0 : i32, i32
  }
  func.func @transform_4(%arg0: i32) -> (i32, i32) {
    %c0_i32 = arith.constant 0 : i32
    %c0_i32_0 = arith.constant 0 : i32
    return %arg0, %c0_i32 : i32, i32
  }
}

</mosaic_0001>

<sc_bundles>
// kernel: kernel.12.cloned.1.call-start
scs
__scs_entry_jumppad:
0x0: {  	(pc) =	sbr.rel $0x88, $3  }
0x1: {  	(tag) =	ssettag $0x0;
	lr =	simm.s32 $0x1  }
0x2: {  	[smem:$0x3F9C] =	sst lr;
	_ =	strace $0xD0000000  }
0x3: {  	_ = 	snop  }
0x4: {  	_ = 	snop  }
0x5: {  	_ = 	snop  }
0x6: {  	_ = 	snop  }
0x7: {  	_ = 	snop  }
__scs_overlays_trampoline_lowered:
0x8: {  	[smem:$0x3FAB] =	sst s0  }
0x9: {  	[smem:$0x3FAC] =	sst s1  }
0xa: {  	[smem:$0x3FAD] =	sst s2  }
0xb: {  	[smem:$0x3FAE] =	sst s3  }
0xc: {  	[smem:$0x3FAF] =	sst s4  }
0xd: {  	[smem:$0x3FB0] =	sst s5  }
0xe: {  	[smem:$0x3FB1] =	sst s6  }
0xf: {  	[smem:$0x3FB2] =	sst s7  }
0x10: {  	[smem:$0x3FB3] =	sst s8  }
0x11: {  	[smem:$0x3FB4] =	sst s9;
	s0 =	simm.s32 @!p0 $0x0  }
0x12: {  	s1 =	sld [smem:$0x3F9A];
	s0 =	simm.s32 @p0 $0x1  }
0x13: {  	[smem:$0x3FB5] =	sst s0;
	s0 =	simm.s32 @!p1 $0x0  }
0x14: {  	s2 =	sld [smem:$0x3F99];
	s0 =	simm.s32 @p1 $0x1  }
0x15: {  	[smem:$0x3FB6] =	sst s0;
	s0 =	simm.s32 @!p2 $0x0  }
0x16: {  	s3 =	sld [smem:$0x3FDB];
	s0 =	simm.s32 @p2 $0x1  }
0x17: {  	s4 =	simm.s32 $0x1BF5;
	[smem:$0x3FB8] =	sst s0  }
0x18: {  	s0 =	sld [smem:$0x3F9B];
	_ =	swait.ge [sflag:s4], $0x0  }
0x19: {  	s7 =	sld [smem:$0x3F9C]  }
0x1a: {  	s8 =	sadd.s32 $0xFFFFE003, lr  }
0x1b: {  	s9 =	sadd.s32 $0xFFFFFEF7, lr;
	s5 =	simm.s32 $0xFFFFFFFF;
	p2 =	slt.u32 s8, $0xFFFFF086  }
0x1c: {  	p1 =	slt.u32 s9, $0xF7A;
	s5 =	simm.s32 @!p2 $0x0  }
0x1d: {  	s5 =	simm.s32 @p1 $0x1;
	p0 =	seq.s32 s7, s2  }
0x1e: {  	s7 =	smul.u32 @!p0 $0xF7A, s2;
	p2 =	seq.s32 @!p0 s5, $0x0  }
0x1f: {  	s9 =	smul.u32 $0xF7A, s1;
	s8 =	simm.s32 @!p0 $0x1BF5;
	p2 =	por !p2, p0  }
0x20: {  	[sflag:s8] =	ssyncset.s32 @!p0 $0xFFFFF086;
	s6 =	sadd.s32 @!p0 s3, s7;
	s7 =	simm.s32 @!p0 $0x108  }
0x21: {  	s3 =	sadd.s32 s3, s9;
	s6 =	sadd.s32 @!p0 $0x88, s6;
	s7 =	simm.s32 @p2 $0x1082  }
0x22: {  	[simem:s7], [sflag:s8] =	dma.local @!p0 [hbm:s6], $0xF7A  }
0x23: {  	s9 =	sor.u32 $0xD0000000, s2;
	s6 =	simm.s32 $0x108;
	_ =	swait.ge @!p0 [sflag:s8], $0x0  }
0x24: {  	s3 =	sadd.s32 $0x88, s3;
	s6 =	simm.s32 @!p1 $0x1082;
	[sflag:s4] =	ssyncset.s32 $0xFFFFF086  }
0x25: {  	[simem:s6], [sflag:s4] =	dma.local [hbm:s3], $0xF7A  }
0x26: {  	[smem:$0x3F9C] =	sst s1;
	(tag) =	ssettag s2;
	_ =	strace s9  }
0x27: {  	s1 =	sld [smem:$0x3FAC]  }
0x28: {  	s2 =	sld [smem:$0x3FAD]  }
0x29: {  	s4 =	sld [smem:$0x3FAF]  }
0x2a: {  	p0 =	seq.s32 s5, $0x0;
	s5 =	sld [smem:$0x3FB0]  }
0x2b: {  	s6 =	sld [smem:$0x3FB1]  }
0x2c: {  	s7 =	sld [smem:$0x3FB2]  }
0x2d: {  	s3 =	simm.s32 $0x108;
	s8 =	sld [smem:$0x3FB3]  }
0x2e: {  	s3 =	simm.s32 @!p0 $0x1082;
	s9 =	sld [smem:$0x3FB4]  }
0x2f: {  	lr =	sadd.s32 s0, s3;
	s0 =	sld [smem:$0x3FAB]  }
0x30: {  	s3 =	sld [smem:$0x3FAE]  }
0x31: {  	[smem:$0x3FB7] =	sst s10  }
0x32: {  	s10 =	sld [smem:$0x3FB5];
	_ =	sdelay $0x3  }
0x33: {  	p0 =	seq.s32 s10, $0x1;
	s10 =	sld [smem:$0x3FB7];
	_ =	sdelay $0x3  }
0x34: {  	[smem:$0x3FB7] =	sst s10  }
0x35: {  	s10 =	sld [smem:$0x3FB6];
	_ =	sdelay $0x3  }
0x36: {  	p1 =	seq.s32 s10, $0x1;
	s10 =	sld [smem:$0x3FB7];
	_ =	sdelay $0x3  }
0x37: {  	[smem:$0x3FB7] =	sst s10  }
0x38: {  	s10 =	sld [smem:$0x3FB8]  }
0x39: {  	_ = 	snop;
	(pc) =	sbr.ind lr, $3  }
0x3a: {  	_ = 	snop  }
0x3b: {  	_ = 	snop  }
0x3c: {  	p2 =	seq.s32 s10, $0x1;
	s10 =	sld [smem:$0x3FB7]  }
0x3d: {  	_ =	shalt  }
0x3e: {  	_ =	shalt  }
0x3f: {  	_ =	shalt  }
0x40: {  	_ =	shalt  }
0x41: {  	_ =	shalt  }
0x42: {  	_ =	shalt  }
0x43: {  	_ =	shalt  }
0x44: {  	_ =	shalt  }
0x45: {  	_ =	shalt  }
0x46: {  	_ =	shalt  }
0x47: {  	_ =	shalt  }
0x48: {  	_ =	shalt  }
0x49: {  	_ =	shalt  }
0x4a: {  	_ =	shalt  }
0x4b: {  	_ =	shalt  }
0x4c: {  	_ =	shalt  }
0x4d: {  	_ =	shalt  }
0x4e: {  	_ =	shalt  }
0x4f: {  	_ =	shalt  }
0x50: {  	_ =	shalt  }
0x51: {  	_ =	shalt  }
0x52: {  	_ =	shalt  }
0x53: {  	_ =	shalt  }
0x54: {  	_ =	shalt  }
0x55: {  	_ =	shalt  }
0x56: {  	_ =	shalt  }
0x57: {  	_ =	shalt  }
0x58: {  	_ =	shalt  }
0x59: {  	_ =	shalt  }
0x5a: {  	_ =	shalt  }
0x5b: {  	_ =	shalt  }
0x5c: {  	_ =	shalt  }
0x5d: {  	_ =	shalt  }
0x5e: {  	_ =	shalt  }
0x5f: {  	_ =	shalt  }
0x60: {  	_ =	shalt  }
0x61: {  	_ =	shalt  }
0x62: {  	_ =	shalt  }
0x63: {  	_ =	shalt  }
0x64: {  	_ =	shalt  }
0x65: {  	_ =	shalt  }
0x66: {  	_ =	shalt  }
0x67: {  	_ =	shalt  }
0x68: {  	_ =	shalt  }
0x69: {  	_ =	shalt  }
0x6a: {  	_ =	shalt  }
0x6b: {  	_ =	shalt  }
0x6c: {  	_ =	shalt  }
0x6d: {  	_ =	shalt  }
0x6e: {  	_ =	shalt  }
0x6f: {  	_ =	shalt  }
0x70: {  	_ =	shalt  }
0x71: {  	_ =	shalt  }
0x72: {  	_ =	shalt  }
0x73: {  	_ =	shalt  }
0x74: {  	_ =	shalt  }
0x75: {  	_ =	shalt  }
0x76: {  	_ =	shalt  }
0x77: {  	_ =	shalt  }
0x78: {  	_ =	shalt  }
0x79: {  	_ =	shalt  }
0x7a: {  	_ =	shalt  }
0x7b: {  	_ =	shalt  }
0x7c: {  	_ =	shalt  }
0x7d: {  	_ =	shalt  }
0x7e: {  	_ =	shalt  }
0x7f: {  	_ =	shalt  }
0x80: {  	_ =	shalt  }
0x81: {  	_ =	shalt  }
0x82: {  	_ =	shalt  }
0x83: {  	_ =	shalt  }
0x84: {  	_ =	shalt  }
0x85: {  	_ =	shalt  }
0x86: {  	_ =	shalt  }
0x87: {  	_ =	shalt  }
.Lfunc_end0:
.L_simem_size_0:
called_computation.3_lowered:
.L_overlay_start_0:
0x88: {  	s2 =	sld [smem:$0x3FD9]  }
0x89: {  	s3 =	sld [smem:$0x3FFE];
	_ =	sdelay $0x1  }
0x8a: {  	s1 =	srdreg.scid  }
0x8b: {  	s0 =	sand.u32 $0x1, s1  }
0x8c: {  	s15 =	sshll.u32 s0, $0xA;
	s2 =	sadd.s32 s3, s2  }
0x8d: {  	s2 =	sadd.s32 s2, s15  }
0x8e: {  	[smem:$0x3FC3] =	sst s2  }
0x8f: {  	_ = 	snop  }
0x90: {  	s2 =	sld [smem:$0x3FD0];
	_ =	sdelay $0x2  }
0x91: {  	s16 =	simm.s32 $0xB;
	s4 =	simm.s32 $0x10  }
0x92: {  	[smem:s4], [sflag:s16] =	dma.local [hbm:s2], $0x1  }
0x93: {  	_ =	swait.eq [sflag:s16], $0x1  }
0x94: {  	[sflag:s16] =	ssyncset.done $0x0  }
0x95: {  	[sflag:s16] =	ssyncadd.s32 $0xFFFFFFFF  }
0x96: {  	s17 =	sld [smem:$0x11];
	(tm) =	ssettm $0x1  }
0x97: {  	s18 =	sld [smem:$0x3FFB];
	_ =	sdelay $0x3  }
0x98: {  	_ =	strace s18  }
0x99: {  	s2 =	sld [smem:$0x3FFC];
	_ =	sdelay $0x3  }
0x9a: {  	_ =	strace s2  }
0x9b: {  	s2 =	sld [smem:$0x3FFD];
	_ =	sdelay $0x3  }
0x9c: {  	_ =	strace s2  }
0x9d: {  	_ =	strace $0x8FFFFFFF  }
0x9e: {  	s19 =	sld [smem:$0x3FDB];
	_ =	sdelay $0x1  }
0x9f: {  	s20 =	simm.s32 $_scs_section_size  }
0xa0: {  	s5 =	simm.s32 $_size__tile_overlayer_lowered;
	s6 =	simm.s32 $_tile_overlayer_lowered  }
0xa1: {  	s7 =	simm.s32 $0x1BFF;
	s21 =	sshll.u32 s6, $0x1;
	s4 =	sadd.s32 s20, s19  }
0xa2: {  	s22 =	simm.s32 $0x0;
	s5 =	sshll.u32 s5, $0x1;
	s6 =	sadd.s32 s21, s4  }
0xa3: {  	[timem:s22], [sflag:s7] =	dma.local [hbm:s6], s5  }
0xa4: {  	_ =	swait.ge [sflag:s7], s5  }
0xa5: {  	s5 =	ssub.s32 $0x0, s5;
	[sflag:s7] =	ssyncset.done $0x0  }
0xa6: {  	[sflag:s7] =	ssyncadd.s32 s5;
	_ =	sdelay $0x1  }
0xa7: {  	s23 =	simm.s32 $0x1B8B  }
0xa8: {  	_ =	swait.ge [sflag:s23], $0x1  }
0xa9: {  	[sflag:s23] =	ssyncset.done $0x0  }
0xaa: {  	[sflag:s23] =	ssyncadd.s32 $0xFFFFFFFF  }
0xab: {  	s5 =	sld [smem:$0x0]  }
0xac: {  	s6 =	sand.u32 $0xFFFFFFFE, s1  }
0xad: {  	p0 =	sne.s32 s1, s6  }
0xae: {  	s6 =	sshll.u32 @p0 s6, $0xE  }
0xaf: {  	s6 =	sadd.s32 @p0 $0x11B8D, s6;
	s7 =	sshll.u32 @p0 s5, $0x11  }
0xb0: {  	s6 =	sor.u32 @p0 s7, s6  }
0xb1: {  	[sflag:s6] =	ssyncadd.remote.s32 @p0 $0x1;
	_ =	sdelay $0x1  }
0xb2: {  	s6 =	simm.s32 @p0 $0x1B8D  }
0xb3: {  	_ =	swait.eq @p0 [sflag:s6], $0x1  }
0xb4: {  	[sflag:s6] =	ssyncadd.s32 @p0 $0xFFFFFFFF  }
0xb5: {  	s7 =	sshll.u32 @!p0 s1, $0xE  }
0xb6: {  	s7 =	sor.u32 @!p0 $0x4000, s7;
	s6 =	simm.s32 @!p0 $0x1B8D  }
0xb7: {  	s5 =	sshll.u32 @!p0 s5, $0x11;
	s7 =	sadd.s32 @!p0 $0x11B8D, s7;
	_ =	swait.eq @!p0 [sflag:s6], $0x1  }
0xb8: {  	s5 =	sor.u32 @!p0 s5, s7;
	[sflag:s6] =	ssyncadd.s32 @!p0 $0xFFFFFFFF  }
0xb9: {  	s25 =	simm.s32 $0x1B8E;
	s24 =	sld [smem:$0x3FFE];
	[sflag:s5] =	ssyncadd.remote.s32 @!p0 $0x1  }
0xba: {  	s26 =	simm.s32 $execute0_lowered;
	[smem:$0x3FD2] =	sst s25  }
0xbb: {  	s6 =	sshll.u32 s26, $0x1;
	_ =	strace $0x8000004F;
	[dreg:$0x1] =	wrdreg $0xFFFFFFFF  }
0xbc: {  	s28 =	simm.s32 $_size_execute0_lowered;
	s4 =	sadd.s32 s4, s6;
	[dreg:$0x0] =	wrdreg $0x0  }
0xbd: {  	s6 =	sshll.u32 s28, $0x1;
	[dreg:$0x2] =	wrdreg s4  }
0xbe: {  	[dreg:$0x3] =	wrdreg s6  }
0xbf: {  	[dreg:$0x4] =	wrdreg $0xC0  }
0xc0: {  	_ =	task [dreg:s22], $0x5FFFF  }
0xc1: {  	[dreg:$0x1] =	wrdreg $0xFFFFFFFF  }
0xc2: {  	[dreg:$0x0] =	wrdreg $0x60  }
0xc3: {  	[dreg:$0x2] =	wrdreg s17  }
0xc4: {  	[dreg:$0x3] =	wrdreg s24  }
0xc5: {  	[dreg:$0x4] =	wrdreg $0xA  }
0xc6: {  	_ =	task.clear_ibuf [dreg:s22], $0x5FFFF;
	_ =	strace $0x9000004F  }
0xc7: {  	s29 =	simm.s32 $0xA;
	_ =	strace $0x80000051  }
0xc8: {  	_ =	swait.ge [sflag:s29], $0x1  }
0xc9: {  	[sflag:s29] =	ssyncadd.s32 $0xFFFFFFFF  }
0xca: {  	_ =	strace $0x90000051  }
0xcb: {  	_ =	sfence  }
0xcc: {  	s30 =	sld [smem:$0x0];
	_ =	sdelay $0x2  }
0xcd: {  	s31 =	sshll.u32 s1, $0xD;
	s1 =	sshrl.u32 s1, $0x2  }
0xce: {  	s4 =	sand.u32 $0x4000, s31;
	s1 =	sadd.s32 s1, s30  }
0xcf: {  	s0 =	sor.u32 s4, s0;
	s1 =	sshll.u32 s1, $0x11  }
0xd0: {  	s0 =	sor.u32 s1, s0  }
0xd1: {  	s0 =	sadd.s32 $0x8F2B, s0  }
0xd2: {  	[sflag:s0] =	ssyncadd.remote.s32 $0x1  }
0xd3: {  	_ =	sfence.sel $0xFFFF  }
0xd4: {  	[dreg:$0x0] =	wrdreg $0xFFFFFFFF;
	(pc) =	sbr.abs _section_cstart, $3  }
0xd5: {  	[dreg:$0x1] =	wrdreg $0xFFFFFFFF  }
0xd6: {  	_ =	task.clear_ibuf [dreg:s22], $0x2FFFF;
	_ =	strace $0x9FFFFFFF  }
0xd7: {  	(tm) =	ssettm $0x7FFFFFFF  }
tec
execute0_lowered:
.L_overlay_start_1:
0x0: {  	(tag) =	ssettag $0x1  }
0x1: {  	s0 =	rddreg [dreg:$0x0]  }
0x2: {  	s1 =	rddreg [dreg:$0x1];
	s2 =	simm.s32 $0x0  }
0x3: {  	s3 =	srdreg.scid;
	s4 =	stileid.u32;
	s19 =	simm.s32 $0xC800  }
0x4: {  	s20 =	simm.s32 $0xD000;
	s21 =	simm.s32 $0xD800;
	s22 =	simm.s32 $0xE000  }
0x5: {  	s23 =	simm.s32 $0xE800;
	s28 =	simm.s32 $0x200;
	s29 =	simm.s32 $0x400  }
0x6: {  	s30 =	simm.s32 $0x10000;
	s31 =	simm.s32 $0x10800;
	s10 =	simm.s32 $0x0  }
0x7: {  	[smem:$0x7FF] =	sst s2;
	s5 =	sand.u32 $0x1, s3;
	s3 =	sadd.s32 $0x19BA400, s1  }
0x8: {  	s7 =	sshll.u32 s4, $0x1;
	s4 =	sadd.s32 $0x22400, s1;
	_ =	strace $0x80000050  }
0x9: {  	s6 =	ssub.s32 $0x2, s5;
	s7 =	sor.u32 s5, s7;
	s5 =	sadd.s32 $0x122400, s1  }
0xa: {  	s1 =	simm.s32 $0x3;
	s8 =	sshrl.u32 s6, $0x1;
	s25 =	sshll.u32 s7, $0xC  }
0xb: {  	s7 =	sshll.u32 s7, $0xF;
	s24 =	ssub.s32 s6, s8;
	s0 =	sadd.s32 s0, s25  }
0xc: {  	v2 =	vlaneseq.u32;
	s25 =	simm.s32 $0xF800;
	s6 =	simm.s32 $0x10400;
	s8 =	simm.s32 $0x10C00  }
0xd: {  	vm0 =	vmmov $0xffff;
	v1 =	vshrl.u32 v2, $0x3;
	[dreg:$0x3] =	wrdreg s0;
	s26 =	smax.u32 s24, $0x1;
	s24 =	simm.s32 $0xF000  }
0xe: {  	v0 =	vand.u32 $0x7, v2;
	v2 =	vor.u32 $0x8, v2;
	v1 =	vmul.u32 $0x8, v1;
	s0 =	simm.s32 $0x2;
	[dreg:$0x4] =	wrdreg s26;
	s26 =	simm.s32 $0x1  }
.LBB2_1:
0xf: {  	[dreg:$0x5] =	wrdreg s10  }
0x10: {  	s9 =	rddreg [dreg:$0x3];
	s10 =	simm.s32 $0x4  }
0x11: {  	[tilespmem:s2], [sflag:$0x4] =	stream.linear.gather [hbm4b:s9+s2], $0x8000, $0x38;
	[tilespmem:$0x11000] =	vst v63  }
0x12: {  	_ =	swait.ge [sflag:s10], $0x8000  }
0x13: {  	[sflag:s10] =	ssyncset.done $0x0  }
0x14: {  	[sflag:s10] =	ssyncadd.s32 $0xFFFF8000  }
0x15: {  	v3 =	vld [tilespmem:$0x0];
	_ =	sdelay $0x4  }
0x16: {  	v4 =	vshll.u32 v3, $0x1  }
0x17: {  	v3 =	vand.u32 $0x7, v3;
	v4 =	vand.u32 $0xFFFFFFF0, v4  }
0x18: {  	v3 =	vor.u32 v3, v4  }
0x19: {  	v4 =	vperm.xlane v3, v0;
	_ =	sdelay $0x1  }
0x1a: {  	v3 =	vperm.xlane v3, v2;
	v4 =	vadd.s32 v1, v4;
	_ =	sdelay $0x1  }
0x1b: {  	v3 =	vadd.s32 v1, v3;
	_ =	sdelay $0x1  }
0x1c: {  	s11 =	simm.s32 $0x8000  }
0x1d: {  	[tilespmem:s11], [sflag:$0x1] =	stream.indirect_vreg.gather [hbm4b:s3+s2], $0x80, v4, vm0, $0xb8;
	[tilespmem:$0x11000] =	vst v63  }
0x1e: {  	s12 =	simm.s32 $0x8800  }
0x1f: {  	[tilespmem:s12], [sflag:$0x1] =	stream.indirect_vreg.gather [hbm4b:s3+s2], $0x80, v3, vm0, $0xb8;
	[tilespmem:$0x11000] =	vst v63  }
0x20: {  	v3 =	vld [tilespmem:$0x10];
	_ =	sdelay $0x4  }
0x21: {  	v61 =	vshll.u32 v3, $0x1  }
0x22: {  	v3 =	vand.u32 $0x7, v3;
	v4 =	vand.u32 $0xFFFFFFF0, v61  }
0x23: {  	v3 =	vor.u32 v3, v4  }
0x24: {  	v4 =	vperm.xlane v3, v0;
	_ =	sdelay $0x1  }
0x25: {  	v3 =	vperm.xlane v3, v2;
	v4 =	vadd.s32 v1, v4;
	_ =	sdelay $0x1  }
0x26: {  	v3 =	vadd.s32 v1, v3;
	_ =	sdelay $0x1  }
0x27: {  	s13 =	simm.s32 $0x9000  }
0x28: {  	[tilespmem:s13], [sflag:$0x1] =	stream.indirect_vreg.gather [hbm4b:s3+s2], $0x80, v4, vm0, $0xb8;
	[tilespmem:$0x11000] =	vst v63  }
0x29: {  	s14 =	simm.s32 $0x9800  }
0x2a: {  	[tilespmem:s14], [sflag:$0x1] =	stream.indirect_vreg.gather [hbm4b:s3+s2], $0x80, v3, vm0, $0xb8;
	[tilespmem:$0x11000] =	vst v63  }
0x2b: {  	v3 =	vld [tilespmem:$0x20];
	_ =	sdelay $0x4  }
0x2c: {  	v62 =	vshll.u32 v3, $0x1  }
0x2d: {  	v3 =	vand.u32 $0x7, v3;
	v4 =	vand.u32 $0xFFFFFFF0, v62  }
0x2e: {  	v3 =	vor.u32 v3, v4  }
0x2f: {  	v4 =	vperm.xlane v3, v0;
	_ =	sdelay $0x1  }
0x30: {  	v3 =	vperm.xlane v3, v2;
	v4 =	vadd.s32 v1, v4;
	_ =	sdelay $0x1  }
0x31: {  	v3 =	vadd.s32 v1, v3;
	_ =	sdelay $0x1  }
0x32: {  	s15 =	simm.s32 $0xA000  }
0x33: {  	[tilespmem:s15], [sflag:$0x1] =	stream.indirect_vreg.gather [hbm4b:s3+s2], $0x80, v4, vm0, $0xb8;
	[tilespmem:$0x11000] =	vst v63  }
0x34: {  	s16 =	simm.s32 $0xA800  }
0x35: {  	[tilespmem:s16], [sflag:$0x1] =	stream.indirect_vreg.gather [hbm4b:s3+s2], $0x80, v3, vm0, $0xb8;
	[tilespmem:$0x11000] =	vst v63  }
0x36: {  	v3 =	vld [tilespmem:$0x30];
	_ =	sdelay $0x4  }
0x37: {  	v63 =	vshll.u32 v3, $0x1  }
0x38: {  	v3 =	vand.u32 $0x7, v3;
	v4 =	vand.u32 $0xFFFFFFF0, v63  }
0x39: {  	v3 =	vor.u32 v3, v4  }
0x3a: {  	v4 =	vperm.xlane v3, v0;
	_ =	sdelay $0x1  }
0x3b: {  	v3 =	vperm.xlane v3, v2;
	v4 =	vadd.s32 v1, v4;
	_ =	sdelay $0x1  }
0x3c: {  	v3 =	vadd.s32 v1, v3;
	_ =	sdelay $0x1  }
0x3d: {  	s17 =	simm.s32 $0xB000  }
0x3e: {  	[tilespmem:s17], [sflag:$0x1] =	stream.indirect_vreg.gather [hbm4b:s3+s2], $0x80, v4, vm0, $0xb8;
	[tilespmem:$0x11000] =	vst v63  }
0x3f: {  	s18 =	simm.s32 $0xB800;
	s9 =	simm.s32 $0x0  }
0x40: {  	[tilespmem:s18], [sflag:$0x1] =	stream.indirect_vreg.gather [hbm4b:s3+s2], $0x80, v3, vm0, $0xb8;
	[tilespmem:$0x11000] =	vst v63  }
.LBB2_2:
0x41: {  	s11 =	sshll.u32 s9, $0x8  }
0x42: {  	s10 =	sand.u32 $0x3FFFFF00, s11  }
0x43: {  	v3 =	vld [tilespmem:s10+$0x80];
	_ =	sdelay $0x4  }
0x44: {  	v4 =	vshll.u32 v3, $0x1  }
0x45: {  	v3 =	vand.u32 $0x7, v3;
	v4 =	vand.u32 $0xFFFFFFF0, v4  }
0x46: {  	v3 =	vor.u32 v3, v4  }
0x47: {  	v4 =	vperm.xlane v3, v0;
	_ =	sdelay $0x1  }
0x48: {  	v3 =	vperm.xlane v3, v2;
	v4 =	vadd.s32 v1, v4;
	_ =	sdelay $0x1  }
0x49: {  	v3 =	vadd.s32 v1, v3;
	_ =	sdelay $0x1  }
0x4a: {  	s12 =	simm.s32 $0xC000  }
0x4b: {  	[tilespmem:s12], [sflag:$0x2] =	stream.indirect_vreg.gather [hbm4b:s3+s2], $0x80, v4, vm0, $0xb8;
	[tilespmem:$0x11000] =	vst v63  }
0x4c: {  	_ = 	snop  }
0x4d: {  	[tilespmem:s19], [sflag:$0x2] =	stream.indirect_vreg.gather [hbm4b:s3+s2], $0x80, v3, vm0, $0xb8;
	[tilespmem:$0x11000] =	vst v63  }
0x4e: {  	v3 =	vld [tilespmem:s10+$0x90];
	_ =	sdelay $0x4  }
0x4f: {  	v4 =	vshll.u32 v3, $0x1  }
0x50: {  	v3 =	vand.u32 $0x7, v3;
	v4 =	vand.u32 $0xFFFFFFF0, v4  }
0x51: {  	v3 =	vor.u32 v3, v4  }
0x52: {  	v4 =	vperm.xlane v3, v0;
	_ =	sdelay $0x1  }
0x53: {  	v3 =	vperm.xlane v3, v2;
	v4 =	vadd.s32 v1, v4;
	_ =	sdelay $0x1  }
0x54: {  	v3 =	vadd.s32 v1, v3;
	_ =	sdelay $0x2  }
0x55: {  	[tilespmem:s20], [sflag:$0x2] =	stream.indirect_vreg.gather [hbm4b:s3+s2], $0x80, v4, vm0, $0xb8;
	[tilespmem:$0x11000] =	vst v63  }
0x56: {  	_ = 	snop  }
0x57: {  	[tilespmem:s21], [sflag:$0x2] =	stream.indirect_vreg.gather [hbm4b:s3+s2], $0x80, v3, vm0, $0xb8;
	[tilespmem:$0x11000] =	vst v63  }
0x58: {  	v3 =	vld [tilespmem:s10+$0xA0];
	_ =	sdelay $0x4  }
0x59: {  	v4 =	vshll.u32 v3, $0x1  }
0x5a: {  	v3 =	vand.u32 $0x7, v3;
	v4 =	vand.u32 $0xFFFFFFF0, v4  }
0x5b: {  	v3 =	vor.u32 v3, v4  }
0x5c: {  	v4 =	vperm.xlane v3, v0;
	_ =	sdelay $0x1  }
0x5d: {  	v3 =	vperm.xlane v3, v2;
	v4 =	vadd.s32 v1, v4;
	_ =	sdelay $0x1  }
0x5e: {  	v3 =	vadd.s32 v1, v3;
	_ =	sdelay $0x2  }
0x5f: {  	[tilespmem:s22], [sflag:$0x2] =	stream.indirect_vreg.gather [hbm4b:s3+s2], $0x80, v4, vm0, $0xb8;
	[tilespmem:$0x11000] =	vst v63  }
0x60: {  	_ = 	snop  }
0x61: {  	[tilespmem:s23], [sflag:$0x2] =	stream.indirect_vreg.gather [hbm4b:s3+s2], $0x80, v3, vm0, $0xb8;
	[tilespmem:$0x11000] =	vst v63  }
0x62: {  	v3 =	vld [tilespmem:s10+$0xB0];
	_ =	sdelay $0x4  }
0x63: {  	v4 =	vshll.u32 v3, $0x1  }
0x64: {  	v3 =	vand.u32 $0x7, v3;
	v4 =	vand.u32 $0xFFFFFFF0, v4  }
0x65: {  	v3 =	vor.u32 v3, v4  }
0x66: {  	v4 =	vperm.xlane v3, v0;
	_ =	sdelay $0x1  }
0x67: {  	v3 =	vperm.xlane v3, v2;
	v4 =	vadd.s32 v1, v4;
	_ =	sdelay $0x1  }
0x68: {  	v3 =	vadd.s32 v1, v3;
	_ =	sdelay $0x2  }
0x69: {  	[tilespmem:s24], [sflag:$0x2] =	stream.indirect_vreg.gather [hbm4b:s3+s2], $0x80, v4, vm0, $0xb8;
	[tilespmem:$0x11000] =	vst v63  }
0x6a: {  	_ = 	snop  }
0x6b: {  	[tilespmem:s25], [sflag:$0x2] =	stream.indirect_vreg.gather [hbm4b:s3+s2], $0x80, v3, vm0, $0xb8;
	[tilespmem:$0x11000] =	vst v63  }
0x6c: {  	_ =	swait.ge [sflag:s26], $0x4000  }
0x6d: {  	p0 =	seq.s32 s9, $0x0;
	[sflag:s26] =	ssyncset.done $0x0  }
0x6e: {  	s12 =	simm.s32 @!p0 $0x3;
	[sflag:s26] =	ssyncadd.s32 $0xFFFFC000  }
0x6f: {  	_ =	swait.ge @!p0 [sflag:s12], $0x400  }
0x70: {  	[sflag:s12] =	ssyncset.done @!p0 $0x0  }
0x71: {  	[sflag:s12] =	ssyncadd.s32 @!p0 $0xFFFFFC00  }
0x72: {  	s13 =	simm.s32 $0x0;
	s14 =	simm.s32 $0x0;
	_ =	swait.ge @!p0 [sflag:s12], $0x400  }
0x73: {  	s15 =	sand.u32 $0x70, s13;
	s14 =	sand.u32 $0x3FFFFC00, s14;
	[sflag:s12] =	ssyncset.done @!p0 $0x0  }
0x74: {  	[sflag:s12] =	ssyncadd.s32 @!p0 $0xFFFFFC00;
	s12 =	sor.u32 s15, s14  }
0x75: {  	v3 =	vld [tilespmem:s12+$0x8000]  }
0x76: {  	v4 =	vld [tilespmem:s12+$0x8080]  }
0x77: {  	v5 =	vld [tilespmem:s12+$0x8100]  }
0x78: {  	v6 =	vld [tilespmem:s12+$0x8180]  }
0x79: {  	v7 =	vld [tilespmem:s12+$0x8200]  }
0x7a: {  	v8 =	vld [tilespmem:s12+$0x8280]  }
0x7b: {  	v10 =	vld [tilespmem:s12+$0x8300];
	v9 =	vmax.f32 v3, v4  }
0x7c: {  	v3 =	vmin.f32 v3, v4;
	v4 =	vmax.f32 v9, v5;
	v9 =	vld [tilespmem:s12+$0x8380]  }
0x7d: {  	v3 =	vmin.f32 v3, v5;
	v5 =	vld [tilespmem:s12+$0x8800];
	v4 =	vmax.f32 v4, v6  }
0x7e: {  	v3 =	vmin.f32 v3, v6;
	v6 =	vld [tilespmem:s12+$0x8880];
	v4 =	vmax.f32 v4, v7  }
0x7f: {  	v3 =	vmin.f32 v3, v7;
	v7 =	vld [tilespmem:s12+$0x8900];
	v4 =	vmax.f32 v4, v8  }
0x80: {  	v3 =	vmin.f32 v3, v8;
	v8 =	vld [tilespmem:s12+$0x8980];
	v4 =	vmax.f32 v4, v10  }
0x81: {  	v3 =	vmin.f32 v3, v10;
	v10 =	vld [tilespmem:s12+$0x8A00];
	v4 =	vmax.f32 v4, v9  }
0x82: {  	v3 =	vmin.f32 v3, v9;
	v9 =	vld [tilespmem:s12+$0x8A80];
	v4 =	vmax.f32 v4, v5  }
0x83: {  	v3 =	vmin.f32 v3, v5;
	v5 =	vld [tilespmem:s12+$0x8B00];
	v4 =	vmax.f32 v4, v6  }
0x84: {  	v3 =	vmin.f32 v3, v6;
	v6 =	vld [tilespmem:s12+$0x8B80];
	v4 =	vmax.f32 v4, v7  }
0x85: {  	v3 =	vmin.f32 v3, v7;
	v4 =	vmax.f32 v4, v8  }
0x86: {  	v3 =	vmin.f32 v3, v8;
	v4 =	vmax.f32 v4, v10  }
0x87: {  	s18 =	simm.s32 $0x0;
	v3 =	vmin.f32 v3, v10;
	v4 =	vmax.f32 v4, v9  }
0x88: {  	s14 =	sand.u32 $0xFFFFFE00, s18;
	v3 =	vmin.f32 v3, v9;
	v4 =	vmax.f32 v4, v5  }
0x89: {  	s15 =	sor.u32 s15, s14;
	v3 =	vmin.f32 v3, v5;
	v4 =	vmax.f32 v4, v6  }
0x8a: {  	v3 =	vmin.f32 v3, v6;
	[tilespmem:s15+$0x10000] =	vst v4  }
0x8b: {  	[tilespmem:s15+$0x10800] =	vst v3  }
0x8c: {  	v3 =	vld [tilespmem:s12+$0x9000]  }
0x8d: {  	v4 =	vld [tilespmem:s12+$0x9080]  }
0x8e: {  	v5 =	vld [tilespmem:s12+$0x9100]  }
0x8f: {  	v6 =	vld [tilespmem:s12+$0x9180]  }
0x90: {  	v7 =	vld [tilespmem:s12+$0x9200]  }
0x91: {  	v8 =	vld [tilespmem:s12+$0x9280]  }
0x92: {  	v10 =	vld [tilespmem:s12+$0x9300];
	v9 =	vmax.f32 v3, v4  }
0x93: {  	v3 =	vmin.f32 v3, v4;
	v4 =	vmax.f32 v9, v5;
	v9 =	vld [tilespmem:s12+$0x9380]  }
0x94: {  	v3 =	vmin.f32 v3, v5;
	v5 =	vld [tilespmem:s12+$0x9800];
	v4 =	vmax.f32 v4, v6  }
0x95: {  	v3 =	vmin.f32 v3, v6;
	v6 =	vld [tilespmem:s12+$0x9880];
	v4 =	vmax.f32 v4, v7  }
0x96: {  	v3 =	vmin.f32 v3, v7;
	v7 =	vld [tilespmem:s12+$0x9900];
	v4 =	vmax.f32 v4, v8  }
0x97: {  	v3 =	vmin.f32 v3, v8;
	v8 =	vld [tilespmem:s12+$0x9980];
	v4 =	vmax.f32 v4, v10  }
0x98: {  	v3 =	vmin.f32 v3, v10;
	v10 =	vld [tilespmem:s12+$0x9A00];
	v4 =	vmax.f32 v4, v9  }
0x99: {  	v3 =	vmin.f32 v3, v9;
	v9 =	vld [tilespmem:s12+$0x9A80];
	v4 =	vmax.f32 v4, v5  }
0x9a: {  	v3 =	vmin.f32 v3, v5;
	v5 =	vld [tilespmem:s12+$0x9B00];
	v4 =	vmax.f32 v4, v6  }
0x9b: {  	v3 =	vmin.f32 v3, v6;
	v6 =	vld [tilespmem:s12+$0x9B80];
	v4 =	vmax.f32 v4, v7  }
0x9c: {  	v3 =	vmin.f32 v3, v7;
	v4 =	vmax.f32 v4, v8  }
0x9d: {  	v3 =	vmin.f32 v3, v8;
	v4 =	vmax.f32 v4, v10  }
0x9e: {  	v3 =	vmin.f32 v3, v10;
	v4 =	vmax.f32 v4, v9  }
0x9f: {  	s14 =	sadd.s32 $0x0, s14;
	v3 =	vmin.f32 v3, v9;
	v4 =	vmax.f32 v4, v5  }
0xa0: {  	s16 =	sor.u32 $0x80, s14;
	v3 =	vmin.f32 v3, v5;
	v4 =	vmax.f32 v4, v6  }
0xa1: {  	v3 =	vmin.f32 v3, v6;
	[tilespmem:s16+$0x10000] =	vst v4  }
0xa2: {  	[tilespmem:s16+$0x10800] =	vst v3  }
0xa3: {  	v3 =	vld [tilespmem:s12+$0xA000]  }
0xa4: {  	v4 =	vld [tilespmem:s12+$0xA080]  }
0xa5: {  	v5 =	vld [tilespmem:s12+$0xA100]  }
0xa6: {  	v6 =	vld [tilespmem:s12+$0xA180]  }
0xa7: {  	v7 =	vld [tilespmem:s12+$0xA200]  }
0xa8: {  	v8 =	vld [tilespmem:s12+$0xA280]  }
0xa9: {  	v10 =	vld [tilespmem:s12+$0xA300];
	v9 =	vmax.f32 v3, v4  }
0xaa: {  	v3 =	vmin.f32 v3, v4;
	v4 =	vmax.f32 v9, v5;
	v9 =	vld [tilespmem:s12+$0xA380]  }
0xab: {  	v3 =	vmin.f32 v3, v5;
	v5 =	vld [tilespmem:s12+$0xA800];
	v4 =	vmax.f32 v4, v6  }
0xac: {  	v3 =	vmin.f32 v3, v6;
	v6 =	vld [tilespmem:s12+$0xA880];
	v4 =	vmax.f32 v4, v7  }
0xad: {  	v3 =	vmin.f32 v3, v7;
	v7 =	vld [tilespmem:s12+$0xA900];
	v4 =	vmax.f32 v4, v8  }
0xae: {  	v3 =	vmin.f32 v3, v8;
	v8 =	vld [tilespmem:s12+$0xA980];
	v4 =	vmax.f32 v4, v10  }
0xaf: {  	v3 =	vmin.f32 v3, v10;
	v10 =	vld [tilespmem:s12+$0xAA00];
	v4 =	vmax.f32 v4, v9  }
0xb0: {  	v3 =	vmin.f32 v3, v9;
	v9 =	vld [tilespmem:s12+$0xAA80];
	v4 =	vmax.f32 v4, v5  }
0xb1: {  	v3 =	vmin.f32 v3, v5;
	v5 =	vld [tilespmem:s12+$0xAB00];
	v4 =	vmax.f32 v4, v6  }
0xb2: {  	v3 =	vmin.f32 v3, v6;
	v6 =	vld [tilespmem:s12+$0xAB80];
	v4 =	vmax.f32 v4, v7  }
0xb3: {  	v3 =	vmin.f32 v3, v7;
	v4 =	vmax.f32 v4, v8  }
0xb4: {  	v3 =	vmin.f32 v3, v8;
	v4 =	vmax.f32 v4, v10  }
0xb5: {  	v3 =	vmin.f32 v3, v10;
	v4 =	vmax.f32 v4, v9  }
0xb6: {  	v3 =	vmin.f32 v3, v9;
	v4 =	vmax.f32 v4, v5  }
0xb7: {  	v3 =	vmin.f32 v3, v5;
	v4 =	vmax.f32 v4, v6  }
0xb8: {  	v3 =	vmin.f32 v3, v6;
	[tilespmem:s15+$0x10100] =	vst v4  }
0xb9: {  	[tilespmem:s15+$0x10900] =	vst v3  }
0xba: {  	v4 =	vld [tilespmem:s12+$0xB000]  }
0xbb: {  	v8 =	vld [tilespmem:s12+$0xB080]  }
0xbc: {  	v7 =	vld [tilespmem:s12+$0xB100]  }
0xbd: {  	v6 =	vld [tilespmem:s12+$0xB180]  }
0xbe: {  	v5 =	vld [tilespmem:s12+$0xB200]  }
0xbf: {  	v3 =	vld [tilespmem:s12+$0xB280]  }
0xc0: {  	s15 =	simm.s32 $0x1;
	v9 =	vmax.f32 v4, v8;
	v8 =	vmin.f32 v4, v8;
	v4 =	vld [tilespmem:s12+$0xB300]  }
.LBB2_3:
0xc1: {  	p1 =	sne.s32 s15, $0xF  }
0xc2: {  	v9 =	vmax.f32 v9, v7;
	v7 =	vmin.f32 v8, v7;
	v8 =	vld [tilespmem:s12+$0xB380];
	s13 =	sadd.s32 $0x10, s13;
	s16 =	smov.u32 s15;
	s15 =	sadd.s32 $0x1, s15  }
0xc3: {  	v9 =	vmax.f32 v9, v6;
	v6 =	vmin.f32 v7, v6;
	v7 =	vld [tilespmem:s12+$0xB800]  }
0xc4: {  	v9 =	vmax.f32 v9, v5;
	v5 =	vmin.f32 v6, v5;
	v6 =	vld [tilespmem:s12+$0xB880]  }
0xc5: {  	v9 =	vmax.f32 v9, v3;
	v3 =	vmin.f32 v5, v3;
	v5 =	vld [tilespmem:s12+$0xB900]  }
0xc6: {  	v9 =	vmax.f32 v9, v4;
	v3 =	vmin.f32 v3, v4;
	v4 =	vld [tilespmem:s12+$0xB980]  }
0xc7: {  	v9 =	vmax.f32 v9, v8;
	v3 =	vmin.f32 v3, v8;
	v8 =	vld [tilespmem:s12+$0xBA00]  }
0xc8: {  	s18 =	sshll.u32 s16, $0x7;
	v9 =	vmax.f32 v9, v7;
	v3 =	vmin.f32 v3, v7;
	v7 =	vld [tilespmem:s12+$0xBA80]  }
0xc9: {  	s17 =	sand.u32 $0x70, s13;
	s18 =	sand.u32 $0x3FFFFC00, s18;
	v9 =	vmax.f32 v9, v6;
	v3 =	vmin.f32 v3, v6;
	v6 =	vld [tilespmem:s12+$0xBB00]  }
0xca: {  	v9 =	vmax.f32 v9, v5;
	v3 =	vmin.f32 v3, v5;
	v5 =	vld [tilespmem:s12+$0xBB80];
	s12 =	sor.u32 s17, s18  }
0xcb: {  	v9 =	vmax.f32 v9, v4;
	v3 =	vmin.f32 v3, v4  }
0xcc: {  	v4 =	vmax.f32 v9, v8;
	v3 =	vmin.f32 v3, v8  }
0xcd: {  	v4 =	vmax.f32 v4, v7;
	v3 =	vmin.f32 v3, v7  }
0xce: {  	v4 =	vmax.f32 v4, v6;
	v3 =	vmin.f32 v3, v6  }
0xcf: {  	s14 =	sor.u32 $0x180, s14;
	v4 =	vmax.f32 v4, v5;
	v3 =	vmin.f32 v3, v5  }
0xd0: {  	[tilespmem:s14+$0x10000] =	vst v4  }
0xd1: {  	[tilespmem:s14+$0x10800] =	vst v3  }
0xd2: {  	v3 =	vld [tilespmem:s12+$0x8000]  }
0xd3: {  	v4 =	vld [tilespmem:s12+$0x8080]  }
0xd4: {  	v5 =	vld [tilespmem:s12+$0x8100]  }
0xd5: {  	v6 =	vld [tilespmem:s12+$0x8180]  }
0xd6: {  	v7 =	vld [tilespmem:s12+$0x8200]  }
0xd7: {  	v8 =	vld [tilespmem:s12+$0x8280]  }
0xd8: {  	v9 =	vmax.f32 v3, v4;
	v3 =	vmin.f32 v3, v4;
	v4 =	vld [tilespmem:s12+$0x8300]  }
0xd9: {  	v9 =	vmax.f32 v9, v5;
	v3 =	vmin.f32 v3, v5;
	v5 =	vld [tilespmem:s12+$0x8380]  }
0xda: {  	v9 =	vmax.f32 v9, v6;
	v3 =	vmin.f32 v3, v6;
	v6 =	vld [tilespmem:s12+$0x8800]  }
0xdb: {  	v9 =	vmax.f32 v9, v7;
	v3 =	vmin.f32 v3, v7;
	v7 =	vld [tilespmem:s12+$0x8880]  }
0xdc: {  	v9 =	vmax.f32 v9, v8;
	v3 =	vmin.f32 v3, v8;
	v8 =	vld [tilespmem:s12+$0x8900]  }
0xdd: {  	v9 =	vmax.f32 v9, v4;
	v3 =	vmin.f32 v3, v4;
	v4 =	vld [tilespmem:s12+$0x8980]  }
0xde: {  	v9 =	vmax.f32 v9, v5;
	v3 =	vmin.f32 v3, v5;
	v5 =	vld [tilespmem:s12+$0x8A00]  }
0xdf: {  	v9 =	vmax.f32 v9, v6;
	v3 =	vmin.f32 v3, v6;
	v6 =	vld [tilespmem:s12+$0x8A80]  }
0xe0: {  	v9 =	vmax.f32 v9, v7;
	v3 =	vmin.f32 v3, v7;
	v7 =	vld [tilespmem:s12+$0x8B00]  }
0xe1: {  	v9 =	vmax.f32 v9, v8;
	v3 =	vmin.f32 v3, v8;
	v8 =	vld [tilespmem:s12+$0x8B80]  }
0xe2: {  	v9 =	vmax.f32 v9, v4;
	v3 =	vmin.f32 v3, v4  }
0xe3: {  	v4 =	vmax.f32 v9, v5;
	v3 =	vmin.f32 v3, v5  }
0xe4: {  	s14 =	sshll.u32 s16, $0x6;
	v4 =	vmax.f32 v4, v6;
	v3 =	vmin.f32 v3, v6  }
0xe5: {  	s16 =	sand.u32 $0xFFFFFE00, s14;
	v4 =	vmax.f32 v4, v7;
	v3 =	vmin.f32 v3, v7  }
0xe6: {  	s14 =	sadd.s32 s16, s13;
	s16 =	sor.u32 s17, s16;
	v4 =	vmax.f32 v4, v8;
	v3 =	vmin.f32 v3, v8  }
0xe7: {  	[tilespmem:s16+$0x10000] =	vst v4  }
0xe8: {  	[tilespmem:s16+$0x10800] =	vst v3  }
0xe9: {  	v3 =	vld [tilespmem:s12+$0x9000]  }
0xea: {  	v4 =	vld [tilespmem:s12+$0x9080]  }
0xeb: {  	v5 =	vld [tilespmem:s12+$0x9100]  }
0xec: {  	v6 =	vld [tilespmem:s12+$0x9180]  }
0xed: {  	v7 =	vld [tilespmem:s12+$0x9200]  }
0xee: {  	v8 =	vld [tilespmem:s12+$0x9280]  }
0xef: {  	v9 =	vmax.f32 v3, v4;
	v3 =	vmin.f32 v3, v4;
	v4 =	vld [tilespmem:s12+$0x9300]  }
0xf0: {  	v9 =	vmax.f32 v9, v5;
	v3 =	vmin.f32 v3, v5;
	v5 =	vld [tilespmem:s12+$0x9380]  }
0xf1: {  	v9 =	vmax.f32 v9, v6;
	v3 =	vmin.f32 v3, v6;
	v6 =	vld [tilespmem:s12+$0x9800]  }
0xf2: {  	v9 =	vmax.f32 v9, v7;
	v3 =	vmin.f32 v3, v7;
	v7 =	vld [tilespmem:s12+$0x9880]  }
0xf3: {  	v9 =	vmax.f32 v9, v8;
	v3 =	vmin.f32 v3, v8;
	v8 =	vld [tilespmem:s12+$0x9900]  }
0xf4: {  	v9 =	vmax.f32 v9, v4;
	v3 =	vmin.f32 v3, v4;
	v4 =	vld [tilespmem:s12+$0x9980]  }
0xf5: {  	v9 =	vmax.f32 v9, v5;
	v3 =	vmin.f32 v3, v5;
	v5 =	vld [tilespmem:s12+$0x9A00]  }
0xf6: {  	v9 =	vmax.f32 v9, v6;
	v3 =	vmin.f32 v3, v6;
	v6 =	vld [tilespmem:s12+$0x9A80]  }
0xf7: {  	v9 =	vmax.f32 v9, v7;
	v3 =	vmin.f32 v3, v7;
	v7 =	vld [tilespmem:s12+$0x9B00]  }
0xf8: {  	v9 =	vmax.f32 v9, v8;
	v3 =	vmin.f32 v3, v8;
	v8 =	vld [tilespmem:s12+$0x9B80]  }
0xf9: {  	v9 =	vmax.f32 v9, v4;
	v3 =	vmin.f32 v3, v4  }
0xfa: {  	v4 =	vmax.f32 v9, v5;
	v3 =	vmin.f32 v3, v5  }
0xfb: {  	v4 =	vmax.f32 v4, v6;
	v3 =	vmin.f32 v3, v6  }
0xfc: {  	v4 =	vmax.f32 v4, v7;
	v3 =	vmin.f32 v3, v7  }
0xfd: {  	s17 =	sor.u32 $0x80, s14;
	v4 =	vmax.f32 v4, v8;
	v3 =	vmin.f32 v3, v8  }
0xfe: {  	[tilespmem:s17+$0x10000] =	vst v4  }
0xff: {  	[tilespmem:s17+$0x10800] =	vst v3  }
0x100: {  	v3 =	vld [tilespmem:s12+$0xA000]  }
0x101: {  	v4 =	vld [tilespmem:s12+$0xA080]  }
0x102: {  	v5 =	vld [tilespmem:s12+$0xA100]  }
0x103: {  	v6 =	vld [tilespmem:s12+$0xA180]  }
0x104: {  	v7 =	vld [tilespmem:s12+$0xA200]  }
0x105: {  	v8 =	vld [tilespmem:s12+$0xA280]  }
0x106: {  	v9 =	vmax.f32 v3, v4;
	v3 =	vmin.f32 v3, v4;
	v4 =	vld [tilespmem:s12+$0xA300]  }
0x107: {  	v9 =	vmax.f32 v9, v5;
	v3 =	vmin.f32 v3, v5;
	v5 =	vld [tilespmem:s12+$0xA380]  }
0x108: {  	v9 =	vmax.f32 v9, v6;
	v3 =	vmin.f32 v3, v6;
	v6 =	vld [tilespmem:s12+$0xA800]  }
0x109: {  	v9 =	vmax.f32 v9, v7;
	v3 =	vmin.f32 v3, v7;
	v7 =	vld [tilespmem:s12+$0xA880]  }
0x10a: {  	v9 =	vmax.f32 v9, v8;
	v3 =	vmin.f32 v3, v8;
	v8 =	vld [tilespmem:s12+$0xA900]  }
0x10b: {  	v9 =	vmax.f32 v9, v4;
	v3 =	vmin.f32 v3, v4;
	v4 =	vld [tilespmem:s12+$0xA980]  }
0x10c: {  	v9 =	vmax.f32 v9, v5;
	v3 =	vmin.f32 v3, v5;
	v5 =	vld [tilespmem:s12+$0xAA00]  }
0x10d: {  	v9 =	vmax.f32 v9, v6;
	v3 =	vmin.f32 v3, v6;
	v6 =	vld [tilespmem:s12+$0xAA80]  }
0x10e: {  	v9 =	vmax.f32 v9, v7;
	v3 =	vmin.f32 v3, v7;
	v7 =	vld [tilespmem:s12+$0xAB00]  }
0x10f: {  	v9 =	vmax.f32 v9, v8;
	v3 =	vmin.f32 v3, v8;
	v8 =	vld [tilespmem:s12+$0xAB80]  }
0x110: {  	v9 =	vmax.f32 v9, v4;
	v3 =	vmin.f32 v3, v4  }
0x111: {  	v4 =	vmax.f32 v9, v5;
	v3 =	vmin.f32 v3, v5  }
0x112: {  	v4 =	vmax.f32 v4, v6;
	v3 =	vmin.f32 v3, v6  }
0x113: {  	v4 =	vmax.f32 v4, v7;
	v3 =	vmin.f32 v3, v7  }
0x114: {  	v4 =	vmax.f32 v4, v8;
	v3 =	vmin.f32 v3, v8  }
0x115: {  	[tilespmem:s16+$0x10100] =	vst v4  }
0x116: {  	[tilespmem:s16+$0x10900] =	vst v3  }
0x117: {  	v4 =	vld [tilespmem:s12+$0xB000]  }
0x118: {  	v8 =	vld [tilespmem:s12+$0xB080]  }
.Ltmp0:
0x119: {  	v7 =	vld [tilespmem:s12+$0xB100];
	(pc) =	sbr.rel @p1 .LBB2_3-.Ltmp0, $4  }
0x11a: {  	v6 =	vld [tilespmem:s12+$0xB180]  }
0x11b: {  	v5 =	vld [tilespmem:s12+$0xB200]  }
0x11c: {  	v3 =	vld [tilespmem:s12+$0xB280]  }
0x11d: {  	v9 =	vmax.f32 v4, v8;
	v8 =	vmin.f32 v4, v8;
	v4 =	vld [tilespmem:s12+$0xB300]  }
0x11e: {  	v9 =	vmax.f32 v9, v7;
	v10 =	vld [tilespmem:s12+$0xB380]  }
0x11f: {  	v48 =	vmin.f32 v8, v7;
	v50 =	vld [tilespmem:s12+$0xB800];
	v49 =	vmax.f32 v9, v6  }
0x120: {  	v53 =	vld [tilespmem:s12+$0xB880];
	v51 =	vmin.f32 v48, v6;
	v52 =	vmax.f32 v49, v5  }
0x121: {  	v56 =	vld [tilespmem:s12+$0xB900];
	v54 =	vmin.f32 v51, v5;
	v55 =	vmax.f32 v52, v3  }
0x122: {  	v58 =	vld [tilespmem:s12+$0xB980];
	v3 =	vmin.f32 v54, v3;
	v57 =	vmax.f32 v55, v4  }
0x123: {  	v60 =	vld [tilespmem:s12+$0xBA00];
	v3 =	vmin.f32 v3, v4;
	v59 =	vmax.f32 v57, v10  }
0x124: {  	v61 =	vld [tilespmem:s12+$0xBA80];
	v3 =	vmin.f32 v3, v10;
	v4 =	vmax.f32 v59, v50  }
0x125: {  	v62 =	vld [tilespmem:s12+$0xBB00];
	v3 =	vmin.f32 v3, v50;
	v4 =	vmax.f32 v4, v53  }
0x126: {  	v63 =	vld [tilespmem:s12+$0xBB80];
	v3 =	vmin.f32 v3, v53;
	v4 =	vmax.f32 v4, v56  }
0x127: {  	v3 =	vmin.f32 v3, v56;
	v4 =	vmax.f32 v4, v58  }
0x128: {  	v3 =	vmin.f32 v3, v58;
	v4 =	vmax.f32 v4, v60  }
0x129: {  	v3 =	vmin.f32 v3, v60;
	v4 =	vmax.f32 v4, v61  }
0x12a: {  	v3 =	vmin.f32 v3, v61;
	v4 =	vmax.f32 v4, v62  }
0x12b: {  	s16 =	sor.u32 $0x180, s14;
	p1 =	sne.s32 s9, $0x7F;
	v3 =	vmin.f32 v3, v62;
	v4 =	vmax.f32 v4, v63  }
.Ltmp1:
0x12c: {  	s11 =	sadd.s32 s7, s11;
	v3 =	vmin.f32 v3, v63;
	[tilespmem:s16+$0x10000] =	vst v4;
	(pc) =	sbr.rel @p1 .LBB2_6-.Ltmp1, $4  }
0x12d: {  	s17 =	sadd.s32 s4, s11;
	[tilespmem:s16+$0x10800] =	vst v3  }
0x12e: {  	[hbm4b:s17+s28] =	stream.strided.scatter [tilespmem:s30], [sflag:$0x3], $0x400, s29, s28, $0x38;
	[tilespmem:$0x11000] =	vst v63  }
0x12f: {  	s18 =	sadd.s32 s5, s11  }
0x130: {  	[hbm4b:s18+s28] =	stream.strided.scatter [tilespmem:s31], [sflag:$0x3], $0x400, s29, s28, $0x38;
	[tilespmem:$0x11000] =	vst v63  }
.Ltmp2:
0x131: {  	(pc) =	sbr.rel .LBB2_7-.Ltmp2, $4  }
0x132: {  	_ = 	snop  }
0x133: {  	_ =	swait.ge [sflag:s0], $0x4000  }
0x134: {  	[sflag:s0] =	ssyncset.done $0x0  }
0x135: {  	[sflag:s0] =	ssyncadd.s32 $0xFFFFC000  }
.LBB2_6:
0x136: {  	v3 =	vld [tilespmem:s10+$0x100];
	_ =	sdelay $0x4  }
0x137: {  	v4 =	vshll.u32 v3, $0x1  }
0x138: {  	v3 =	vand.u32 $0x7, v3;
	v4 =	vand.u32 $0xFFFFFFF0, v4  }
0x139: {  	v3 =	vor.u32 v3, v4  }
0x13a: {  	v4 =	vperm.xlane v3, v0;
	_ =	sdelay $0x1  }
0x13b: {  	v3 =	vperm.xlane v3, v2;
	v4 =	vadd.s32 v1, v4;
	_ =	sdelay $0x1  }
0x13c: {  	v3 =	vadd.s32 v1, v3;
	_ =	sdelay $0x1  }
0x13d: {  	s12 =	simm.s32 $0x8000  }
0x13e: {  	[tilespmem:s12], [sflag:$0x1] =	stream.indirect_vreg.gather [hbm4b:s3+s2], $0x80, v4, vm0, $0xb8;
	[tilespmem:$0x11000] =	vst v63  }
0x13f: {  	s18 =	simm.s32 $0x8800  }
0x140: {  	[tilespmem:s18], [sflag:$0x1] =	stream.indirect_vreg.gather [hbm4b:s3+s2], $0x80, v3, vm0, $0xb8;
	[tilespmem:$0x11000] =	vst v63  }
0x141: {  	v3 =	vld [tilespmem:s10+$0x110];
	_ =	sdelay $0x4  }
0x142: {  	v61 =	vshll.u32 v3, $0x1  }
0x143: {  	v3 =	vand.u32 $0x7, v3;
	v4 =	vand.u32 $0xFFFFFFF0, v61  }
0x144: {  	v3 =	vor.u32 v3, v4  }
0x145: {  	v4 =	vperm.xlane v3, v0;
	_ =	sdelay $0x1  }
0x146: {  	v3 =	vperm.xlane v3, v2;
	v4 =	vadd.s32 v1, v4;
	_ =	sdelay $0x1  }
0x147: {  	v3 =	vadd.s32 v1, v3;
	_ =	sdelay $0x1  }
0x148: {  	s13 =	simm.s32 $0x9000  }
0x149: {  	[tilespmem:s13], [sflag:$0x1] =	stream.indirect_vreg.gather [hbm4b:s3+s2], $0x80, v4, vm0, $0xb8;
	[tilespmem:$0x11000] =	vst v63  }
0x14a: {  	s14 =	simm.s32 $0x9800  }
0x14b: {  	[tilespmem:s14], [sflag:$0x1] =	stream.indirect_vreg.gather [hbm4b:s3+s2], $0x80, v3, vm0, $0xb8;
	[tilespmem:$0x11000] =	vst v63  }
0x14c: {  	v3 =	vld [tilespmem:s10+$0x120];
	_ =	sdelay $0x4  }
0x14d: {  	v62 =	vshll.u32 v3, $0x1  }
0x14e: {  	v3 =	vand.u32 $0x7, v3;
	v4 =	vand.u32 $0xFFFFFFF0, v62  }
0x14f: {  	v3 =	vor.u32 v3, v4  }
0x150: {  	v4 =	vperm.xlane v3, v0;
	_ =	sdelay $0x1  }
0x151: {  	v3 =	vperm.xlane v3, v2;
	v4 =	vadd.s32 v1, v4;
	_ =	sdelay $0x1  }
0x152: {  	v3 =	vadd.s32 v1, v3;
	_ =	sdelay $0x1  }
0x153: {  	s15 =	simm.s32 $0xA000  }
0x154: {  	[tilespmem:s15], [sflag:$0x1] =	stream.indirect_vreg.gather [hbm4b:s3+s2], $0x80, v4, vm0, $0xb8;
	[tilespmem:$0x11000] =	vst v63  }
0x155: {  	s16 =	simm.s32 $0xA800  }
0x156: {  	[tilespmem:s16], [sflag:$0x1] =	stream.indirect_vreg.gather [hbm4b:s3+s2], $0x80, v3, vm0, $0xb8;
	[tilespmem:$0x11000] =	vst v63  }
0x157: {  	v3 =	vld [tilespmem:s10+$0x130];
	_ =	sdelay $0x4  }
0x158: {  	v63 =	vshll.u32 v3, $0x1  }
0x159: {  	v3 =	vand.u32 $0x7, v3;
	v4 =	vand.u32 $0xFFFFFFF0, v63  }
0x15a: {  	v3 =	vor.u32 v3, v4  }
0x15b: {  	v4 =	vperm.xlane v3, v0;
	_ =	sdelay $0x1  }
0x15c: {  	v3 =	vperm.xlane v3, v2;
	v4 =	vadd.s32 v1, v4;
	_ =	sdelay $0x1  }
0x15d: {  	v3 =	vadd.s32 v1, v3;
	_ =	sdelay $0x1  }
0x15e: {  	s17 =	simm.s32 $0xB000  }
0x15f: {  	[tilespmem:s17], [sflag:$0x1] =	stream.indirect_vreg.gather [hbm4b:s3+s2], $0x80, v4, vm0, $0xb8;
	[tilespmem:$0x11000] =	vst v63  }
.Ltmp3:
0x160: {  	s18 =	simm.s32 $0xB800;
	(pc) =	sbr.rel @p0 .LBB2_8-.Ltmp3, $4  }
0x161: {  	[tilespmem:s18], [sflag:$0x1] =	stream.indirect_vreg.gather [hbm4b:s3+s2], $0x80, v3, vm0, $0xb8;
	[tilespmem:$0x11000] =	vst v63  }
0x162: {  	_ =	swait.ge [sflag:s0], $0x4000  }
0x163: {  	[sflag:s0] =	ssyncset.done $0x0  }
0x164: {  	[sflag:s0] =	ssyncadd.s32 $0xFFFFC000  }
.LBB2_7:
0x165: {  	_ =	swait.ge [sflag:s1], $0x400  }
0x166: {  	[sflag:s1] =	ssyncset.done $0x0  }
0x167: {  	[sflag:s1] =	ssyncadd.s32 $0xFFFFFC00  }
0x168: {  	_ =	swait.ge [sflag:s1], $0x400  }
0x169: {  	[sflag:s1] =	ssyncset.done $0x0  }
0x16a: {  	[sflag:s1] =	ssyncadd.s32 $0xFFFFFC00  }
.LBB2_8:
0x16b: {  	s12 =	simm.s32 $0x0;
	s10 =	simm.s32 $0x0  }
0x16c: {  	s13 =	sand.u32 $0x70, s12;
	s10 =	sand.u32 $0x3FFFFC00, s10  }
0x16d: {  	s10 =	sor.u32 s13, s10  }
0x16e: {  	v3 =	vld [tilespmem:s10+$0xC000]  }
0x16f: {  	v4 =	vld [tilespmem:s10+$0xC080]  }
0x170: {  	v5 =	vld [tilespmem:s10+$0xC100]  }
0x171: {  	v6 =	vld [tilespmem:s10+$0xC180]  }
0x172: {  	v7 =	vld [tilespmem:s10+$0xC200]  }
0x173: {  	v8 =	vld [tilespmem:s10+$0xC280]  }
0x174: {  	v10 =	vld [tilespmem:s10+$0xC300];
	v9 =	vmax.f32 v3, v4  }
0x175: {  	v3 =	vmin.f32 v3, v4;
	v4 =	vmax.f32 v9, v5;
	v9 =	vld [tilespmem:s10+$0xC380]  }
0x176: {  	v3 =	vmin.f32 v3, v5;
	v5 =	vld [tilespmem:s10+$0xC800];
	v4 =	vmax.f32 v4, v6  }
0x177: {  	v3 =	vmin.f32 v3, v6;
	v6 =	vld [tilespmem:s10+$0xC880];
	v4 =	vmax.f32 v4, v7  }
0x178: {  	v3 =	vmin.f32 v3, v7;
	v7 =	vld [tilespmem:s10+$0xC900];
	v4 =	vmax.f32 v4, v8  }
0x179: {  	v3 =	vmin.f32 v3, v8;
	v8 =	vld [tilespmem:s10+$0xC980];
	v4 =	vmax.f32 v4, v10  }
0x17a: {  	v3 =	vmin.f32 v3, v10;
	v10 =	vld [tilespmem:s10+$0xCA00];
	v4 =	vmax.f32 v4, v9  }
0x17b: {  	v3 =	vmin.f32 v3, v9;
	v9 =	vld [tilespmem:s10+$0xCA80];
	v4 =	vmax.f32 v4, v5  }
0x17c: {  	v3 =	vmin.f32 v3, v5;
	v5 =	vld [tilespmem:s10+$0xCB00];
	v4 =	vmax.f32 v4, v6  }
0x17d: {  	v3 =	vmin.f32 v3, v6;
	v6 =	vld [tilespmem:s10+$0xCB80];
	v4 =	vmax.f32 v4, v7  }
0x17e: {  	v3 =	vmin.f32 v3, v7;
	v4 =	vmax.f32 v4, v8  }
0x17f: {  	v3 =	vmin.f32 v3, v8;
	v4 =	vmax.f32 v4, v10  }
0x180: {  	s14 =	simm.s32 $0x0;
	v3 =	vmin.f32 v3, v10;
	v4 =	vmax.f32 v4, v9  }
0x181: {  	s15 =	sand.u32 $0xFFFFFE00, s14;
	v3 =	vmin.f32 v3, v9;
	v4 =	vmax.f32 v4, v5  }
0x182: {  	s14 =	sor.u32 s13, s15;
	v3 =	vmin.f32 v3, v5;
	v4 =	vmax.f32 v4, v6  }
0x183: {  	v3 =	vmin.f32 v3, v6;
	[tilespmem:s14+$0x10400] =	vst v4  }
0x184: {  	[tilespmem:s14+$0x10C00] =	vst v3  }
0x185: {  	v3 =	vld [tilespmem:s10+$0xD000]  }
0x186: {  	v4 =	vld [tilespmem:s10+$0xD080]  }
0x187: {  	v5 =	vld [tilespmem:s10+$0xD100]  }
0x188: {  	v6 =	vld [tilespmem:s10+$0xD180]  }
0x189: {  	v7 =	vld [tilespmem:s10+$0xD200]  }
0x18a: {  	v8 =	vld [tilespmem:s10+$0xD280]  }
0x18b: {  	v10 =	vld [tilespmem:s10+$0xD300];
	v9 =	vmax.f32 v3, v4  }
0x18c: {  	v3 =	vmin.f32 v3, v4;
	v4 =	vmax.f32 v9, v5;
	v9 =	vld [tilespmem:s10+$0xD380]  }
0x18d: {  	v3 =	vmin.f32 v3, v5;
	v5 =	vld [tilespmem:s10+$0xD800];
	v4 =	vmax.f32 v4, v6  }
0x18e: {  	v3 =	vmin.f32 v3, v6;
	v6 =	vld [tilespmem:s10+$0xD880];
	v4 =	vmax.f32 v4, v7  }
0x18f: {  	v3 =	vmin.f32 v3, v7;
	v7 =	vld [tilespmem:s10+$0xD900];
	v4 =	vmax.f32 v4, v8  }
0x190: {  	v3 =	vmin.f32 v3, v8;
	v8 =	vld [tilespmem:s10+$0xD980];
	v4 =	vmax.f32 v4, v10  }
0x191: {  	v3 =	vmin.f32 v3, v10;
	v10 =	vld [tilespmem:s10+$0xDA00];
	v4 =	vmax.f32 v4, v9  }
0x192: {  	v3 =	vmin.f32 v3, v9;
	v9 =	vld [tilespmem:s10+$0xDA80];
	v4 =	vmax.f32 v4, v5  }
0x193: {  	v3 =	vmin.f32 v3, v5;
	v5 =	vld [tilespmem:s10+$0xDB00];
	v4 =	vmax.f32 v4, v6  }
0x194: {  	v3 =	vmin.f32 v3, v6;
	v6 =	vld [tilespmem:s10+$0xDB80];
	v4 =	vmax.f32 v4, v7  }
0x195: {  	v3 =	vmin.f32 v3, v7;
	v4 =	vmax.f32 v4, v8  }
0x196: {  	v3 =	vmin.f32 v3, v8;
	v4 =	vmax.f32 v4, v10  }
0x197: {  	v3 =	vmin.f32 v3, v10;
	v4 =	vmax.f32 v4, v9  }
0x198: {  	s13 =	sadd.s32 $0x0, s15;
	v3 =	vmin.f32 v3, v9;
	v4 =	vmax.f32 v4, v5  }
0x199: {  	s15 =	sor.u32 $0x480, s13;
	v3 =	vmin.f32 v3, v5;
	v4 =	vmax.f32 v4, v6  }
0x19a: {  	v3 =	vmin.f32 v3, v6;
	[tilespmem:s15+$0x10000] =	vst v4  }
0x19b: {  	[tilespmem:s15+$0x10800] =	vst v3  }
0x19c: {  	v3 =	vld [tilespmem:s10+$0xE000]  }
0x19d: {  	v4 =	vld [tilespmem:s10+$0xE080]  }
0x19e: {  	v5 =	vld [tilespmem:s10+$0xE100]  }
0x19f: {  	v6 =	vld [tilespmem:s10+$0xE180]  }
0x1a0: {  	v7 =	vld [tilespmem:s10+$0xE200]  }
0x1a1: {  	v8 =	vld [tilespmem:s10+$0xE280]  }
0x1a2: {  	v10 =	vld [tilespmem:s10+$0xE300];
	v9 =	vmax.f32 v3, v4  }
0x1a3: {  	v3 =	vmin.f32 v3, v4;
	v4 =	vmax.f32 v9, v5;
	v9 =	vld [tilespmem:s10+$0xE380]  }
0x1a4: {  	v3 =	vmin.f32 v3, v5;
	v5 =	vld [tilespmem:s10+$0xE800];
	v4 =	vmax.f32 v4, v6  }
0x1a5: {  	v3 =	vmin.f32 v3, v6;
	v6 =	vld [tilespmem:s10+$0xE880];
	v4 =	vmax.f32 v4, v7  }
0x1a6: {  	v3 =	vmin.f32 v3, v7;
	v7 =	vld [tilespmem:s10+$0xE900];
	v4 =	vmax.f32 v4, v8  }
0x1a7: {  	v3 =	vmin.f32 v3, v8;
	v8 =	vld [tilespmem:s10+$0xE980];
	v4 =	vmax.f32 v4, v10  }
0x1a8: {  	v3 =	vmin.f32 v3, v10;
	v10 =	vld [tilespmem:s10+$0xEA00];
	v4 =	vmax.f32 v4, v9  }
0x1a9: {  	v3 =	vmin.f32 v3, v9;
	v9 =	vld [tilespmem:s10+$0xEA80];
	v4 =	vmax.f32 v4, v5  }
0x1aa: {  	v3 =	vmin.f32 v3, v5;
	v5 =	vld [tilespmem:s10+$0xEB00];
	v4 =	vmax.f32 v4, v6  }
0x1ab: {  	v3 =	vmin.f32 v3, v6;
	v6 =	vld [tilespmem:s10+$0xEB80];
	v4 =	vmax.f32 v4, v7  }
0x1ac: {  	v3 =	vmin.f32 v3, v7;
	v4 =	vmax.f32 v4, v8  }
0x1ad: {  	v3 =	vmin.f32 v3, v8;
	v4 =	vmax.f32 v4, v10  }
0x1ae: {  	v3 =	vmin.f32 v3, v10;
	v4 =	vmax.f32 v4, v9  }
0x1af: {  	v3 =	vmin.f32 v3, v9;
	v4 =	vmax.f32 v4, v5  }
0x1b0: {  	v3 =	vmin.f32 v3, v5;
	v4 =	vmax.f32 v4, v6  }
0x1b1: {  	v3 =	vmin.f32 v3, v6;
	[tilespmem:s14+$0x10500] =	vst v4  }
0x1b2: {  	[tilespmem:s14+$0x10D00] =	vst v3  }
0x1b3: {  	v4 =	vld [tilespmem:s10+$0xF000]  }
0x1b4: {  	v8 =	vld [tilespmem:s10+$0xF080]  }
0x1b5: {  	v7 =	vld [tilespmem:s10+$0xF100]  }
0x1b6: {  	v6 =	vld [tilespmem:s10+$0xF180]  }
0x1b7: {  	v5 =	vld [tilespmem:s10+$0xF200]  }
0x1b8: {  	v3 =	vld [tilespmem:s10+$0xF280]  }
0x1b9: {  	s14 =	simm.s32 $0x1;
	v9 =	vmax.f32 v4, v8;
	v8 =	vmin.f32 v4, v8;
	v4 =	vld [tilespmem:s10+$0xF300]  }
.LBB2_9:
0x1ba: {  	p0 =	sne.s32 s14, $0xF  }
0x1bb: {  	v9 =	vmax.f32 v9, v7;
	v7 =	vmin.f32 v8, v7;
	v8 =	vld [tilespmem:s10+$0xF380];
	s12 =	sadd.s32 $0x10, s12;
	s15 =	smov.u32 s14;
	s14 =	sadd.s32 $0x1, s14  }
0x1bc: {  	v9 =	vmax.f32 v9, v6;
	v6 =	vmin.f32 v7, v6;
	v7 =	vld [tilespmem:s10+$0xF800]  }
0x1bd: {  	v9 =	vmax.f32 v9, v5;
	v5 =	vmin.f32 v6, v5;
	v6 =	vld [tilespmem:s10+$0xF880]  }
0x1be: {  	v9 =	vmax.f32 v9, v3;
	v3 =	vmin.f32 v5, v3;
	v5 =	vld [tilespmem:s10+$0xF900]  }
0x1bf: {  	v9 =	vmax.f32 v9, v4;
	v3 =	vmin.f32 v3, v4;
	v4 =	vld [tilespmem:s10+$0xF980]  }
0x1c0: {  	v9 =	vmax.f32 v9, v8;
	v3 =	vmin.f32 v3, v8;
	v8 =	vld [tilespmem:s10+$0xFA00]  }
0x1c1: {  	s17 =	sshll.u32 s15, $0x7;
	v9 =	vmax.f32 v9, v7;
	v3 =	vmin.f32 v3, v7;
	v7 =	vld [tilespmem:s10+$0xFA80]  }
0x1c2: {  	s16 =	sand.u32 $0x70, s12;
	s17 =	sand.u32 $0x3FFFFC00, s17;
	v9 =	vmax.f32 v9, v6;
	v3 =	vmin.f32 v3, v6;
	v6 =	vld [tilespmem:s10+$0xFB00]  }
0x1c3: {  	v9 =	vmax.f32 v9, v5;
	v3 =	vmin.f32 v3, v5;
	v5 =	vld [tilespmem:s10+$0xFB80];
	s10 =	sor.u32 s16, s17  }
0x1c4: {  	v9 =	vmax.f32 v9, v4;
	v3 =	vmin.f32 v3, v4  }
0x1c5: {  	v4 =	vmax.f32 v9, v8;
	v3 =	vmin.f32 v3, v8  }
0x1c6: {  	v4 =	vmax.f32 v4, v7;
	v3 =	vmin.f32 v3, v7  }
0x1c7: {  	v4 =	vmax.f32 v4, v6;
	v3 =	vmin.f32 v3, v6  }
0x1c8: {  	s13 =	sor.u32 $0x580, s13;
	v4 =	vmax.f32 v4, v5;
	v3 =	vmin.f32 v3, v5  }
0x1c9: {  	[tilespmem:s13+$0x10000] =	vst v4  }
0x1ca: {  	[tilespmem:s13+$0x10800] =	vst v3  }
0x1cb: {  	v3 =	vld [tilespmem:s10+$0xC000]  }
0x1cc: {  	v4 =	vld [tilespmem:s10+$0xC080]  }
0x1cd: {  	v5 =	vld [tilespmem:s10+$0xC100]  }
0x1ce: {  	v6 =	vld [tilespmem:s10+$0xC180]  }
0x1cf: {  	v7 =	vld [tilespmem:s10+$0xC200]  }
0x1d0: {  	v8 =	vld [tilespmem:s10+$0xC280]  }
0x1d1: {  	v9 =	vmax.f32 v3, v4;
	v3 =	vmin.f32 v3, v4;
	v4 =	vld [tilespmem:s10+$0xC300]  }
0x1d2: {  	v9 =	vmax.f32 v9, v5;
	v3 =	vmin.f32 v3, v5;
	v5 =	vld [tilespmem:s10+$0xC380]  }
0x1d3: {  	v9 =	vmax.f32 v9, v6;
	v3 =	vmin.f32 v3, v6;
	v6 =	vld [tilespmem:s10+$0xC800]  }
0x1d4: {  	v9 =	vmax.f32 v9, v7;
	v3 =	vmin.f32 v3, v7;
	v7 =	vld [tilespmem:s10+$0xC880]  }
0x1d5: {  	v9 =	vmax.f32 v9, v8;
	v3 =	vmin.f32 v3, v8;
	v8 =	vld [tilespmem:s10+$0xC900]  }
0x1d6: {  	v9 =	vmax.f32 v9, v4;
	v3 =	vmin.f32 v3, v4;
	v4 =	vld [tilespmem:s10+$0xC980]  }
0x1d7: {  	v9 =	vmax.f32 v9, v5;
	v3 =	vmin.f32 v3, v5;
	v5 =	vld [tilespmem:s10+$0xCA00]  }
0x1d8: {  	v9 =	vmax.f32 v9, v6;
	v3 =	vmin.f32 v3, v6;
	v6 =	vld [tilespmem:s10+$0xCA80]  }
0x1d9: {  	v9 =	vmax.f32 v9, v7;
	v3 =	vmin.f32 v3, v7;
	v7 =	vld [tilespmem:s10+$0xCB00]  }
0x1da: {  	v9 =	vmax.f32 v9, v8;
	v3 =	vmin.f32 v3, v8;
	v8 =	vld [tilespmem:s10+$0xCB80]  }
0x1db: {  	v9 =	vmax.f32 v9, v4;
	v3 =	vmin.f32 v3, v4  }
0x1dc: {  	v4 =	vmax.f32 v9, v5;
	v3 =	vmin.f32 v3, v5  }
0x1dd: {  	s13 =	sshll.u32 s15, $0x6;
	v4 =	vmax.f32 v4, v6;
	v3 =	vmin.f32 v3, v6  }
0x1de: {  	s15 =	sand.u32 $0xFFFFFE00, s13;
	v4 =	vmax.f32 v4, v7;
	v3 =	vmin.f32 v3, v7  }
0x1df: {  	s13 =	sadd.s32 s15, s12;
	s15 =	sor.u32 s16, s15;
	v4 =	vmax.f32 v4, v8;
	v3 =	vmin.f32 v3, v8  }
0x1e0: {  	[tilespmem:s15+$0x10400] =	vst v4  }
0x1e1: {  	[tilespmem:s15+$0x10C00] =	vst v3  }
0x1e2: {  	v3 =	vld [tilespmem:s10+$0xD000]  }
0x1e3: {  	v4 =	vld [tilespmem:s10+$0xD080]  }
0x1e4: {  	v5 =	vld [tilespmem:s10+$0xD100]  }
0x1e5: {  	v6 =	vld [tilespmem:s10+$0xD180]  }
0x1e6: {  	v7 =	vld [tilespmem:s10+$0xD200]  }
0x1e7: {  	v8 =	vld [tilespmem:s10+$0xD280]  }
0x1e8: {  	v9 =	vmax.f32 v3, v4;
	v3 =	vmin.f32 v3, v4;
	v4 =	vld [tilespmem:s10+$0xD300]  }
0x1e9: {  	v9 =	vmax.f32 v9, v5;
	v3 =	vmin.f32 v3, v5;
	v5 =	vld [tilespmem:s10+$0xD380]  }
0x1ea: {  	v9 =	vmax.f32 v9, v6;
	v3 =	vmin.f32 v3, v6;
	v6 =	vld [tilespmem:s10+$0xD800]  }
0x1eb: {  	v9 =	vmax.f32 v9, v7;
	v3 =	vmin.f32 v3, v7;
	v7 =	vld [tilespmem:s10+$0xD880]  }
0x1ec: {  	v9 =	vmax.f32 v9, v8;
	v3 =	vmin.f32 v3, v8;
	v8 =	vld [tilespmem:s10+$0xD900]  }
0x1ed: {  	v9 =	vmax.f32 v9, v4;
	v3 =	vmin.f32 v3, v4;
	v4 =	vld [tilespmem:s10+$0xD980]  }
0x1ee: {  	v9 =	vmax.f32 v9, v5;
	v3 =	vmin.f32 v3, v5;
	v5 =	vld [tilespmem:s10+$0xDA00]  }
0x1ef: {  	v9 =	vmax.f32 v9, v6;
	v3 =	vmin.f32 v3, v6;
	v6 =	vld [tilespmem:s10+$0xDA80]  }
0x1f0: {  	v9 =	vmax.f32 v9, v7;
	v3 =	vmin.f32 v3, v7;
	v7 =	vld [tilespmem:s10+$0xDB00]  }
0x1f1: {  	v9 =	vmax.f32 v9, v8;
	v3 =	vmin.f32 v3, v8;
	v8 =	vld [tilespmem:s10+$0xDB80]  }
0x1f2: {  	v9 =	vmax.f32 v9, v4;
	v3 =	vmin.f32 v3, v4  }
0x1f3: {  	v4 =	vmax.f32 v9, v5;
	v3 =	vmin.f32 v3, v5  }
0x1f4: {  	v4 =	vmax.f32 v4, v6;
	v3 =	vmin.f32 v3, v6  }
0x1f5: {  	v4 =	vmax.f32 v4, v7;
	v3 =	vmin.f32 v3, v7  }
0x1f6: {  	s16 =	sor.u32 $0x480, s13;
	v4 =	vmax.f32 v4, v8;
	v3 =	vmin.f32 v3, v8  }
0x1f7: {  	[tilespmem:s16+$0x10000] =	vst v4  }
0x1f8: {  	[tilespmem:s16+$0x10800] =	vst v3  }
0x1f9: {  	v3 =	vld [tilespmem:s10+$0xE000]  }
0x1fa: {  	v4 =	vld [tilespmem:s10+$0xE080]  }
0x1fb: {  	v5 =	vld [tilespmem:s10+$0xE100]  }
0x1fc: {  	v6 =	vld [tilespmem:s10+$0xE180]  }
0x1fd: {  	v7 =	vld [tilespmem:s10+$0xE200]  }
0x1fe: {  	v8 =	vld [tilespmem:s10+$0xE280]  }
0x1ff: {  	v9 =	vmax.f32 v3, v4;
	v3 =	vmin.f32 v3, v4;
	v4 =	vld [tilespmem:s10+$0xE300]  }
0x200: {  	v9 =	vmax.f32 v9, v5;
	v3 =	vmin.f32 v3, v5;
	v5 =	vld [tilespmem:s10+$0xE380]  }
0x201: {  	v9 =	vmax.f32 v9, v6;
	v3 =	vmin.f32 v3, v6;
	v6 =	vld [tilespmem:s10+$0xE800]  }
0x202: {  	v9 =	vmax.f32 v9, v7;
	v3 =	vmin.f32 v3, v7;
	v7 =	vld [tilespmem:s10+$0xE880]  }
0x203: {  	v9 =	vmax.f32 v9, v8;
	v3 =	vmin.f32 v3, v8;
	v8 =	vld [tilespmem:s10+$0xE900]  }
0x204: {  	v9 =	vmax.f32 v9, v4;
	v3 =	vmin.f32 v3, v4;
	v4 =	vld [tilespmem:s10+$0xE980]  }
0x205: {  	v9 =	vmax.f32 v9, v5;
	v3 =	vmin.f32 v3, v5;
	v5 =	vld [tilespmem:s10+$0xEA00]  }
0x206: {  	v9 =	vmax.f32 v9, v6;
	v3 =	vmin.f32 v3, v6;
	v6 =	vld [tilespmem:s10+$0xEA80]  }
0x207: {  	v9 =	vmax.f32 v9, v7;
	v3 =	vmin.f32 v3, v7;
	v7 =	vld [tilespmem:s10+$0xEB00]  }
0x208: {  	v9 =	vmax.f32 v9, v8;
	v3 =	vmin.f32 v3, v8;
	v8 =	vld [tilespmem:s10+$0xEB80]  }
0x209: {  	v9 =	vmax.f32 v9, v4;
	v3 =	vmin.f32 v3, v4  }
0x20a: {  	v4 =	vmax.f32 v9, v5;
	v3 =	vmin.f32 v3, v5  }
0x20b: {  	v4 =	vmax.f32 v4, v6;
	v3 =	vmin.f32 v3, v6  }
0x20c: {  	v4 =	vmax.f32 v4, v7;
	v3 =	vmin.f32 v3, v7  }
0x20d: {  	v4 =	vmax.f32 v4, v8;
	v3 =	vmin.f32 v3, v8  }
0x20e: {  	[tilespmem:s15+$0x10500] =	vst v4  }
0x20f: {  	[tilespmem:s15+$0x10D00] =	vst v3  }
0x210: {  	v4 =	vld [tilespmem:s10+$0xF000]  }
0x211: {  	v8 =	vld [tilespmem:s10+$0xF080]  }
.Ltmp4:
0x212: {  	v7 =	vld [tilespmem:s10+$0xF100];
	(pc) =	sbr.rel @p0 .LBB2_9-.Ltmp4, $4  }
0x213: {  	v6 =	vld [tilespmem:s10+$0xF180]  }
0x214: {  	v5 =	vld [tilespmem:s10+$0xF200]  }
0x215: {  	v3 =	vld [tilespmem:s10+$0xF280]  }
0x216: {  	v9 =	vmax.f32 v4, v8;
	v8 =	vmin.f32 v4, v8;
	v4 =	vld [tilespmem:s10+$0xF300]  }
0x217: {  	v9 =	vmax.f32 v9, v7;
	v10 =	vld [tilespmem:s10+$0xF380]  }
0x218: {  	v48 =	vmin.f32 v8, v7;
	v50 =	vld [tilespmem:s10+$0xF800];
	v49 =	vmax.f32 v9, v6  }
0x219: {  	v53 =	vld [tilespmem:s10+$0xF880];
	v51 =	vmin.f32 v48, v6;
	v52 =	vmax.f32 v49, v5  }
0x21a: {  	v56 =	vld [tilespmem:s10+$0xF900];
	v54 =	vmin.f32 v51, v5;
	v55 =	vmax.f32 v52, v3  }
0x21b: {  	v58 =	vld [tilespmem:s10+$0xF980];
	v3 =	vmin.f32 v54, v3;
	v57 =	vmax.f32 v55, v4  }
0x21c: {  	v60 =	vld [tilespmem:s10+$0xFA00];
	v3 =	vmin.f32 v3, v4;
	v59 =	vmax.f32 v57, v10  }
0x21d: {  	v61 =	vld [tilespmem:s10+$0xFA80];
	v3 =	vmin.f32 v3, v10;
	v4 =	vmax.f32 v59, v50  }
0x21e: {  	v62 =	vld [tilespmem:s10+$0xFB00];
	v3 =	vmin.f32 v3, v50;
	v4 =	vmax.f32 v4, v53  }
0x21f: {  	v63 =	vld [tilespmem:s10+$0xFB80];
	v3 =	vmin.f32 v3, v53;
	v4 =	vmax.f32 v4, v56  }
0x220: {  	v3 =	vmin.f32 v3, v56;
	v4 =	vmax.f32 v4, v58  }
0x221: {  	v3 =	vmin.f32 v3, v58;
	v4 =	vmax.f32 v4, v60  }
0x222: {  	v3 =	vmin.f32 v3, v60;
	v4 =	vmax.f32 v4, v61  }
0x223: {  	s9 =	sadd.s32 $0x1, s9;
	v3 =	vmin.f32 v3, v61;
	v4 =	vmax.f32 v4, v62  }
0x224: {  	s16 =	sor.u32 $0x580, s13;
	p0 =	sne.s32 s9, $0x80;
	v3 =	vmin.f32 v3, v62;
	v4 =	vmax.f32 v4, v63  }
.Ltmp5:
0x225: {  	s11 =	sor.u32 $0x40, s11;
	v3 =	vmin.f32 v3, v63;
	[tilespmem:s16+$0x10000] =	vst v4;
	(pc) =	sbr.rel @p0 .LBB2_2-.Ltmp5, $4  }
0x226: {  	s17 =	sadd.s32 s4, s11;
	[tilespmem:s16+$0x10800] =	vst v3  }
0x227: {  	[hbm4b:s17+s28] =	stream.strided.scatter [tilespmem:s6], [sflag:$0x3], $0x400, s29, s28, $0x38;
	[tilespmem:$0x11000] =	vst v63  }
0x228: {  	s18 =	sadd.s32 s5, s11  }
0x229: {  	[hbm4b:s18+s28] =	stream.strided.scatter [tilespmem:s8], [sflag:$0x3], $0x400, s29, s28, $0x38;
	[tilespmem:$0x11000] =	vst v63  }
0x22a: {  	_ =	swait.ge [sflag:s1], $0x400  }
0x22b: {  	[sflag:s1] =	ssyncset.done $0x0  }
0x22c: {  	[sflag:s1] =	ssyncadd.s32 $0xFFFFFC00  }
0x22d: {  	_ =	swait.ge [sflag:s1], $0x400  }
0x22e: {  	[sflag:s1] =	ssyncset.done $0x0  }
0x22f: {  	[sflag:s1] =	ssyncadd.s32 $0xFFFFFC00  }
0x230: {  	_ =	swait.ge [sflag:s1], $0x400  }
0x231: {  	[sflag:s1] =	ssyncset.done $0x0  }
0x232: {  	[sflag:s1] =	ssyncadd.s32 $0xFFFFFC00  }
0x233: {  	_ =	swait.ge [sflag:s1], $0x400  }
0x234: {  	s10 =	rddreg [dreg:$0x5]  }
0x235: {  	s9 =	rddreg [dreg:$0x4];
	s10 =	sadd.s32 $0x1, s10  }
0x236: {  	p0 =	sne.s32 s10, s9  }
.Ltmp6:
0x237: {  	_ = 	snop;
	(pc) =	sbr.rel @p0 .LBB2_1-.Ltmp6, $3  }
0x238: {  	_ =	sdelay $0x1  }
0x239: {  	[sflag:s1] =	ssyncset.done $0x0  }
0x23a: {  	[sflag:s1] =	ssyncadd.s32 $0xFFFFFC00  }
0x23b: {  	_ =	sfence.sel $0x180000  }
0x23c: {  	[bflag:$0x0] =	sbarrier.arrive $0xFFFF  }
0x23d: {  	_ =	strace $0x90000050  }
0x23e: {  	s0 =	stileid.u32;
	[bflag:$0x2] =	sbarrier.arrive $0xFFFF  }
0x23f: {  	p0 =	sne.s32 s0, $0x0;
	s0 =	rddreg [dreg:$0x2]  }
0x240: {  	s0 =	sadd.s32 @!p0 $0x100000, s0  }
0x241: {  	[sflag:s0] =	ssyncadd.tile.s32 @!p0 $0x1;
	_ =	shalt  }
.Lfunc_end2:
_tile_overlayer_lowered:
.L_overlay_start_2:
0x242: {  	(tag) =	ssettag $0x2  }
0x243: {  	s0 =	rddreg [dreg:$0x0];
	s2 =	stileid.u32  }
0x244: {  	s1 =	rddreg [dreg:$0x1];
	p0 =	sne.s32 s2, $0x0  }
0x245: {  	s3 =	rddreg [dreg:$0x2];
	[bflag:$0x3] =	sbarrier.arrive $0xFFFF;
	s2 =	simm.s32 @!p0 $0x1C04  }
0x246: {  	[timem:s3], [sflag:s2] =	dma.local @!p0 [hbm:s0], s1  }
0x247: {  	s0 =	simm.s32 @!p0 $0x4  }
0x248: {  	_ =	swait.ge @!p0 [sflag:s0], s1  }
0x249: {  	s1 =	ssub.s32 @!p0 $0x0, s1;
	[sflag:s0] =	ssyncset.done @!p0 $0x0  }
0x24a: {  	[sflag:s0] =	ssyncadd.s32 @!p0 s1  }
0x24b: {  	[bflag:$0x3] =	sbarrier.arrive $0xFFFF  }
0x24c: {  	_ =	shalt  }

// kernel: kernel.9.cloned.1.call-start
scs
__scs_entry_jumppad:
0x0: {  	(pc) =	sbr.rel $0x88, $3  }
0x1: {  	(tag) =	ssettag $0x0;
	lr =	simm.s32 $0x1  }
0x2: {  	[smem:$0x3F9C] =	sst lr;
	_ =	strace $0xD0000000  }
0x3: {  	_ = 	snop  }
0x4: {  	_ = 	snop  }
0x5: {  	_ = 	snop  }
0x6: {  	_ = 	snop  }
0x7: {  	_ = 	snop  }
__scs_overlays_trampoline_lowered:
0x8: {  	[smem:$0x3FAB] =	sst s0  }
0x9: {  	[smem:$0x3FAC] =	sst s1  }
0xa: {  	[smem:$0x3FAD] =	sst s2  }
0xb: {  	[smem:$0x3FAE] =	sst s3  }
0xc: {  	[smem:$0x3FAF] =	sst s4  }
0xd: {  	[smem:$0x3FB0] =	sst s5  }
0xe: {  	[smem:$0x3FB1] =	sst s6  }
0xf: {  	[smem:$0x3FB2] =	sst s7  }
0x10: {  	[smem:$0x3FB3] =	sst s8  }
0x11: {  	[smem:$0x3FB4] =	sst s9;
	s0 =	simm.s32 @!p0 $0x0  }
0x12: {  	s1 =	sld [smem:$0x3F9A];
	s0 =	simm.s32 @p0 $0x1  }
0x13: {  	[smem:$0x3FB5] =	sst s0;
	s0 =	simm.s32 @!p1 $0x0  }
0x14: {  	s2 =	sld [smem:$0x3F99];
	s0 =	simm.s32 @p1 $0x1  }
0x15: {  	[smem:$0x3FB6] =	sst s0;
	s0 =	simm.s32 @!p2 $0x0  }
0x16: {  	s3 =	sld [smem:$0x3FDB];
	s0 =	simm.s32 @p2 $0x1  }
0x17: {  	s4 =	simm.s32 $0x1BF5;
	[smem:$0x3FB8] =	sst s0  }
0x18: {  	s0 =	sld [smem:$0x3F9B];
	_ =	swait.ge [sflag:s4], $0x0  }
0x19: {  	s7 =	sld [smem:$0x3F9C]  }
0x1a: {  	s8 =	sadd.s32 $0xFFFFE003, lr  }
0x1b: {  	s9 =	sadd.s32 $0xFFFFFEF7, lr;
	s5 =	simm.s32 $0xFFFFFFFF;
	p2 =	slt.u32 s8, $0xFFFFF086  }
0x1c: {  	p1 =	slt.u32 s9, $0xF7A;
	s5 =	simm.s32 @!p2 $0x0  }
0x1d: {  	s5 =	simm.s32 @p1 $0x1;
	p0 =	seq.s32 s7, s2  }
0x1e: {  	s7 =	smul.u32 @!p0 $0xF7A, s2;
	p2 =	seq.s32 @!p0 s5, $0x0  }
0x1f: {  	s9 =	smul.u32 $0xF7A, s1;
	s8 =	simm.s32 @!p0 $0x1BF5;
	p2 =	por !p2, p0  }
0x20: {  	[sflag:s8] =	ssyncset.s32 @!p0 $0xFFFFF086;
	s6 =	sadd.s32 @!p0 s3, s7;
	s7 =	simm.s32 @!p0 $0x108  }
0x21: {  	s3 =	sadd.s32 s3, s9;
	s6 =	sadd.s32 @!p0 $0x88, s6;
	s7 =	simm.s32 @p2 $0x1082  }
0x22: {  	[simem:s7], [sflag:s8] =	dma.local @!p0 [hbm:s6], $0xF7A  }
0x23: {  	s9 =	sor.u32 $0xD0000000, s2;
	s6 =	simm.s32 $0x108;
	_ =	swait.ge @!p0 [sflag:s8], $0x0  }
0x24: {  	s3 =	sadd.s32 $0x88, s3;
	s6 =	simm.s32 @!p1 $0x1082;
	[sflag:s4] =	ssyncset.s32 $0xFFFFF086  }
0x25: {  	[simem:s6], [sflag:s4] =	dma.local [hbm:s3], $0xF7A  }
0x26: {  	[smem:$0x3F9C] =	sst s1;
	(tag) =	ssettag s2;
	_ =	strace s9  }
0x27: {  	s1 =	sld [smem:$0x3FAC]  }
0x28: {  	s2 =	sld [smem:$0x3FAD]  }
0x29: {  	s4 =	sld [smem:$0x3FAF]  }
0x2a: {  	p0 =	seq.s32 s5, $0x0;
	s5 =	sld [smem:$0x3FB0]  }
0x2b: {  	s6 =	sld [smem:$0x3FB1]  }
0x2c: {  	s7 =	sld [smem:$0x3FB2]  }
0x2d: {  	s3 =	simm.s32 $0x108;
	s8 =	sld [smem:$0x3FB3]  }
0x2e: {  	s3 =	simm.s32 @!p0 $0x1082;
	s9 =	sld [smem:$0x3FB4]  }
0x2f: {  	lr =	sadd.s32 s0, s3;
	s0 =	sld [smem:$0x3FAB]  }
0x30: {  	s3 =	sld [smem:$0x3FAE]  }
0x31: {  	[smem:$0x3FB7] =	sst s10  }
0x32: {  	s10 =	sld [smem:$0x3FB5];
	_ =	sdelay $0x3  }
0x33: {  	p0 =	seq.s32 s10, $0x1;
	s10 =	sld [smem:$0x3FB7];
	_ =	sdelay $0x3  }
0x34: {  	[smem:$0x3FB7] =	sst s10  }
0x35: {  	s10 =	sld [smem:$0x3FB6];
	_ =	sdelay $0x3  }
0x36: {  	p1 =	seq.s32 s10, $0x1;
	s10 =	sld [smem:$0x3FB7];
	_ =	sdelay $0x3  }
0x37: {  	[smem:$0x3FB7] =	sst s10  }
0x38: {  	s10 =	sld [smem:$0x3FB8]  }
0x39: {  	_ = 	snop;
	(pc) =	sbr.ind lr, $3  }
0x3a: {  	_ = 	snop  }
0x3b: {  	_ = 	snop  }
0x3c: {  	p2 =	seq.s32 s10, $0x1;
	s10 =	sld [smem:$0x3FB7]  }
0x3d: {  	_ =	shalt  }
0x3e: {  	_ =	shalt  }
0x3f: {  	_ =	shalt  }
0x40: {  	_ =	shalt  }
0x41: {  	_ =	shalt  }
0x42: {  	_ =	shalt  }
0x43: {  	_ =	shalt  }
0x44: {  	_ =	shalt  }
0x45: {  	_ =	shalt  }
0x46: {  	_ =	shalt  }
0x47: {  	_ =	shalt  }
0x48: {  	_ =	shalt  }
0x49: {  	_ =	shalt  }
0x4a: {  	_ =	shalt  }
0x4b: {  	_ =	shalt  }
0x4c: {  	_ =	shalt  }
0x4d: {  	_ =	shalt  }
0x4e: {  	_ =	shalt  }
0x4f: {  	_ =	shalt  }
0x50: {  	_ =	shalt  }
0x51: {  	_ =	shalt  }
0x52: {  	_ =	shalt  }
0x53: {  	_ =	shalt  }
0x54: {  	_ =	shalt  }
0x55: {  	_ =	shalt  }
0x56: {  	_ =	shalt  }
0x57: {  	_ =	shalt  }
0x58: {  	_ =	shalt  }
0x59: {  	_ =	shalt  }
0x5a: {  	_ =	shalt  }
0x5b: {  	_ =	shalt  }
0x5c: {  	_ =	shalt  }
0x5d: {  	_ =	shalt  }
0x5e: {  	_ =	shalt  }
0x5f: {  	_ =	shalt  }
0x60: {  	_ =	shalt  }
0x61: {  	_ =	shalt  }
0x62: {  	_ =	shalt  }
0x63: {  	_ =	shalt  }
0x64: {  	_ =	shalt  }
0x65: {  	_ =	shalt  }
0x66: {  	_ =	shalt  }
0x67: {  	_ =	shalt  }
0x68: {  	_ =	shalt  }
0x69: {  	_ =	shalt  }
0x6a: {  	_ =	shalt  }
0x6b: {  	_ =	shalt  }
0x6c: {  	_ =	shalt  }
0x6d: {  	_ =	shalt  }
0x6e: {  	_ =	shalt  }
0x6f: {  	_ =	shalt  }
0x70: {  	_ =	shalt  }
0x71: {  	_ =	shalt  }
0x72: {  	_ =	shalt  }
0x73: {  	_ =	shalt  }
0x74: {  	_ =	shalt  }
0x75: {  	_ =	shalt  }
0x76: {  	_ =	shalt  }
0x77: {  	_ =	shalt  }
0x78: {  	_ =	shalt  }
0x79: {  	_ =	shalt  }
0x7a: {  	_ =	shalt  }
0x7b: {  	_ =	shalt  }
0x7c: {  	_ =	shalt  }
0x7d: {  	_ =	shalt  }
0x7e: {  	_ =	shalt  }
0x7f: {  	_ =	shalt  }
0x80: {  	_ =	shalt  }
0x81: {  	_ =	shalt  }
0x82: {  	_ =	shalt  }
0x83: {  	_ =	shalt  }
0x84: {  	_ =	shalt  }
0x85: {  	_ =	shalt  }
0x86: {  	_ =	shalt  }
0x87: {  	_ =	shalt  }
.Lfunc_end0:
.L_simem_size_0:
called_computation.2_lowered:
.L_overlay_start_0:
0x88: {  	s2 =	sld [smem:$0x3FD9]  }
0x89: {  	s3 =	sld [smem:$0x3FFE];
	_ =	sdelay $0x1  }
0x8a: {  	s1 =	srdreg.scid  }
0x8b: {  	s0 =	sand.u32 $0x1, s1  }
0x8c: {  	s17 =	sshll.u32 s0, $0xA;
	s2 =	sadd.s32 s3, s2  }
0x8d: {  	s2 =	sadd.s32 s2, s17  }
0x8e: {  	[smem:$0x3FC3] =	sst s2  }
0x8f: {  	_ = 	snop  }
0x90: {  	(tm) =	ssettm $0x1  }
0x91: {  	s18 =	sld [smem:$0x3FFB];
	_ =	sdelay $0x3  }
0x92: {  	_ =	strace s18  }
0x93: {  	s2 =	sld [smem:$0x3FFC];
	_ =	sdelay $0x3  }
0x94: {  	_ =	strace s2  }
0x95: {  	s2 =	sld [smem:$0x3FFD];
	_ =	sdelay $0x3  }
0x96: {  	_ =	strace s2  }
0x97: {  	_ =	strace $0x8FFFFFFF  }
0x98: {  	s19 =	sld [smem:$0x3FDB];
	_ =	sdelay $0x1  }
0x99: {  	s20 =	simm.s32 $_scs_section_size  }
0x9a: {  	s4 =	simm.s32 $_size__tile_overlayer_lowered;
	s5 =	simm.s32 $_tile_overlayer_lowered  }
0x9b: {  	s6 =	simm.s32 $0x1BFF;
	s21 =	sshll.u32 s5, $0x1;
	s3 =	sadd.s32 s20, s19  }
0x9c: {  	s22 =	simm.s32 $0x0;
	s4 =	sshll.u32 s4, $0x1;
	s5 =	sadd.s32 s21, s3  }
0x9d: {  	[timem:s22], [sflag:s6] =	dma.local [hbm:s5], s4  }
0x9e: {  	_ =	swait.ge [sflag:s6], s4  }
0x9f: {  	s4 =	ssub.s32 $0x0, s4;
	[sflag:s6] =	ssyncset.done $0x0  }
0xa0: {  	[sflag:s6] =	ssyncadd.s32 s4;
	_ =	sdelay $0x1  }
0xa1: {  	s23 =	simm.s32 $0x1B8B  }
0xa2: {  	_ =	swait.ge [sflag:s23], $0x1  }
0xa3: {  	[sflag:s23] =	ssyncset.done $0x0  }
0xa4: {  	[sflag:s23] =	ssyncadd.s32 $0xFFFFFFFF  }
0xa5: {  	s4 =	sld [smem:$0x0]  }
0xa6: {  	s5 =	sand.u32 $0xFFFFFFFE, s1  }
0xa7: {  	p0 =	sne.s32 s1, s5  }
0xa8: {  	s5 =	sshll.u32 @p0 s5, $0xE  }
0xa9: {  	s5 =	sadd.s32 @p0 $0x11B8D, s5;
	s6 =	sshll.u32 @p0 s4, $0x11  }
0xaa: {  	s5 =	sor.u32 @p0 s6, s5  }
0xab: {  	[sflag:s5] =	ssyncadd.remote.s32 @p0 $0x1;
	_ =	sdelay $0x1  }
0xac: {  	s5 =	simm.s32 @p0 $0x1B8D  }
0xad: {  	_ =	swait.eq @p0 [sflag:s5], $0x1  }
0xae: {  	[sflag:s5] =	ssyncadd.s32 @p0 $0xFFFFFFFF  }
0xaf: {  	s6 =	sshll.u32 @!p0 s1, $0xE  }
0xb0: {  	s6 =	sor.u32 @!p0 $0x4000, s6;
	s5 =	simm.s32 @!p0 $0x1B8D  }
0xb1: {  	s4 =	sshll.u32 @!p0 s4, $0x11;
	s6 =	sadd.s32 @!p0 $0x11B8D, s6;
	_ =	swait.eq @!p0 [sflag:s5], $0x1  }
0xb2: {  	s4 =	sor.u32 @!p0 s4, s6;
	[sflag:s5] =	ssyncadd.s32 @!p0 $0xFFFFFFFF  }
0xb3: {  	s25 =	simm.s32 $0x1B8E;
	s24 =	sld [smem:$0x3FFE];
	[sflag:s4] =	ssyncadd.remote.s32 @!p0 $0x1  }
0xb4: {  	s26 =	simm.s32 $execute0_lowered;
	[smem:$0x3FD2] =	sst s25  }
0xb5: {  	s5 =	sshll.u32 s26, $0x1;
	_ =	strace $0x80000049;
	[dreg:$0x1] =	wrdreg $0xFFFFFFFF  }
0xb6: {  	s28 =	simm.s32 $_size_execute0_lowered;
	s3 =	sadd.s32 s3, s5;
	[dreg:$0x0] =	wrdreg $0x0  }
0xb7: {  	s5 =	sshll.u32 s28, $0x1;
	[dreg:$0x2] =	wrdreg s3  }
0xb8: {  	[dreg:$0x3] =	wrdreg s5  }
0xb9: {  	[dreg:$0x4] =	wrdreg $0xC0  }
0xba: {  	_ =	task [dreg:s22], $0x5FFFF  }
0xbb: {  	[dreg:$0x1] =	wrdreg $0xFFFFFFFF  }
0xbc: {  	[dreg:$0x0] =	wrdreg $0x60  }
0xbd: {  	[dreg:$0x2] =	wrdreg s24  }
0xbe: {  	[dreg:$0x3] =	wrdreg $0xA  }
0xbf: {  	_ =	task.clear_ibuf [dreg:s22], $0x4FFFF;
	_ =	strace $0x90000049  }
0xc0: {  	s29 =	simm.s32 $0xA;
	_ =	strace $0x8000004B  }
0xc1: {  	_ =	swait.ge [sflag:s29], $0x1  }
0xc2: {  	[sflag:s29] =	ssyncadd.s32 $0xFFFFFFFF  }
0xc3: {  	_ =	strace $0x9000004B  }
0xc4: {  	_ =	sfence  }
0xc5: {  	s30 =	sld [smem:$0x0];
	_ =	sdelay $0x2  }
0xc6: {  	s31 =	sshll.u32 s1, $0xD;
	s1 =	sshrl.u32 s1, $0x2  }
0xc7: {  	s4 =	sand.u32 $0x4000, s31;
	s1 =	sadd.s32 s1, s30  }
0xc8: {  	s0 =	sor.u32 s4, s0;
	s1 =	sshll.u32 s1, $0x11  }
0xc9: {  	s0 =	sor.u32 s1, s0  }
0xca: {  	s0 =	sadd.s32 $0x8F2B, s0  }
0xcb: {  	[sflag:s0] =	ssyncadd.remote.s32 $0x1  }
0xcc: {  	_ =	sfence.sel $0xFFFF  }
0xcd: {  	[dreg:$0x0] =	wrdreg $0xFFFFFFFF;
	(pc) =	sbr.abs _section_cstart, $3  }
0xce: {  	[dreg:$0x1] =	wrdreg $0xFFFFFFFF  }
0xcf: {  	_ =	task.clear_ibuf [dreg:s22], $0x2FFFF;
	_ =	strace $0x9FFFFFFF  }
0xd0: {  	(tm) =	ssettm $0x7FFFFFFF  }
0xd1: {  	_ =	shalt  }
tec
execute0_lowered:
.L_overlay_start_1:
0x0: {  	(tag) =	ssettag $0x1  }
0x1: {  	s1 =	srdreg.scid  }
0x2: {  	s0 =	stileid.u32;
	s6 =	rddreg [dreg:$0x0];
	s2 =	simm.s32 $0x0  }
0x3: {  	s11 =	simm.s32 $0x40;
	s12 =	simm.s32 $0x8000;
	s13 =	simm.s32 $0x80  }
0x4: {  	s14 =	simm.s32 $0xA000;
	s15 =	simm.s32 $0x1;
	s16 =	simm.s32 $0xC000  }
0x5: {  	s17 =	simm.s32 $0x10000;
	s18 =	simm.s32 $0x14000;
	s19 =	simm.s32 $0x2  }
0x6: {  	s20 =	simm.s32 $0xE000;
	s21 =	simm.s32 $0x12000;
	s22 =	simm.s32 $0x16000  }
0x7: {  	s23 =	simm.s32 $0x0;
	s5 =	sand.u32 $0x1, s1;
	s1 =	rddreg [dreg:$0x1]  }
0x8: {  	s3 =	sshll.u32 s0, $0x1;
	[smem:$0x7FF] =	sst s2;
	s4 =	sadd.s32 $0x1AA400, s6  }
.Ltmp0:
0x9: {  	s7 =	sor.u32 s5, s3;
	_ =	strace $0x8000004A;
	(pc) =	sbr.rel .LBB2_1-.Ltmp0, $4  }
0xa: {  	s9 =	ssub.s32 $0x2, s5;
	s5 =	sadd.s32 $0x9AA400, s6;
	s3 =	sshll.u32 s7, $0xC  }
0xb: {  	s10 =	sshrl.u32 s9, $0x1;
	s7 =	sshll.u32 s7, $0x12;
	s8 =	sadd.s32 s3, s6  }
0xc: {  	s3 =	sadd.s32 $0x182400, s6;
	s6 =	sadd.s32 $0x11AA400, s6;
	s9 =	ssub.s32 s9, s10  }
0xd: {  	s10 =	simm.s32 $0x3;
	s8 =	sadd.s32 $0x18A400, s8;
	s9 =	smax.u32 s9, $0x1  }
.LBB2_8:
0xe: {  	s23 =	sadd.s32 $0x1, s23  }
0xf: {  	p0 =	sne.s32 s23, s9  }
.Ltmp1:
0x10: {  	_ = 	snop;
	(pc) =	sbr.rel @!p0 .LBB2_9-.Ltmp1, $1  }
0x11: {  	_ =	sdelay $0x3  }
.LBB2_1:
0x12: {  	[tilespmem:s2], [sflag:$0x3] =	stream.linear.gather [hbm4b:s8+s2], $0x8000, $0x38;
	[tilespmem:$0x18000] =	vst v63  }
0x13: {  	_ =	swait.ge [sflag:s10], $0x8000  }
0x14: {  	[sflag:s10] =	ssyncset.done $0x0  }
0x15: {  	[sflag:s10] =	ssyncadd.s32 $0xFFFF8000  }
0x16: {  	[tilespmem:s12], [sflag:$0x1] =	stream.indirect.gather [hbm4b:s3+s11], $0x80, s2, s11, $0xb8;
	[tilespmem:$0x18000] =	vst v63  }
0x17: {  	s24 =	simm.s32 $0x0  }
0x18: {  	[tilespmem:s14], [sflag:$0x2] =	stream.indirect.gather [hbm4b:s3+s11], $0x80, s13, s11, $0xb8;
	[tilespmem:$0x18000] =	vst v63  }
.LBB2_2:
0x19: {  	_ =	swait.ge [sflag:s15], $0x2000  }
0x1a: {  	[sflag:s15] =	ssyncset.done $0x0  }
0x1b: {  	s25 =	simm.s32 $0x0;
	[sflag:s15] =	ssyncadd.s32 $0xFFFFE000  }
0x1c: {  	v1 =	vld [tilespmem:s25+$0x8020]  }
0x1d: {  	v0 =	vld [tilespmem:s25+$0x8000]  }
0x1e: {  	s26 =	simm.s32 $0x200;
	v2 =	vld [tilespmem:s25+$0x8010]  }
.LBB2_3:
0x1f: {  	p0 =	sne.s32 s26, $0x7E00  }
.Ltmp2:
0x20: {  	_ = 	snop;
	(pc) =	sbr.rel @p0 .LBB2_3-.Ltmp2, $4  }
0x21: {  	s28 =	sshra.s32 s26, $0x2;
	[tilespmem:s25+$0x14000] =	vst v1  }
0x22: {  	v1 =	vld [tilespmem:s28+$0x8020];
	[tilespmem:s25+$0xC000] =	vst v0  }
0x23: {  	v0 =	vld [tilespmem:s28+$0x8000];
	[tilespmem:s25+$0x10000] =	vst v2;
	s25 =	smov.u32 s28  }
0x24: {  	s26 =	sadd.s32 $0x200, s26;
	v2 =	vld [tilespmem:s25+$0x8010]  }
0x25: {  	_ =	sdelay $0x1  }
0x26: {  	s26 =	sshll.u32 s24, $0xB;
	[tilespmem:s25+$0x14000] =	vst v1  }
0x27: {  	s26 =	sor.u32 s7, s26;
	[tilespmem:s25+$0xC000] =	vst v0  }
0x28: {  	s31 =	sadd.s32 s4, s26;
	[tilespmem:s25+$0x10000] =	vst v2  }
0x29: {  	[hbm4b:s31+s2] =	stream.linear.scatter [tilespmem:s16], [sflag:$0x3], $0x2000, $0x38;
	[tilespmem:$0x18000] =	vst v63  }
0x2a: {  	_ =	swait.ge [sflag:s10], $0x2000  }
0x2b: {  	[sflag:s10] =	ssyncset.done $0x0  }
0x2c: {  	s30 =	sadd.s32 s5, s26;
	[sflag:s10] =	ssyncadd.s32 $0xFFFFE000  }
0x2d: {  	[hbm4b:s30+s2] =	stream.linear.scatter [tilespmem:s17], [sflag:$0x3], $0x2000, $0x38;
	[tilespmem:$0x18000] =	vst v63  }
0x2e: {  	_ =	swait.ge [sflag:s10], $0x2000  }
0x2f: {  	[sflag:s10] =	ssyncset.done $0x0  }
0x30: {  	s31 =	sadd.s32 s6, s26;
	[sflag:s10] =	ssyncadd.s32 $0xFFFFE000  }
0x31: {  	[hbm4b:s31+s2] =	stream.linear.scatter [tilespmem:s18], [sflag:$0x3], $0x2000, $0x38;
	[tilespmem:$0x18000] =	vst v63  }
0x32: {  	p0 =	seq.s32 s24, $0x7F;
	s25 =	sshll.u32 s24, $0xA;
	_ =	swait.ge [sflag:s10], $0x2000  }
0x33: {  	s29 =	simm.s32 @!p0 $0x40;
	s28 =	sshrl.u32 @!p0 s25, $0x2;
	[sflag:s10] =	ssyncset.done $0x0  }
0x34: {  	s28 =	sadd.s32 @!p0 $0x100, s28;
	s30 =	simm.s32 @!p0 $0x8000;
	[sflag:s10] =	ssyncadd.s32 $0xFFFFE000  }
0x35: {  	[tilespmem:s30], [sflag:$0x1] =	stream.indirect.gather @!p0 [hbm4b:s3+s29], $0x80, s28, s29, $0xb8;
	[tilespmem:$0x18000] =	vst v63  }
0x36: {  	_ =	swait.ge [sflag:s19], $0x2000  }
0x37: {  	[sflag:s19] =	ssyncset.done $0x0  }
0x38: {  	s28 =	simm.s32 $0x0;
	[sflag:s19] =	ssyncadd.s32 $0xFFFFE000  }
0x39: {  	v0 =	vld [tilespmem:s28+$0xA020]  }
0x3a: {  	v1 =	vld [tilespmem:s28+$0xA000]  }
0x3b: {  	s29 =	simm.s32 $0x200;
	v2 =	vld [tilespmem:s28+$0xA010]  }
.LBB2_5:
0x3c: {  	p1 =	sne.s32 s29, $0x7E00  }
.Ltmp3:
0x3d: {  	_ = 	snop;
	(pc) =	sbr.rel @p1 .LBB2_5-.Ltmp3, $4  }
0x3e: {  	s30 =	sshra.s32 s29, $0x2;
	[tilespmem:s28+$0x16000] =	vst v0  }
0x3f: {  	v0 =	vld [tilespmem:s30+$0xA020];
	[tilespmem:s28+$0xE000] =	vst v1  }
0x40: {  	v1 =	vld [tilespmem:s30+$0xA000];
	[tilespmem:s28+$0x12000] =	vst v2;
	s28 =	smov.u32 s30  }
0x41: {  	s29 =	sadd.s32 $0x200, s29;
	v2 =	vld [tilespmem:s28+$0xA010]  }
0x42: {  	_ =	sdelay $0x1  }
0x43: {  	[tilespmem:s28+$0x16000] =	vst v0  }
0x44: {  	s26 =	sor.u32 $0x400, s26;
	[tilespmem:s28+$0xE000] =	vst v1  }
0x45: {  	s30 =	sadd.s32 s4, s26;
	[tilespmem:s28+$0x12000] =	vst v2  }
0x46: {  	[hbm4b:s30+s2] =	stream.linear.scatter [tilespmem:s20], [sflag:$0x3], $0x2000, $0x38;
	[tilespmem:$0x18000] =	vst v63  }
0x47: {  	_ =	swait.ge [sflag:s10], $0x2000  }
0x48: {  	[sflag:s10] =	ssyncset.done $0x0  }
0x49: {  	s31 =	sadd.s32 s5, s26;
	[sflag:s10] =	ssyncadd.s32 $0xFFFFE000  }
0x4a: {  	[hbm4b:s31+s2] =	stream.linear.scatter [tilespmem:s21], [sflag:$0x3], $0x2000, $0x38;
	[tilespmem:$0x18000] =	vst v63  }
0x4b: {  	_ =	swait.ge [sflag:s10], $0x2000  }
0x4c: {  	[sflag:s10] =	ssyncset.done $0x0  }
.Ltmp4:
0x4d: {  	s26 =	sadd.s32 s6, s26;
	[sflag:s10] =	ssyncadd.s32 $0xFFFFE000;
	(pc) =	sbr.rel @p0 .LBB2_8-.Ltmp4, $4  }
0x4e: {  	[hbm4b:s26+s2] =	stream.linear.scatter [tilespmem:s22], [sflag:$0x3], $0x2000, $0x38;
	[tilespmem:$0x18000] =	vst v63  }
0x4f: {  	_ =	swait.ge [sflag:s10], $0x2000  }
0x50: {  	[sflag:s10] =	ssyncset.done $0x0  }
0x51: {  	[sflag:s10] =	ssyncadd.s32 $0xFFFFE000  }
.Ltmp5:
0x52: {  	(pc) =	sbr.rel .LBB2_2-.Ltmp5, $4  }
0x53: {  	_ = 	snop  }
0x54: {  	s25 =	sshrl.u32 s25, $0x2  }
0x55: {  	s24 =	sadd.s32 $0x1, s24;
	s25 =	sadd.s32 $0x180, s25  }
0x56: {  	[tilespmem:s14], [sflag:$0x2] =	stream.indirect.gather [hbm4b:s3+s11], $0x80, s25, s11, $0xb8;
	[tilespmem:$0x18000] =	vst v63  }
.LBB2_9:
0x57: {  	_ =	sfence.sel $0x180000  }
0x58: {  	[bflag:$0x0] =	sbarrier.arrive $0xFFFF  }
0x59: {  	p0 =	sne.s32 s0, $0x0;
	_ =	strace $0x9000004A  }
0x5a: {  	s0 =	sadd.s32 @!p0 $0x100000, s1;
	[bflag:$0x2] =	sbarrier.arrive $0xFFFF  }
0x5b: {  	[sflag:s0] =	ssyncadd.tile.s32 @!p0 $0x1;
	_ =	shalt  }
.Lfunc_end2:
_tile_overlayer_lowered:
.L_overlay_start_2:
0x5c: {  	(tag) =	ssettag $0x2  }
0x5d: {  	s0 =	rddreg [dreg:$0x0];
	s2 =	stileid.u32  }
0x5e: {  	s1 =	rddreg [dreg:$0x1];
	p0 =	sne.s32 s2, $0x0  }
0x5f: {  	s3 =	rddreg [dreg:$0x2];
	[bflag:$0x3] =	sbarrier.arrive $0xFFFF;
	s2 =	simm.s32 @!p0 $0x1C03  }
0x60: {  	[timem:s3], [sflag:s2] =	dma.local @!p0 [hbm:s0], s1  }
0x61: {  	s0 =	simm.s32 @!p0 $0x3  }
0x62: {  	_ =	swait.ge @!p0 [sflag:s0], s1  }
0x63: {  	s1 =	ssub.s32 @!p0 $0x0, s1;
	[sflag:s0] =	ssyncset.done @!p0 $0x0  }
0x64: {  	[sflag:s0] =	ssyncadd.s32 @!p0 s1  }
0x65: {  	[bflag:$0x3] =	sbarrier.arrive $0xFFFF  }
0x66: {  	_ =	shalt  }

// kernel: scatter_offload_async_start
scs
__scs_entry_jumppad:
0x0: {  	(pc) =	sbr.rel $0x88, $3  }
0x1: {  	(tag) =	ssettag $0x0;
	lr =	simm.s32 $0x1  }
0x2: {  	[smem:$0x3F9C] =	sst lr;
	_ =	strace $0xD0000000  }
0x3: {  	_ = 	snop  }
0x4: {  	_ = 	snop  }
0x5: {  	_ = 	snop  }
0x6: {  	_ = 	snop  }
0x7: {  	_ = 	snop  }
__scs_overlays_trampoline_lowered:
0x8: {  	[smem:$0x3FAB] =	sst s0  }
0x9: {  	[smem:$0x3FAC] =	sst s1  }
0xa: {  	[smem:$0x3FAD] =	sst s2  }
0xb: {  	[smem:$0x3FAE] =	sst s3  }
0xc: {  	[smem:$0x3FAF] =	sst s4  }
0xd: {  	[smem:$0x3FB0] =	sst s5  }
0xe: {  	[smem:$0x3FB1] =	sst s6  }
0xf: {  	[smem:$0x3FB2] =	sst s7  }
0x10: {  	[smem:$0x3FB3] =	sst s8  }
0x11: {  	[smem:$0x3FB4] =	sst s9;
	s0 =	simm.s32 @!p0 $0x0  }
0x12: {  	s1 =	sld [smem:$0x3F9A];
	s0 =	simm.s32 @p0 $0x1  }
0x13: {  	[smem:$0x3FB5] =	sst s0;
	s0 =	simm.s32 @!p1 $0x0  }
0x14: {  	s2 =	sld [smem:$0x3F99];
	s0 =	simm.s32 @p1 $0x1  }
0x15: {  	[smem:$0x3FB6] =	sst s0;
	s0 =	simm.s32 @!p2 $0x0  }
0x16: {  	s3 =	sld [smem:$0x3FDB];
	s0 =	simm.s32 @p2 $0x1  }
0x17: {  	s4 =	simm.s32 $0x1BF5;
	[smem:$0x3FB8] =	sst s0  }
0x18: {  	s0 =	sld [smem:$0x3F9B];
	_ =	swait.ge [sflag:s4], $0x0  }
0x19: {  	s7 =	sld [smem:$0x3F9C]  }
0x1a: {  	s8 =	sadd.s32 $0xFFFFE003, lr  }
0x1b: {  	s9 =	sadd.s32 $0xFFFFFEF7, lr;
	s5 =	simm.s32 $0xFFFFFFFF;
	p2 =	slt.u32 s8, $0xFFFFF086  }
0x1c: {  	p1 =	slt.u32 s9, $0xF7A;
	s5 =	simm.s32 @!p2 $0x0  }
0x1d: {  	s5 =	simm.s32 @p1 $0x1;
	p0 =	seq.s32 s7, s2  }
0x1e: {  	s7 =	smul.u32 @!p0 $0xF7A, s2;
	p2 =	seq.s32 @!p0 s5, $0x0  }
0x1f: {  	s9 =	smul.u32 $0xF7A, s1;
	s8 =	simm.s32 @!p0 $0x1BF5;
	p2 =	por !p2, p0  }
0x20: {  	[sflag:s8] =	ssyncset.s32 @!p0 $0xFFFFF086;
	s6 =	sadd.s32 @!p0 s3, s7;
	s7 =	simm.s32 @!p0 $0x108  }
0x21: {  	s3 =	sadd.s32 s3, s9;
	s6 =	sadd.s32 @!p0 $0x88, s6;
	s7 =	simm.s32 @p2 $0x1082  }
0x22: {  	[simem:s7], [sflag:s8] =	dma.local @!p0 [hbm:s6], $0xF7A  }
0x23: {  	s9 =	sor.u32 $0xD0000000, s2;
	s6 =	simm.s32 $0x108;
	_ =	swait.ge @!p0 [sflag:s8], $0x0  }
0x24: {  	s3 =	sadd.s32 $0x88, s3;
	s6 =	simm.s32 @!p1 $0x1082;
	[sflag:s4] =	ssyncset.s32 $0xFFFFF086  }
0x25: {  	[simem:s6], [sflag:s4] =	dma.local [hbm:s3], $0xF7A  }
0x26: {  	[smem:$0x3F9C] =	sst s1;
	(tag) =	ssettag s2;
	_ =	strace s9  }
0x27: {  	s1 =	sld [smem:$0x3FAC]  }
0x28: {  	s2 =	sld [smem:$0x3FAD]  }
0x29: {  	s4 =	sld [smem:$0x3FAF]  }
0x2a: {  	p0 =	seq.s32 s5, $0x0;
	s5 =	sld [smem:$0x3FB0]  }
0x2b: {  	s6 =	sld [smem:$0x3FB1]  }
0x2c: {  	s7 =	sld [smem:$0x3FB2]  }
0x2d: {  	s3 =	simm.s32 $0x108;
	s8 =	sld [smem:$0x3FB3]  }
0x2e: {  	s3 =	simm.s32 @!p0 $0x1082;
	s9 =	sld [smem:$0x3FB4]  }
0x2f: {  	lr =	sadd.s32 s0, s3;
	s0 =	sld [smem:$0x3FAB]  }
0x30: {  	s3 =	sld [smem:$0x3FAE]  }
0x31: {  	[smem:$0x3FB7] =	sst s10  }
0x32: {  	s10 =	sld [smem:$0x3FB5];
	_ =	sdelay $0x3  }
0x33: {  	p0 =	seq.s32 s10, $0x1;
	s10 =	sld [smem:$0x3FB7];
	_ =	sdelay $0x3  }
0x34: {  	[smem:$0x3FB7] =	sst s10  }
0x35: {  	s10 =	sld [smem:$0x3FB6];
	_ =	sdelay $0x3  }
0x36: {  	p1 =	seq.s32 s10, $0x1;
	s10 =	sld [smem:$0x3FB7];
	_ =	sdelay $0x3  }
0x37: {  	[smem:$0x3FB7] =	sst s10  }
0x38: {  	s10 =	sld [smem:$0x3FB8]  }
0x39: {  	_ = 	snop;
	(pc) =	sbr.ind lr, $3  }
0x3a: {  	_ = 	snop  }
0x3b: {  	_ = 	snop  }
0x3c: {  	p2 =	seq.s32 s10, $0x1;
	s10 =	sld [smem:$0x3FB7]  }
0x3d: {  	_ =	shalt  }
0x3e: {  	_ =	shalt  }
0x3f: {  	_ =	shalt  }
0x40: {  	_ =	shalt  }
0x41: {  	_ =	shalt  }
0x42: {  	_ =	shalt  }
0x43: {  	_ =	shalt  }
0x44: {  	_ =	shalt  }
0x45: {  	_ =	shalt  }
0x46: {  	_ =	shalt  }
0x47: {  	_ =	shalt  }
0x48: {  	_ =	shalt  }
0x49: {  	_ =	shalt  }
0x4a: {  	_ =	shalt  }
0x4b: {  	_ =	shalt  }
0x4c: {  	_ =	shalt  }
0x4d: {  	_ =	shalt  }
0x4e: {  	_ =	shalt  }
0x4f: {  	_ =	shalt  }
0x50: {  	_ =	shalt  }
0x51: {  	_ =	shalt  }
0x52: {  	_ =	shalt  }
0x53: {  	_ =	shalt  }
0x54: {  	_ =	shalt  }
0x55: {  	_ =	shalt  }
0x56: {  	_ =	shalt  }
0x57: {  	_ =	shalt  }
0x58: {  	_ =	shalt  }
0x59: {  	_ =	shalt  }
0x5a: {  	_ =	shalt  }
0x5b: {  	_ =	shalt  }
0x5c: {  	_ =	shalt  }
0x5d: {  	_ =	shalt  }
0x5e: {  	_ =	shalt  }
0x5f: {  	_ =	shalt  }
0x60: {  	_ =	shalt  }
0x61: {  	_ =	shalt  }
0x62: {  	_ =	shalt  }
0x63: {  	_ =	shalt  }
0x64: {  	_ =	shalt  }
0x65: {  	_ =	shalt  }
0x66: {  	_ =	shalt  }
0x67: {  	_ =	shalt  }
0x68: {  	_ =	shalt  }
0x69: {  	_ =	shalt  }
0x6a: {  	_ =	shalt  }
0x6b: {  	_ =	shalt  }
0x6c: {  	_ =	shalt  }
0x6d: {  	_ =	shalt  }
0x6e: {  	_ =	shalt  }
0x6f: {  	_ =	shalt  }
0x70: {  	_ =	shalt  }
0x71: {  	_ =	shalt  }
0x72: {  	_ =	shalt  }
0x73: {  	_ =	shalt  }
0x74: {  	_ =	shalt  }
0x75: {  	_ =	shalt  }
0x76: {  	_ =	shalt  }
0x77: {  	_ =	shalt  }
0x78: {  	_ =	shalt  }
0x79: {  	_ =	shalt  }
0x7a: {  	_ =	shalt  }
0x7b: {  	_ =	shalt  }
0x7c: {  	_ =	shalt  }
0x7d: {  	_ =	shalt  }
0x7e: {  	_ =	shalt  }
0x7f: {  	_ =	shalt  }
0x80: {  	_ =	shalt  }
0x81: {  	_ =	shalt  }
0x82: {  	_ =	shalt  }
0x83: {  	_ =	shalt  }
0x84: {  	_ =	shalt  }
0x85: {  	_ =	shalt  }
0x86: {  	_ =	shalt  }
0x87: {  	_ =	shalt  }
.Lfunc_end0:
.L_simem_size_0:
called_computation_lowered:
.L_overlay_start_0:
0x88: {  	s0 =	sld [smem:$0x3FD9]  }
0x89: {  	s1 =	sld [smem:$0x3FFE];
	_ =	sdelay $0x3  }
0x8a: {  	s0 =	sadd.s32 s1, s0  }
0x8b: {  	[smem:$0x3FC3] =	sst s0  }
0x8c: {  	_ = 	snop  }
0x8d: {  	s0 =	sld [smem:$0x3FD0];
	_ =	sdelay $0x2  }
0x8e: {  	s13 =	simm.s32 $0xB;
	s2 =	simm.s32 $0x10  }
0x8f: {  	[smem:s2], [sflag:s13] =	dma.local [hbm:s0], $0x1  }
0x90: {  	_ =	swait.eq [sflag:s13], $0x1  }
0x91: {  	[sflag:s13] =	ssyncset.done $0x0  }
0x92: {  	[sflag:s13] =	ssyncadd.s32 $0xFFFFFFFF  }
0x93: {  	s14 =	sld [smem:$0x10];
	(tm) =	ssettm $0x1  }
0x94: {  	s15 =	sld [smem:$0x3FFB];
	_ =	sdelay $0x3  }
0x95: {  	_ =	strace s15  }
0x96: {  	s1 =	sld [smem:$0x3FFC];
	_ =	sdelay $0x3  }
0x97: {  	_ =	strace s1  }
0x98: {  	s1 =	sld [smem:$0x3FFD];
	_ =	sdelay $0x3  }
0x99: {  	_ =	strace s1  }
0x9a: {  	_ =	strace $0x8FFFFFFF  }
0x9b: {  	s16 =	sld [smem:$0x3FDB];
	_ =	sdelay $0x1  }
0x9c: {  	s17 =	simm.s32 $_scs_section_size  }
0x9d: {  	s3 =	simm.s32 $_size__tile_overlayer_lowered;
	s4 =	simm.s32 $_tile_overlayer_lowered  }
0x9e: {  	s20 =	simm.s32 $0x1BFF;
	s19 =	sshll.u32 s4, $0x1;
	s1 =	sadd.s32 s17, s16  }
0x9f: {  	s5 =	simm.s32 $0x0;
	s18 =	sshll.u32 s3, $0x1;
	s3 =	sadd.s32 s19, s1  }
0xa0: {  	[timem:s5], [sflag:s20] =	dma.local [hbm:s3], s18  }
0xa1: {  	_ =	swait.ge [sflag:s20], s18  }
0xa2: {  	s2 =	ssub.s32 $0x0, s18;
	[sflag:s20] =	ssyncset.done $0x0  }
0xa3: {  	[sflag:s20] =	ssyncadd.s32 s2;
	_ =	sdelay $0x1  }
0xa4: {  	s21 =	simm.s32 $0x1B8B  }
0xa5: {  	_ =	swait.ge [sflag:s21], $0x1  }
0xa6: {  	[sflag:s21] =	ssyncset.done $0x0  }
0xa7: {  	s23 =	simm.s32 $0x1B8E;
	s22 =	sld [smem:$0x3FFE];
	[sflag:s21] =	ssyncadd.s32 $0xFFFFFFFF  }
0xa8: {  	s24 =	simm.s32 $execute0_lowered;
	[smem:$0x3FD2] =	sst s23  }
0xa9: {  	s3 =	sshll.u32 s24, $0x1;
	_ =	strace $0x8000004C;
	[dreg:$0x1] =	wrdreg $0xFFFFFFFF  }
0xaa: {  	s25 =	simm.s32 $_size_execute0_lowered;
	s1 =	sadd.s32 s1, s3;
	[dreg:$0x0] =	wrdreg $0x0  }
0xab: {  	s3 =	sshll.u32 s25, $0x1;
	[dreg:$0x2] =	wrdreg s1  }
0xac: {  	[dreg:$0x3] =	wrdreg s3  }
0xad: {  	[dreg:$0x4] =	wrdreg $0xC0  }
0xae: {  	_ =	task [dreg:s5], $0x5FFFF  }
0xaf: {  	[dreg:$0x1] =	wrdreg $0xFFFFFFFF  }
0xb0: {  	[dreg:$0x0] =	wrdreg $0x60  }
0xb1: {  	[dreg:$0x2] =	wrdreg s14  }
0xb2: {  	[dreg:$0x3] =	wrdreg s22  }
0xb3: {  	[dreg:$0x4] =	wrdreg $0x9  }
0xb4: {  	_ =	task.clear_ibuf [dreg:s5], $0x5FFFF;
	_ =	strace $0x9000004C  }
0xb5: {  	s26 =	simm.s32 $0x9;
	_ =	strace $0x8000004E  }
0xb6: {  	_ =	swait.ge [sflag:s26], $0x1  }
0xb7: {  	[sflag:s26] =	ssyncadd.s32 $0xFFFFFFFF  }
0xb8: {  	_ =	strace $0x9000004E  }
0xb9: {  	_ =	sfence  }
0xba: {  	s28 =	sld [smem:$0x0];
	_ =	sdelay $0x1  }
0xbb: {  	s29 =	srdreg.scid  }
0xbc: {  	s30 =	sshll.u32 s29, $0xD;
	s31 =	sshrl.u32 s29, $0x2  }
0xbd: {  	s2 =	sand.u32 $0x4000, s30;
	s1 =	sand.u32 $0x1, s29;
	s0 =	sadd.s32 s31, s28  }
0xbe: {  	s1 =	sor.u32 s2, s1;
	s0 =	sshll.u32 s0, $0x11  }
0xbf: {  	s0 =	sor.u32 s0, s1  }
0xc0: {  	s0 =	sadd.s32 $0x8F2B, s0  }
0xc1: {  	[sflag:s0] =	ssyncadd.remote.s32 $0x1  }
0xc2: {  	_ =	sfence.sel $0xFFFF  }
0xc3: {  	[dreg:$0x0] =	wrdreg $0xFFFFFFFF;
	(pc) =	sbr.abs _section_cstart, $3  }
0xc4: {  	[dreg:$0x1] =	wrdreg $0xFFFFFFFF  }
0xc5: {  	_ =	task.clear_ibuf [dreg:s5], $0x2FFFF;
	_ =	strace $0x9FFFFFFF  }
0xc6: {  	(tm) =	ssettm $0x7FFFFFFF  }
0xc7: {  	_ =	shalt  }
tec
execute0_lowered:
.L_overlay_start_1:
0x0: {  	(tag) =	ssettag $0x1  }
0x1: {  	s1 =	rddreg [dreg:$0x0]  }
0x2: {  	s3 =	rddreg [dreg:$0x1]  }
0x3: {  	s0 =	rddreg [dreg:$0x2];
	_ =	strace $0x8000004D;
	s2 =	simm.s32 $0x1  }
0x4: {  	v1 =	vimm.s32 $0xFFFFFFFF;
	[sflag:s2] =	ssyncpa.u1 $0x0  }
0x5: {  	[tilespmem:$0x10] =	vst v1  }
0x6: {  	v0 =	vimm.f32 $0.0e+00;
	[tilespmem:$0x20] =	vst v1  }
0x7: {  	[tilespmem:$0x30] =	vst v0  }
0x8: {  	[tilespmem:$0x40] =	vst v0  }
0x9: {  	[tilespmem:$0x50] =	vst v0  }
0xa: {  	s6 =	simm.s32 $0x2;
	[tilespmem:$0x60] =	vst v1  }
0xb: {  	s7 =	simm.s32 $0x8;
	s10 =	simm.s32 $0x9;
	s14 =	simm.s32 $0x0;
	[tilespmem:$0x70] =	vst v1  }
0xc: {  	s15 =	simm.s32 $0xFFFFE000;
	p0 =	por $0x0, $0x0;
	s16 =	simm.s32 $0xFFFFC100;
	[tilespmem:$0x80] =	vst v1  }
0xd: {  	s17 =	simm.s32 $0xFFFFFFFE;
	s18 =	simm.s32 $0xF;
	s19 =	simm.s32 $0x30;
	v1 =	vimm.s32 $0x0;
	[tilespmem:$0xB0] =	vst v0  }
0xe: {  	s22 =	simm.s32 $0x0;
	s20 =	simm.s32 $0x0;
	s4 =	sadd.s32 $0x2400, s3;
	[tilespmem:$0x90] =	vst v1  }
.Ltmp0:
0xf: {  	[tilespmem:$0xA0] =	vst v1;
	[sflag:s6] =	ssyncpa.u1 $0x0;
	s6 =	simm.s32 $0x7;
	(pc) =	sbr.rel .LBB2_1-.Ltmp0, $4  }
0x10: {  	s5 =	sadd.s32 $0x12400, s3;
	s3 =	stileid.u32;
	[sflag:s6] =	ssyncpa.u1 $0x0  }
0x11: {  	s8 =	sshll.u32 s3, $0xF;
	s12 =	sshllo.u32 s3, $0x1;
	[sflag:s7] =	ssyncpa.u1 $0x0  }
0x12: {  	vm0 =	vmmov $0xffff;
	v2 =	vlaneseq.u32;
	s9 =	sadd.s32 $0x8000, s8;
	[sflag:s10] =	ssyncpa.u1 $0x0;
	s10 =	sshll.u32 s3, $0x1  }
0x13: {  	vm1 =	vmxor vm1, vm1;
	vm2 =	vmmov $0x1;
	vm3 =	vcmask $0x3F3C;
	s21 =	smov.u32 s8;
	s11 =	sor.u32 $0x81, s10;
	s13 =	sor.u32 $0x80, s10  }
.LBB2_10:
0x14: {  	p1 =	slt.u32 s20, $0x3  }
0x15: {  	s22 =	simm.s32 @!p1 $0x2  }
0x16: {  	_ =	swait.ge @!p1 [sflag:s22], $0x2000  }
0x17: {  	[sflag:s22] =	ssyncset.done @!p1 $0x0  }
0x18: {  	[sflag:s22] =	ssyncadd.s32 @!p1 $0xFFFFE000;
	s22 =	simm.s32 @!p1 $0x9  }
0x19: {  	_ =	swait.ge @!p1 [sflag:s22], $0x10  }
0x1a: {  	s23 =	sadd.s32 $0x2000, s21;
	s24 =	smov.u32 s8;
	[sflag:s22] =	ssyncset.done @!p1 $0x0  }
0x1b: {  	s20 =	sadd.s32 $0x1, s20;
	[sflag:s22] =	ssyncadd.s32 @!p1 $0xFFFFFFF0;
	p1 =	slt.s32 s23, s9  }
0x1c: {  	s24 =	smov.u32 @p1 s23;
	p1 =	sne.s32 s20, $0x7  }
.Ltmp1:
0x1d: {  	_ = 	snop;
	(pc) =	sbr.rel @!p1 .LBB2_11-.Ltmp1, $3  }
0x1e: {  	_ =	sdelay $0x1  }
0x1f: {  	s15 =	sadd.s32 $0x2000, s15;
	p0 =	por !p0, !p0;
	s16 =	sadd.s32 $0x2000, s16  }
0x20: {  	s17 =	sadd.s32 $0x1, s17;
	s22 =	smov.u32 s21;
	s21 =	smov.u32 s24  }
.LBB2_1:
0x21: {  	p1 =	sgt.u32 s20, $0x3  }
0x22: {  	p2 =	seq.s32 @!p1 s20, $0x3  }
0x23: {  	s23 =	sshll.u32 @!p1 s20, $0xF;
	p2 =	por !p2, p1  }
0x24: {  	s23 =	simm.s32 @!p2 $0x0  }
0x25: {  	s24 =	sshrl.u32 @!p1 s21, $0x3;
	s23 =	sshrl.u32 @!p1 s23, $0x2  }
0x26: {  	s25 =	sand.u32 @!p1 $0x7, s21;
	s24 =	sadd.s32 @!p1 s4, s24;
	s23 =	sor.u32 @!p1 $0x100, s23  }
0x27: {  	[tilespmem:s23], [sflag:$0x7] =	stream.linear.gather @!p1 [hbm4b:s24+s25], $0x2000, $0x38;
	[tilespmem:$0x12120] =	vst v63  }
0x28: {  	s24 =	sadd.s32 $0xFFFFFFFF, s20  }
0x29: {  	p1 =	sgt.u32 s24, $0x3  }
.Ltmp2:
0x2a: {  	_ = 	snop;
	(pc) =	sbr.rel @p1 .LBB2_5-.Ltmp2, $1  }
0x2b: {  	_ =	sdelay $0x3  }
0x2c: {  	s23 =	sadd.s32 $0x1FFFC, s20;
	p1 =	seq.s32 s24, $0x3;
	s25 =	smov.u32 s24  }
0x2d: {  	s25 =	smov.u32 @p1 s23  }
0x2e: {  	s23 =	sshll.u32 s25, $0xF  }
0x2f: {  	_ =	swait.ge [sflag:s6], $0x2000;
	s23 =	sshra.s32 s23, $0x2  }
0x30: {  	[sflag:s6] =	ssyncset.done $0x0;
	s28 =	sor.u32 $0x100, s23  }
0x31: {  	[sflag:s6] =	ssyncadd.s32 $0xFFFFE000;
	(ifvalue) =	ssetifvalue $0xFFFFFFFF;
	v3 =	vld.msk [tilespmem:s28+$0x0 ss:$0x1], $0xffff;
	_ =	sdelay $0x2  }
0x32: {  	p1 =	sne.s32 s20, $0x1  }
0x33: {  	v4 =	vimm.s32 @!p1 $0x0  }
0x34: {  	v4 =	vperm.xlane @!p1 v3, v4  }
0x35: {  	s29 =	sshll.u32 s20, $0x4;
	vm4 =	vlt.u32 v3, $0x8000  }
0x36: {  	s25 =	sand.u32 $0x10, s29;
	v3 =	vnsel vm4, $0xFFFFFFFE, v3;
	vm4 =	vlt.u32 @!p1 v4, $0x8000  }
0x37: {  	[tilespmem:s25+$0x60] =	vst v3;
	v3 =	vnsel @!p1 vm4, $0xFFFFFFFE, v4  }
0x38: {  	s28 =	sadd.s32 $0x20F0, s23;
	[tilespmem:$0x80] =	vst @!p1 v3  }
0x39: {  	v3 =	vld.msk [tilespmem:s28+$0x0 ss:$0x1], $0xffff;
	_ =	sdelay $0x4  }
0x3a: {  	(xrf1) =	vunique.msk.u32 $0xffff, v3;
	_ =	sdelay $0xd  }
0x3b: {  	v4 =	vimm.s32 $0xFFFFFFFF;
	v5, _, _ =	vpop (xrf1)  }
0x3c: {  	vm5 =	vne.s32 v3, v4;
	vm4 =	veq.s32 v5, v2  }
0x3d: {  	vm6 =	vlt.u32 v3, $0x8000;
	vm4 =	vmand vm5, vm4  }
0x3e: {  	vm4 =	vmand vm6, vm4  }
0x3f: {  	v4 =	vnsel vm4, $0xFFFFFFFF, v3;
	_ =	sdelay $0x2  }
0x40: {  	s30 =	sand.u32 $0x2000, s15  }
0x41: {  	s31 =	sshll.u32 s24, $0xD;
	s23 =	sor.u32 $0x80F0, s30;
	(ifvalue) =	ssetifvalue $0xFFFFFFFF  }
0x42: {  	v3 =	vperm.xlane v3, v1;
	[tilespmem:s23], [sflag:$0x8] =	stream.indirect_vreg.gather [hbm4b:s1+s14], $0x1, v4, vm0, $0x4038;
	v4 =	vnsel vm6, $0xFFFFFFFE, v4;
	[tilespmem:$0x12120] =	vst v63  }
0x43: {  	s24 =	sand.u32 $0x2000, s31;
	s26 =	sadd.s32 $0xFFFFFFF0, s28;
	s25 =	simm.s32 $0x0;
	[tilespmem:s28+$0x0] =	vst v4  }
.LBB2_3:
0x44: {  	v4 =	vld.msk [tilespmem:s26+$0x0 ss:$0x1], $0xffff;
	s25 =	sadd.s32 $0x10, s25;
	v5 =	vmov v3;
	s28 =	smov.u32 s26  }
0x45: {  	p1 =	slt.u32 s25, $0x1FF0;
	_ =	sdelay $0x4  }
0x46: {  	v3 =	vperm.xlane v4, v1;
	(xrf1) =	vunique.msk.u32 $0xffff, v4;
	_ =	sdelay $0xd  }
0x47: {  	v6, _, _ =	vpop (xrf1)  }
0x48: {  	vm5 =	vne.s32 v4, v5;
	vm4 =	veq.s32 v6, v2  }
0x49: {  	vm6 =	vlt.u32 v4, $0x8000;
	vm4 =	vmand vm5, vm4  }
0x4a: {  	vm4 =	vmand vm6, vm4  }
0x4b: {  	v4 =	vnsel vm4, $0xFFFFFFFF, v4  }
.Ltmp3:
0x4c: {  	v5 =	vnsel vm6, $0xFFFFFFFE, v4;
	(pc) =	sbr.rel @p1 .LBB2_3-.Ltmp3, $3  }
0x4d: {  	_ =	sdelay $0x1  }
0x4e: {  	s26 =	sadd.s32 $0xFFFFFFF0, s26;
	s23 =	sadd.s32 $0xFFFFFFF0, s23;
	(ifvalue) =	ssetifvalue $0xFFFFFFFF  }
0x4f: {  	[tilespmem:s23], [sflag:$0x8] =	stream.indirect_vreg.gather [hbm4b:s1+s14], $0x1, v4, vm0, $0x4038;
	[tilespmem:s28+$0x0] =	vst v5  }
0x50: {  	s22 =	sshrl.u32 s22, $0x3  }
0x51: {  	s23 =	sadd.s32 $0xA100, s24;
	s22 =	sadd.s32 s5, s22  }
0x52: {  	[tilespmem:s23], [sflag:$0x8] =	stream.linear.gather [hbm:s22], $0x2000, $0x38;
	[tilespmem:$0x12120] =	vst v63  }
.LBB2_5:
0x53: {  	p1 =	sgt.u32 s20, $0x6  }
.Ltmp4:
0x54: {  	_ = 	snop;
	(pc) =	sbr.rel @p1 .LBB2_7-.Ltmp4, $1  }
0x55: {  	_ =	sdelay $0x3  }
0x56: {  	s22 =	sshll.u32 s2, s20  }
0x57: {  	s22 =	sand.u32 $0x43, s22  }
0x58: {  	p1 =	sne.s32 s22, $0x0  }
.Ltmp5:
0x59: {  	_ = 	snop;
	(pc) =	sbr.rel @p1 .LBB2_10-.Ltmp5, $1  }
0x5a: {  	_ =	sdelay $0x3  }
.LBB2_7:
0x5b: {  	s22 =	sadd.s32 $0xFFFFFFFE, s20  }
0x5c: {  	s23 =	smulhi.u32 $0xAAAAAAAB, s22;
	_ =	sdelay $0x1  }
0x5d: {  	s23 =	sshrl.u32 s23, $0x1  }
0x5e: {  	s23 =	smul.u32 $0x3, s23;
	_ =	sdelay $0x1  }
0x5f: {  	_ =	swait.ge [sflag:s7], $0x4000;
	s22 =	ssub.s32 s22, s23  }
0x60: {  	p1 =	sne.s32 s20, $0x5;
	[sflag:s7] =	ssyncset.done $0x0;
	s26 =	sshll.u32 s22, $0xD  }
0x61: {  	[sflag:s7] =	ssyncadd.s32 $0xFFFFC000;
	s22 =	sadd.s32 @!p1 $0x20FF, s26  }
0x62: {  	[spmem:s11] =	stream.linear.scatter @!p1 [tilespmem:s22], [sflag:$0x1], $0x1, $0x38;
	[tilespmem:$0x12120] =	vst v63  }
0x63: {  	s22 =	simm.s32 @!p1 $0x1  }
0x64: {  	_ =	swait.ge @!p1 [sflag:s22], $0x1  }
0x65: {  	s25 =	sshll.u32 s20, $0x4;
	[sflag:s22] =	ssyncset.done @!p1 $0x0  }
0x66: {  	[sflag:s22] =	ssyncadd.s32 @!p1 $0xFFFFFFFF;
	s22 =	sand.u32 $0x10, s25  }
0x67: {  	v4 =	vld [tilespmem:s22+$0x10];
	s28 =	sxor.u32 $0x10, s22  }
0x68: {  	v5 =	vld [tilespmem:s28+$0x60]  }
0x69: {  	v3 =	vld [tilespmem:$0x80];
	_ =	sdelay $0x2  }
0x6a: {  	(v2sf) =	vpush v4, $0x0  }
0x6b: {  	(v2sf) =	vpush v5, $0x0  }
0x6c: {  	(v2sf) =	vpush v3, $0x0;
	_ =	sdelay $0xc  }
0x6d: {  	s23 =	spop (v2sf)  }
0x6e: {  	s25 =	spop (v2sf)  }
0x6f: {  	s24 =	spop (v2sf)  }
0x70: {  	p2 =	seq.s32 s23, s25;
	p3 =	seq.s32 s24, s23  }
0x71: {  	p3 =	por p2, p3  }
0x72: {  	v4 =	vpsel p3, $0xFFFFFFFF, v4  }
0x73: {  	s23 =	sand.u32 $0x1, s20;
	[tilespmem:s22+$0x10] =	vst.msk $0x1, v4  }
0x74: {  	s25 =	sshll.u32 s23, $0xD;
	v4 =	vld [tilespmem:$0x30]  }
0x75: {  	v5 =	vld [tilespmem:s25+$0xA100]  }
0x76: {  	v6 =	vld [tilespmem:s22+$0x40];
	_ =	sdelay $0x3  }
0x77: {  	vm4 =	vmmov vm1;
	v5 =	vadd.f32 v5, v4  }
0x78: {  	vm5 =	vmmov vm2;
	vm4 =	vmmov @p2 vm2;
	s23 =	sshll.u32 s23, $0x4;
	v4 =	vadd.f32 v6, v4  }
0x79: {  	vm5 =	vmmov @p3 vm1;
	s23 =	sor.u32 $0x12100, s23;
	[tilespmem:s25+$0xA100] =	vst.msk vm4, v5  }
0x7a: {  	[tilespmem:s23+$0x0] =	vst.msk vm5, v4  }
0x7b: {  	v4 =	vld [tilespmem:s25+$0x80F0];
	_ =	sdelay $0x3  }
0x7c: {  	v5 =	vimm.f32 $0.0e+00  }
0x7d: {  	v4 =	vshift.insert v4, v5, s18  }
0x7e: {  	s29 =	sor.u32 $0x40, s28  }
0x7f: {  	[tilespmem:s29+$0x0] =	vst.msk $0x1, v4  }
0x80: {  	[tilespmem:s25+$0x80FF] =	vst.msk $0x1, v5  }
0x81: {  	v4 =	vld [tilespmem:s26+$0x20F0];
	_ =	sdelay $0x1  }
0x82: {  	s26 =	smulhi.u32 $0xAAAAAAAB, s17;
	_ =	sdelay $0x1  }
0x83: {  	s29 =	simm.s32 $0x1;
	s26 =	sshrl.u32 s26, $0x1  }
0x84: {  	s29 =	simm.s32 @!p0 $0x0;
	s30 =	smul.u32 $0xFFFE8000, s26;
	v4 =	vshift.insert v4, v1, s18  }
0x85: {  	s29 =	sshll.u32 s29, $0xD  }
0x86: {  	s26 =	sadd.s32 $0xA100, s29;
	s30 =	sshra.s32 s30, $0x2;
	[tilespmem:s28+$0x10] =	vst.msk $0x1, v4  }
0x87: {  	s31 =	sadd.s32 s30, s16;
	v6 =	vld [tilespmem:s26+$0x0]  }
0x88: {  	v7 =	vld [tilespmem:s31+$0x0];
	_ =	sdelay $0x3  }
0x89: {  	v5 =	vadd.f32 v6, v5  }
0x8a: {  	vm4 =	vne.s32 v7, $0xFFFFFFFF  }
0x8b: {  	(xrf2) =	vadd.seg.scan.f32 vm4, v5;
	_ =	sdelay $0x3  }
0x8c: {  	s28 =	sadd.s32 $0x6100, s29;
	v5 =	vperm.xlane v4, v1  }
0x8d: {  	v6 =	vld [tilespmem:s28+$0x0]  }
0x8e: {  	vm5 =	veq.s32 v7, v3;
	vm6 =	veq.s32 v7, v5  }
0x8f: {  	vm7 =	vgt.u32 v7, $0xFFFFFFFD;
	vm6 =	vmor vm6, vm5  }
0x90: {  	vm6 =	vmor vm6, vm7  }
0x91: {  	v9 =	vld [tilespmem:$0xA0];
	v7 =	vsel vm6, $0xFFFFFFFF, v7  }
0x92: {  	v10 =	vld [tilespmem:$0x90];
	v6 =	vsel vm5, $0x0, v6;
	v8, _, _ =	vpop (xrf2)  }
0x93: {  	v6 =	vadd.f32 v8, v6  }
0x94: {  	s29 =	sadd.s32 $0xE100, s29  }
0x95: {  	vm4 =	vmand vm4, vm3;
	[tilespmem:s29+$0x0] =	vst v6;
	(ifvalue) =	ssetifvalue $0xFFFFFFFF  }
0x96: {  	vm6 =	veq.s32 v9, $0x1;
	[hbm4b:s1+s14] =	stream.indirect_vreg.scatter [tilespmem:s29], [sflag:$0x2], $0x1, v7, vm0, $0x4038;
	v7 =	vsel vm4, $0x0, v8;
	[tilespmem:$0x12120] =	vst v63  }
0x97: {  	s30 =	simm.s32 $0x0;
	s31 =	sadd.s32 $0x10, s31;
	vm4 =	vmor vm6, vm5;
	v6 =	vsel vm5, v8, v10;
	v7 =	vshift.insert v7, v0, s18  }
.LBB2_8:
0x98: {  	v8 =	vld [tilespmem:s31+$0x0];
	s26 =	sadd.s32 $0x10, s26  }
0x99: {  	s28 =	sadd.s32 $0x10, s28;
	v9 =	vld [tilespmem:s26+$0x0]  }
0x9a: {  	s30 =	sadd.s32 $0x10, s30;
	v10 =	vld [tilespmem:s28+$0x0]  }
0x9b: {  	p2 =	slt.u32 s30, $0x1FF0;
	_ =	sdelay $0x2  }
0x9c: {  	v7 =	vadd.f32 v9, v7  }
0x9d: {  	vm5 =	vne.s32 v8, $0xFFFFFFFF  }
0x9e: {  	vm6 =	vmand vm5, vm3;
	(xrf2) =	vadd.seg.scan.f32 vm5, v7;
	_ =	sdelay $0x5  }
0x9f: {  	vm7 =	veq.s32 v8, v5;
	vm5 =	veq.s32 v8, v3  }
0xa0: {  	vm8 =	vgt.u32 v8, $0xFFFFFFFD;
	vm4 =	vmor vm4, vm5;
	vm7 =	vmor vm7, vm5  }
0xa1: {  	vm7 =	vmor vm7, vm8  }
0xa2: {  	v8 =	vsel vm7, $0xFFFFFFFF, v8  }
.Ltmp6:
0xa3: {  	v7 =	vsel vm5, $0x0, v10;
	v9, _, _ =	vpop (xrf2);
	(pc) =	sbr.rel @p2 .LBB2_8-.Ltmp6, $4  }
0xa4: {  	v6 =	vsel vm5, v9, v6;
	v10 =	vadd.f32 v9, v7;
	v7 =	vsel vm6, $0x0, v9  }
0xa5: {  	s29 =	sadd.s32 $0x10, s29;
	v7 =	vshift.insert v7, v0, s18  }
0xa6: {  	s31 =	sadd.s32 $0x10, s31;
	[tilespmem:s29+$0x0] =	vst v10;
	(ifvalue) =	ssetifvalue $0xFFFFFFFF  }
0xa7: {  	[hbm4b:s1+s14] =	stream.indirect_vreg.scatter [tilespmem:s29], [sflag:$0x2], $0x1, v8, vm0, $0x4038;
	[tilespmem:$0x12120] =	vst v63  }
0xa8: {  	v3 =	vld [tilespmem:s25+$0x100F0];
	_ =	sdelay $0x4  }
0xa9: {  	v3 =	vshift.insert v3, v0, s18;
	_ =	sdelay $0x1  }
0xaa: {  	[tilespmem:s19+$0x0] =	vst.msk $0x1, v3  }
0xab: {  	v3 =	vsel vm4, $0x1, v1;
	[tilespmem:$0x90] =	vst v6  }
0xac: {  	s25 =	sadd.s32 @!p1 $0x100FF, s25;
	[tilespmem:$0xA0] =	vst v3  }
0xad: {  	[spmem:s12] =	stream.linear.scatter @!p1 [tilespmem:s25], [sflag:$0x1], $0x1, $0x38;
	[tilespmem:$0x12120] =	vst v63  }
0xae: {  	s25 =	simm.s32 @!p1 $0x1  }
0xaf: {  	v3 =	vmctz.xlane @!p1 vm4;
	_ =	swait.ge @!p1 [sflag:s25], $0x1  }
0xb0: {  	(v2sf) =	vpush @!p1 v4, $0x0  }
0xb1: {  	(v2sf) =	vpush @!p1 v3, $0x0;
	_ =	sdelay $0xd  }
0xb2: {  	s26 =	spop @!p1 (v2sf)  }
0xb3: {  	s28 =	spop @!p1 (v2sf)  }
0xb4: {  	p2 =	sne.s32 @!p1 s24, s26;
	p3 =	slt.s32 @!p1 s28, $0xF  }
0xb5: {  	[sflag:s25] =	ssyncset.done @!p1 $0x0;
	p2 =	por p2, p1;
	p3 =	por !p3, p1  }
0xb6: {  	[sflag:s25] =	ssyncadd.s32 @!p1 $0xFFFFFFFF;
	v3 =	vimm.s32 @!p2 $0xFFFFFFFF;
	s28 =	simm.s32 @p3 $0xF  }
0xb7: {  	[tilespmem:$0x80] =	vst @!p2 v3;
	s24 =	sadd.s32 @!p1 $0x90, s28  }
0xb8: {  	[spmem:s10] =	stream.linear.scatter @!p1 [tilespmem:s24], [sflag:$0x1], $0x1, $0x38;
	[tilespmem:$0x12120] =	vst v63  }
0xb9: {  	_ =	swait.ge @!p1 [sflag:s25], $0x1  }
0xba: {  	[sflag:s25] =	ssyncset.done @!p1 $0x0  }
0xbb: {  	s24 =	simm.s32 @!p1 $0x80;
	[sflag:s25] =	ssyncadd.s32 @!p1 $0xFFFFFFFF  }
0xbc: {  	[spmem:s13] =	stream.linear.scatter @!p1 [tilespmem:s24], [sflag:$0x1], $0x1, $0x38;
	[tilespmem:$0x12120] =	vst v63  }
0xbd: {  	_ =	swait.ge @!p1 [sflag:s25], $0x1  }
0xbe: {  	[sflag:s25] =	ssyncset.done @!p1 $0x0  }
0xbf: {  	[sflag:s25] =	ssyncadd.s32 @!p1 $0xFFFFFFFF;
	(ifvalue) =	ssetifvalue $0xFFFFFFFF;
	v3 =	vld [tilespmem:s22+$0x10];
	_ =	sdelay $0x3  }
.Ltmp7:
0xc0: {  	_ = 	snop;
	(pc) =	sbr.rel .LBB2_10-.Ltmp7, $3  }
0xc1: {  	_ =	sdelay $0x1  }
0xc2: {  	(ifvalue) =	ssetifvalue $0xFFFFFFFF  }
0xc3: {  	[hbm4b:s1+s14] =	stream.indirect_vreg.scatter [tilespmem:s23], [sflag:$0x9], $0x1, v3, vm0, $0x4038;
	[tilespmem:$0x12120] =	vst v63  }
.LBB2_11:
0xc4: {  	_ =	sfence.sel $0x180000  }
0xc5: {  	s2 =	simm.s32 $0x7;
	[bflag:$0x0] =	sbarrier.arrive $0xFFFF  }
0xc6: {  	s26 =	simm.s32 $0x8;
	[sflag:s2] =	ssyncpa.u1 $0x1  }
0xc7: {  	s28 =	simm.s32 $0x9;
	[sflag:s26] =	ssyncpa.u1 $0x1  }
0xc8: {  	[sflag:s28] =	ssyncpa.u1 $0x1  }
0xc9: {  	_ =	sfence.stream.spmem  }
0xca: {  	s29 =	simm.s32 $0x3;
	[bflag:$0x0] =	sbarrier.arrive $0xFFFF  }
0xcb: {  	s30 =	simm.s32 $0x4;
	[sflag:s29] =	ssyncpa.u1 $0x1  }
0xcc: {  	s31 =	simm.s32 $0x3C;
	[sflag:s30] =	ssyncpa.u1 $0x1  }
0xcd: {  	p0 =	sne.s32 s3, $0x0;
	[sflag:s31] =	ssyncpa.u1 $0x1  }
0xce: {  	s0 =	simm.s32 @p0 $0x1;
	_ =	sfence @p0  }
0xcf: {  	[sflag:s0] =	ssyncpa.u1 @p0 $0x1;
	s0 =	simm.s32 @p0 $0x2  }
0xd0: {  	[sflag:s0] =	ssyncpa.u1 @p0 $0x1  }
0xd1: {  	_ =	strace @p0 $0x9000004D  }
0xd2: {  	[bflag:$0x2] =	sbarrier.arrive @p0 $0xFFFF  }
0xd3: {  	_ =	shalt @p0  }
.LBB2_12:
0xd4: {  	_ =	sfence.stream.spmem;
	s4 =	simm.s32 $0x5  }
0xd5: {  	s2 =	simm.s32 $0x80;
	s3 =	simm.s32 $0xC0;
	[sflag:s4] =	ssyncpa.u1 $0x0  }
0xd6: {  	[tilespmem:s3], [sflag:$0x5] =	stream.linear.gather [spmem:s2], $0x20, $0x38;
	[tilespmem:$0x12120] =	vst v63  }
0xd7: {  	s2 =	simm.s32 $0x0;
	s3 =	simm.s32 $0xE0  }
0xd8: {  	[tilespmem:s3], [sflag:$0x5] =	stream.linear.gather [spmem:s2], $0x20, $0x38;
	[tilespmem:$0x12120] =	vst v63  }
.Ltmp8:
0xd9: {  	_ = 	snop;
	(pc) =	sbr.rel .LBB2_13-.Ltmp8, $4  }
0xda: {  	_ =	swait.ge [sflag:s4], $0x40  }
0xdb: {  	[sflag:s4] =	ssyncset.done $0x0  }
0xdc: {  	s31 =	simm.s32 $0x6;
	[sflag:s4] =	ssyncadd.s32 $0xFFFFFFC0  }
0xdd: {  	s4 =	simm.s32 $0x0;
	[sflag:s31] =	ssyncpa.u1 $0x0  }
.LBB2_18:
0xde: {  	p0 =	sgt.u32 s5, $0x7FFF  }
0xdf: {  	s6 =	sshrl.u32 @!p0 s5, $0x3  }
0xe0: {  	s5 =	sand.u32 @!p0 $0x7, s5;
	s7 =	simm.s32 @!p0 $0xB0;
	s6 =	sadd.s32 @!p0 s1, s6  }
0xe1: {  	[tilespmem:s7], [sflag:$0x6] =	stream.linear.gather @!p0 [hbm4b:s6+s5], $0x1, $0x38;
	[tilespmem:$0x12120] =	vst v63  }
0xe2: {  	s5 =	simm.s32 @!p0 $0x6  }
0xe3: {  	_ =	swait.ge @!p0 [sflag:s5], $0x1  }
0xe4: {  	[sflag:s5] =	ssyncset.done @!p0 $0x0  }
0xe5: {  	[sflag:s5] =	ssyncadd.s32 @!p0 $0xFFFFFFFF  }
0xe6: {  	v2 =	vmov @!p0 s4;
	v1 =	vld.msk @!p0 [tilespmem:$0xB0], $0x1;
	_ =	sdelay $0x3  }
0xe7: {  	s5 =	simm.s32 @!p0 $0xE0  }
0xe8: {  	[tilespmem:v2+s5+$0x0], v1 =	vst.idx.ret.add.f32.msk @!p0 $0x1, v1  }
0xe9: {  	[tilespmem:s2+$0xC0] =	vst.msk $0x1, v0  }
0xea: {  	v0 =	vld.msk [tilespmem:s4+$0xE0], $0x1;
	_ =	sdelay $0x4  }
0xeb: {  	[tilespmem:s2+$0xE0] =	vst.msk $0x1, v0;
	s2 =	sadd.s32 $0x1, s2  }
.LBB2_20:
0xec: {  	s4 =	sadd.s32 $0x1, s4  }
0xed: {  	p0 =	sne.s32 s4, $0x20  }
.Ltmp9:
0xee: {  	_ = 	snop;
	(pc) =	sbr.rel @!p0 .LBB2_21-.Ltmp9, $1  }
0xef: {  	_ =	sdelay $0x3  }
.LBB2_13:
0xf0: {  	v0 =	vld.msk [tilespmem:s4+$0xC0], $0x1;
	_ =	sdelay $0x4  }
0xf1: {  	(v2sf) =	vpush v0, $0x0;
	_ =	sdelay $0xe  }
0xf2: {  	s5 =	spop (v2sf)  }
0xf3: {  	p0 =	seq.s32 s5, $0xFFFFFFFF  }
.Ltmp10:
0xf4: {  	_ = 	snop;
	(pc) =	sbr.rel @p0 .LBB2_20-.Ltmp10, $1  }
0xf5: {  	_ =	sdelay $0x3  }
0xf6: {  	p0 =	slt.s32 s2, $0x1  }
.Ltmp11:
0xf7: {  	_ = 	snop;
	(pc) =	sbr.rel @p0 .LBB2_18-.Ltmp11, $1  }
0xf8: {  	_ =	sdelay $0x3  }
0xf9: {  	s6 =	simm.s32 $0xC0;
	p0 =	por $0x0, $0x0  }
0xfa: {  	v1 =	vld.msk @!p0 [tilespmem:s6+$0x0], $0x1;
	_ =	sdelay $0x4  }
0xfb: {  	(v2sf) =	vpush @!p0 v1, $0x0;
	_ =	sdelay $0xd  }
0xfc: {  	p2 =	sne.s32 s2, $0x1  }
.Ltmp12:
0xfd: {  	s7 =	spop @!p0 (v2sf);
	(pc) =	sbr.rel @!p2 .LBB2_17-.Ltmp12, $4  }
0xfe: {  	p1 =	seq.s32 @!p0 s5, s7  }
0xff: {  	s7 =	simm.s32 $0x0;
	p1 =	por !p1, p0  }
0x100: {  	s9 =	simm.s32 $0xFFFFFFFF;
	s7 =	simm.s32 @p1 $0xFFFFFFFF  }
0x101: {  	s8 =	simm.s32 $0x1;
	s7 =	smov.u32 @p0 s9  }
.LBB2_16:
0x102: {  	s9 =	smov.u32 s7;
	p0 =	sne.s32 s7, $0xFFFFFFFF  }
0x103: {  	s6 =	sadd.s32 $0x1, s6;
	s7 =	smov.u32 s8;
	s8 =	sadd.s32 $0x1, s8  }
0x104: {  	p1 =	sne.s32 s2, s8;
	v1 =	vld.msk @!p0 [tilespmem:s6+$0x0], $0x1;
	_ =	sdelay $0x4  }
0x105: {  	(v2sf) =	vpush @!p0 v1, $0x0;
	_ =	sdelay $0xe  }
.Ltmp13:
0x106: {  	s10 =	spop @!p0 (v2sf);
	(pc) =	sbr.rel @p1 .LBB2_16-.Ltmp13, $4  }
0x107: {  	p2 =	seq.s32 @!p0 s5, s10  }
0x108: {  	p2 =	por !p2, p0  }
0x109: {  	s7 =	simm.s32 @p2 $0xFFFFFFFF  }
0x10a: {  	s7 =	smov.u32 @p0 s9  }
.LBB2_17:
0x10b: {  	p0 =	sne.s32 s7, $0xFFFFFFFF  }
.Ltmp14:
0x10c: {  	_ = 	snop;
	(pc) =	sbr.rel @!p0 .LBB2_18-.Ltmp14, $1  }
0x10d: {  	_ =	sdelay $0x3  }
0x10e: {  	v0 =	vld.msk [tilespmem:s4+$0xE0], $0x1;
	v1 =	vmov s7  }
.Ltmp15:
0x10f: {  	_ = 	snop;
	(pc) =	sbr.rel .LBB2_20-.Ltmp15, $2  }
0x110: {  	_ =	sdelay $0x2  }
0x111: {  	[tilespmem:v1+s3+$0x0], v0 =	vst.idx.ret.add.f32.msk $0x1, v0  }
.LBB2_21:
0x112: {  	p0 =	slt.s32 s2, $0x1  }
.Ltmp16:
0x113: {  	_ = 	snop;
	(pc) =	sbr.rel @p0 .LBB2_25-.Ltmp16, $3  }
0x114: {  	_ =	sdelay $0x1  }
0x115: {  	s3 =	simm.s32 $0x6  }
0x116: {  	[sflag:s3] =	ssyncpa.u1 $0x1;
	s3 =	simm.s32 $0x0  }
0x117: {  	s4 =	simm.s32 $0xC0  }
0x118: {  	v0 =	vld.msk [tilespmem:s4+$0x0], $0x1;
	_ =	sdelay $0x4  }
0x119: {  	(v2sf) =	vpush v0, $0x0;
	_ =	sdelay $0xe  }
0x11a: {  	s2 =	sadd.s32 $0xFFFFFFFF, s2;
	s5 =	spop (v2sf)  }
0x11b: {  	p1 =	sne.s32 s2, $0x0;
	p0 =	sgt.u32 s5, $0x7FFF  }
.Ltmp17:
0x11c: {  	s6 =	sshrl.u32 @!p0 s5, $0x3;
	(pc) =	sbr.rel @!p1 .LBB2_24-.Ltmp17, $4  }
0x11d: {  	s4 =	simm.s32 $0xE0;
	s5 =	sand.u32 @!p0 $0x7, s5;
	s6 =	sadd.s32 @!p0 s1, s6  }
0x11e: {  	[hbm4b:s6+s5] =	stream.linear.scatter @!p0 [tilespmem:s4], [sflag:$0x5], $0x1, $0x38;
	[tilespmem:$0x12120] =	vst v63  }
0x11f: {  	s6 =	simm.s32 $0x0  }
0x120: {  	s5 =	simm.s32 $0xC1;
	s6 =	simm.s32 @!p0 $0x4  }
.LBB2_23:
0x121: {  	v0 =	vld.msk [tilespmem:s5+$0x0], $0x1;
	s2 =	sadd.s32 $0xFFFFFFFF, s2;
	s3 =	sadd.s32 s3, s6  }
0x122: {  	p0 =	sne.s32 s2, $0x0;
	_ =	sdelay $0x3  }
0x123: {  	(v2sf) =	vpush v0, $0x0;
	_ =	sdelay $0xe  }
.Ltmp18:
0x124: {  	s7 =	spop (v2sf);
	(pc) =	sbr.rel @p0 .LBB2_23-.Ltmp18, $4  }
0x125: {  	s6 =	simm.s32 $0x0;
	p1 =	sgt.u32 s7, $0x7FFF  }
0x126: {  	s4 =	sadd.s32 $0x1, s4;
	s6 =	simm.s32 @!p1 $0x4;
	s8 =	sshrl.u32 @!p1 s7, $0x3  }
0x127: {  	s5 =	sadd.s32 $0x1, s5;
	s7 =	sand.u32 @!p1 $0x7, s7;
	s8 =	sadd.s32 @!p1 s1, s8  }
0x128: {  	[hbm4b:s8+s7] =	stream.linear.scatter @!p1 [tilespmem:s4], [sflag:$0x5], $0x1, $0x38;
	[tilespmem:$0x12120] =	vst v63  }
.LBB2_24:
0x129: {  	s1 =	sadd.s32 s3, s6  }
0x12a: {  	s3 =	sshrl.u32 s1, $0x2  }
.LBB2_25:
0x12b: {  	s1 =	simm.s32 $0x5  }
0x12c: {  	_ =	swait.ge [sflag:s1], s3  }
0x12d: {  	s2 =	ssub.s32 $0x0, s3;
	[sflag:s1] =	ssyncset.done $0x0  }
0x12e: {  	[sflag:s1] =	ssyncadd.s32 s2  }
0x12f: {  	[sflag:s1] =	ssyncpa.u1 $0x1  }
0x130: {  	s30 =	simm.s32 $0x1;
	_ =	sfence  }
0x131: {  	s31 =	simm.s32 $0x2;
	[sflag:s30] =	ssyncpa.u1 $0x1  }
0x132: {  	[sflag:s31] =	ssyncpa.u1 $0x1  }
0x133: {  	_ =	strace $0x9000004D  }
0x134: {  	s0 =	sadd.s32 $0x100000, s0;
	[bflag:$0x2] =	sbarrier.arrive $0xFFFF  }
0x135: {  	[sflag:s0] =	ssyncadd.tile.s32 $0x1;
	_ =	shalt  }
.Lfunc_end2:
_tile_overlayer_lowered:
.L_overlay_start_2:
0x136: {  	(tag) =	ssettag $0x2  }
0x137: {  	s0 =	rddreg [dreg:$0x0];
	s2 =	stileid.u32  }
0x138: {  	s1 =	rddreg [dreg:$0x1];
	p0 =	sne.s32 s2, $0x0  }
0x139: {  	s3 =	rddreg [dreg:$0x2];
	[bflag:$0x3] =	sbarrier.arrive $0xFFFF;
	s2 =	simm.s32 @!p0 $0x1C01  }
0x13a: {  	[timem:s3], [sflag:s2] =	dma.local @!p0 [hbm:s0], s1  }
0x13b: {  	s0 =	simm.s32 @!p0 $0x1  }
0x13c: {  	_ =	swait.ge @!p0 [sflag:s0], s1  }
0x13d: {  	s1 =	ssub.s32 @!p0 $0x0, s1;
	[sflag:s0] =	ssyncset.done @!p0 $0x0  }
0x13e: {  	[sflag:s0] =	ssyncadd.s32 @!p0 s1  }
0x13f: {  	[bflag:$0x3] =	sbarrier.arrive $0xFFFF  }
0x140: {  	_ =	shalt  }

// kernel: sparse-core-data-format-call.cloned.1.call-start
scs
called_computation.1_lowered:
.L_overlay_start_0:
0x0: {  	s2 =	sld [smem:$0x3FD9]  }
0x1: {  	s3 =	sld [smem:$0x3FFE];
	_ =	sdelay $0x1  }
0x2: {  	s1 =	srdreg.scid  }
0x3: {  	s0 =	sand.u32 $0x1, s1  }
0x4: {  	s15 =	sshll.u32 s0, $0xA;
	s2 =	sadd.s32 s3, s2  }
0x5: {  	s2 =	sadd.s32 s2, s15  }
0x6: {  	[smem:$0x3FC3] =	sst s2  }
0x7: {  	_ = 	snop  }
0x8: {  	s2 =	sld [smem:$0x3FD0];
	_ =	sdelay $0x2  }
0x9: {  	s16 =	simm.s32 $0xB;
	s4 =	simm.s32 $0x10  }
0xa: {  	[smem:s4], [sflag:s16] =	dma.local [hbm:s2], $0x1  }
0xb: {  	_ =	swait.eq [sflag:s16], $0x1  }
0xc: {  	[sflag:s16] =	ssyncset.done $0x0  }
0xd: {  	[sflag:s16] =	ssyncadd.s32 $0xFFFFFFFF  }
0xe: {  	s17 =	sld [smem:$0x11];
	(tm) =	ssettm $0x1  }
0xf: {  	s18 =	sld [smem:$0x3FFB];
	_ =	sdelay $0x3  }
0x10: {  	_ =	strace s18  }
0x11: {  	s3 =	sld [smem:$0x3FFC];
	_ =	sdelay $0x3  }
0x12: {  	_ =	strace s3  }
0x13: {  	s3 =	sld [smem:$0x3FFD];
	_ =	sdelay $0x3  }
0x14: {  	_ =	strace s3  }
0x15: {  	_ =	strace $0x8FFFFFFF  }
0x16: {  	s19 =	sld [smem:$0x3FDB];
	_ =	sdelay $0x1  }
0x17: {  	s20 =	simm.s32 $_scs_section_size  }
0x18: {  	s5 =	simm.s32 $_size__tile_overlayer_lowered;
	s6 =	simm.s32 $_tile_overlayer_lowered  }
0x19: {  	s23 =	simm.s32 $0x1BFF;
	s22 =	sshll.u32 s6, $0x1;
	s3 =	sadd.s32 s20, s19  }
0x1a: {  	s7 =	simm.s32 $0x0;
	s21 =	sshll.u32 s5, $0x1;
	s5 =	sadd.s32 s22, s3  }
0x1b: {  	[timem:s7], [sflag:s23] =	dma.local [hbm:s5], s21  }
0x1c: {  	_ =	swait.ge [sflag:s23], s21  }
0x1d: {  	s4 =	ssub.s32 $0x0, s21;
	[sflag:s23] =	ssyncset.done $0x0  }
0x1e: {  	[sflag:s23] =	ssyncadd.s32 s4;
	_ =	sdelay $0x1  }
0x1f: {  	s24 =	simm.s32 $0x1B8B  }
0x20: {  	_ =	swait.ge [sflag:s24], $0x1  }
0x21: {  	[sflag:s24] =	ssyncset.done $0x0  }
0x22: {  	s26 =	simm.s32 $0x1B8E;
	s25 =	sld [smem:$0x3FFE];
	[sflag:s24] =	ssyncadd.s32 $0xFFFFFFFF  }
0x23: {  	s27 =	simm.s32 $execute0_lowered;
	[smem:$0x3FD2] =	sst s26  }
0x24: {  	s5 =	sshll.u32 s27, $0x1;
	_ =	strace $0x80000046;
	[dreg:$0x1] =	wrdreg $0xFFFFFFFF  }
0x25: {  	s28 =	simm.s32 $_size_execute0_lowered;
	s3 =	sadd.s32 s3, s5;
	[dreg:$0x0] =	wrdreg $0x0  }
0x26: {  	s5 =	sshll.u32 s28, $0x1;
	[dreg:$0x2] =	wrdreg s3  }
0x27: {  	[dreg:$0x3] =	wrdreg s5  }
0x28: {  	[dreg:$0x4] =	wrdreg $0xC0  }
0x29: {  	_ =	task [dreg:s7], $0x5FFFF  }
0x2a: {  	[dreg:$0x1] =	wrdreg $0xFFFFFFFF  }
0x2b: {  	[dreg:$0x0] =	wrdreg $0x60  }
0x2c: {  	[dreg:$0x2] =	wrdreg s17  }
0x2d: {  	[dreg:$0x3] =	wrdreg s25  }
0x2e: {  	[dreg:$0x4] =	wrdreg $0x9  }
0x2f: {  	_ =	task.clear_ibuf [dreg:s7], $0x5FFFF;
	_ =	strace $0x90000046  }
0x30: {  	s29 =	simm.s32 $0x9;
	_ =	strace $0x80000048  }
0x31: {  	_ =	swait.ge [sflag:s29], $0x1  }
0x32: {  	[sflag:s29] =	ssyncadd.s32 $0xFFFFFFFF  }
0x33: {  	_ =	strace $0x90000048  }
0x34: {  	_ =	sfence  }
0x35: {  	s30 =	sld [smem:$0x0];
	_ =	sdelay $0x2  }
0x36: {  	s31 =	sshll.u32 s1, $0xD;
	s1 =	sshrl.u32 s1, $0x2  }
0x37: {  	s3 =	sand.u32 $0x4000, s31;
	s1 =	sadd.s32 s1, s30  }
0x38: {  	s0 =	sor.u32 s3, s0;
	s1 =	sshll.u32 s1, $0x11  }
0x39: {  	s0 =	sor.u32 s1, s0  }
0x3a: {  	s0 =	sadd.s32 $0x8F2B, s0  }
0x3b: {  	[sflag:s0] =	ssyncadd.remote.s32 $0x1  }
0x3c: {  	_ =	sfence.sel $0xFFFF  }
0x3d: {  	[dreg:$0x0] =	wrdreg $0xFFFFFFFF;
	(pc) =	sbr.abs _section_cstart, $3  }
0x3e: {  	[dreg:$0x1] =	wrdreg $0xFFFFFFFF  }
0x3f: {  	_ =	task.clear_ibuf [dreg:s7], $0x2FFFF;
	_ =	strace $0x9FFFFFFF  }
0x40: {  	(tm) =	ssettm $0x7FFFFFFF  }
0x41: {  	_ =	shalt  }
tec
execute0_lowered:
.L_overlay_start_1:
0x0: {  	(tag) =	ssettag $0x1  }
0x1: {  	s0 =	stileid.u32  }
0x2: {  	s1 =	srdreg.scid;
	s2 =	rddreg [dreg:$0x0]  }
0x3: {  	s7 =	rddreg [dreg:$0x1];
	s31 =	simm.s32 $0x2;
	s14 =	simm.s32 $0x0  }
0x4: {  	s13 =	simm.s32 $0x0;
	s3 =	sshll.u32 s0, $0x6;
	s1 =	sshll.u32 s1, $0xA  }
0x5: {  	s12 =	simm.s32 $0x0;
	s4 =	sshll.u32 s0, $0x7;
	s1 =	sor.u32 s3, s1  }
0x6: {  	s3 =	sand.u32 $0x80, s4;
	s4 =	sand.u32 $0x780, s1;
	s1 =	rddreg [dreg:$0x2]  }
0x7: {  	s5 =	ssub.s32 $0x100, s3;
	_ =	strace $0x80000047;
	s6 =	ssub.s32 $0x8000, s4  }
0x8: {  	s8 =	sshrl.u32 s5, $0x8;
	s5 =	sshrl.u32 s5, $0x7;
	s9 =	sand.u32 $0x780, s6  }
0x9: {  	s10 =	sand.u32 $0x1, s5;
	p0 =	sne.s32 s9, $0x0;
	s9 =	simm.s32 $0x1  }
.Ltmp0:
0xa: {  	s6 =	sshrl.u32 s6, $0xB;
	s9 =	simm.s32 @!p0 $0x0;
	(pc) =	sbr.rel .LBB1_1-.Ltmp0, $4  }
0xb: {  	s5 =	simm.s32 $0x1;
	s8 =	sadd.s32 s8, s10;
	s6 =	sadd.s32 s9, s6  }
0xc: {  	s7 =	sadd.s32 $0x82400, s7;
	[sflag:s5] =	ssyncpa.u1 $0x0;
	s6 =	smul.u32 s8, s6  }
0xd: {  	s11 =	smov.u32 s3;
	s10 =	smov.u32 s4;
	[sflag:s31] =	ssyncpa.u1 $0x0  }
0xe: {  	p0 =	por $0x0, $0x0;
	s9 =	simm.s32 $0x800;
	s8 =	sadd.s32 $0x1, s6  }
.LBB1_4:
0xf: {  	v5 =	vld [tilespmem:s18+$0xFFFFFFD0]  }
0x10: {  	[tilespmem:s17+$0x2040 ss:$0x81] =	vst.msk $0xffff, v1;
	v58 =	vld [tilespmem:s18+$0xFFFFFFE0]  }
0x11: {  	[tilespmem:s17+$0x2850 ss:$0x81] =	vst.msk $0xffff, v2;
	v59 =	vld [tilespmem:s18+$0xFFFFFFF0]  }
0x12: {  	s19 =	sshra.s32 s19, $0x2;
	[tilespmem:s17+$0x3060 ss:$0x81] =	vst.msk $0xffff, v3;
	v60 =	vld [tilespmem:s18+$0x0]  }
0x13: {  	[tilespmem:s17+$0x0 ss:$0x81] =	vst.msk $0xffff, v0;
	v61 =	vld [tilespmem:s18+$0x10];
	s16 =	sadd.s32 s19, s16  }
0x14: {  	v62 =	vld [tilespmem:s18+$0x20];
	[tilespmem:s16+$0x3870 ss:$0x81] =	vst.msk $0xffff, v4  }
0x15: {  	v63 =	vld [tilespmem:s18+$0xFFFFFFC0];
	s27 =	sshll.u32 s14, $0x8;
	s28 =	sshll.u32 s13, $0x3;
	[tilespmem:s16+$0x810 ss:$0x81] =	vst.msk $0xffff, v5  }
0x16: {  	s29 =	sshll.u32 s14, $0x7;
	s17 =	sand.u32 $0x7FF800, s27;
	s18 =	sand.u32 $0x7FFC00, s28;
	[tilespmem:s16+$0x1020 ss:$0x81] =	vst.msk $0xffff, v58  }
0x17: {  	s30 =	sand.u32 $0x78, s13;
	s14 =	sand.u32 $0x380, s29;
	s17 =	sadd.s32 s18, s17;
	[tilespmem:s16+$0x1830 ss:$0x81] =	vst.msk $0xffff, v59  }
0x18: {  	s14 =	sor.u32 s30, s14;
	s17 =	sand.u32 $0x7FFC00, s17;
	[tilespmem:s16+$0x2040 ss:$0x81] =	vst.msk $0xffff, v60  }
0x19: {  	s31 =	sand.u32 $0x7, s13;
	s14 =	sor.u32 s17, s14;
	[tilespmem:s16+$0x2850 ss:$0x81] =	vst.msk $0xffff, v61  }
0x1a: {  	s13 =	sshll.u32 s31, $0x12;
	[tilespmem:s16+$0x3060 ss:$0x81] =	vst.msk $0xffff, v62;
	s14 =	sshrl.u32 s14, $0x3  }
0x1b: {  	s13 =	sor.u32 $0x400, s13;
	[tilespmem:s16+$0x0 ss:$0x81] =	vst.msk $0xffff, v63;
	s14 =	sadd.s32 s7, s14  }
0x1c: {  	[hbm4b:s14+s13] =	stream.strided.scatter [tilespmem:s15], [sflag:$0x2], $0x4000, s9, s13, $0x20;
	[tilespmem:$0x10100] =	vst v63  }
.LBB1_5:
0x1d: {  	s15 =	sadd.s32 $0x800, s10  }
0x1e: {  	s13 =	sadd.s32 $0x100, s11;
	s17 =	smov.u32 s11;
	p2 =	sgt.s32 s15, $0x7FFF  }
0x1f: {  	s17 =	smov.u32 @p2 s13  }
0x20: {  	s15 =	smov.u32 @p2 s4;
	p2 =	sgt.s32 s17, $0xFF  }
0x21: {  	s17 =	smov.u32 @p2 s3;
	p2 =	sne.s32 s12, s8  }
.Ltmp1:
0x22: {  	p1 =	slt.u32 s12, $0x2;
	(pc) =	sbr.rel @!p2 .LBB1_6-.Ltmp1, $4  }
0x23: {  	s16 =	simm.s32 @!p1 $0x2  }
0x24: {  	s14 =	smov.u32 s10;
	p0 =	por !p0, !p0;
	_ =	swait.ge @!p1 [sflag:s16], $0x4000  }
0x25: {  	s13 =	smov.u32 s11;
	[sflag:s16] =	ssyncset.done @!p1 $0x0;
	s10 =	smov.u32 s15  }
0x26: {  	s12 =	sadd.s32 $0x1, s12;
	[sflag:s16] =	ssyncadd.s32 @!p1 $0xFFFFC000;
	s11 =	smov.u32 s17  }
.LBB1_1:
0x27: {  	p1 =	sge.u32 s12, s6;
	s31 =	sadd.s32 $0xFFFFFFFF, s12  }
0x28: {  	s15 =	sand.u32 @!p1 $0x78, s10;
	s16 =	sshll.u32 @!p1 s11, $0xF;
	s17 =	sshll.u32 @!p1 s11, $0x7  }
0x29: {  	s18 =	sshll.u32 @!p1 s10, $0x3;
	s16 =	sand.u32 @!p1 $0x7C0000, s16;
	s17 =	sand.u32 @!p1 $0x380, s17  }
0x2a: {  	s16 =	sadd.s32 @!p1 s16, s18;
	s18 =	sand.u32 @!p1 $0x7C00, s18;
	s15 =	sor.u32 @!p1 s17, s15  }
0x2b: {  	s17 =	sxor.u32 @!p1 $0xFFFFFFFF, s12;
	s16 =	sand.u32 @!p1 $0x7F8000, s16;
	s15 =	sor.u32 @!p1 s18, s15  }
0x2c: {  	s17 =	sshll.u32 @!p1 s17, $0xE;
	s15 =	sor.u32 @!p1 s16, s15;
	s16 =	sand.u32 @!p1 $0x7, s10  }
0x2d: {  	s18 =	simm.s32 @!p1 $0x40000;
	s15 =	sshrl.u32 @!p1 s15, $0x3;
	s16 =	sshll.u32 @!p1 s16, $0x12  }
0x2e: {  	s17 =	sand.u32 @!p1 $0x4000, s17;
	s15 =	sadd.s32 @!p1 s2, s15;
	s16 =	sor.u32 @!p1 $0x400, s16  }
0x2f: {  	[tilespmem:s17], [sflag:$0x1] =	stream.strided.gather @!p1 [hbm4b:s15+s16], $0x4000, s18, s16, $0x38;
	[tilespmem:$0x10100] =	vst v63  }
0x30: {  	p1 =	sge.u32 s31, s6  }
.Ltmp2:
0x31: {  	_ = 	snop;
	(pc) =	sbr.rel @p1 .LBB1_5-.Ltmp2, $1  }
0x32: {  	_ =	sdelay $0x3  }
0x33: {  	s15 =	simm.s32 $0x1  }
0x34: {  	_ =	swait.ge [sflag:s5], $0x4000;
	s15 =	simm.s32 @!p0 $0x0  }
0x35: {  	[sflag:s5] =	ssyncset.done $0x0;
	s16 =	sshll.u32 s15, $0xE  }
0x36: {  	[sflag:s5] =	ssyncadd.s32 $0xFFFFC000;
	s18 =	sor.u32 $0x40, s16  }
0x37: {  	s15 =	smul.u32 $0x10200, s15;
	v0 =	vld [tilespmem:s18+$0x30]  }
0x38: {  	v3 =	vld [tilespmem:s18+$0xFFFFFFD0]  }
0x39: {  	s15 =	sshrl.u32 s15, $0x2;
	v4 =	vld [tilespmem:s18+$0xFFFFFFE0]  }
0x3a: {  	v5 =	vld [tilespmem:s18+$0xFFFFFFF0];
	s16 =	sor.u32 $0x8000, s15  }
0x3b: {  	s31 =	sand.u32 $0x1, s12;
	v1 =	vld [tilespmem:s18+$0x0];
	s17 =	sadd.s32 $0x0, s16  }
0x3c: {  	v2 =	vld [tilespmem:s18+$0x10];
	s15 =	smul.u32 $0x10200, s31;
	[tilespmem:s17+$0x3870 ss:$0x81] =	vst.msk $0xffff, v0  }
0x3d: {  	[tilespmem:s17+$0x810 ss:$0x81] =	vst.msk $0xffff, v3;
	v3 =	vld [tilespmem:s18+$0x20]  }
0x3e: {  	s15 =	sshrl.u32 s15, $0x2;
	v0 =	vld [tilespmem:s18+$0xFFFFFFC0];
	[tilespmem:s17+$0x1020 ss:$0x81] =	vst.msk $0xffff, v4;
	s18 =	sadd.s32 $0x80, s18  }
0x3f: {  	s19 =	simm.s32 $0x4;
	s20 =	simm.s32 $0x8;
	s15 =	sor.u32 $0x8000, s15;
	[tilespmem:s17+$0x1830 ss:$0x81] =	vst.msk $0xffff, v5;
	v4 =	vld [tilespmem:s18+$0x30]  }
.LBB1_3:
0x40: {  	p1 =	sne.s32 s20, $0x1FC;
	v5 =	vld [tilespmem:s18+$0xFFFFFFD0];
	[tilespmem:s17+$0x2040 ss:$0x81] =	vst.msk $0xffff, v1  }
0x41: {  	v6 =	vld [tilespmem:s18+$0xFFFFFFE0];
	[tilespmem:s17+$0x2850 ss:$0x81] =	vst.msk $0xffff, v2  }
0x42: {  	s21 =	sshra.s32 s19, $0x2;
	s19 =	smov.u32 s20;
	v7 =	vld [tilespmem:s18+$0xFFFFFFF0];
	[tilespmem:s17+$0x3060 ss:$0x81] =	vst.msk $0xffff, v3  }
.Ltmp3:
0x43: {  	v1 =	vld [tilespmem:s18+$0x0];
	[tilespmem:s17+$0x0 ss:$0x81] =	vst.msk $0xffff, v0;
	s17 =	sadd.s32 s21, s16;
	(pc) =	sbr.rel @p1 .LBB1_3-.Ltmp3, $4  }
0x44: {  	v2 =	vld [tilespmem:s18+$0x10];
	[tilespmem:s17+$0x3870 ss:$0x81] =	vst.msk $0xffff, v4  }
0x45: {  	[tilespmem:s17+$0x810 ss:$0x81] =	vst.msk $0xffff, v5;
	v3 =	vld [tilespmem:s18+$0x20]  }
0x46: {  	v0 =	vld [tilespmem:s18+$0xFFFFFFC0];
	[tilespmem:s17+$0x1020 ss:$0x81] =	vst.msk $0xffff, v6;
	s18 =	sadd.s32 $0x80, s18  }
0x47: {  	s20 =	sadd.s32 $0x4, s20;
	v4 =	vld [tilespmem:s18+$0x30];
	[tilespmem:s17+$0x1830 ss:$0x81] =	vst.msk $0xffff, v7  }
.Ltmp4:
0x48: {  	_ = 	snop;
	(pc) =	sbr.rel .LBB1_4-.Ltmp4, $1  }
0x49: {  	_ =	sdelay $0x3  }
.LBB1_6:
0x4a: {  	_ =	sfence.sel $0x180000  }
0x4b: {  	s2 =	simm.s32 $0x1;
	[bflag:$0x0] =	sbarrier.arrive $0xFFFF  }
0x4c: {  	s31 =	simm.s32 $0x2;
	[sflag:s2] =	ssyncpa.u1 $0x1  }
0x4d: {  	[sflag:s31] =	ssyncpa.u1 $0x1  }
0x4e: {  	p0 =	sne.s32 s0, $0x0;
	_ =	strace $0x90000047  }
0x4f: {  	s0 =	sadd.s32 @!p0 $0x100000, s1;
	[bflag:$0x2] =	sbarrier.arrive $0xFFFF  }
0x50: {  	[sflag:s0] =	ssyncadd.tile.s32 @!p0 $0x1;
	_ =	shalt  }
.Lfunc_end1:
_tile_overlayer_lowered:
.L_overlay_start_2:
0x51: {  	(tag) =	ssettag $0x2  }
0x52: {  	s0 =	rddreg [dreg:$0x0];
	s2 =	stileid.u32  }
0x53: {  	s1 =	rddreg [dreg:$0x1];
	p0 =	sne.s32 s2, $0x0  }
0x54: {  	s3 =	rddreg [dreg:$0x2];
	[bflag:$0x3] =	sbarrier.arrive $0xFFFF;
	s2 =	simm.s32 @!p0 $0x1C01  }
0x55: {  	[timem:s3], [sflag:s2] =	dma.local @!p0 [hbm:s0], s1  }
0x56: {  	s0 =	simm.s32 @!p0 $0x1  }
0x57: {  	_ =	swait.ge @!p0 [sflag:s0], s1  }
0x58: {  	s1 =	ssub.s32 @!p0 $0x0, s1;
	[sflag:s0] =	ssyncset.done @!p0 $0x0  }
0x59: {  	[sflag:s0] =	ssyncadd.s32 @!p0 s1  }
0x5a: {  	[bflag:$0x3] =	sbarrier.arrive $0xFFFF  }
0x5b: {  	_ =	shalt  }

</sc_bundles>
